<compile_context>
chip_gen: v7x
topology: tpu7x:2x2x1
jax: 0.10.2.dev20260603
libtpu: 0.0.44.dev20260713+nightly
codegen_flags: <defaults>
</compile_context>

<pallas_src>
import jax
import jax.numpy as jnp
from jax import lax
from jax.experimental import pallas as pl
from jax.experimental.pallas import tpu as pltpu
from jax.experimental.pallas import tpu_sc as plsc

B, S, D, E, TOPK = 4, 8192, 768, 64, 2
BS = B * S
BM = 2048
NW = 32
HBS = BS // 2
TPW = HBS // NW
L = 16
CHUNK = 256


def _scores_kernel(xr_ref, xi_ref, w_ref, b_ref, scores_ref):
    xr = xr_ref[...]
    xi = xi_ref[...]
    amp = jnp.sqrt(xr * xr + xi * xi)
    phase = jnp.arctan2(xi, xr)
    feat = jnp.concatenate([amp, phase], axis=1)
    scores = (
        jnp.dot(feat, w_ref[...], preferred_element_type=jnp.float32)
        + b_ref[...]
    )
    scores_ref[...] = scores.T


def _sc_topk_kernel(scores_hbm, p0_hbm, p1_hbm, i1_hbm, i2_hbm,
                    scores_v, p0_v, p1_v, i1_v, i2_v):
    wid = lax.axis_index("s") * 2 + lax.axis_index("c")
    base = wid * TPW

    def chunk_body(c, _):
        pltpu.sync_copy(
            scores_hbm.at[:, pl.ds(base + c * CHUNK, CHUNK)], scores_v)

        def group_body(g, _):
            sl = pl.ds(g * L, L)
            m1 = scores_v[0, sl]
            i1 = jnp.zeros((L,), jnp.int32)
            m2 = jnp.full((L,), -jnp.inf, jnp.float32)
            i2 = jnp.zeros((L,), jnp.int32)
            for e in range(1, E):
                ev = jnp.full((L,), e, jnp.int32)
                s = scores_v[e, sl]
                gt1 = s > m1
                gt2 = s > m2
                i2 = jnp.where(gt1, i1, jnp.where(gt2, ev, i2))
                m2 = jnp.where(gt1, m1, jnp.where(gt2, s, m2))
                i1 = jnp.where(gt1, ev, i1)
                m1 = jnp.where(gt1, s, m1)
            p0 = 1.0 / (1.0 + jnp.exp(m2 - m1))
            osl = pl.ds(c * CHUNK + g * L, L)
            p0_v[osl] = p0
            p1_v[osl] = 1.0 - p0
            i1_v[osl] = i1
            i2_v[osl] = i2
            return 0

        lax.fori_loop(0, CHUNK // L, group_body, 0)
        return 0

    lax.fori_loop(0, TPW // CHUNK, chunk_body, 0)
    pltpu.sync_copy(p0_v, p0_hbm.at[pl.ds(base, TPW)])
    pltpu.sync_copy(p1_v, p1_hbm.at[pl.ds(base, TPW)])
    pltpu.sync_copy(i1_v, i1_hbm.at[pl.ds(base, TPW)])
    pltpu.sync_copy(i2_v, i2_hbm.at[pl.ds(base, TPW)])


def _half(xr, xi, W, b2):
    scores_t = pl.pallas_call(
        _scores_kernel,
        grid=(HBS // BM,),
        in_specs=[
            pl.BlockSpec((BM, D), lambda i: (i, 0)),
            pl.BlockSpec((BM, D), lambda i: (i, 0)),
            pl.BlockSpec((2 * D, E), lambda i: (0, 0)),
            pl.BlockSpec((1, E), lambda i: (0, 0)),
        ],
        out_specs=pl.BlockSpec((E, BM), lambda i: (0, i)),
        out_shape=jax.ShapeDtypeStruct((E, HBS), jnp.float32),
        compiler_params=pltpu.CompilerParams(
            dimension_semantics=("arbitrary",),
        ),
    )(xr, xi, W, b2)

    mesh = plsc.VectorSubcoreMesh(core_axis_name="c", subcore_axis_name="s")
    p0, p1, i1, i2 = pl.kernel(
        _sc_topk_kernel,
        out_type=[
            jax.ShapeDtypeStruct((HBS,), jnp.float32),
            jax.ShapeDtypeStruct((HBS,), jnp.float32),
            jax.ShapeDtypeStruct((HBS,), jnp.int32),
            jax.ShapeDtypeStruct((HBS,), jnp.int32),
        ],
        mesh=mesh,
        scratch_types=[
            pltpu.VMEM((E, CHUNK), jnp.float32),
            pltpu.VMEM((TPW,), jnp.float32),
            pltpu.VMEM((TPW,), jnp.float32),
            pltpu.VMEM((TPW,), jnp.int32),
            pltpu.VMEM((TPW,), jnp.int32),
        ],
    )(scores_t)

    return p0, p1, i1, i2


@jax.jit
def kernel(x_real, x_imag, W, b):
    xr = x_real.reshape(BS, D)
    xi = x_imag.reshape(BS, D)
    b2 = b.reshape(1, E)

    outs = [_half(xr[h * HBS:(h + 1) * HBS], xi[h * HBS:(h + 1) * HBS], W, b2)
            for h in range(2)]
    p0, p1, i1, i2 = (jnp.concatenate(parts) for parts in zip(*outs))
    probs = jnp.stack([p0, p1], axis=-1).reshape(B, S, TOPK)
    idx = jnp.stack([i1, i2], axis=-1).reshape(B, S, TOPK)
    return probs, idx

# --- scband reference (transcript-rebuilt; emitter-appended) ---
"""Pipeline reference for scband-complex-gating-network-48000554500925 (READ-ONLY COPY).

The authoritative reference and input builder live on the scoring server;
editing this copy changes nothing except your own understanding.
"""

import jax, jax.numpy as jnp
import numpy as np

B, S, D, E, TOPK = 4, 8192, 768, 64, 2

def setup_inputs(seed: int = 0) -> dict:
    key = jax.random.key(seed)
    k1, k2, k3 = jax.random.split(key, 3)
    x_real = jax.random.normal(k1, (B, S, D), dtype=jnp.float32)
    x_imag = jax.random.normal(k2, (B, S, D), dtype=jnp.float32)
    # Dense(num_experts) params: kernel [2*D, E] (lecun_normal-ish), bias [E]
    W = jax.random.normal(k3, (2 * D, E), dtype=jnp.float32) * (1.0 / np.sqrt(2 * D))
    b = jnp.zeros((E,), dtype=jnp.float32)
    return {"x_real": x_real, "x_imag": x_imag, "W": W, "b": b}

def reference(x_real, x_imag, W, b):
    # complex input reconstructed from real/imag parts
    x = jax.lax.complex(x_real, x_imag)
    amp = jnp.real(jnp.abs(x))
    phase = jnp.angle(x)
    routing_input = jnp.concatenate([amp, phase], axis=-1)  # [B, S, 2*D]
    scores = routing_input @ W + b                           # [B, S, E]
    probs = jax.nn.softmax(scores, axis=-1)
    # num_experts_per_token = 2 (> 1 branch)
    top_k_probs, top_k_indices = jax.lax.top_k(probs, TOPK)
    top_k_probs = top_k_probs / jnp.sum(top_k_probs, axis=-1, keepdims=True)
    return (top_k_probs, top_k_indices)

if __name__ == "__main__":
    import jax
    _d = setup_inputs()
    print(jax.jit(kernel)(*tuple(_d.values())))

</pallas_src>

<mosaic_0001>
#map = affine_map<(d0, d1) -> (0, 0)>
#map1 = affine_map<(d0, d1) -> (0)>
module attributes {stable_mosaic.version = 14 : i64} {
  func.func @_sc_topk_kernel(%arg0: i32, %arg1: i32, %arg2: memref<64x16384xf32, #tpu.memory_space<hbm>>, %arg3: memref<16384xf32, #tpu.memory_space<hbm>>, %arg4: memref<16384xf32, #tpu.memory_space<hbm>>, %arg5: memref<16384xi32, #tpu.memory_space<hbm>>, %arg6: memref<16384xi32, #tpu.memory_space<hbm>>, %arg7: memref<64x256xf32, #tpu.memory_space<vmem>>, %arg8: memref<512xf32, #tpu.memory_space<vmem>>, %arg9: memref<512xf32, #tpu.memory_space<vmem>>, %arg10: memref<512xi32, #tpu.memory_space<vmem>>, %arg11: memref<512xi32, #tpu.memory_space<vmem>>) attributes {dimension_semantics = [#tpu.dimension_semantics<core_parallel>, #tpu.dimension_semantics<subcore_parallel>], iteration_bounds = array<i64: 2, 16>, scalar_prefetch = 0 : i64, scratch_operands = 5 : i64, tpu.core_type = #tpu.core_type<sc_vector_subcore>, window_params = [{transform_indices = #map}, {transform_indices = #map1}, {transform_indices = #map1}, {transform_indices = #map1}, {transform_indices = #map1}]} {
    %mul3A = arith.constant 2 : i32
    %mul3A_0 = arith.muli %arg1, %mul3A : i32
    %add3A = arith.addi %mul3A_0, %arg0 : i32
    %mul3A_1 = arith.constant 512 : i32
    %mul3A_2 = arith.muli %add3A, %mul3A_1 : i32
    %scan3A = arith.constant 0 : i32
    %scan3A_3 = arith.constant 0 : i32
    %scan3A_4 = arith.constant 2 : i32
    %scan3A_5 = arith.addi %scan3A_3, %scan3A_4 : i32
    %scan3A_6 = arith.constant 1 : i32
    %scan3A_7 = scf.for %scan3A_9 = %scan3A_3 to %scan3A_5 step %scan3A_6 iter_args(%scan3A_10 = %scan3A) -> (i32)  : i32 {
      %mul3A_11 = arith.constant 256 : i32
      %mul3A_12 = arith.muli %scan3A_9, %mul3A_11 : i32
      %add3A_13 = arith.addi %mul3A_2, %mul3A_12 : i32
      "tpu.region"() ({
        %run_scoped3A = tpu.sem_alloc : memref<!tpu.dma_semaphore, #tpu.memory_space<semaphore_mem>>
        %dma_start3A = arith.constant 0 : i32
        %dma_start3A_22 = tpu.memref_slice %arg2[%dma_start3A, %add3A_13] : memref<64x16384xf32, #tpu.memory_space<hbm>> -> memref<64x256xf32, #tpu.memory_space<hbm>>
        %dma_start3A_23 = arith.constant 0 : i32
        %dma_start3A_24 = tpu.memref_slice %arg2[%dma_start3A_23, %add3A_13] : memref<64x16384xf32, #tpu.memory_space<hbm>> -> memref<64x256xf32, #tpu.memory_space<hbm>>
        tpu.enqueue_dma source(%dma_start3A_24 : memref<64x256xf32, #tpu.memory_space<hbm>>) target(%arg7 : memref<64x256xf32, #tpu.memory_space<vmem>>) target_semaphore(%run_scoped3A : memref<!tpu.dma_semaphore, #tpu.memory_space<semaphore_mem>>)
        %dma_wait3A = arith.constant 0 : i32
        %dma_wait3A_25 = tpu.memref_slice %arg2[%dma_wait3A, %add3A_13] : memref<64x16384xf32, #tpu.memory_space<hbm>> -> memref<64x256xf32, #tpu.memory_space<hbm>>
        %dma_wait3A_26 = arith.constant 0 : i32
        %dma_wait3A_27 = tpu.memref_slice %arg2[%dma_wait3A_26, %add3A_13] : memref<64x16384xf32, #tpu.memory_space<hbm>> -> memref<64x256xf32, #tpu.memory_space<hbm>>
        tpu.wait_dma2 semaphore(%run_scoped3A : memref<!tpu.dma_semaphore, #tpu.memory_space<semaphore_mem>>) src(%dma_wait3A_27 : memref<64x256xf32, #tpu.memory_space<hbm>>) dst(%arg7 : memref<64x256xf32, #tpu.memory_space<vmem>>)
        tpu.yield
      }) : () -> ()
      %scan3A_14 = arith.constant 0 : i32
      %scan3A_15 = arith.constant 0 : i32
      %scan3A_16 = arith.constant 16 : i32
      %scan3A_17 = arith.addi %scan3A_15, %scan3A_16 : i32
      %scan3A_18 = arith.constant 1 : i32
      %scan3A_19 = scf.for %scan3A_22 = %scan3A_15 to %scan3A_17 step %scan3A_18 iter_args(%scan3A_23 = %scan3A_14) -> (i32)  : i32 {
        %mul3A_24 = arith.constant 16 : i32
        %mul3A_25 = arith.muli %scan3A_22, %mul3A_24 : i32
        %get3A = arith.constant 0 : i32
        %get3A_26 = arith.index_cast %get3A : i32 to index
        %get3A_27 = arith.index_cast %mul3A_25 : i32 to index
        %get3A_28 = tpu.vector_load %arg7[%get3A_26, %get3A_27] {strides = array<i32>} : memref<64x256xf32, #tpu.memory_space<vmem>>, vector<1x16xf32>,
        %get3A_29 = vector.shape_cast %get3A_28 : vector<1x16xf32> to vector<16xf32>
        %broadcast_in_dim3A = arith.constant 0 : i32
        %broadcast_in_dim3A_30 = vector.broadcast %broadcast_in_dim3A : i32 to vector<16xi32>
        %broadcast_in_dim3A_31 = arith.constant 0xFF800000 : f32
        %broadcast_in_dim3A_32 = vector.broadcast %broadcast_in_dim3A_31 : f32 to vector<16xf32>
        %broadcast_in_dim3A_33 = arith.constant 0 : i32
        %broadcast_in_dim3A_34 = vector.broadcast %broadcast_in_dim3A_33 : i32 to vector<16xi32>
        %broadcast_in_dim3A_35 = arith.constant 1 : i32
        %broadcast_in_dim3A_36 = vector.broadcast %broadcast_in_dim3A_35 : i32 to vector<16xi32>
        %get3A_37 = arith.constant 1 : i32
        %get3A_38 = arith.index_cast %get3A_37 : i32 to index
        %get3A_39 = arith.index_cast %mul3A_25 : i32 to index
        %get3A_40 = tpu.vector_load %arg7[%get3A_38, %get3A_39] {strides = array<i32>} : memref<64x256xf32, #tpu.memory_space<vmem>>, vector<1x16xf32>,
        %get3A_41 = vector.shape_cast %get3A_40 : vector<1x16xf32> to vector<16xf32>
        %gt3A = arith.cmpf ogt, %get3A_41, %get3A_29 : vector<16xf32>
        %gt3A_42 = arith.cmpf ogt, %get3A_41, %broadcast_in_dim3A_32 : vector<16xf32>
        %select_n3A = arith.select %gt3A_42, %broadcast_in_dim3A_36, %broadcast_in_dim3A_34 : vector<16xi1>, vector<16xi32>
        %select_n3A_43 = arith.select %gt3A, %broadcast_in_dim3A_30, %select_n3A : vector<16xi1>, vector<16xi32>
        %select_n3A_44 = arith.select %gt3A_42, %get3A_41, %broadcast_in_dim3A_32 : vector<16xi1>, vector<16xf32>
        %select_n3A_45 = arith.select %gt3A, %get3A_29, %select_n3A_44 : vector<16xi1>, vector<16xf32>
        %select_n3A_46 = arith.select %gt3A, %broadcast_in_dim3A_36, %broadcast_in_dim3A_30 : vector<16xi1>, vector<16xi32>
        %select_n3A_47 = arith.select %gt3A, %get3A_41, %get3A_29 : vector<16xi1>, vector<16xf32>
        %broadcast_in_dim3A_48 = arith.constant 2 : i32
        %broadcast_in_dim3A_49 = vector.broadcast %broadcast_in_dim3A_48 : i32 to vector<16xi32>
        %get3A_50 = arith.constant 2 : i32
        %get3A_51 = arith.index_cast %get3A_50 : i32 to index
        %get3A_52 = arith.index_cast %mul3A_25 : i32 to index
        %get3A_53 = tpu.vector_load %arg7[%get3A_51, %get3A_52] {strides = array<i32>} : memref<64x256xf32, #tpu.memory_space<vmem>>, vector<1x16xf32>,
        %get3A_54 = vector.shape_cast %get3A_53 : vector<1x16xf32> to vector<16xf32>
        %gt3A_55 = arith.cmpf ogt, %get3A_54, %select_n3A_47 : vector<16xf32>
        %gt3A_56 = arith.cmpf ogt, %get3A_54, %select_n3A_45 : vector<16xf32>
        %select_n3A_57 = arith.select %gt3A_56, %broadcast_in_dim3A_49, %select_n3A_43 : vector<16xi1>, vector<16xi32>
        %select_n3A_58 = arith.select %gt3A_55, %select_n3A_46, %select_n3A_57 : vector<16xi1>, vector<16xi32>
        %select_n3A_59 = arith.select %gt3A_56, %get3A_54, %select_n3A_45 : vector<16xi1>, vector<16xf32>
        %select_n3A_60 = arith.select %gt3A_55, %select_n3A_47, %select_n3A_59 : vector<16xi1>, vector<16xf32>
        %select_n3A_61 = arith.select %gt3A_55, %broadcast_in_dim3A_49, %select_n3A_46 : vector<16xi1>, vector<16xi32>
        %select_n3A_62 = arith.select %gt3A_55, %get3A_54, %select_n3A_47 : vector<16xi1>, vector<16xf32>
        %broadcast_in_dim3A_63 = arith.constant 3 : i32
        %broadcast_in_dim3A_64 = vector.broadcast %broadcast_in_dim3A_63 : i32 to vector<16xi32>
        %get3A_65 = arith.constant 3 : i32
        %get3A_66 = arith.index_cast %get3A_65 : i32 to index
        %get3A_67 = arith.index_cast %mul3A_25 : i32 to index
        %get3A_68 = tpu.vector_load %arg7[%get3A_66, %get3A_67] {strides = array<i32>} : memref<64x256xf32, #tpu.memory_space<vmem>>, vector<1x16xf32>,
        %get3A_69 = vector.shape_cast %get3A_68 : vector<1x16xf32> to vector<16xf32>
        %gt3A_70 = arith.cmpf ogt, %get3A_69, %select_n3A_62 : vector<16xf32>
        %gt3A_71 = arith.cmpf ogt, %get3A_69, %select_n3A_60 : vector<16xf32>
        %select_n3A_72 = arith.select %gt3A_71, %broadcast_in_dim3A_64, %select_n3A_58 : vector<16xi1>, vector<16xi32>
        %select_n3A_73 = arith.select %gt3A_70, %select_n3A_61, %select_n3A_72 : vector<16xi1>, vector<16xi32>
        %select_n3A_74 = arith.select %gt3A_71, %get3A_69, %select_n3A_60 : vector<16xi1>, vector<16xf32>
        %select_n3A_75 = arith.select %gt3A_70, %select_n3A_62, %select_n3A_74 : vector<16xi1>, vector<16xf32>
        %select_n3A_76 = arith.select %gt3A_70, %broadcast_in_dim3A_64, %select_n3A_61 : vector<16xi1>, vector<16xi32>
        %select_n3A_77 = arith.select %gt3A_70, %get3A_69, %select_n3A_62 : vector<16xi1>, vector<16xf32>
        %broadcast_in_dim3A_78 = arith.constant 4 : i32
        %broadcast_in_dim3A_79 = vector.broadcast %broadcast_in_dim3A_78 : i32 to vector<16xi32>
        %get3A_80 = arith.constant 4 : i32
        %get3A_81 = arith.index_cast %get3A_80 : i32 to index
        %get3A_82 = arith.index_cast %mul3A_25 : i32 to index
        %get3A_83 = tpu.vector_load %arg7[%get3A_81, %get3A_82] {strides = array<i32>} : memref<64x256xf32, #tpu.memory_space<vmem>>, vector<1x16xf32>,
        %get3A_84 = vector.shape_cast %get3A_83 : vector<1x16xf32> to vector<16xf32>
        %gt3A_85 = arith.cmpf ogt, %get3A_84, %select_n3A_77 : vector<16xf32>
        %gt3A_86 = arith.cmpf ogt, %get3A_84, %select_n3A_75 : vector<16xf32>
        %select_n3A_87 = arith.select %gt3A_86, %broadcast_in_dim3A_79, %select_n3A_73 : vector<16xi1>, vector<16xi32>
        %select_n3A_88 = arith.select %gt3A_85, %select_n3A_76, %select_n3A_87 : vector<16xi1>, vector<16xi32>
        %select_n3A_89 = arith.select %gt3A_86, %get3A_84, %select_n3A_75 : vector<16xi1>, vector<16xf32>
        %select_n3A_90 = arith.select %gt3A_85, %select_n3A_77, %select_n3A_89 : vector<16xi1>, vector<16xf32>
        %select_n3A_91 = arith.select %gt3A_85, %broadcast_in_dim3A_79, %select_n3A_76 : vector<16xi1>, vector<16xi32>
        %select_n3A_92 = arith.select %gt3A_85, %get3A_84, %select_n3A_77 : vector<16xi1>, vector<16xf32>
        %broadcast_in_dim3A_93 = arith.constant 5 : i32
        %broadcast_in_dim3A_94 = vector.broadcast %broadcast_in_dim3A_93 : i32 to vector<16xi32>
        %get3A_95 = arith.constant 5 : i32
        %get3A_96 = arith.index_cast %get3A_95 : i32 to index
        %get3A_97 = arith.index_cast %mul3A_25 : i32 to index
        %get3A_98 = tpu.vector_load %arg7[%get3A_96, %get3A_97] {strides = array<i32>} : memref<64x256xf32, #tpu.memory_space<vmem>>, vector<1x16xf32>,
        %get3A_99 = vector.shape_cast %get3A_98 : vector<1x16xf32> to vector<16xf32>
        %gt3A_100 = arith.cmpf ogt, %get3A_99, %select_n3A_92 : vector<16xf32>
        %gt3A_101 = arith.cmpf ogt, %get3A_99, %select_n3A_90 : vector<16xf32>
        %select_n3A_102 = arith.select %gt3A_101, %broadcast_in_dim3A_94, %select_n3A_88 : vector<16xi1>, vector<16xi32>
        %select_n3A_103 = arith.select %gt3A_100, %select_n3A_91, %select_n3A_102 : vector<16xi1>, vector<16xi32>
        %select_n3A_104 = arith.select %gt3A_101, %get3A_99, %select_n3A_90 : vector<16xi1>, vector<16xf32>
        %select_n3A_105 = arith.select %gt3A_100, %select_n3A_92, %select_n3A_104 : vector<16xi1>, vector<16xf32>
        %select_n3A_106 = arith.select %gt3A_100, %broadcast_in_dim3A_94, %select_n3A_91 : vector<16xi1>, vector<16xi32>
        %select_n3A_107 = arith.select %gt3A_100, %get3A_99, %select_n3A_92 : vector<16xi1>, vector<16xf32>
        %broadcast_in_dim3A_108 = arith.constant 6 : i32
        %broadcast_in_dim3A_109 = vector.broadcast %broadcast_in_dim3A_108 : i32 to vector<16xi32>
        %get3A_110 = arith.constant 6 : i32
        %get3A_111 = arith.index_cast %get3A_110 : i32 to index
        %get3A_112 = arith.index_cast %mul3A_25 : i32 to index
        %get3A_113 = tpu.vector_load %arg7[%get3A_111, %get3A_112] {strides = array<i32>} : memref<64x256xf32, #tpu.memory_space<vmem>>, vector<1x16xf32>,
        %get3A_114 = vector.shape_cast %get3A_113 : vector<1x16xf32> to vector<16xf32>
        %gt3A_115 = arith.cmpf ogt, %get3A_114, %select_n3A_107 : vector<16xf32>
        %gt3A_116 = arith.cmpf ogt, %get3A_114, %select_n3A_105 : vector<16xf32>
        %select_n3A_117 = arith.select %gt3A_116, %broadcast_in_dim3A_109, %select_n3A_103 : vector<16xi1>, vector<16xi32>
        %select_n3A_118 = arith.select %gt3A_115, %select_n3A_106, %select_n3A_117 : vector<16xi1>, vector<16xi32>
        %select_n3A_119 = arith.select %gt3A_116, %get3A_114, %select_n3A_105 : vector<16xi1>, vector<16xf32>
        %select_n3A_120 = arith.select %gt3A_115, %select_n3A_107, %select_n3A_119 : vector<16xi1>, vector<16xf32>
        %select_n3A_121 = arith.select %gt3A_115, %broadcast_in_dim3A_109, %select_n3A_106 : vector<16xi1>, vector<16xi32>
        %select_n3A_122 = arith.select %gt3A_115, %get3A_114, %select_n3A_107 : vector<16xi1>, vector<16xf32>
        %broadcast_in_dim3A_123 = arith.constant 7 : i32
        %broadcast_in_dim3A_124 = vector.broadcast %broadcast_in_dim3A_123 : i32 to vector<16xi32>
        %get3A_125 = arith.constant 7 : i32
        %get3A_126 = arith.index_cast %get3A_125 : i32 to index
        %get3A_127 = arith.index_cast %mul3A_25 : i32 to index
        %get3A_128 = tpu.vector_load %arg7[%get3A_126, %get3A_127] {strides = array<i32>} : memref<64x256xf32, #tpu.memory_space<vmem>>, vector<1x16xf32>,
        %get3A_129 = vector.shape_cast %get3A_128 : vector<1x16xf32> to vector<16xf32>
        %gt3A_130 = arith.cmpf ogt, %get3A_129, %select_n3A_122 : vector<16xf32>
        %gt3A_131 = arith.cmpf ogt, %get3A_129, %select_n3A_120 : vector<16xf32>
        %select_n3A_132 = arith.select %gt3A_131, %broadcast_in_dim3A_124, %select_n3A_118 : vector<16xi1>, vector<16xi32>
        %select_n3A_133 = arith.select %gt3A_130, %select_n3A_121, %select_n3A_132 : vector<16xi1>, vector<16xi32>
        %select_n3A_134 = arith.select %gt3A_131, %get3A_129, %select_n3A_120 : vector<16xi1>, vector<16xf32>
        %select_n3A_135 = arith.select %gt3A_130, %select_n3A_122, %select_n3A_134 : vector<16xi1>, vector<16xf32>
        %select_n3A_136 = arith.select %gt3A_130, %broadcast_in_dim3A_124, %select_n3A_121 : vector<16xi1>, vector<16xi32>
        %select_n3A_137 = arith.select %gt3A_130, %get3A_129, %select_n3A_122 : vector<16xi1>, vector<16xf32>
        %broadcast_in_dim3A_138 = arith.constant 8 : i32
        %broadcast_in_dim3A_139 = vector.broadcast %broadcast_in_dim3A_138 : i32 to vector<16xi32>
        %get3A_140 = arith.constant 8 : i32
        %get3A_141 = arith.index_cast %get3A_140 : i32 to index
        %get3A_142 = arith.index_cast %mul3A_25 : i32 to index
        %get3A_143 = tpu.vector_load %arg7[%get3A_141, %get3A_142] {strides = array<i32>} : memref<64x256xf32, #tpu.memory_space<vmem>>, vector<1x16xf32>,
        %get3A_144 = vector.shape_cast %get3A_143 : vector<1x16xf32> to vector<16xf32>
        %gt3A_145 = arith.cmpf ogt, %get3A_144, %select_n3A_137 : vector<16xf32>
        %gt3A_146 = arith.cmpf ogt, %get3A_144, %select_n3A_135 : vector<16xf32>
        %select_n3A_147 = arith.select %gt3A_146, %broadcast_in_dim3A_139, %select_n3A_133 : vector<16xi1>, vector<16xi32>
        %select_n3A_148 = arith.select %gt3A_145, %select_n3A_136, %select_n3A_147 : vector<16xi1>, vector<16xi32>
        %select_n3A_149 = arith.select %gt3A_146, %get3A_144, %select_n3A_135 : vector<16xi1>, vector<16xf32>
        %select_n3A_150 = arith.select %gt3A_145, %select_n3A_137, %select_n3A_149 : vector<16xi1>, vector<16xf32>
        %select_n3A_151 = arith.select %gt3A_145, %broadcast_in_dim3A_139, %select_n3A_136 : vector<16xi1>, vector<16xi32>
        %select_n3A_152 = arith.select %gt3A_145, %get3A_144, %select_n3A_137 : vector<16xi1>, vector<16xf32>
        %broadcast_in_dim3A_153 = arith.constant 9 : i32
        %broadcast_in_dim3A_154 = vector.broadcast %broadcast_in_dim3A_153 : i32 to vector<16xi32>
        %get3A_155 = arith.constant 9 : i32
        %get3A_156 = arith.index_cast %get3A_155 : i32 to index
        %get3A_157 = arith.index_cast %mul3A_25 : i32 to index
        %get3A_158 = tpu.vector_load %arg7[%get3A_156, %get3A_157] {strides = array<i32>} : memref<64x256xf32, #tpu.memory_space<vmem>>, vector<1x16xf32>,
        %get3A_159 = vector.shape_cast %get3A_158 : vector<1x16xf32> to vector<16xf32>
        %gt3A_160 = arith.cmpf ogt, %get3A_159, %select_n3A_152 : vector<16xf32>
        %gt3A_161 = arith.cmpf ogt, %get3A_159, %select_n3A_150 : vector<16xf32>
        %select_n3A_162 = arith.select %gt3A_161, %broadcast_in_dim3A_154, %select_n3A_148 : vector<16xi1>, vector<16xi32>
        %select_n3A_163 = arith.select %gt3A_160, %select_n3A_151, %select_n3A_162 : vector<16xi1>, vector<16xi32>
        %select_n3A_164 = arith.select %gt3A_161, %get3A_159, %select_n3A_150 : vector<16xi1>, vector<16xf32>
        %select_n3A_165 = arith.select %gt3A_160, %select_n3A_152, %select_n3A_164 : vector<16xi1>, vector<16xf32>
        %select_n3A_166 = arith.select %gt3A_160, %broadcast_in_dim3A_154, %select_n3A_151 : vector<16xi1>, vector<16xi32>
        %select_n3A_167 = arith.select %gt3A_160, %get3A_159, %select_n3A_152 : vector<16xi1>, vector<16xf32>
        %broadcast_in_dim3A_168 = arith.constant 10 : i32
        %broadcast_in_dim3A_169 = vector.broadcast %broadcast_in_dim3A_168 : i32 to vector<16xi32>
        %get3A_170 = arith.constant 10 : i32
        %get3A_171 = arith.index_cast %get3A_170 : i32 to index
        %get3A_172 = arith.index_cast %mul3A_25 : i32 to index
        %get3A_173 = tpu.vector_load %arg7[%get3A_171, %get3A_172] {strides = array<i32>} : memref<64x256xf32, #tpu.memory_space<vmem>>, vector<1x16xf32>,
        %get3A_174 = vector.shape_cast %get3A_173 : vector<1x16xf32> to vector<16xf32>
        %gt3A_175 = arith.cmpf ogt, %get3A_174, %select_n3A_167 : vector<16xf32>
        %gt3A_176 = arith.cmpf ogt, %get3A_174, %select_n3A_165 : vector<16xf32>
        %select_n3A_177 = arith.select %gt3A_176, %broadcast_in_dim3A_169, %select_n3A_163 : vector<16xi1>, vector<16xi32>
        %select_n3A_178 = arith.select %gt3A_175, %select_n3A_166, %select_n3A_177 : vector<16xi1>, vector<16xi32>
        %select_n3A_179 = arith.select %gt3A_176, %get3A_174, %select_n3A_165 : vector<16xi1>, vector<16xf32>
        %select_n3A_180 = arith.select %gt3A_175, %select_n3A_167, %select_n3A_179 : vector<16xi1>, vector<16xf32>
        %select_n3A_181 = arith.select %gt3A_175, %broadcast_in_dim3A_169, %select_n3A_166 : vector<16xi1>, vector<16xi32>
        %select_n3A_182 = arith.select %gt3A_175, %get3A_174, %select_n3A_167 : vector<16xi1>, vector<16xf32>
        %broadcast_in_dim3A_183 = arith.constant 11 : i32
        %broadcast_in_dim3A_184 = vector.broadcast %broadcast_in_dim3A_183 : i32 to vector<16xi32>
        %get3A_185 = arith.constant 11 : i32
        %get3A_186 = arith.index_cast %get3A_185 : i32 to index
        %get3A_187 = arith.index_cast %mul3A_25 : i32 to index
        %get3A_188 = tpu.vector_load %arg7[%get3A_186, %get3A_187] {strides = array<i32>} : memref<64x256xf32, #tpu.memory_space<vmem>>, vector<1x16xf32>,
        %get3A_189 = vector.shape_cast %get3A_188 : vector<1x16xf32> to vector<16xf32>
        %gt3A_190 = arith.cmpf ogt, %get3A_189, %select_n3A_182 : vector<16xf32>
        %gt3A_191 = arith.cmpf ogt, %get3A_189, %select_n3A_180 : vector<16xf32>
        %select_n3A_192 = arith.select %gt3A_191, %broadcast_in_dim3A_184, %select_n3A_178 : vector<16xi1>, vector<16xi32>
        %select_n3A_193 = arith.select %gt3A_190, %select_n3A_181, %select_n3A_192 : vector<16xi1>, vector<16xi32>
        %select_n3A_194 = arith.select %gt3A_191, %get3A_189, %select_n3A_180 : vector<16xi1>, vector<16xf32>
        %select_n3A_195 = arith.select %gt3A_190, %select_n3A_182, %select_n3A_194 : vector<16xi1>, vector<16xf32>
        %select_n3A_196 = arith.select %gt3A_190, %broadcast_in_dim3A_184, %select_n3A_181 : vector<16xi1>, vector<16xi32>
        %select_n3A_197 = arith.select %gt3A_190, %get3A_189, %select_n3A_182 : vector<16xi1>, vector<16xf32>
        %broadcast_in_dim3A_198 = arith.constant 12 : i32
        %broadcast_in_dim3A_199 = vector.broadcast %broadcast_in_dim3A_198 : i32 to vector<16xi32>
        %get3A_200 = arith.constant 12 : i32
        %get3A_201 = arith.index_cast %get3A_200 : i32 to index
        %get3A_202 = arith.index_cast %mul3A_25 : i32 to index
        %get3A_203 = tpu.vector_load %arg7[%get3A_201, %get3A_202] {strides = array<i32>} : memref<64x256xf32, #tpu.memory_space<vmem>>, vector<1x16xf32>,
        %get3A_204 = vector.shape_cast %get3A_203 : vector<1x16xf32> to vector<16xf32>
        %gt3A_205 = arith.cmpf ogt, %get3A_204, %select_n3A_197 : vector<16xf32>
        %gt3A_206 = arith.cmpf ogt, %get3A_204, %select_n3A_195 : vector<16xf32>
        %select_n3A_207 = arith.select %gt3A_206, %broadcast_in_dim3A_199, %select_n3A_193 : vector<16xi1>, vector<16xi32>
        %select_n3A_208 = arith.select %gt3A_205, %select_n3A_196, %select_n3A_207 : vector<16xi1>, vector<16xi32>
        %select_n3A_209 = arith.select %gt3A_206, %get3A_204, %select_n3A_195 : vector<16xi1>, vector<16xf32>
        %select_n3A_210 = arith.select %gt3A_205, %select_n3A_197, %select_n3A_209 : vector<16xi1>, vector<16xf32>
        %select_n3A_211 = arith.select %gt3A_205, %broadcast_in_dim3A_199, %select_n3A_196 : vector<16xi1>, vector<16xi32>
        %select_n3A_212 = arith.select %gt3A_205, %get3A_204, %select_n3A_197 : vector<16xi1>, vector<16xf32>
        %broadcast_in_dim3A_213 = arith.constant 13 : i32
        %broadcast_in_dim3A_214 = vector.broadcast %broadcast_in_dim3A_213 : i32 to vector<16xi32>
        %get3A_215 = arith.constant 13 : i32
        %get3A_216 = arith.index_cast %get3A_215 : i32 to index
        %get3A_217 = arith.index_cast %mul3A_25 : i32 to index
        %get3A_218 = tpu.vector_load %arg7[%get3A_216, %get3A_217] {strides = array<i32>} : memref<64x256xf32, #tpu.memory_space<vmem>>, vector<1x16xf32>,
        %get3A_219 = vector.shape_cast %get3A_218 : vector<1x16xf32> to vector<16xf32>
        %gt3A_220 = arith.cmpf ogt, %get3A_219, %select_n3A_212 : vector<16xf32>
        %gt3A_221 = arith.cmpf ogt, %get3A_219, %select_n3A_210 : vector<16xf32>
        %select_n3A_222 = arith.select %gt3A_221, %broadcast_in_dim3A_214, %select_n3A_208 : vector<16xi1>, vector<16xi32>
        %select_n3A_223 = arith.select %gt3A_220, %select_n3A_211, %select_n3A_222 : vector<16xi1>, vector<16xi32>
        %select_n3A_224 = arith.select %gt3A_221, %get3A_219, %select_n3A_210 : vector<16xi1>, vector<16xf32>
        %select_n3A_225 = arith.select %gt3A_220, %select_n3A_212, %select_n3A_224 : vector<16xi1>, vector<16xf32>
        %select_n3A_226 = arith.select %gt3A_220, %broadcast_in_dim3A_214, %select_n3A_211 : vector<16xi1>, vector<16xi32>
        %select_n3A_227 = arith.select %gt3A_220, %get3A_219, %select_n3A_212 : vector<16xi1>, vector<16xf32>
        %broadcast_in_dim3A_228 = arith.constant 14 : i32
        %broadcast_in_dim3A_229 = vector.broadcast %broadcast_in_dim3A_228 : i32 to vector<16xi32>
        %get3A_230 = arith.constant 14 : i32
        %get3A_231 = arith.index_cast %get3A_230 : i32 to index
        %get3A_232 = arith.index_cast %mul3A_25 : i32 to index
        %get3A_233 = tpu.vector_load %arg7[%get3A_231, %get3A_232] {strides = array<i32>} : memref<64x256xf32, #tpu.memory_space<vmem>>, vector<1x16xf32>,
        %get3A_234 = vector.shape_cast %get3A_233 : vector<1x16xf32> to vector<16xf32>
        %gt3A_235 = arith.cmpf ogt, %get3A_234, %select_n3A_227 : vector<16xf32>
        %gt3A_236 = arith.cmpf ogt, %get3A_234, %select_n3A_225 : vector<16xf32>
        %select_n3A_237 = arith.select %gt3A_236, %broadcast_in_dim3A_229, %select_n3A_223 : vector<16xi1>, vector<16xi32>
        %select_n3A_238 = arith.select %gt3A_235, %select_n3A_226, %select_n3A_237 : vector<16xi1>, vector<16xi32>
        %select_n3A_239 = arith.select %gt3A_236, %get3A_234, %select_n3A_225 : vector<16xi1>, vector<16xf32>
        %select_n3A_240 = arith.select %gt3A_235, %select_n3A_227, %select_n3A_239 : vector<16xi1>, vector<16xf32>
        %select_n3A_241 = arith.select %gt3A_235, %broadcast_in_dim3A_229, %select_n3A_226 : vector<16xi1>, vector<16xi32>
        %select_n3A_242 = arith.select %gt3A_235, %get3A_234, %select_n3A_227 : vector<16xi1>, vector<16xf32>
        %broadcast_in_dim3A_243 = arith.constant 15 : i32
        %broadcast_in_dim3A_244 = vector.broadcast %broadcast_in_dim3A_243 : i32 to vector<16xi32>
        %get3A_245 = arith.constant 15 : i32
        %get3A_246 = arith.index_cast %get3A_245 : i32 to index
        %get3A_247 = arith.index_cast %mul3A_25 : i32 to index
        %get3A_248 = tpu.vector_load %arg7[%get3A_246, %get3A_247] {strides = array<i32>} : memref<64x256xf32, #tpu.memory_space<vmem>>, vector<1x16xf32>,
        %get3A_249 = vector.shape_cast %get3A_248 : vector<1x16xf32> to vector<16xf32>
        %gt3A_250 = arith.cmpf ogt, %get3A_249, %select_n3A_242 : vector<16xf32>
        %gt3A_251 = arith.cmpf ogt, %get3A_249, %select_n3A_240 : vector<16xf32>
        %select_n3A_252 = arith.select %gt3A_251, %broadcast_in_dim3A_244, %select_n3A_238 : vector<16xi1>, vector<16xi32>
        %select_n3A_253 = arith.select %gt3A_250, %select_n3A_241, %select_n3A_252 : vector<16xi1>, vector<16xi32>
        %select_n3A_254 = arith.select %gt3A_251, %get3A_249, %select_n3A_240 : vector<16xi1>, vector<16xf32>
        %select_n3A_255 = arith.select %gt3A_250, %select_n3A_242, %select_n3A_254 : vector<16xi1>, vector<16xf32>
        %select_n3A_256 = arith.select %gt3A_250, %broadcast_in_dim3A_244, %select_n3A_241 : vector<16xi1>, vector<16xi32>
        %select_n3A_257 = arith.select %gt3A_250, %get3A_249, %select_n3A_242 : vector<16xi1>, vector<16xf32>
        %broadcast_in_dim3A_258 = arith.constant 16 : i32
        %broadcast_in_dim3A_259 = vector.broadcast %broadcast_in_dim3A_258 : i32 to vector<16xi32>
        %get3A_260 = arith.constant 16 : i32
        %get3A_261 = arith.index_cast %get3A_260 : i32 to index
        %get3A_262 = arith.index_cast %mul3A_25 : i32 to index
        %get3A_263 = tpu.vector_load %arg7[%get3A_261, %get3A_262] {strides = array<i32>} : memref<64x256xf32, #tpu.memory_space<vmem>>, vector<1x16xf32>,
        %get3A_264 = vector.shape_cast %get3A_263 : vector<1x16xf32> to vector<16xf32>
        %gt3A_265 = arith.cmpf ogt, %get3A_264, %select_n3A_257 : vector<16xf32>
        %gt3A_266 = arith.cmpf ogt, %get3A_264, %select_n3A_255 : vector<16xf32>
        %select_n3A_267 = arith.select %gt3A_266, %broadcast_in_dim3A_259, %select_n3A_253 : vector<16xi1>, vector<16xi32>
        %select_n3A_268 = arith.select %gt3A_265, %select_n3A_256, %select_n3A_267 : vector<16xi1>, vector<16xi32>
        %select_n3A_269 = arith.select %gt3A_266, %get3A_264, %select_n3A_255 : vector<16xi1>, vector<16xf32>
        %select_n3A_270 = arith.select %gt3A_265, %select_n3A_257, %select_n3A_269 : vector<16xi1>, vector<16xf32>
        %select_n3A_271 = arith.select %gt3A_265, %broadcast_in_dim3A_259, %select_n3A_256 : vector<16xi1>, vector<16xi32>
        %select_n3A_272 = arith.select %gt3A_265, %get3A_264, %select_n3A_257 : vector<16xi1>, vector<16xf32>
        %broadcast_in_dim3A_273 = arith.constant 17 : i32
        %broadcast_in_dim3A_274 = vector.broadcast %broadcast_in_dim3A_273 : i32 to vector<16xi32>
        %get3A_275 = arith.constant 17 : i32
        %get3A_276 = arith.index_cast %get3A_275 : i32 to index
        %get3A_277 = arith.index_cast %mul3A_25 : i32 to index
        %get3A_278 = tpu.vector_load %arg7[%get3A_276, %get3A_277] {strides = array<i32>} : memref<64x256xf32, #tpu.memory_space<vmem>>, vector<1x16xf32>,
        %get3A_279 = vector.shape_cast %get3A_278 : vector<1x16xf32> to vector<16xf32>
        %gt3A_280 = arith.cmpf ogt, %get3A_279, %select_n3A_272 : vector<16xf32>
        %gt3A_281 = arith.cmpf ogt, %get3A_279, %select_n3A_270 : vector<16xf32>
        %select_n3A_282 = arith.select %gt3A_281, %broadcast_in_dim3A_274, %select_n3A_268 : vector<16xi1>, vector<16xi32>
        %select_n3A_283 = arith.select %gt3A_280, %select_n3A_271, %select_n3A_282 : vector<16xi1>, vector<16xi32>
        %select_n3A_284 = arith.select %gt3A_281, %get3A_279, %select_n3A_270 : vector<16xi1>, vector<16xf32>
        %select_n3A_285 = arith.select %gt3A_280, %select_n3A_272, %select_n3A_284 : vector<16xi1>, vector<16xf32>
        %select_n3A_286 = arith.select %gt3A_280, %broadcast_in_dim3A_274, %select_n3A_271 : vector<16xi1>, vector<16xi32>
        %select_n3A_287 = arith.select %gt3A_280, %get3A_279, %select_n3A_272 : vector<16xi1>, vector<16xf32>
        %broadcast_in_dim3A_288 = arith.constant 18 : i32
        %broadcast_in_dim3A_289 = vector.broadcast %broadcast_in_dim3A_288 : i32 to vector<16xi32>
        %get3A_290 = arith.constant 18 : i32
        %get3A_291 = arith.index_cast %get3A_290 : i32 to index
        %get3A_292 = arith.index_cast %mul3A_25 : i32 to index
        %get3A_293 = tpu.vector_load %arg7[%get3A_291, %get3A_292] {strides = array<i32>} : memref<64x256xf32, #tpu.memory_space<vmem>>, vector<1x16xf32>,
        %get3A_294 = vector.shape_cast %get3A_293 : vector<1x16xf32> to vector<16xf32>
        %gt3A_295 = arith.cmpf ogt, %get3A_294, %select_n3A_287 : vector<16xf32>
        %gt3A_296 = arith.cmpf ogt, %get3A_294, %select_n3A_285 : vector<16xf32>
        %select_n3A_297 = arith.select %gt3A_296, %broadcast_in_dim3A_289, %select_n3A_283 : vector<16xi1>, vector<16xi32>
        %select_n3A_298 = arith.select %gt3A_295, %select_n3A_286, %select_n3A_297 : vector<16xi1>, vector<16xi32>
        %select_n3A_299 = arith.select %gt3A_296, %get3A_294, %select_n3A_285 : vector<16xi1>, vector<16xf32>
        %select_n3A_300 = arith.select %gt3A_295, %select_n3A_287, %select_n3A_299 : vector<16xi1>, vector<16xf32>
        %select_n3A_301 = arith.select %gt3A_295, %broadcast_in_dim3A_289, %select_n3A_286 : vector<16xi1>, vector<16xi32>
        %select_n3A_302 = arith.select %gt3A_295, %get3A_294, %select_n3A_287 : vector<16xi1>, vector<16xf32>
        %broadcast_in_dim3A_303 = arith.constant 19 : i32
        %broadcast_in_dim3A_304 = vector.broadcast %broadcast_in_dim3A_303 : i32 to vector<16xi32>
        %get3A_305 = arith.constant 19 : i32
        %get3A_306 = arith.index_cast %get3A_305 : i32 to index
        %get3A_307 = arith.index_cast %mul3A_25 : i32 to index
        %get3A_308 = tpu.vector_load %arg7[%get3A_306, %get3A_307] {strides = array<i32>} : memref<64x256xf32, #tpu.memory_space<vmem>>, vector<1x16xf32>,
        %get3A_309 = vector.shape_cast %get3A_308 : vector<1x16xf32> to vector<16xf32>
        %gt3A_310 = arith.cmpf ogt, %get3A_309, %select_n3A_302 : vector<16xf32>
        %gt3A_311 = arith.cmpf ogt, %get3A_309, %select_n3A_300 : vector<16xf32>
        %select_n3A_312 = arith.select %gt3A_311, %broadcast_in_dim3A_304, %select_n3A_298 : vector<16xi1>, vector<16xi32>
        %select_n3A_313 = arith.select %gt3A_310, %select_n3A_301, %select_n3A_312 : vector<16xi1>, vector<16xi32>
        %select_n3A_314 = arith.select %gt3A_311, %get3A_309, %select_n3A_300 : vector<16xi1>, vector<16xf32>
        %select_n3A_315 = arith.select %gt3A_310, %select_n3A_302, %select_n3A_314 : vector<16xi1>, vector<16xf32>
        %select_n3A_316 = arith.select %gt3A_310, %broadcast_in_dim3A_304, %select_n3A_301 : vector<16xi1>, vector<16xi32>
        %select_n3A_317 = arith.select %gt3A_310, %get3A_309, %select_n3A_302 : vector<16xi1>, vector<16xf32>
        %broadcast_in_dim3A_318 = arith.constant 20 : i32
        %broadcast_in_dim3A_319 = vector.broadcast %broadcast_in_dim3A_318 : i32 to vector<16xi32>
        %get3A_320 = arith.constant 20 : i32
        %get3A_321 = arith.index_cast %get3A_320 : i32 to index
        %get3A_322 = arith.index_cast %mul3A_25 : i32 to index
        %get3A_323 = tpu.vector_load %arg7[%get3A_321, %get3A_322] {strides = array<i32>} : memref<64x256xf32, #tpu.memory_space<vmem>>, vector<1x16xf32>,
        %get3A_324 = vector.shape_cast %get3A_323 : vector<1x16xf32> to vector<16xf32>
        %gt3A_325 = arith.cmpf ogt, %get3A_324, %select_n3A_317 : vector<16xf32>
        %gt3A_326 = arith.cmpf ogt, %get3A_324, %select_n3A_315 : vector<16xf32>
        %select_n3A_327 = arith.select %gt3A_326, %broadcast_in_dim3A_319, %select_n3A_313 : vector<16xi1>, vector<16xi32>
        %select_n3A_328 = arith.select %gt3A_325, %select_n3A_316, %select_n3A_327 : vector<16xi1>, vector<16xi32>
        %select_n3A_329 = arith.select %gt3A_326, %get3A_324, %select_n3A_315 : vector<16xi1>, vector<16xf32>
        %select_n3A_330 = arith.select %gt3A_325, %select_n3A_317, %select_n3A_329 : vector<16xi1>, vector<16xf32>
        %select_n3A_331 = arith.select %gt3A_325, %broadcast_in_dim3A_319, %select_n3A_316 : vector<16xi1>, vector<16xi32>
        %select_n3A_332 = arith.select %gt3A_325, %get3A_324, %select_n3A_317 : vector<16xi1>, vector<16xf32>
        %broadcast_in_dim3A_333 = arith.constant 21 : i32
        %broadcast_in_dim3A_334 = vector.broadcast %broadcast_in_dim3A_333 : i32 to vector<16xi32>
        %get3A_335 = arith.constant 21 : i32
        %get3A_336 = arith.index_cast %get3A_335 : i32 to index
        %get3A_337 = arith.index_cast %mul3A_25 : i32 to index
        %get3A_338 = tpu.vector_load %arg7[%get3A_336, %get3A_337] {strides = array<i32>} : memref<64x256xf32, #tpu.memory_space<vmem>>, vector<1x16xf32>,
        %get3A_339 = vector.shape_cast %get3A_338 : vector<1x16xf32> to vector<16xf32>
        %gt3A_340 = arith.cmpf ogt, %get3A_339, %select_n3A_332 : vector<16xf32>
        %gt3A_341 = arith.cmpf ogt, %get3A_339, %select_n3A_330 : vector<16xf32>
        %select_n3A_342 = arith.select %gt3A_341, %broadcast_in_dim3A_334, %select_n3A_328 : vector<16xi1>, vector<16xi32>
        %select_n3A_343 = arith.select %gt3A_340, %select_n3A_331, %select_n3A_342 : vector<16xi1>, vector<16xi32>
        %select_n3A_344 = arith.select %gt3A_341, %get3A_339, %select_n3A_330 : vector<16xi1>, vector<16xf32>
        %select_n3A_345 = arith.select %gt3A_340, %select_n3A_332, %select_n3A_344 : vector<16xi1>, vector<16xf32>
        %select_n3A_346 = arith.select %gt3A_340, %broadcast_in_dim3A_334, %select_n3A_331 : vector<16xi1>, vector<16xi32>
        %select_n3A_347 = arith.select %gt3A_340, %get3A_339, %select_n3A_332 : vector<16xi1>, vector<16xf32>
        %broadcast_in_dim3A_348 = arith.constant 22 : i32
        %broadcast_in_dim3A_349 = vector.broadcast %broadcast_in_dim3A_348 : i32 to vector<16xi32>
        %get3A_350 = arith.constant 22 : i32
        %get3A_351 = arith.index_cast %get3A_350 : i32 to index
        %get3A_352 = arith.index_cast %mul3A_25 : i32 to index
        %get3A_353 = tpu.vector_load %arg7[%get3A_351, %get3A_352] {strides = array<i32>} : memref<64x256xf32, #tpu.memory_space<vmem>>, vector<1x16xf32>,
        %get3A_354 = vector.shape_cast %get3A_353 : vector<1x16xf32> to vector<16xf32>
        %gt3A_355 = arith.cmpf ogt, %get3A_354, %select_n3A_347 : vector<16xf32>
        %gt3A_356 = arith.cmpf ogt, %get3A_354, %select_n3A_345 : vector<16xf32>
        %select_n3A_357 = arith.select %gt3A_356, %broadcast_in_dim3A_349, %select_n3A_343 : vector<16xi1>, vector<16xi32>
        %select_n3A_358 = arith.select %gt3A_355, %select_n3A_346, %select_n3A_357 : vector<16xi1>, vector<16xi32>
        %select_n3A_359 = arith.select %gt3A_356, %get3A_354, %select_n3A_345 : vector<16xi1>, vector<16xf32>
        %select_n3A_360 = arith.select %gt3A_355, %select_n3A_347, %select_n3A_359 : vector<16xi1>, vector<16xf32>
        %select_n3A_361 = arith.select %gt3A_355, %broadcast_in_dim3A_349, %select_n3A_346 : vector<16xi1>, vector<16xi32>
        %select_n3A_362 = arith.select %gt3A_355, %get3A_354, %select_n3A_347 : vector<16xi1>, vector<16xf32>
        %broadcast_in_dim3A_363 = arith.constant 23 : i32
        %broadcast_in_dim3A_364 = vector.broadcast %broadcast_in_dim3A_363 : i32 to vector<16xi32>
        %get3A_365 = arith.constant 23 : i32
        %get3A_366 = arith.index_cast %get3A_365 : i32 to index
        %get3A_367 = arith.index_cast %mul3A_25 : i32 to index
        %get3A_368 = tpu.vector_load %arg7[%get3A_366, %get3A_367] {strides = array<i32>} : memref<64x256xf32, #tpu.memory_space<vmem>>, vector<1x16xf32>,
        %get3A_369 = vector.shape_cast %get3A_368 : vector<1x16xf32> to vector<16xf32>
        %gt3A_370 = arith.cmpf ogt, %get3A_369, %select_n3A_362 : vector<16xf32>
        %gt3A_371 = arith.cmpf ogt, %get3A_369, %select_n3A_360 : vector<16xf32>
        %select_n3A_372 = arith.select %gt3A_371, %broadcast_in_dim3A_364, %select_n3A_358 : vector<16xi1>, vector<16xi32>
        %select_n3A_373 = arith.select %gt3A_370, %select_n3A_361, %select_n3A_372 : vector<16xi1>, vector<16xi32>
        %select_n3A_374 = arith.select %gt3A_371, %get3A_369, %select_n3A_360 : vector<16xi1>, vector<16xf32>
        %select_n3A_375 = arith.select %gt3A_370, %select_n3A_362, %select_n3A_374 : vector<16xi1>, vector<16xf32>
        %select_n3A_376 = arith.select %gt3A_370, %broadcast_in_dim3A_364, %select_n3A_361 : vector<16xi1>, vector<16xi32>
        %select_n3A_377 = arith.select %gt3A_370, %get3A_369, %select_n3A_362 : vector<16xi1>, vector<16xf32>
        %broadcast_in_dim3A_378 = arith.constant 24 : i32
        %broadcast_in_dim3A_379 = vector.broadcast %broadcast_in_dim3A_378 : i32 to vector<16xi32>
        %get3A_380 = arith.constant 24 : i32
        %get3A_381 = arith.index_cast %get3A_380 : i32 to index
        %get3A_382 = arith.index_cast %mul3A_25 : i32 to index
        %get3A_383 = tpu.vector_load %arg7[%get3A_381, %get3A_382] {strides = array<i32>} : memref<64x256xf32, #tpu.memory_space<vmem>>, vector<1x16xf32>,
        %get3A_384 = vector.shape_cast %get3A_383 : vector<1x16xf32> to vector<16xf32>
        %gt3A_385 = arith.cmpf ogt, %get3A_384, %select_n3A_377 : vector<16xf32>
        %gt3A_386 = arith.cmpf ogt, %get3A_384, %select_n3A_375 : vector<16xf32>
        %select_n3A_387 = arith.select %gt3A_386, %broadcast_in_dim3A_379, %select_n3A_373 : vector<16xi1>, vector<16xi32>
        %select_n3A_388 = arith.select %gt3A_385, %select_n3A_376, %select_n3A_387 : vector<16xi1>, vector<16xi32>
        %select_n3A_389 = arith.select %gt3A_386, %get3A_384, %select_n3A_375 : vector<16xi1>, vector<16xf32>
        %select_n3A_390 = arith.select %gt3A_385, %select_n3A_377, %select_n3A_389 : vector<16xi1>, vector<16xf32>
        %select_n3A_391 = arith.select %gt3A_385, %broadcast_in_dim3A_379, %select_n3A_376 : vector<16xi1>, vector<16xi32>
        %select_n3A_392 = arith.select %gt3A_385, %get3A_384, %select_n3A_377 : vector<16xi1>, vector<16xf32>
        %broadcast_in_dim3A_393 = arith.constant 25 : i32
        %broadcast_in_dim3A_394 = vector.broadcast %broadcast_in_dim3A_393 : i32 to vector<16xi32>
        %get3A_395 = arith.constant 25 : i32
        %get3A_396 = arith.index_cast %get3A_395 : i32 to index
        %get3A_397 = arith.index_cast %mul3A_25 : i32 to index
        %get3A_398 = tpu.vector_load %arg7[%get3A_396, %get3A_397] {strides = array<i32>} : memref<64x256xf32, #tpu.memory_space<vmem>>, vector<1x16xf32>,
        %get3A_399 = vector.shape_cast %get3A_398 : vector<1x16xf32> to vector<16xf32>
        %gt3A_400 = arith.cmpf ogt, %get3A_399, %select_n3A_392 : vector<16xf32>
        %gt3A_401 = arith.cmpf ogt, %get3A_399, %select_n3A_390 : vector<16xf32>
        %select_n3A_402 = arith.select %gt3A_401, %broadcast_in_dim3A_394, %select_n3A_388 : vector<16xi1>, vector<16xi32>
        %select_n3A_403 = arith.select %gt3A_400, %select_n3A_391, %select_n3A_402 : vector<16xi1>, vector<16xi32>
        %select_n3A_404 = arith.select %gt3A_401, %get3A_399, %select_n3A_390 : vector<16xi1>, vector<16xf32>
        %select_n3A_405 = arith.select %gt3A_400, %select_n3A_392, %select_n3A_404 : vector<16xi1>, vector<16xf32>
        %select_n3A_406 = arith.select %gt3A_400, %broadcast_in_dim3A_394, %select_n3A_391 : vector<16xi1>, vector<16xi32>
        %select_n3A_407 = arith.select %gt3A_400, %get3A_399, %select_n3A_392 : vector<16xi1>, vector<16xf32>
        %broadcast_in_dim3A_408 = arith.constant 26 : i32
        %broadcast_in_dim3A_409 = vector.broadcast %broadcast_in_dim3A_408 : i32 to vector<16xi32>
        %get3A_410 = arith.constant 26 : i32
        %get3A_411 = arith.index_cast %get3A_410 : i32 to index
        %get3A_412 = arith.index_cast %mul3A_25 : i32 to index
        %get3A_413 = tpu.vector_load %arg7[%get3A_411, %get3A_412] {strides = array<i32>} : memref<64x256xf32, #tpu.memory_space<vmem>>, vector<1x16xf32>,
        %get3A_414 = vector.shape_cast %get3A_413 : vector<1x16xf32> to vector<16xf32>
        %gt3A_415 = arith.cmpf ogt, %get3A_414, %select_n3A_407 : vector<16xf32>
        %gt3A_416 = arith.cmpf ogt, %get3A_414, %select_n3A_405 : vector<16xf32>
        %select_n3A_417 = arith.select %gt3A_416, %broadcast_in_dim3A_409, %select_n3A_403 : vector<16xi1>, vector<16xi32>
        %select_n3A_418 = arith.select %gt3A_415, %select_n3A_406, %select_n3A_417 : vector<16xi1>, vector<16xi32>
        %select_n3A_419 = arith.select %gt3A_416, %get3A_414, %select_n3A_405 : vector<16xi1>, vector<16xf32>
        %select_n3A_420 = arith.select %gt3A_415, %select_n3A_407, %select_n3A_419 : vector<16xi1>, vector<16xf32>
        %select_n3A_421 = arith.select %gt3A_415, %broadcast_in_dim3A_409, %select_n3A_406 : vector<16xi1>, vector<16xi32>
        %select_n3A_422 = arith.select %gt3A_415, %get3A_414, %select_n3A_407 : vector<16xi1>, vector<16xf32>
        %broadcast_in_dim3A_423 = arith.constant 27 : i32
        %broadcast_in_dim3A_424 = vector.broadcast %broadcast_in_dim3A_423 : i32 to vector<16xi32>
        %get3A_425 = arith.constant 27 : i32
        %get3A_426 = arith.index_cast %get3A_425 : i32 to index
        %get3A_427 = arith.index_cast %mul3A_25 : i32 to index
        %get3A_428 = tpu.vector_load %arg7[%get3A_426, %get3A_427] {strides = array<i32>} : memref<64x256xf32, #tpu.memory_space<vmem>>, vector<1x16xf32>,
        %get3A_429 = vector.shape_cast %get3A_428 : vector<1x16xf32> to vector<16xf32>
        %gt3A_430 = arith.cmpf ogt, %get3A_429, %select_n3A_422 : vector<16xf32>
        %gt3A_431 = arith.cmpf ogt, %get3A_429, %select_n3A_420 : vector<16xf32>
        %select_n3A_432 = arith.select %gt3A_431, %broadcast_in_dim3A_424, %select_n3A_418 : vector<16xi1>, vector<16xi32>
        %select_n3A_433 = arith.select %gt3A_430, %select_n3A_421, %select_n3A_432 : vector<16xi1>, vector<16xi32>
        %select_n3A_434 = arith.select %gt3A_431, %get3A_429, %select_n3A_420 : vector<16xi1>, vector<16xf32>
        %select_n3A_435 = arith.select %gt3A_430, %select_n3A_422, %select_n3A_434 : vector<16xi1>, vector<16xf32>
        %select_n3A_436 = arith.select %gt3A_430, %broadcast_in_dim3A_424, %select_n3A_421 : vector<16xi1>, vector<16xi32>
        %select_n3A_437 = arith.select %gt3A_430, %get3A_429, %select_n3A_422 : vector<16xi1>, vector<16xf32>
        %broadcast_in_dim3A_438 = arith.constant 28 : i32
        %broadcast_in_dim3A_439 = vector.broadcast %broadcast_in_dim3A_438 : i32 to vector<16xi32>
        %get3A_440 = arith.constant 28 : i32
        %get3A_441 = arith.index_cast %get3A_440 : i32 to index
        %get3A_442 = arith.index_cast %mul3A_25 : i32 to index
        %get3A_443 = tpu.vector_load %arg7[%get3A_441, %get3A_442] {strides = array<i32>} : memref<64x256xf32, #tpu.memory_space<vmem>>, vector<1x16xf32>,
        %get3A_444 = vector.shape_cast %get3A_443 : vector<1x16xf32> to vector<16xf32>
        %gt3A_445 = arith.cmpf ogt, %get3A_444, %select_n3A_437 : vector<16xf32>
        %gt3A_446 = arith.cmpf ogt, %get3A_444, %select_n3A_435 : vector<16xf32>
        %select_n3A_447 = arith.select %gt3A_446, %broadcast_in_dim3A_439, %select_n3A_433 : vector<16xi1>, vector<16xi32>
        %select_n3A_448 = arith.select %gt3A_445, %select_n3A_436, %select_n3A_447 : vector<16xi1>, vector<16xi32>
        %select_n3A_449 = arith.select %gt3A_446, %get3A_444, %select_n3A_435 : vector<16xi1>, vector<16xf32>
        %select_n3A_450 = arith.select %gt3A_445, %select_n3A_437, %select_n3A_449 : vector<16xi1>, vector<16xf32>
        %select_n3A_451 = arith.select %gt3A_445, %broadcast_in_dim3A_439, %select_n3A_436 : vector<16xi1>, vector<16xi32>
        %select_n3A_452 = arith.select %gt3A_445, %get3A_444, %select_n3A_437 : vector<16xi1>, vector<16xf32>
        %broadcast_in_dim3A_453 = arith.constant 29 : i32
        %broadcast_in_dim3A_454 = vector.broadcast %broadcast_in_dim3A_453 : i32 to vector<16xi32>
        %get3A_455 = arith.constant 29 : i32
        %get3A_456 = arith.index_cast %get3A_455 : i32 to index
        %get3A_457 = arith.index_cast %mul3A_25 : i32 to index
        %get3A_458 = tpu.vector_load %arg7[%get3A_456, %get3A_457] {strides = array<i32>} : memref<64x256xf32, #tpu.memory_space<vmem>>, vector<1x16xf32>,
        %get3A_459 = vector.shape_cast %get3A_458 : vector<1x16xf32> to vector<16xf32>
        %gt3A_460 = arith.cmpf ogt, %get3A_459, %select_n3A_452 : vector<16xf32>
        %gt3A_461 = arith.cmpf ogt, %get3A_459, %select_n3A_450 : vector<16xf32>
        %select_n3A_462 = arith.select %gt3A_461, %broadcast_in_dim3A_454, %select_n3A_448 : vector<16xi1>, vector<16xi32>
        %select_n3A_463 = arith.select %gt3A_460, %select_n3A_451, %select_n3A_462 : vector<16xi1>, vector<16xi32>
        %select_n3A_464 = arith.select %gt3A_461, %get3A_459, %select_n3A_450 : vector<16xi1>, vector<16xf32>
        %select_n3A_465 = arith.select %gt3A_460, %select_n3A_452, %select_n3A_464 : vector<16xi1>, vector<16xf32>
        %select_n3A_466 = arith.select %gt3A_460, %broadcast_in_dim3A_454, %select_n3A_451 : vector<16xi1>, vector<16xi32>
        %select_n3A_467 = arith.select %gt3A_460, %get3A_459, %select_n3A_452 : vector<16xi1>, vector<16xf32>
        %broadcast_in_dim3A_468 = arith.constant 30 : i32
        %broadcast_in_dim3A_469 = vector.broadcast %broadcast_in_dim3A_468 : i32 to vector<16xi32>
        %get3A_470 = arith.constant 30 : i32
        %get3A_471 = arith.index_cast %get3A_470 : i32 to index
        %get3A_472 = arith.index_cast %mul3A_25 : i32 to index
        %get3A_473 = tpu.vector_load %arg7[%get3A_471, %get3A_472] {strides = array<i32>} : memref<64x256xf32, #tpu.memory_space<vmem>>, vector<1x16xf32>,
        %get3A_474 = vector.shape_cast %get3A_473 : vector<1x16xf32> to vector<16xf32>
        %gt3A_475 = arith.cmpf ogt, %get3A_474, %select_n3A_467 : vector<16xf32>
        %gt3A_476 = arith.cmpf ogt, %get3A_474, %select_n3A_465 : vector<16xf32>
        %select_n3A_477 = arith.select %gt3A_476, %broadcast_in_dim3A_469, %select_n3A_463 : vector<16xi1>, vector<16xi32>
        %select_n3A_478 = arith.select %gt3A_475, %select_n3A_466, %select_n3A_477 : vector<16xi1>, vector<16xi32>
        %select_n3A_479 = arith.select %gt3A_476, %get3A_474, %select_n3A_465 : vector<16xi1>, vector<16xf32>
        %select_n3A_480 = arith.select %gt3A_475, %select_n3A_467, %select_n3A_479 : vector<16xi1>, vector<16xf32>
        %select_n3A_481 = arith.select %gt3A_475, %broadcast_in_dim3A_469, %select_n3A_466 : vector<16xi1>, vector<16xi32>
        %select_n3A_482 = arith.select %gt3A_475, %get3A_474, %select_n3A_467 : vector<16xi1>, vector<16xf32>
        %broadcast_in_dim3A_483 = arith.constant 31 : i32
        %broadcast_in_dim3A_484 = vector.broadcast %broadcast_in_dim3A_483 : i32 to vector<16xi32>
        %get3A_485 = arith.constant 31 : i32
        %get3A_486 = arith.index_cast %get3A_485 : i32 to index
        %get3A_487 = arith.index_cast %mul3A_25 : i32 to index
        %get3A_488 = tpu.vector_load %arg7[%get3A_486, %get3A_487] {strides = array<i32>} : memref<64x256xf32, #tpu.memory_space<vmem>>, vector<1x16xf32>,
        %get3A_489 = vector.shape_cast %get3A_488 : vector<1x16xf32> to vector<16xf32>
        %gt3A_490 = arith.cmpf ogt, %get3A_489, %select_n3A_482 : vector<16xf32>
        %gt3A_491 = arith.cmpf ogt, %get3A_489, %select_n3A_480 : vector<16xf32>
        %select_n3A_492 = arith.select %gt3A_491, %broadcast_in_dim3A_484, %select_n3A_478 : vector<16xi1>, vector<16xi32>
        %select_n3A_493 = arith.select %gt3A_490, %select_n3A_481, %select_n3A_492 : vector<16xi1>, vector<16xi32>
        %select_n3A_494 = arith.select %gt3A_491, %get3A_489, %select_n3A_480 : vector<16xi1>, vector<16xf32>
        %select_n3A_495 = arith.select %gt3A_490, %select_n3A_482, %select_n3A_494 : vector<16xi1>, vector<16xf32>
        %select_n3A_496 = arith.select %gt3A_490, %broadcast_in_dim3A_484, %select_n3A_481 : vector<16xi1>, vector<16xi32>
        %select_n3A_497 = arith.select %gt3A_490, %get3A_489, %select_n3A_482 : vector<16xi1>, vector<16xf32>
        %broadcast_in_dim3A_498 = arith.constant 32 : i32
        %broadcast_in_dim3A_499 = vector.broadcast %broadcast_in_dim3A_498 : i32 to vector<16xi32>
        %get3A_500 = arith.constant 32 : i32
        %get3A_501 = arith.index_cast %get3A_500 : i32 to index
        %get3A_502 = arith.index_cast %mul3A_25 : i32 to index
        %get3A_503 = tpu.vector_load %arg7[%get3A_501, %get3A_502] {strides = array<i32>} : memref<64x256xf32, #tpu.memory_space<vmem>>, vector<1x16xf32>,
        %get3A_504 = vector.shape_cast %get3A_503 : vector<1x16xf32> to vector<16xf32>
        %gt3A_505 = arith.cmpf ogt, %get3A_504, %select_n3A_497 : vector<16xf32>
        %gt3A_506 = arith.cmpf ogt, %get3A_504, %select_n3A_495 : vector<16xf32>
        %select_n3A_507 = arith.select %gt3A_506, %broadcast_in_dim3A_499, %select_n3A_493 : vector<16xi1>, vector<16xi32>
        %select_n3A_508 = arith.select %gt3A_505, %select_n3A_496, %select_n3A_507 : vector<16xi1>, vector<16xi32>
        %select_n3A_509 = arith.select %gt3A_506, %get3A_504, %select_n3A_495 : vector<16xi1>, vector<16xf32>
        %select_n3A_510 = arith.select %gt3A_505, %select_n3A_497, %select_n3A_509 : vector<16xi1>, vector<16xf32>
        %select_n3A_511 = arith.select %gt3A_505, %broadcast_in_dim3A_499, %select_n3A_496 : vector<16xi1>, vector<16xi32>
        %select_n3A_512 = arith.select %gt3A_505, %get3A_504, %select_n3A_497 : vector<16xi1>, vector<16xf32>
        %broadcast_in_dim3A_513 = arith.constant 33 : i32
        %broadcast_in_dim3A_514 = vector.broadcast %broadcast_in_dim3A_513 : i32 to vector<16xi32>
        %get3A_515 = arith.constant 33 : i32
        %get3A_516 = arith.index_cast %get3A_515 : i32 to index
        %get3A_517 = arith.index_cast %mul3A_25 : i32 to index
        %get3A_518 = tpu.vector_load %arg7[%get3A_516, %get3A_517] {strides = array<i32>} : memref<64x256xf32, #tpu.memory_space<vmem>>, vector<1x16xf32>,
        %get3A_519 = vector.shape_cast %get3A_518 : vector<1x16xf32> to vector<16xf32>
        %gt3A_520 = arith.cmpf ogt, %get3A_519, %select_n3A_512 : vector<16xf32>
        %gt3A_521 = arith.cmpf ogt, %get3A_519, %select_n3A_510 : vector<16xf32>
        %select_n3A_522 = arith.select %gt3A_521, %broadcast_in_dim3A_514, %select_n3A_508 : vector<16xi1>, vector<16xi32>
        %select_n3A_523 = arith.select %gt3A_520, %select_n3A_511, %select_n3A_522 : vector<16xi1>, vector<16xi32>
        %select_n3A_524 = arith.select %gt3A_521, %get3A_519, %select_n3A_510 : vector<16xi1>, vector<16xf32>
        %select_n3A_525 = arith.select %gt3A_520, %select_n3A_512, %select_n3A_524 : vector<16xi1>, vector<16xf32>
        %select_n3A_526 = arith.select %gt3A_520, %broadcast_in_dim3A_514, %select_n3A_511 : vector<16xi1>, vector<16xi32>
        %select_n3A_527 = arith.select %gt3A_520, %get3A_519, %select_n3A_512 : vector<16xi1>, vector<16xf32>
        %broadcast_in_dim3A_528 = arith.constant 34 : i32
        %broadcast_in_dim3A_529 = vector.broadcast %broadcast_in_dim3A_528 : i32 to vector<16xi32>
        %get3A_530 = arith.constant 34 : i32
        %get3A_531 = arith.index_cast %get3A_530 : i32 to index
        %get3A_532 = arith.index_cast %mul3A_25 : i32 to index
        %get3A_533 = tpu.vector_load %arg7[%get3A_531, %get3A_532] {strides = array<i32>} : memref<64x256xf32, #tpu.memory_space<vmem>>, vector<1x16xf32>,
        %get3A_534 = vector.shape_cast %get3A_533 : vector<1x16xf32> to vector<16xf32>
        %gt3A_535 = arith.cmpf ogt, %get3A_534, %select_n3A_527 : vector<16xf32>
        %gt3A_536 = arith.cmpf ogt, %get3A_534, %select_n3A_525 : vector<16xf32>
        %select_n3A_537 = arith.select %gt3A_536, %broadcast_in_dim3A_529, %select_n3A_523 : vector<16xi1>, vector<16xi32>
        %select_n3A_538 = arith.select %gt3A_535, %select_n3A_526, %select_n3A_537 : vector<16xi1>, vector<16xi32>
        %select_n3A_539 = arith.select %gt3A_536, %get3A_534, %select_n3A_525 : vector<16xi1>, vector<16xf32>
        %select_n3A_540 = arith.select %gt3A_535, %select_n3A_527, %select_n3A_539 : vector<16xi1>, vector<16xf32>
        %select_n3A_541 = arith.select %gt3A_535, %broadcast_in_dim3A_529, %select_n3A_526 : vector<16xi1>, vector<16xi32>
        %select_n3A_542 = arith.select %gt3A_535, %get3A_534, %select_n3A_527 : vector<16xi1>, vector<16xf32>
        %broadcast_in_dim3A_543 = arith.constant 35 : i32
        %broadcast_in_dim3A_544 = vector.broadcast %broadcast_in_dim3A_543 : i32 to vector<16xi32>
        %get3A_545 = arith.constant 35 : i32
        %get3A_546 = arith.index_cast %get3A_545 : i32 to index
        %get3A_547 = arith.index_cast %mul3A_25 : i32 to index
        %get3A_548 = tpu.vector_load %arg7[%get3A_546, %get3A_547] {strides = array<i32>} : memref<64x256xf32, #tpu.memory_space<vmem>>, vector<1x16xf32>,
        %get3A_549 = vector.shape_cast %get3A_548 : vector<1x16xf32> to vector<16xf32>
        %gt3A_550 = arith.cmpf ogt, %get3A_549, %select_n3A_542 : vector<16xf32>
        %gt3A_551 = arith.cmpf ogt, %get3A_549, %select_n3A_540 : vector<16xf32>
        %select_n3A_552 = arith.select %gt3A_551, %broadcast_in_dim3A_544, %select_n3A_538 : vector<16xi1>, vector<16xi32>
        %select_n3A_553 = arith.select %gt3A_550, %select_n3A_541, %select_n3A_552 : vector<16xi1>, vector<16xi32>
        %select_n3A_554 = arith.select %gt3A_551, %get3A_549, %select_n3A_540 : vector<16xi1>, vector<16xf32>
        %select_n3A_555 = arith.select %gt3A_550, %select_n3A_542, %select_n3A_554 : vector<16xi1>, vector<16xf32>
        %select_n3A_556 = arith.select %gt3A_550, %broadcast_in_dim3A_544, %select_n3A_541 : vector<16xi1>, vector<16xi32>
        %select_n3A_557 = arith.select %gt3A_550, %get3A_549, %select_n3A_542 : vector<16xi1>, vector<16xf32>
        %broadcast_in_dim3A_558 = arith.constant 36 : i32
        %broadcast_in_dim3A_559 = vector.broadcast %broadcast_in_dim3A_558 : i32 to vector<16xi32>
        %get3A_560 = arith.constant 36 : i32
        %get3A_561 = arith.index_cast %get3A_560 : i32 to index
        %get3A_562 = arith.index_cast %mul3A_25 : i32 to index
        %get3A_563 = tpu.vector_load %arg7[%get3A_561, %get3A_562] {strides = array<i32>} : memref<64x256xf32, #tpu.memory_space<vmem>>, vector<1x16xf32>,
        %get3A_564 = vector.shape_cast %get3A_563 : vector<1x16xf32> to vector<16xf32>
        %gt3A_565 = arith.cmpf ogt, %get3A_564, %select_n3A_557 : vector<16xf32>
        %gt3A_566 = arith.cmpf ogt, %get3A_564, %select_n3A_555 : vector<16xf32>
        %select_n3A_567 = arith.select %gt3A_566, %broadcast_in_dim3A_559, %select_n3A_553 : vector<16xi1>, vector<16xi32>
        %select_n3A_568 = arith.select %gt3A_565, %select_n3A_556, %select_n3A_567 : vector<16xi1>, vector<16xi32>
        %select_n3A_569 = arith.select %gt3A_566, %get3A_564, %select_n3A_555 : vector<16xi1>, vector<16xf32>
        %select_n3A_570 = arith.select %gt3A_565, %select_n3A_557, %select_n3A_569 : vector<16xi1>, vector<16xf32>
        %select_n3A_571 = arith.select %gt3A_565, %broadcast_in_dim3A_559, %select_n3A_556 : vector<16xi1>, vector<16xi32>
        %select_n3A_572 = arith.select %gt3A_565, %get3A_564, %select_n3A_557 : vector<16xi1>, vector<16xf32>
        %broadcast_in_dim3A_573 = arith.constant 37 : i32
        %broadcast_in_dim3A_574 = vector.broadcast %broadcast_in_dim3A_573 : i32 to vector<16xi32>
        %get3A_575 = arith.constant 37 : i32
        %get3A_576 = arith.index_cast %get3A_575 : i32 to index
        %get3A_577 = arith.index_cast %mul3A_25 : i32 to index
        %get3A_578 = tpu.vector_load %arg7[%get3A_576, %get3A_577] {strides = array<i32>} : memref<64x256xf32, #tpu.memory_space<vmem>>, vector<1x16xf32>,
        %get3A_579 = vector.shape_cast %get3A_578 : vector<1x16xf32> to vector<16xf32>
        %gt3A_580 = arith.cmpf ogt, %get3A_579, %select_n3A_572 : vector<16xf32>
        %gt3A_581 = arith.cmpf ogt, %get3A_579, %select_n3A_570 : vector<16xf32>
        %select_n3A_582 = arith.select %gt3A_581, %broadcast_in_dim3A_574, %select_n3A_568 : vector<16xi1>, vector<16xi32>
        %select_n3A_583 = arith.select %gt3A_580, %select_n3A_571, %select_n3A_582 : vector<16xi1>, vector<16xi32>
        %select_n3A_584 = arith.select %gt3A_581, %get3A_579, %select_n3A_570 : vector<16xi1>, vector<16xf32>
        %select_n3A_585 = arith.select %gt3A_580, %select_n3A_572, %select_n3A_584 : vector<16xi1>, vector<16xf32>
        %select_n3A_586 = arith.select %gt3A_580, %broadcast_in_dim3A_574, %select_n3A_571 : vector<16xi1>, vector<16xi32>
        %select_n3A_587 = arith.select %gt3A_580, %get3A_579, %select_n3A_572 : vector<16xi1>, vector<16xf32>
        %broadcast_in_dim3A_588 = arith.constant 38 : i32
        %broadcast_in_dim3A_589 = vector.broadcast %broadcast_in_dim3A_588 : i32 to vector<16xi32>
        %get3A_590 = arith.constant 38 : i32
        %get3A_591 = arith.index_cast %get3A_590 : i32 to index
        %get3A_592 = arith.index_cast %mul3A_25 : i32 to index
        %get3A_593 = tpu.vector_load %arg7[%get3A_591, %get3A_592] {strides = array<i32>} : memref<64x256xf32, #tpu.memory_space<vmem>>, vector<1x16xf32>,
        %get3A_594 = vector.shape_cast %get3A_593 : vector<1x16xf32> to vector<16xf32>
        %gt3A_595 = arith.cmpf ogt, %get3A_594, %select_n3A_587 : vector<16xf32>
        %gt3A_596 = arith.cmpf ogt, %get3A_594, %select_n3A_585 : vector<16xf32>
        %select_n3A_597 = arith.select %gt3A_596, %broadcast_in_dim3A_589, %select_n3A_583 : vector<16xi1>, vector<16xi32>
        %select_n3A_598 = arith.select %gt3A_595, %select_n3A_586, %select_n3A_597 : vector<16xi1>, vector<16xi32>
        %select_n3A_599 = arith.select %gt3A_596, %get3A_594, %select_n3A_585 : vector<16xi1>, vector<16xf32>
        %select_n3A_600 = arith.select %gt3A_595, %select_n3A_587, %select_n3A_599 : vector<16xi1>, vector<16xf32>
        %select_n3A_601 = arith.select %gt3A_595, %broadcast_in_dim3A_589, %select_n3A_586 : vector<16xi1>, vector<16xi32>
        %select_n3A_602 = arith.select %gt3A_595, %get3A_594, %select_n3A_587 : vector<16xi1>, vector<16xf32>
        %broadcast_in_dim3A_603 = arith.constant 39 : i32
        %broadcast_in_dim3A_604 = vector.broadcast %broadcast_in_dim3A_603 : i32 to vector<16xi32>
        %get3A_605 = arith.constant 39 : i32
        %get3A_606 = arith.index_cast %get3A_605 : i32 to index
        %get3A_607 = arith.index_cast %mul3A_25 : i32 to index
        %get3A_608 = tpu.vector_load %arg7[%get3A_606, %get3A_607] {strides = array<i32>} : memref<64x256xf32, #tpu.memory_space<vmem>>, vector<1x16xf32>,
        %get3A_609 = vector.shape_cast %get3A_608 : vector<1x16xf32> to vector<16xf32>
        %gt3A_610 = arith.cmpf ogt, %get3A_609, %select_n3A_602 : vector<16xf32>
        %gt3A_611 = arith.cmpf ogt, %get3A_609, %select_n3A_600 : vector<16xf32>
        %select_n3A_612 = arith.select %gt3A_611, %broadcast_in_dim3A_604, %select_n3A_598 : vector<16xi1>, vector<16xi32>
        %select_n3A_613 = arith.select %gt3A_610, %select_n3A_601, %select_n3A_612 : vector<16xi1>, vector<16xi32>
        %select_n3A_614 = arith.select %gt3A_611, %get3A_609, %select_n3A_600 : vector<16xi1>, vector<16xf32>
        %select_n3A_615 = arith.select %gt3A_610, %select_n3A_602, %select_n3A_614 : vector<16xi1>, vector<16xf32>
        %select_n3A_616 = arith.select %gt3A_610, %broadcast_in_dim3A_604, %select_n3A_601 : vector<16xi1>, vector<16xi32>
        %select_n3A_617 = arith.select %gt3A_610, %get3A_609, %select_n3A_602 : vector<16xi1>, vector<16xf32>
        %broadcast_in_dim3A_618 = arith.constant 40 : i32
        %broadcast_in_dim3A_619 = vector.broadcast %broadcast_in_dim3A_618 : i32 to vector<16xi32>
        %get3A_620 = arith.constant 40 : i32
        %get3A_621 = arith.index_cast %get3A_620 : i32 to index
        %get3A_622 = arith.index_cast %mul3A_25 : i32 to index
        %get3A_623 = tpu.vector_load %arg7[%get3A_621, %get3A_622] {strides = array<i32>} : memref<64x256xf32, #tpu.memory_space<vmem>>, vector<1x16xf32>,
        %get3A_624 = vector.shape_cast %get3A_623 : vector<1x16xf32> to vector<16xf32>
        %gt3A_625 = arith.cmpf ogt, %get3A_624, %select_n3A_617 : vector<16xf32>
        %gt3A_626 = arith.cmpf ogt, %get3A_624, %select_n3A_615 : vector<16xf32>
        %select_n3A_627 = arith.select %gt3A_626, %broadcast_in_dim3A_619, %select_n3A_613 : vector<16xi1>, vector<16xi32>
        %select_n3A_628 = arith.select %gt3A_625, %select_n3A_616, %select_n3A_627 : vector<16xi1>, vector<16xi32>
        %select_n3A_629 = arith.select %gt3A_626, %get3A_624, %select_n3A_615 : vector<16xi1>, vector<16xf32>
        %select_n3A_630 = arith.select %gt3A_625, %select_n3A_617, %select_n3A_629 : vector<16xi1>, vector<16xf32>
        %select_n3A_631 = arith.select %gt3A_625, %broadcast_in_dim3A_619, %select_n3A_616 : vector<16xi1>, vector<16xi32>
        %select_n3A_632 = arith.select %gt3A_625, %get3A_624, %select_n3A_617 : vector<16xi1>, vector<16xf32>
        %broadcast_in_dim3A_633 = arith.constant 41 : i32
        %broadcast_in_dim3A_634 = vector.broadcast %broadcast_in_dim3A_633 : i32 to vector<16xi32>
        %get3A_635 = arith.constant 41 : i32
        %get3A_636 = arith.index_cast %get3A_635 : i32 to index
        %get3A_637 = arith.index_cast %mul3A_25 : i32 to index
        %get3A_638 = tpu.vector_load %arg7[%get3A_636, %get3A_637] {strides = array<i32>} : memref<64x256xf32, #tpu.memory_space<vmem>>, vector<1x16xf32>,
        %get3A_639 = vector.shape_cast %get3A_638 : vector<1x16xf32> to vector<16xf32>
        %gt3A_640 = arith.cmpf ogt, %get3A_639, %select_n3A_632 : vector<16xf32>
        %gt3A_641 = arith.cmpf ogt, %get3A_639, %select_n3A_630 : vector<16xf32>
        %select_n3A_642 = arith.select %gt3A_641, %broadcast_in_dim3A_634, %select_n3A_628 : vector<16xi1>, vector<16xi32>
        %select_n3A_643 = arith.select %gt3A_640, %select_n3A_631, %select_n3A_642 : vector<16xi1>, vector<16xi32>
        %select_n3A_644 = arith.select %gt3A_641, %get3A_639, %select_n3A_630 : vector<16xi1>, vector<16xf32>
        %select_n3A_645 = arith.select %gt3A_640, %select_n3A_632, %select_n3A_644 : vector<16xi1>, vector<16xf32>
        %select_n3A_646 = arith.select %gt3A_640, %broadcast_in_dim3A_634, %select_n3A_631 : vector<16xi1>, vector<16xi32>
        %select_n3A_647 = arith.select %gt3A_640, %get3A_639, %select_n3A_632 : vector<16xi1>, vector<16xf32>
        %broadcast_in_dim3A_648 = arith.constant 42 : i32
        %broadcast_in_dim3A_649 = vector.broadcast %broadcast_in_dim3A_648 : i32 to vector<16xi32>
        %get3A_650 = arith.constant 42 : i32
        %get3A_651 = arith.index_cast %get3A_650 : i32 to index
        %get3A_652 = arith.index_cast %mul3A_25 : i32 to index
        %get3A_653 = tpu.vector_load %arg7[%get3A_651, %get3A_652] {strides = array<i32>} : memref<64x256xf32, #tpu.memory_space<vmem>>, vector<1x16xf32>,
        %get3A_654 = vector.shape_cast %get3A_653 : vector<1x16xf32> to vector<16xf32>
        %gt3A_655 = arith.cmpf ogt, %get3A_654, %select_n3A_647 : vector<16xf32>
        %gt3A_656 = arith.cmpf ogt, %get3A_654, %select_n3A_645 : vector<16xf32>
        %select_n3A_657 = arith.select %gt3A_656, %broadcast_in_dim3A_649, %select_n3A_643 : vector<16xi1>, vector<16xi32>
        %select_n3A_658 = arith.select %gt3A_655, %select_n3A_646, %select_n3A_657 : vector<16xi1>, vector<16xi32>
        %select_n3A_659 = arith.select %gt3A_656, %get3A_654, %select_n3A_645 : vector<16xi1>, vector<16xf32>
        %select_n3A_660 = arith.select %gt3A_655, %select_n3A_647, %select_n3A_659 : vector<16xi1>, vector<16xf32>
        %select_n3A_661 = arith.select %gt3A_655, %broadcast_in_dim3A_649, %select_n3A_646 : vector<16xi1>, vector<16xi32>
        %select_n3A_662 = arith.select %gt3A_655, %get3A_654, %select_n3A_647 : vector<16xi1>, vector<16xf32>
        %broadcast_in_dim3A_663 = arith.constant 43 : i32
        %broadcast_in_dim3A_664 = vector.broadcast %broadcast_in_dim3A_663 : i32 to vector<16xi32>
        %get3A_665 = arith.constant 43 : i32
        %get3A_666 = arith.index_cast %get3A_665 : i32 to index
        %get3A_667 = arith.index_cast %mul3A_25 : i32 to index
        %get3A_668 = tpu.vector_load %arg7[%get3A_666, %get3A_667] {strides = array<i32>} : memref<64x256xf32, #tpu.memory_space<vmem>>, vector<1x16xf32>,
        %get3A_669 = vector.shape_cast %get3A_668 : vector<1x16xf32> to vector<16xf32>
        %gt3A_670 = arith.cmpf ogt, %get3A_669, %select_n3A_662 : vector<16xf32>
        %gt3A_671 = arith.cmpf ogt, %get3A_669, %select_n3A_660 : vector<16xf32>
        %select_n3A_672 = arith.select %gt3A_671, %broadcast_in_dim3A_664, %select_n3A_658 : vector<16xi1>, vector<16xi32>
        %select_n3A_673 = arith.select %gt3A_670, %select_n3A_661, %select_n3A_672 : vector<16xi1>, vector<16xi32>
        %select_n3A_674 = arith.select %gt3A_671, %get3A_669, %select_n3A_660 : vector<16xi1>, vector<16xf32>
        %select_n3A_675 = arith.select %gt3A_670, %select_n3A_662, %select_n3A_674 : vector<16xi1>, vector<16xf32>
        %select_n3A_676 = arith.select %gt3A_670, %broadcast_in_dim3A_664, %select_n3A_661 : vector<16xi1>, vector<16xi32>
        %select_n3A_677 = arith.select %gt3A_670, %get3A_669, %select_n3A_662 : vector<16xi1>, vector<16xf32>
        %broadcast_in_dim3A_678 = arith.constant 44 : i32
        %broadcast_in_dim3A_679 = vector.broadcast %broadcast_in_dim3A_678 : i32 to vector<16xi32>
        %get3A_680 = arith.constant 44 : i32
        %get3A_681 = arith.index_cast %get3A_680 : i32 to index
        %get3A_682 = arith.index_cast %mul3A_25 : i32 to index
        %get3A_683 = tpu.vector_load %arg7[%get3A_681, %get3A_682] {strides = array<i32>} : memref<64x256xf32, #tpu.memory_space<vmem>>, vector<1x16xf32>,
        %get3A_684 = vector.shape_cast %get3A_683 : vector<1x16xf32> to vector<16xf32>
        %gt3A_685 = arith.cmpf ogt, %get3A_684, %select_n3A_677 : vector<16xf32>
        %gt3A_686 = arith.cmpf ogt, %get3A_684, %select_n3A_675 : vector<16xf32>
        %select_n3A_687 = arith.select %gt3A_686, %broadcast_in_dim3A_679, %select_n3A_673 : vector<16xi1>, vector<16xi32>
        %select_n3A_688 = arith.select %gt3A_685, %select_n3A_676, %select_n3A_687 : vector<16xi1>, vector<16xi32>
        %select_n3A_689 = arith.select %gt3A_686, %get3A_684, %select_n3A_675 : vector<16xi1>, vector<16xf32>
        %select_n3A_690 = arith.select %gt3A_685, %select_n3A_677, %select_n3A_689 : vector<16xi1>, vector<16xf32>
        %select_n3A_691 = arith.select %gt3A_685, %broadcast_in_dim3A_679, %select_n3A_676 : vector<16xi1>, vector<16xi32>
        %select_n3A_692 = arith.select %gt3A_685, %get3A_684, %select_n3A_677 : vector<16xi1>, vector<16xf32>
        %broadcast_in_dim3A_693 = arith.constant 45 : i32
        %broadcast_in_dim3A_694 = vector.broadcast %broadcast_in_dim3A_693 : i32 to vector<16xi32>
        %get3A_695 = arith.constant 45 : i32
        %get3A_696 = arith.index_cast %get3A_695 : i32 to index
        %get3A_697 = arith.index_cast %mul3A_25 : i32 to index
        %get3A_698 = tpu.vector_load %arg7[%get3A_696, %get3A_697] {strides = array<i32>} : memref<64x256xf32, #tpu.memory_space<vmem>>, vector<1x16xf32>,
        %get3A_699 = vector.shape_cast %get3A_698 : vector<1x16xf32> to vector<16xf32>
        %gt3A_700 = arith.cmpf ogt, %get3A_699, %select_n3A_692 : vector<16xf32>
        %gt3A_701 = arith.cmpf ogt, %get3A_699, %select_n3A_690 : vector<16xf32>
        %select_n3A_702 = arith.select %gt3A_701, %broadcast_in_dim3A_694, %select_n3A_688 : vector<16xi1>, vector<16xi32>
        %select_n3A_703 = arith.select %gt3A_700, %select_n3A_691, %select_n3A_702 : vector<16xi1>, vector<16xi32>
        %select_n3A_704 = arith.select %gt3A_701, %get3A_699, %select_n3A_690 : vector<16xi1>, vector<16xf32>
        %select_n3A_705 = arith.select %gt3A_700, %select_n3A_692, %select_n3A_704 : vector<16xi1>, vector<16xf32>
        %select_n3A_706 = arith.select %gt3A_700, %broadcast_in_dim3A_694, %select_n3A_691 : vector<16xi1>, vector<16xi32>
        %select_n3A_707 = arith.select %gt3A_700, %get3A_699, %select_n3A_692 : vector<16xi1>, vector<16xf32>
        %broadcast_in_dim3A_708 = arith.constant 46 : i32
        %broadcast_in_dim3A_709 = vector.broadcast %broadcast_in_dim3A_708 : i32 to vector<16xi32>
        %get3A_710 = arith.constant 46 : i32
        %get3A_711 = arith.index_cast %get3A_710 : i32 to index
        %get3A_712 = arith.index_cast %mul3A_25 : i32 to index
        %get3A_713 = tpu.vector_load %arg7[%get3A_711, %get3A_712] {strides = array<i32>} : memref<64x256xf32, #tpu.memory_space<vmem>>, vector<1x16xf32>,
        %get3A_714 = vector.shape_cast %get3A_713 : vector<1x16xf32> to vector<16xf32>
        %gt3A_715 = arith.cmpf ogt, %get3A_714, %select_n3A_707 : vector<16xf32>
        %gt3A_716 = arith.cmpf ogt, %get3A_714, %select_n3A_705 : vector<16xf32>
        %select_n3A_717 = arith.select %gt3A_716, %broadcast_in_dim3A_709, %select_n3A_703 : vector<16xi1>, vector<16xi32>
        %select_n3A_718 = arith.select %gt3A_715, %select_n3A_706, %select_n3A_717 : vector<16xi1>, vector<16xi32>
        %select_n3A_719 = arith.select %gt3A_716, %get3A_714, %select_n3A_705 : vector<16xi1>, vector<16xf32>
        %select_n3A_720 = arith.select %gt3A_715, %select_n3A_707, %select_n3A_719 : vector<16xi1>, vector<16xf32>
        %select_n3A_721 = arith.select %gt3A_715, %broadcast_in_dim3A_709, %select_n3A_706 : vector<16xi1>, vector<16xi32>
        %select_n3A_722 = arith.select %gt3A_715, %get3A_714, %select_n3A_707 : vector<16xi1>, vector<16xf32>
        %broadcast_in_dim3A_723 = arith.constant 47 : i32
        %broadcast_in_dim3A_724 = vector.broadcast %broadcast_in_dim3A_723 : i32 to vector<16xi32>
        %get3A_725 = arith.constant 47 : i32
        %get3A_726 = arith.index_cast %get3A_725 : i32 to index
        %get3A_727 = arith.index_cast %mul3A_25 : i32 to index
        %get3A_728 = tpu.vector_load %arg7[%get3A_726, %get3A_727] {strides = array<i32>} : memref<64x256xf32, #tpu.memory_space<vmem>>, vector<1x16xf32>,
        %get3A_729 = vector.shape_cast %get3A_728 : vector<1x16xf32> to vector<16xf32>
        %gt3A_730 = arith.cmpf ogt, %get3A_729, %select_n3A_722 : vector<16xf32>
        %gt3A_731 = arith.cmpf ogt, %get3A_729, %select_n3A_720 : vector<16xf32>
        %select_n3A_732 = arith.select %gt3A_731, %broadcast_in_dim3A_724, %select_n3A_718 : vector<16xi1>, vector<16xi32>
        %select_n3A_733 = arith.select %gt3A_730, %select_n3A_721, %select_n3A_732 : vector<16xi1>, vector<16xi32>
        %select_n3A_734 = arith.select %gt3A_731, %get3A_729, %select_n3A_720 : vector<16xi1>, vector<16xf32>
        %select_n3A_735 = arith.select %gt3A_730, %select_n3A_722, %select_n3A_734 : vector<16xi1>, vector<16xf32>
        %select_n3A_736 = arith.select %gt3A_730, %broadcast_in_dim3A_724, %select_n3A_721 : vector<16xi1>, vector<16xi32>
        %select_n3A_737 = arith.select %gt3A_730, %get3A_729, %select_n3A_722 : vector<16xi1>, vector<16xf32>
        %broadcast_in_dim3A_738 = arith.constant 48 : i32
        %broadcast_in_dim3A_739 = vector.broadcast %broadcast_in_dim3A_738 : i32 to vector<16xi32>
        %get3A_740 = arith.constant 48 : i32
        %get3A_741 = arith.index_cast %get3A_740 : i32 to index
        %get3A_742 = arith.index_cast %mul3A_25 : i32 to index
        %get3A_743 = tpu.vector_load %arg7[%get3A_741, %get3A_742] {strides = array<i32>} : memref<64x256xf32, #tpu.memory_space<vmem>>, vector<1x16xf32>,
        %get3A_744 = vector.shape_cast %get3A_743 : vector<1x16xf32> to vector<16xf32>
        %gt3A_745 = arith.cmpf ogt, %get3A_744, %select_n3A_737 : vector<16xf32>
        %gt3A_746 = arith.cmpf ogt, %get3A_744, %select_n3A_735 : vector<16xf32>
        %select_n3A_747 = arith.select %gt3A_746, %broadcast_in_dim3A_739, %select_n3A_733 : vector<16xi1>, vector<16xi32>
        %select_n3A_748 = arith.select %gt3A_745, %select_n3A_736, %select_n3A_747 : vector<16xi1>, vector<16xi32>
        %select_n3A_749 = arith.select %gt3A_746, %get3A_744, %select_n3A_735 : vector<16xi1>, vector<16xf32>
        %select_n3A_750 = arith.select %gt3A_745, %select_n3A_737, %select_n3A_749 : vector<16xi1>, vector<16xf32>
        %select_n3A_751 = arith.select %gt3A_745, %broadcast_in_dim3A_739, %select_n3A_736 : vector<16xi1>, vector<16xi32>
        %select_n3A_752 = arith.select %gt3A_745, %get3A_744, %select_n3A_737 : vector<16xi1>, vector<16xf32>
        %broadcast_in_dim3A_753 = arith.constant 49 : i32
        %broadcast_in_dim3A_754 = vector.broadcast %broadcast_in_dim3A_753 : i32 to vector<16xi32>
        %get3A_755 = arith.constant 49 : i32
        %get3A_756 = arith.index_cast %get3A_755 : i32 to index
        %get3A_757 = arith.index_cast %mul3A_25 : i32 to index
        %get3A_758 = tpu.vector_load %arg7[%get3A_756, %get3A_757] {strides = array<i32>} : memref<64x256xf32, #tpu.memory_space<vmem>>, vector<1x16xf32>,
        %get3A_759 = vector.shape_cast %get3A_758 : vector<1x16xf32> to vector<16xf32>
        %gt3A_760 = arith.cmpf ogt, %get3A_759, %select_n3A_752 : vector<16xf32>
        %gt3A_761 = arith.cmpf ogt, %get3A_759, %select_n3A_750 : vector<16xf32>
        %select_n3A_762 = arith.select %gt3A_761, %broadcast_in_dim3A_754, %select_n3A_748 : vector<16xi1>, vector<16xi32>
        %select_n3A_763 = arith.select %gt3A_760, %select_n3A_751, %select_n3A_762 : vector<16xi1>, vector<16xi32>
        %select_n3A_764 = arith.select %gt3A_761, %get3A_759, %select_n3A_750 : vector<16xi1>, vector<16xf32>
        %select_n3A_765 = arith.select %gt3A_760, %select_n3A_752, %select_n3A_764 : vector<16xi1>, vector<16xf32>
        %select_n3A_766 = arith.select %gt3A_760, %broadcast_in_dim3A_754, %select_n3A_751 : vector<16xi1>, vector<16xi32>
        %select_n3A_767 = arith.select %gt3A_760, %get3A_759, %select_n3A_752 : vector<16xi1>, vector<16xf32>
        %broadcast_in_dim3A_768 = arith.constant 50 : i32
        %broadcast_in_dim3A_769 = vector.broadcast %broadcast_in_dim3A_768 : i32 to vector<16xi32>
        %get3A_770 = arith.constant 50 : i32
        %get3A_771 = arith.index_cast %get3A_770 : i32 to index
        %get3A_772 = arith.index_cast %mul3A_25 : i32 to index
        %get3A_773 = tpu.vector_load %arg7[%get3A_771, %get3A_772] {strides = array<i32>} : memref<64x256xf32, #tpu.memory_space<vmem>>, vector<1x16xf32>,
        %get3A_774 = vector.shape_cast %get3A_773 : vector<1x16xf32> to vector<16xf32>
        %gt3A_775 = arith.cmpf ogt, %get3A_774, %select_n3A_767 : vector<16xf32>
        %gt3A_776 = arith.cmpf ogt, %get3A_774, %select_n3A_765 : vector<16xf32>
        %select_n3A_777 = arith.select %gt3A_776, %broadcast_in_dim3A_769, %select_n3A_763 : vector<16xi1>, vector<16xi32>
        %select_n3A_778 = arith.select %gt3A_775, %select_n3A_766, %select_n3A_777 : vector<16xi1>, vector<16xi32>
        %select_n3A_779 = arith.select %gt3A_776, %get3A_774, %select_n3A_765 : vector<16xi1>, vector<16xf32>
        %select_n3A_780 = arith.select %gt3A_775, %select_n3A_767, %select_n3A_779 : vector<16xi1>, vector<16xf32>
        %select_n3A_781 = arith.select %gt3A_775, %broadcast_in_dim3A_769, %select_n3A_766 : vector<16xi1>, vector<16xi32>
        %select_n3A_782 = arith.select %gt3A_775, %get3A_774, %select_n3A_767 : vector<16xi1>, vector<16xf32>
        %broadcast_in_dim3A_783 = arith.constant 51 : i32
        %broadcast_in_dim3A_784 = vector.broadcast %broadcast_in_dim3A_783 : i32 to vector<16xi32>
        %get3A_785 = arith.constant 51 : i32
        %get3A_786 = arith.index_cast %get3A_785 : i32 to index
        %get3A_787 = arith.index_cast %mul3A_25 : i32 to index
        %get3A_788 = tpu.vector_load %arg7[%get3A_786, %get3A_787] {strides = array<i32>} : memref<64x256xf32, #tpu.memory_space<vmem>>, vector<1x16xf32>,
        %get3A_789 = vector.shape_cast %get3A_788 : vector<1x16xf32> to vector<16xf32>
        %gt3A_790 = arith.cmpf ogt, %get3A_789, %select_n3A_782 : vector<16xf32>
        %gt3A_791 = arith.cmpf ogt, %get3A_789, %select_n3A_780 : vector<16xf32>
        %select_n3A_792 = arith.select %gt3A_791, %broadcast_in_dim3A_784, %select_n3A_778 : vector<16xi1>, vector<16xi32>
        %select_n3A_793 = arith.select %gt3A_790, %select_n3A_781, %select_n3A_792 : vector<16xi1>, vector<16xi32>
        %select_n3A_794 = arith.select %gt3A_791, %get3A_789, %select_n3A_780 : vector<16xi1>, vector<16xf32>
        %select_n3A_795 = arith.select %gt3A_790, %select_n3A_782, %select_n3A_794 : vector<16xi1>, vector<16xf32>
        %select_n3A_796 = arith.select %gt3A_790, %broadcast_in_dim3A_784, %select_n3A_781 : vector<16xi1>, vector<16xi32>
        %select_n3A_797 = arith.select %gt3A_790, %get3A_789, %select_n3A_782 : vector<16xi1>, vector<16xf32>
        %broadcast_in_dim3A_798 = arith.constant 52 : i32
        %broadcast_in_dim3A_799 = vector.broadcast %broadcast_in_dim3A_798 : i32 to vector<16xi32>
        %get3A_800 = arith.constant 52 : i32
        %get3A_801 = arith.index_cast %get3A_800 : i32 to index
        %get3A_802 = arith.index_cast %mul3A_25 : i32 to index
        %get3A_803 = tpu.vector_load %arg7[%get3A_801, %get3A_802] {strides = array<i32>} : memref<64x256xf32, #tpu.memory_space<vmem>>, vector<1x16xf32>,
        %get3A_804 = vector.shape_cast %get3A_803 : vector<1x16xf32> to vector<16xf32>
        %gt3A_805 = arith.cmpf ogt, %get3A_804, %select_n3A_797 : vector<16xf32>
        %gt3A_806 = arith.cmpf ogt, %get3A_804, %select_n3A_795 : vector<16xf32>
        %select_n3A_807 = arith.select %gt3A_806, %broadcast_in_dim3A_799, %select_n3A_793 : vector<16xi1>, vector<16xi32>
        %select_n3A_808 = arith.select %gt3A_805, %select_n3A_796, %select_n3A_807 : vector<16xi1>, vector<16xi32>
        %select_n3A_809 = arith.select %gt3A_806, %get3A_804, %select_n3A_795 : vector<16xi1>, vector<16xf32>
        %select_n3A_810 = arith.select %gt3A_805, %select_n3A_797, %select_n3A_809 : vector<16xi1>, vector<16xf32>
        %select_n3A_811 = arith.select %gt3A_805, %broadcast_in_dim3A_799, %select_n3A_796 : vector<16xi1>, vector<16xi32>
        %select_n3A_812 = arith.select %gt3A_805, %get3A_804, %select_n3A_797 : vector<16xi1>, vector<16xf32>
        %broadcast_in_dim3A_813 = arith.constant 53 : i32
        %broadcast_in_dim3A_814 = vector.broadcast %broadcast_in_dim3A_813 : i32 to vector<16xi32>
        %get3A_815 = arith.constant 53 : i32
        %get3A_816 = arith.index_cast %get3A_815 : i32 to index
        %get3A_817 = arith.index_cast %mul3A_25 : i32 to index
        %get3A_818 = tpu.vector_load %arg7[%get3A_816, %get3A_817] {strides = array<i32>} : memref<64x256xf32, #tpu.memory_space<vmem>>, vector<1x16xf32>,
        %get3A_819 = vector.shape_cast %get3A_818 : vector<1x16xf32> to vector<16xf32>
        %gt3A_820 = arith.cmpf ogt, %get3A_819, %select_n3A_812 : vector<16xf32>
        %gt3A_821 = arith.cmpf ogt, %get3A_819, %select_n3A_810 : vector<16xf32>
        %select_n3A_822 = arith.select %gt3A_821, %broadcast_in_dim3A_814, %select_n3A_808 : vector<16xi1>, vector<16xi32>
        %select_n3A_823 = arith.select %gt3A_820, %select_n3A_811, %select_n3A_822 : vector<16xi1>, vector<16xi32>
        %select_n3A_824 = arith.select %gt3A_821, %get3A_819, %select_n3A_810 : vector<16xi1>, vector<16xf32>
        %select_n3A_825 = arith.select %gt3A_820, %select_n3A_812, %select_n3A_824 : vector<16xi1>, vector<16xf32>
        %select_n3A_826 = arith.select %gt3A_820, %broadcast_in_dim3A_814, %select_n3A_811 : vector<16xi1>, vector<16xi32>
        %select_n3A_827 = arith.select %gt3A_820, %get3A_819, %select_n3A_812 : vector<16xi1>, vector<16xf32>
        %broadcast_in_dim3A_828 = arith.constant 54 : i32
        %broadcast_in_dim3A_829 = vector.broadcast %broadcast_in_dim3A_828 : i32 to vector<16xi32>
        %get3A_830 = arith.constant 54 : i32
        %get3A_831 = arith.index_cast %get3A_830 : i32 to index
        %get3A_832 = arith.index_cast %mul3A_25 : i32 to index
        %get3A_833 = tpu.vector_load %arg7[%get3A_831, %get3A_832] {strides = array<i32>} : memref<64x256xf32, #tpu.memory_space<vmem>>, vector<1x16xf32>,
        %get3A_834 = vector.shape_cast %get3A_833 : vector<1x16xf32> to vector<16xf32>
        %gt3A_835 = arith.cmpf ogt, %get3A_834, %select_n3A_827 : vector<16xf32>
        %gt3A_836 = arith.cmpf ogt, %get3A_834, %select_n3A_825 : vector<16xf32>
        %select_n3A_837 = arith.select %gt3A_836, %broadcast_in_dim3A_829, %select_n3A_823 : vector<16xi1>, vector<16xi32>
        %select_n3A_838 = arith.select %gt3A_835, %select_n3A_826, %select_n3A_837 : vector<16xi1>, vector<16xi32>
        %select_n3A_839 = arith.select %gt3A_836, %get3A_834, %select_n3A_825 : vector<16xi1>, vector<16xf32>
        %select_n3A_840 = arith.select %gt3A_835, %select_n3A_827, %select_n3A_839 : vector<16xi1>, vector<16xf32>
        %select_n3A_841 = arith.select %gt3A_835, %broadcast_in_dim3A_829, %select_n3A_826 : vector<16xi1>, vector<16xi32>
        %select_n3A_842 = arith.select %gt3A_835, %get3A_834, %select_n3A_827 : vector<16xi1>, vector<16xf32>
        %broadcast_in_dim3A_843 = arith.constant 55 : i32
        %broadcast_in_dim3A_844 = vector.broadcast %broadcast_in_dim3A_843 : i32 to vector<16xi32>
        %get3A_845 = arith.constant 55 : i32
        %get3A_846 = arith.index_cast %get3A_845 : i32 to index
        %get3A_847 = arith.index_cast %mul3A_25 : i32 to index
        %get3A_848 = tpu.vector_load %arg7[%get3A_846, %get3A_847] {strides = array<i32>} : memref<64x256xf32, #tpu.memory_space<vmem>>, vector<1x16xf32>,
        %get3A_849 = vector.shape_cast %get3A_848 : vector<1x16xf32> to vector<16xf32>
        %gt3A_850 = arith.cmpf ogt, %get3A_849, %select_n3A_842 : vector<16xf32>
        %gt3A_851 = arith.cmpf ogt, %get3A_849, %select_n3A_840 : vector<16xf32>
        %select_n3A_852 = arith.select %gt3A_851, %broadcast_in_dim3A_844, %select_n3A_838 : vector<16xi1>, vector<16xi32>
        %select_n3A_853 = arith.select %gt3A_850, %select_n3A_841, %select_n3A_852 : vector<16xi1>, vector<16xi32>
        %select_n3A_854 = arith.select %gt3A_851, %get3A_849, %select_n3A_840 : vector<16xi1>, vector<16xf32>
        %select_n3A_855 = arith.select %gt3A_850, %select_n3A_842, %select_n3A_854 : vector<16xi1>, vector<16xf32>
        %select_n3A_856 = arith.select %gt3A_850, %broadcast_in_dim3A_844, %select_n3A_841 : vector<16xi1>, vector<16xi32>
        %select_n3A_857 = arith.select %gt3A_850, %get3A_849, %select_n3A_842 : vector<16xi1>, vector<16xf32>
        %broadcast_in_dim3A_858 = arith.constant 56 : i32
        %broadcast_in_dim3A_859 = vector.broadcast %broadcast_in_dim3A_858 : i32 to vector<16xi32>
        %get3A_860 = arith.constant 56 : i32
        %get3A_861 = arith.index_cast %get3A_860 : i32 to index
        %get3A_862 = arith.index_cast %mul3A_25 : i32 to index
        %get3A_863 = tpu.vector_load %arg7[%get3A_861, %get3A_862] {strides = array<i32>} : memref<64x256xf32, #tpu.memory_space<vmem>>, vector<1x16xf32>,
        %get3A_864 = vector.shape_cast %get3A_863 : vector<1x16xf32> to vector<16xf32>
        %gt3A_865 = arith.cmpf ogt, %get3A_864, %select_n3A_857 : vector<16xf32>
        %gt3A_866 = arith.cmpf ogt, %get3A_864, %select_n3A_855 : vector<16xf32>
        %select_n3A_867 = arith.select %gt3A_866, %broadcast_in_dim3A_859, %select_n3A_853 : vector<16xi1>, vector<16xi32>
        %select_n3A_868 = arith.select %gt3A_865, %select_n3A_856, %select_n3A_867 : vector<16xi1>, vector<16xi32>
        %select_n3A_869 = arith.select %gt3A_866, %get3A_864, %select_n3A_855 : vector<16xi1>, vector<16xf32>
        %select_n3A_870 = arith.select %gt3A_865, %select_n3A_857, %select_n3A_869 : vector<16xi1>, vector<16xf32>
        %select_n3A_871 = arith.select %gt3A_865, %broadcast_in_dim3A_859, %select_n3A_856 : vector<16xi1>, vector<16xi32>
        %select_n3A_872 = arith.select %gt3A_865, %get3A_864, %select_n3A_857 : vector<16xi1>, vector<16xf32>
        %broadcast_in_dim3A_873 = arith.constant 57 : i32
        %broadcast_in_dim3A_874 = vector.broadcast %broadcast_in_dim3A_873 : i32 to vector<16xi32>
        %get3A_875 = arith.constant 57 : i32
        %get3A_876 = arith.index_cast %get3A_875 : i32 to index
        %get3A_877 = arith.index_cast %mul3A_25 : i32 to index
        %get3A_878 = tpu.vector_load %arg7[%get3A_876, %get3A_877] {strides = array<i32>} : memref<64x256xf32, #tpu.memory_space<vmem>>, vector<1x16xf32>,
        %get3A_879 = vector.shape_cast %get3A_878 : vector<1x16xf32> to vector<16xf32>
        %gt3A_880 = arith.cmpf ogt, %get3A_879, %select_n3A_872 : vector<16xf32>
        %gt3A_881 = arith.cmpf ogt, %get3A_879, %select_n3A_870 : vector<16xf32>
        %select_n3A_882 = arith.select %gt3A_881, %broadcast_in_dim3A_874, %select_n3A_868 : vector<16xi1>, vector<16xi32>
        %select_n3A_883 = arith.select %gt3A_880, %select_n3A_871, %select_n3A_882 : vector<16xi1>, vector<16xi32>
        %select_n3A_884 = arith.select %gt3A_881, %get3A_879, %select_n3A_870 : vector<16xi1>, vector<16xf32>
        %select_n3A_885 = arith.select %gt3A_880, %select_n3A_872, %select_n3A_884 : vector<16xi1>, vector<16xf32>
        %select_n3A_886 = arith.select %gt3A_880, %broadcast_in_dim3A_874, %select_n3A_871 : vector<16xi1>, vector<16xi32>
        %select_n3A_887 = arith.select %gt3A_880, %get3A_879, %select_n3A_872 : vector<16xi1>, vector<16xf32>
        %broadcast_in_dim3A_888 = arith.constant 58 : i32
        %broadcast_in_dim3A_889 = vector.broadcast %broadcast_in_dim3A_888 : i32 to vector<16xi32>
        %get3A_890 = arith.constant 58 : i32
        %get3A_891 = arith.index_cast %get3A_890 : i32 to index
        %get3A_892 = arith.index_cast %mul3A_25 : i32 to index
        %get3A_893 = tpu.vector_load %arg7[%get3A_891, %get3A_892] {strides = array<i32>} : memref<64x256xf32, #tpu.memory_space<vmem>>, vector<1x16xf32>,
        %get3A_894 = vector.shape_cast %get3A_893 : vector<1x16xf32> to vector<16xf32>
        %gt3A_895 = arith.cmpf ogt, %get3A_894, %select_n3A_887 : vector<16xf32>
        %gt3A_896 = arith.cmpf ogt, %get3A_894, %select_n3A_885 : vector<16xf32>
        %select_n3A_897 = arith.select %gt3A_896, %broadcast_in_dim3A_889, %select_n3A_883 : vector<16xi1>, vector<16xi32>
        %select_n3A_898 = arith.select %gt3A_895, %select_n3A_886, %select_n3A_897 : vector<16xi1>, vector<16xi32>
        %select_n3A_899 = arith.select %gt3A_896, %get3A_894, %select_n3A_885 : vector<16xi1>, vector<16xf32>
        %select_n3A_900 = arith.select %gt3A_895, %select_n3A_887, %select_n3A_899 : vector<16xi1>, vector<16xf32>
        %select_n3A_901 = arith.select %gt3A_895, %broadcast_in_dim3A_889, %select_n3A_886 : vector<16xi1>, vector<16xi32>
        %select_n3A_902 = arith.select %gt3A_895, %get3A_894, %select_n3A_887 : vector<16xi1>, vector<16xf32>
        %broadcast_in_dim3A_903 = arith.constant 59 : i32
        %broadcast_in_dim3A_904 = vector.broadcast %broadcast_in_dim3A_903 : i32 to vector<16xi32>
        %get3A_905 = arith.constant 59 : i32
        %get3A_906 = arith.index_cast %get3A_905 : i32 to index
        %get3A_907 = arith.index_cast %mul3A_25 : i32 to index
        %get3A_908 = tpu.vector_load %arg7[%get3A_906, %get3A_907] {strides = array<i32>} : memref<64x256xf32, #tpu.memory_space<vmem>>, vector<1x16xf32>,
        %get3A_909 = vector.shape_cast %get3A_908 : vector<1x16xf32> to vector<16xf32>
        %gt3A_910 = arith.cmpf ogt, %get3A_909, %select_n3A_902 : vector<16xf32>
        %gt3A_911 = arith.cmpf ogt, %get3A_909, %select_n3A_900 : vector<16xf32>
        %select_n3A_912 = arith.select %gt3A_911, %broadcast_in_dim3A_904, %select_n3A_898 : vector<16xi1>, vector<16xi32>
        %select_n3A_913 = arith.select %gt3A_910, %select_n3A_901, %select_n3A_912 : vector<16xi1>, vector<16xi32>
        %select_n3A_914 = arith.select %gt3A_911, %get3A_909, %select_n3A_900 : vector<16xi1>, vector<16xf32>
        %select_n3A_915 = arith.select %gt3A_910, %select_n3A_902, %select_n3A_914 : vector<16xi1>, vector<16xf32>
        %select_n3A_916 = arith.select %gt3A_910, %broadcast_in_dim3A_904, %select_n3A_901 : vector<16xi1>, vector<16xi32>
        %select_n3A_917 = arith.select %gt3A_910, %get3A_909, %select_n3A_902 : vector<16xi1>, vector<16xf32>
        %broadcast_in_dim3A_918 = arith.constant 60 : i32
        %broadcast_in_dim3A_919 = vector.broadcast %broadcast_in_dim3A_918 : i32 to vector<16xi32>
        %get3A_920 = arith.constant 60 : i32
        %get3A_921 = arith.index_cast %get3A_920 : i32 to index
        %get3A_922 = arith.index_cast %mul3A_25 : i32 to index
        %get3A_923 = tpu.vector_load %arg7[%get3A_921, %get3A_922] {strides = array<i32>} : memref<64x256xf32, #tpu.memory_space<vmem>>, vector<1x16xf32>,
        %get3A_924 = vector.shape_cast %get3A_923 : vector<1x16xf32> to vector<16xf32>
        %gt3A_925 = arith.cmpf ogt, %get3A_924, %select_n3A_917 : vector<16xf32>
        %gt3A_926 = arith.cmpf ogt, %get3A_924, %select_n3A_915 : vector<16xf32>
        %select_n3A_927 = arith.select %gt3A_926, %broadcast_in_dim3A_919, %select_n3A_913 : vector<16xi1>, vector<16xi32>
        %select_n3A_928 = arith.select %gt3A_925, %select_n3A_916, %select_n3A_927 : vector<16xi1>, vector<16xi32>
        %select_n3A_929 = arith.select %gt3A_926, %get3A_924, %select_n3A_915 : vector<16xi1>, vector<16xf32>
        %select_n3A_930 = arith.select %gt3A_925, %select_n3A_917, %select_n3A_929 : vector<16xi1>, vector<16xf32>
        %select_n3A_931 = arith.select %gt3A_925, %broadcast_in_dim3A_919, %select_n3A_916 : vector<16xi1>, vector<16xi32>
        %select_n3A_932 = arith.select %gt3A_925, %get3A_924, %select_n3A_917 : vector<16xi1>, vector<16xf32>
        %broadcast_in_dim3A_933 = arith.constant 61 : i32
        %broadcast_in_dim3A_934 = vector.broadcast %broadcast_in_dim3A_933 : i32 to vector<16xi32>
        %get3A_935 = arith.constant 61 : i32
        %get3A_936 = arith.index_cast %get3A_935 : i32 to index
        %get3A_937 = arith.index_cast %mul3A_25 : i32 to index
        %get3A_938 = tpu.vector_load %arg7[%get3A_936, %get3A_937] {strides = array<i32>} : memref<64x256xf32, #tpu.memory_space<vmem>>, vector<1x16xf32>,
        %get3A_939 = vector.shape_cast %get3A_938 : vector<1x16xf32> to vector<16xf32>
        %gt3A_940 = arith.cmpf ogt, %get3A_939, %select_n3A_932 : vector<16xf32>
        %gt3A_941 = arith.cmpf ogt, %get3A_939, %select_n3A_930 : vector<16xf32>
        %select_n3A_942 = arith.select %gt3A_941, %broadcast_in_dim3A_934, %select_n3A_928 : vector<16xi1>, vector<16xi32>
        %select_n3A_943 = arith.select %gt3A_940, %select_n3A_931, %select_n3A_942 : vector<16xi1>, vector<16xi32>
        %select_n3A_944 = arith.select %gt3A_941, %get3A_939, %select_n3A_930 : vector<16xi1>, vector<16xf32>
        %select_n3A_945 = arith.select %gt3A_940, %select_n3A_932, %select_n3A_944 : vector<16xi1>, vector<16xf32>
        %select_n3A_946 = arith.select %gt3A_940, %broadcast_in_dim3A_934, %select_n3A_931 : vector<16xi1>, vector<16xi32>
        %select_n3A_947 = arith.select %gt3A_940, %get3A_939, %select_n3A_932 : vector<16xi1>, vector<16xf32>
        %broadcast_in_dim3A_948 = arith.constant 62 : i32
        %broadcast_in_dim3A_949 = vector.broadcast %broadcast_in_dim3A_948 : i32 to vector<16xi32>
        %get3A_950 = arith.constant 62 : i32
        %get3A_951 = arith.index_cast %get3A_950 : i32 to index
        %get3A_952 = arith.index_cast %mul3A_25 : i32 to index
        %get3A_953 = tpu.vector_load %arg7[%get3A_951, %get3A_952] {strides = array<i32>} : memref<64x256xf32, #tpu.memory_space<vmem>>, vector<1x16xf32>,
        %get3A_954 = vector.shape_cast %get3A_953 : vector<1x16xf32> to vector<16xf32>
        %gt3A_955 = arith.cmpf ogt, %get3A_954, %select_n3A_947 : vector<16xf32>
        %gt3A_956 = arith.cmpf ogt, %get3A_954, %select_n3A_945 : vector<16xf32>
        %select_n3A_957 = arith.select %gt3A_956, %broadcast_in_dim3A_949, %select_n3A_943 : vector<16xi1>, vector<16xi32>
        %select_n3A_958 = arith.select %gt3A_955, %select_n3A_946, %select_n3A_957 : vector<16xi1>, vector<16xi32>
        %select_n3A_959 = arith.select %gt3A_956, %get3A_954, %select_n3A_945 : vector<16xi1>, vector<16xf32>
        %select_n3A_960 = arith.select %gt3A_955, %select_n3A_947, %select_n3A_959 : vector<16xi1>, vector<16xf32>
        %select_n3A_961 = arith.select %gt3A_955, %broadcast_in_dim3A_949, %select_n3A_946 : vector<16xi1>, vector<16xi32>
        %select_n3A_962 = arith.select %gt3A_955, %get3A_954, %select_n3A_947 : vector<16xi1>, vector<16xf32>
        %broadcast_in_dim3A_963 = arith.constant 63 : i32
        %broadcast_in_dim3A_964 = vector.broadcast %broadcast_in_dim3A_963 : i32 to vector<16xi32>
        %get3A_965 = arith.constant 63 : i32
        %get3A_966 = arith.index_cast %get3A_965 : i32 to index
        %get3A_967 = arith.index_cast %mul3A_25 : i32 to index
        %get3A_968 = tpu.vector_load %arg7[%get3A_966, %get3A_967] {strides = array<i32>} : memref<64x256xf32, #tpu.memory_space<vmem>>, vector<1x16xf32>,
        %get3A_969 = vector.shape_cast %get3A_968 : vector<1x16xf32> to vector<16xf32>
        %gt3A_970 = arith.cmpf ogt, %get3A_969, %select_n3A_962 : vector<16xf32>
        %gt3A_971 = arith.cmpf ogt, %get3A_969, %select_n3A_960 : vector<16xf32>
        %select_n3A_972 = arith.select %gt3A_971, %broadcast_in_dim3A_964, %select_n3A_958 : vector<16xi1>, vector<16xi32>
        %select_n3A_973 = arith.select %gt3A_970, %select_n3A_961, %select_n3A_972 : vector<16xi1>, vector<16xi32>
        %select_n3A_974 = arith.select %gt3A_971, %get3A_969, %select_n3A_960 : vector<16xi1>, vector<16xf32>
        %select_n3A_975 = arith.select %gt3A_970, %select_n3A_962, %select_n3A_974 : vector<16xi1>, vector<16xf32>
        %select_n3A_976 = arith.select %gt3A_970, %broadcast_in_dim3A_964, %select_n3A_961 : vector<16xi1>, vector<16xi32>
        %select_n3A_977 = arith.select %gt3A_970, %get3A_969, %select_n3A_962 : vector<16xi1>, vector<16xf32>
        %sub3A = arith.subf %select_n3A_975, %select_n3A_977 : vector<16xf32>
        %exp3A = math.exp %sub3A : vector<16xf32>
        %add3A_978 = arith.constant 1.000000e+00 : f32
        %add3A_979 = vector.broadcast %add3A_978 : f32 to vector<16xf32>
        %add3A_980 = arith.addf %add3A_979, %exp3A : vector<16xf32>
        %div3A = arith.constant 1.000000e+00 : f32
        %div3A_981 = vector.broadcast %div3A : f32 to vector<16xf32>
        %div3A_982 = arith.divf %div3A_981, %add3A_980 : vector<16xf32>
        %mul3A_983 = arith.constant 256 : i32
        %mul3A_984 = arith.muli %scan3A_9, %mul3A_983 : i32
        %mul3A_985 = arith.constant 16 : i32
        %mul3A_986 = arith.muli %scan3A_22, %mul3A_985 : i32
        %add3A_987 = arith.addi %mul3A_984, %mul3A_986 : i32
        %swap3A = arith.index_cast %add3A_987 : i32 to index
        %swap3A_988 = tpu.vector_load %arg8[%swap3A] {strides = array<i32>} : memref<512xf32, #tpu.memory_space<vmem>>, vector<16xf32>,
        %swap3A_989 = vector.shape_cast %swap3A_988 : vector<16xf32> to vector<16xf32>
        %swap3A_990 = vector.shape_cast %div3A_982 : vector<16xf32> to vector<16xf32>
        tpu.vector_store %arg8[%swap3A], %swap3A_990 {strides = array<i32>} : memref<512xf32, #tpu.memory_space<vmem>>, vector<16xf32>,
        %sub3A_991 = arith.constant 1.000000e+00 : f32
        %sub3A_992 = vector.broadcast %sub3A_991 : f32 to vector<16xf32>
        %sub3A_993 = arith.subf %sub3A_992, %div3A_982 : vector<16xf32>
        %swap3A_994 = arith.index_cast %add3A_987 : i32 to index
        %swap3A_995 = tpu.vector_load %arg9[%swap3A_994] {strides = array<i32>} : memref<512xf32, #tpu.memory_space<vmem>>, vector<16xf32>,
        %swap3A_996 = vector.shape_cast %swap3A_995 : vector<16xf32> to vector<16xf32>
        %swap3A_997 = vector.shape_cast %sub3A_993 : vector<16xf32> to vector<16xf32>
        tpu.vector_store %arg9[%swap3A_994], %swap3A_997 {strides = array<i32>} : memref<512xf32, #tpu.memory_space<vmem>>, vector<16xf32>,
        %swap3A_998 = arith.index_cast %add3A_987 : i32 to index
        %swap3A_999 = tpu.vector_load %arg10[%swap3A_998] {strides = array<i32>} : memref<512xi32, #tpu.memory_space<vmem>>, vector<16xi32>,
        %swap3A_1000 = vector.shape_cast %swap3A_999 : vector<16xi32> to vector<16xi32>
        %swap3A_1001 = vector.shape_cast %select_n3A_976 : vector<16xi32> to vector<16xi32>
        tpu.vector_store %arg10[%swap3A_998], %swap3A_1001 {strides = array<i32>} : memref<512xi32, #tpu.memory_space<vmem>>, vector<16xi32>,
        %swap3A_1002 = arith.index_cast %add3A_987 : i32 to index
        %swap3A_1003 = tpu.vector_load %arg11[%swap3A_1002] {strides = array<i32>} : memref<512xi32, #tpu.memory_space<vmem>>, vector<16xi32>,
        %swap3A_1004 = vector.shape_cast %swap3A_1003 : vector<16xi32> to vector<16xi32>
        %swap3A_1005 = vector.shape_cast %select_n3A_973 : vector<16xi32> to vector<16xi32>
        tpu.vector_store %arg11[%swap3A_1002], %swap3A_1005 {strides = array<i32>} : memref<512xi32, #tpu.memory_space<vmem>>, vector<16xi32>,
        %scan3A_1006 = arith.constant 0 : i32
        scf.yield %scan3A_1006 : i32
      }
      %scan3A_20 = arith.constant 16 : i32
      %scan3A_21 = arith.constant 0 : i32
      scf.yield %scan3A_21 : i32
    }
    %scan3A_8 = arith.constant 2 : i32
    "tpu.region"() ({
      %run_scoped3A = tpu.sem_alloc : memref<!tpu.dma_semaphore, #tpu.memory_space<semaphore_mem>>
      %dma_start3A = tpu.memref_slice %arg3[%mul3A_2] : memref<16384xf32, #tpu.memory_space<hbm>> -> memref<512xf32, #tpu.memory_space<hbm>>
      %dma_start3A_9 = tpu.memref_slice %arg3[%mul3A_2] : memref<16384xf32, #tpu.memory_space<hbm>> -> memref<512xf32, #tpu.memory_space<hbm>>
      tpu.enqueue_dma source(%arg8 : memref<512xf32, #tpu.memory_space<vmem>>) target(%dma_start3A_9 : memref<512xf32, #tpu.memory_space<hbm>>) target_semaphore(%run_scoped3A : memref<!tpu.dma_semaphore, #tpu.memory_space<semaphore_mem>>)
      %dma_wait3A = tpu.memref_slice %arg3[%mul3A_2] : memref<16384xf32, #tpu.memory_space<hbm>> -> memref<512xf32, #tpu.memory_space<hbm>>
      %dma_wait3A_10 = tpu.memref_slice %arg3[%mul3A_2] : memref<16384xf32, #tpu.memory_space<hbm>> -> memref<512xf32, #tpu.memory_space<hbm>>
      tpu.wait_dma2 semaphore(%run_scoped3A : memref<!tpu.dma_semaphore, #tpu.memory_space<semaphore_mem>>) src(%arg8 : memref<512xf32, #tpu.memory_space<vmem>>) dst(%dma_wait3A_10 : memref<512xf32, #tpu.memory_space<hbm>>)
      tpu.yield
    }) : () -> ()
    "tpu.region"() ({
      %run_scoped3A = tpu.sem_alloc : memref<!tpu.dma_semaphore, #tpu.memory_space<semaphore_mem>>
      %dma_start3A = tpu.memref_slice %arg4[%mul3A_2] : memref<16384xf32, #tpu.memory_space<hbm>> -> memref<512xf32, #tpu.memory_space<hbm>>
      %dma_start3A_9 = tpu.memref_slice %arg4[%mul3A_2] : memref<16384xf32, #tpu.memory_space<hbm>> -> memref<512xf32, #tpu.memory_space<hbm>>
      tpu.enqueue_dma source(%arg9 : memref<512xf32, #tpu.memory_space<vmem>>) target(%dma_start3A_9 : memref<512xf32, #tpu.memory_space<hbm>>) target_semaphore(%run_scoped3A : memref<!tpu.dma_semaphore, #tpu.memory_space<semaphore_mem>>)
      %dma_wait3A = tpu.memref_slice %arg4[%mul3A_2] : memref<16384xf32, #tpu.memory_space<hbm>> -> memref<512xf32, #tpu.memory_space<hbm>>
      %dma_wait3A_10 = tpu.memref_slice %arg4[%mul3A_2] : memref<16384xf32, #tpu.memory_space<hbm>> -> memref<512xf32, #tpu.memory_space<hbm>>
      tpu.wait_dma2 semaphore(%run_scoped3A : memref<!tpu.dma_semaphore, #tpu.memory_space<semaphore_mem>>) src(%arg9 : memref<512xf32, #tpu.memory_space<vmem>>) dst(%dma_wait3A_10 : memref<512xf32, #tpu.memory_space<hbm>>)
      tpu.yield
    }) : () -> ()
    "tpu.region"() ({
      %run_scoped3A = tpu.sem_alloc : memref<!tpu.dma_semaphore, #tpu.memory_space<semaphore_mem>>
      %dma_start3A = tpu.memref_slice %arg5[%mul3A_2] : memref<16384xi32, #tpu.memory_space<hbm>> -> memref<512xi32, #tpu.memory_space<hbm>>
      %dma_start3A_9 = tpu.memref_slice %arg5[%mul3A_2] : memref<16384xi32, #tpu.memory_space<hbm>> -> memref<512xi32, #tpu.memory_space<hbm>>
      tpu.enqueue_dma source(%arg10 : memref<512xi32, #tpu.memory_space<vmem>>) target(%dma_start3A_9 : memref<512xi32, #tpu.memory_space<hbm>>) target_semaphore(%run_scoped3A : memref<!tpu.dma_semaphore, #tpu.memory_space<semaphore_mem>>)
      %dma_wait3A = tpu.memref_slice %arg5[%mul3A_2] : memref<16384xi32, #tpu.memory_space<hbm>> -> memref<512xi32, #tpu.memory_space<hbm>>
      %dma_wait3A_10 = tpu.memref_slice %arg5[%mul3A_2] : memref<16384xi32, #tpu.memory_space<hbm>> -> memref<512xi32, #tpu.memory_space<hbm>>
      tpu.wait_dma2 semaphore(%run_scoped3A : memref<!tpu.dma_semaphore, #tpu.memory_space<semaphore_mem>>) src(%arg10 : memref<512xi32, #tpu.memory_space<vmem>>) dst(%dma_wait3A_10 : memref<512xi32, #tpu.memory_space<hbm>>)
      tpu.yield
    }) : () -> ()
    "tpu.region"() ({
      %run_scoped3A = tpu.sem_alloc : memref<!tpu.dma_semaphore, #tpu.memory_space<semaphore_mem>>
      %dma_start3A = tpu.memref_slice %arg6[%mul3A_2] : memref<16384xi32, #tpu.memory_space<hbm>> -> memref<512xi32, #tpu.memory_space<hbm>>
      %dma_start3A_9 = tpu.memref_slice %arg6[%mul3A_2] : memref<16384xi32, #tpu.memory_space<hbm>> -> memref<512xi32, #tpu.memory_space<hbm>>
      tpu.enqueue_dma source(%arg11 : memref<512xi32, #tpu.memory_space<vmem>>) target(%dma_start3A_9 : memref<512xi32, #tpu.memory_space<hbm>>) target_semaphore(%run_scoped3A : memref<!tpu.dma_semaphore, #tpu.memory_space<semaphore_mem>>)
      %dma_wait3A = tpu.memref_slice %arg6[%mul3A_2] : memref<16384xi32, #tpu.memory_space<hbm>> -> memref<512xi32, #tpu.memory_space<hbm>>
      %dma_wait3A_10 = tpu.memref_slice %arg6[%mul3A_2] : memref<16384xi32, #tpu.memory_space<hbm>> -> memref<512xi32, #tpu.memory_space<hbm>>
      tpu.wait_dma2 semaphore(%run_scoped3A : memref<!tpu.dma_semaphore, #tpu.memory_space<semaphore_mem>>) src(%arg11 : memref<512xi32, #tpu.memory_space<vmem>>) dst(%dma_wait3A_10 : memref<512xi32, #tpu.memory_space<hbm>>)
      tpu.yield
    }) : () -> ()
    return
  }
}

#map = affine_map<(d0, d1) -> (0, 0)>
#map1 = affine_map<(d0, d1) -> (0)>
module attributes {stable_mosaic.version = 14 : i64} {
  func.func @_sc_topk_kernel(%arg0: i32, %arg1: i32, %arg2: memref<64x16384xf32, #tpu.memory_space<hbm>>, %arg3: memref<16384xf32, #tpu.memory_space<hbm>>, %arg4: memref<16384xf32, #tpu.memory_space<hbm>>, %arg5: memref<16384xi32, #tpu.memory_space<hbm>>, %arg6: memref<16384xi32, #tpu.memory_space<hbm>>, %arg7: memref<64x256xf32, #tpu.memory_space<vmem>>, %arg8: memref<512xf32, #tpu.memory_space<vmem>>, %arg9: memref<512xf32, #tpu.memory_space<vmem>>, %arg10: memref<512xi32, #tpu.memory_space<vmem>>, %arg11: memref<512xi32, #tpu.memory_space<vmem>>) attributes {dimension_semantics = [#tpu.dimension_semantics<core_parallel>, #tpu.dimension_semantics<subcore_parallel>], iteration_bounds = array<i64: 2, 16>, scalar_prefetch = 0 : i64, scratch_operands = 5 : i64, tpu.core_type = #tpu.core_type<sc_vector_subcore>, window_params = [{transform_indices = #map}, {transform_indices = #map1}, {transform_indices = #map1}, {transform_indices = #map1}, {transform_indices = #map1}]} {
    %mul3A = arith.constant 2 : i32
    %mul3A_0 = arith.muli %arg1, %mul3A : i32
    %add3A = arith.addi %mul3A_0, %arg0 : i32
    %mul3A_1 = arith.constant 512 : i32
    %mul3A_2 = arith.muli %add3A, %mul3A_1 : i32
    %scan3A = arith.constant 0 : i32
    %scan3A_3 = arith.constant 0 : i32
    %scan3A_4 = arith.constant 2 : i32
    %scan3A_5 = arith.addi %scan3A_3, %scan3A_4 : i32
    %scan3A_6 = arith.constant 1 : i32
    %scan3A_7 = scf.for %scan3A_9 = %scan3A_3 to %scan3A_5 step %scan3A_6 iter_args(%scan3A_10 = %scan3A) -> (i32)  : i32 {
      %mul3A_11 = arith.constant 256 : i32
      %mul3A_12 = arith.muli %scan3A_9, %mul3A_11 : i32
      %add3A_13 = arith.addi %mul3A_2, %mul3A_12 : i32
      "tpu.region"() ({
        %run_scoped3A = tpu.sem_alloc : memref<!tpu.dma_semaphore, #tpu.memory_space<semaphore_mem>>
        %dma_start3A = arith.constant 0 : i32
        %dma_start3A_22 = tpu.memref_slice %arg2[%dma_start3A, %add3A_13] : memref<64x16384xf32, #tpu.memory_space<hbm>> -> memref<64x256xf32, #tpu.memory_space<hbm>>
        %dma_start3A_23 = arith.constant 0 : i32
        %dma_start3A_24 = tpu.memref_slice %arg2[%dma_start3A_23, %add3A_13] : memref<64x16384xf32, #tpu.memory_space<hbm>> -> memref<64x256xf32, #tpu.memory_space<hbm>>
        tpu.enqueue_dma source(%dma_start3A_24 : memref<64x256xf32, #tpu.memory_space<hbm>>) target(%arg7 : memref<64x256xf32, #tpu.memory_space<vmem>>) target_semaphore(%run_scoped3A : memref<!tpu.dma_semaphore, #tpu.memory_space<semaphore_mem>>)
        %dma_wait3A = arith.constant 0 : i32
        %dma_wait3A_25 = tpu.memref_slice %arg2[%dma_wait3A, %add3A_13] : memref<64x16384xf32, #tpu.memory_space<hbm>> -> memref<64x256xf32, #tpu.memory_space<hbm>>
        %dma_wait3A_26 = arith.constant 0 : i32
        %dma_wait3A_27 = tpu.memref_slice %arg2[%dma_wait3A_26, %add3A_13] : memref<64x16384xf32, #tpu.memory_space<hbm>> -> memref<64x256xf32, #tpu.memory_space<hbm>>
        tpu.wait_dma2 semaphore(%run_scoped3A : memref<!tpu.dma_semaphore, #tpu.memory_space<semaphore_mem>>) src(%dma_wait3A_27 : memref<64x256xf32, #tpu.memory_space<hbm>>) dst(%arg7 : memref<64x256xf32, #tpu.memory_space<vmem>>)
        tpu.yield
      }) : () -> ()
      %scan3A_14 = arith.constant 0 : i32
      %scan3A_15 = arith.constant 0 : i32
      %scan3A_16 = arith.constant 16 : i32
      %scan3A_17 = arith.addi %scan3A_15, %scan3A_16 : i32
      %scan3A_18 = arith.constant 1 : i32
      %scan3A_19 = scf.for %scan3A_22 = %scan3A_15 to %scan3A_17 step %scan3A_18 iter_args(%scan3A_23 = %scan3A_14) -> (i32)  : i32 {
        %mul3A_24 = arith.constant 16 : i32
        %mul3A_25 = arith.muli %scan3A_22, %mul3A_24 : i32
        %get3A = arith.constant 0 : i32
        %get3A_26 = arith.index_cast %get3A : i32 to index
        %get3A_27 = arith.index_cast %mul3A_25 : i32 to index
        %get3A_28 = tpu.vector_load %arg7[%get3A_26, %get3A_27] {strides = array<i32>} : memref<64x256xf32, #tpu.memory_space<vmem>>, vector<1x16xf32>,
        %get3A_29 = vector.shape_cast %get3A_28 : vector<1x16xf32> to vector<16xf32>
        %broadcast_in_dim3A = arith.constant 0 : i32
        %broadcast_in_dim3A_30 = vector.broadcast %broadcast_in_dim3A : i32 to vector<16xi32>
        %broadcast_in_dim3A_31 = arith.constant 0xFF800000 : f32
        %broadcast_in_dim3A_32 = vector.broadcast %broadcast_in_dim3A_31 : f32 to vector<16xf32>
        %broadcast_in_dim3A_33 = arith.constant 0 : i32
        %broadcast_in_dim3A_34 = vector.broadcast %broadcast_in_dim3A_33 : i32 to vector<16xi32>
        %broadcast_in_dim3A_35 = arith.constant 1 : i32
        %broadcast_in_dim3A_36 = vector.broadcast %broadcast_in_dim3A_35 : i32 to vector<16xi32>
        %get3A_37 = arith.constant 1 : i32
        %get3A_38 = arith.index_cast %get3A_37 : i32 to index
        %get3A_39 = arith.index_cast %mul3A_25 : i32 to index
        %get3A_40 = tpu.vector_load %arg7[%get3A_38, %get3A_39] {strides = array<i32>} : memref<64x256xf32, #tpu.memory_space<vmem>>, vector<1x16xf32>,
        %get3A_41 = vector.shape_cast %get3A_40 : vector<1x16xf32> to vector<16xf32>
        %gt3A = arith.cmpf ogt, %get3A_41, %get3A_29 : vector<16xf32>
        %gt3A_42 = arith.cmpf ogt, %get3A_41, %broadcast_in_dim3A_32 : vector<16xf32>
        %select_n3A = arith.select %gt3A_42, %broadcast_in_dim3A_36, %broadcast_in_dim3A_34 : vector<16xi1>, vector<16xi32>
        %select_n3A_43 = arith.select %gt3A, %broadcast_in_dim3A_30, %select_n3A : vector<16xi1>, vector<16xi32>
        %select_n3A_44 = arith.select %gt3A_42, %get3A_41, %broadcast_in_dim3A_32 : vector<16xi1>, vector<16xf32>
        %select_n3A_45 = arith.select %gt3A, %get3A_29, %select_n3A_44 : vector<16xi1>, vector<16xf32>
        %select_n3A_46 = arith.select %gt3A, %broadcast_in_dim3A_36, %broadcast_in_dim3A_30 : vector<16xi1>, vector<16xi32>
        %select_n3A_47 = arith.select %gt3A, %get3A_41, %get3A_29 : vector<16xi1>, vector<16xf32>
        %broadcast_in_dim3A_48 = arith.constant 2 : i32
        %broadcast_in_dim3A_49 = vector.broadcast %broadcast_in_dim3A_48 : i32 to vector<16xi32>
        %get3A_50 = arith.constant 2 : i32
        %get3A_51 = arith.index_cast %get3A_50 : i32 to index
        %get3A_52 = arith.index_cast %mul3A_25 : i32 to index
        %get3A_53 = tpu.vector_load %arg7[%get3A_51, %get3A_52] {strides = array<i32>} : memref<64x256xf32, #tpu.memory_space<vmem>>, vector<1x16xf32>,
        %get3A_54 = vector.shape_cast %get3A_53 : vector<1x16xf32> to vector<16xf32>
        %gt3A_55 = arith.cmpf ogt, %get3A_54, %select_n3A_47 : vector<16xf32>
        %gt3A_56 = arith.cmpf ogt, %get3A_54, %select_n3A_45 : vector<16xf32>
        %select_n3A_57 = arith.select %gt3A_56, %broadcast_in_dim3A_49, %select_n3A_43 : vector<16xi1>, vector<16xi32>
        %select_n3A_58 = arith.select %gt3A_55, %select_n3A_46, %select_n3A_57 : vector<16xi1>, vector<16xi32>
        %select_n3A_59 = arith.select %gt3A_56, %get3A_54, %select_n3A_45 : vector<16xi1>, vector<16xf32>
        %select_n3A_60 = arith.select %gt3A_55, %select_n3A_47, %select_n3A_59 : vector<16xi1>, vector<16xf32>
        %select_n3A_61 = arith.select %gt3A_55, %broadcast_in_dim3A_49, %select_n3A_46 : vector<16xi1>, vector<16xi32>
        %select_n3A_62 = arith.select %gt3A_55, %get3A_54, %select_n3A_47 : vector<16xi1>, vector<16xf32>
        %broadcast_in_dim3A_63 = arith.constant 3 : i32
        %broadcast_in_dim3A_64 = vector.broadcast %broadcast_in_dim3A_63 : i32 to vector<16xi32>
        %get3A_65 = arith.constant 3 : i32
        %get3A_66 = arith.index_cast %get3A_65 : i32 to index
        %get3A_67 = arith.index_cast %mul3A_25 : i32 to index
        %get3A_68 = tpu.vector_load %arg7[%get3A_66, %get3A_67] {strides = array<i32>} : memref<64x256xf32, #tpu.memory_space<vmem>>, vector<1x16xf32>,
        %get3A_69 = vector.shape_cast %get3A_68 : vector<1x16xf32> to vector<16xf32>
        %gt3A_70 = arith.cmpf ogt, %get3A_69, %select_n3A_62 : vector<16xf32>
        %gt3A_71 = arith.cmpf ogt, %get3A_69, %select_n3A_60 : vector<16xf32>
        %select_n3A_72 = arith.select %gt3A_71, %broadcast_in_dim3A_64, %select_n3A_58 : vector<16xi1>, vector<16xi32>
        %select_n3A_73 = arith.select %gt3A_70, %select_n3A_61, %select_n3A_72 : vector<16xi1>, vector<16xi32>
        %select_n3A_74 = arith.select %gt3A_71, %get3A_69, %select_n3A_60 : vector<16xi1>, vector<16xf32>
        %select_n3A_75 = arith.select %gt3A_70, %select_n3A_62, %select_n3A_74 : vector<16xi1>, vector<16xf32>
        %select_n3A_76 = arith.select %gt3A_70, %broadcast_in_dim3A_64, %select_n3A_61 : vector<16xi1>, vector<16xi32>
        %select_n3A_77 = arith.select %gt3A_70, %get3A_69, %select_n3A_62 : vector<16xi1>, vector<16xf32>
        %broadcast_in_dim3A_78 = arith.constant 4 : i32
        %broadcast_in_dim3A_79 = vector.broadcast %broadcast_in_dim3A_78 : i32 to vector<16xi32>
        %get3A_80 = arith.constant 4 : i32
        %get3A_81 = arith.index_cast %get3A_80 : i32 to index
        %get3A_82 = arith.index_cast %mul3A_25 : i32 to index
        %get3A_83 = tpu.vector_load %arg7[%get3A_81, %get3A_82] {strides = array<i32>} : memref<64x256xf32, #tpu.memory_space<vmem>>, vector<1x16xf32>,
        %get3A_84 = vector.shape_cast %get3A_83 : vector<1x16xf32> to vector<16xf32>
        %gt3A_85 = arith.cmpf ogt, %get3A_84, %select_n3A_77 : vector<16xf32>
        %gt3A_86 = arith.cmpf ogt, %get3A_84, %select_n3A_75 : vector<16xf32>
        %select_n3A_87 = arith.select %gt3A_86, %broadcast_in_dim3A_79, %select_n3A_73 : vector<16xi1>, vector<16xi32>
        %select_n3A_88 = arith.select %gt3A_85, %select_n3A_76, %select_n3A_87 : vector<16xi1>, vector<16xi32>
        %select_n3A_89 = arith.select %gt3A_86, %get3A_84, %select_n3A_75 : vector<16xi1>, vector<16xf32>
        %select_n3A_90 = arith.select %gt3A_85, %select_n3A_77, %select_n3A_89 : vector<16xi1>, vector<16xf32>
        %select_n3A_91 = arith.select %gt3A_85, %broadcast_in_dim3A_79, %select_n3A_76 : vector<16xi1>, vector<16xi32>
        %select_n3A_92 = arith.select %gt3A_85, %get3A_84, %select_n3A_77 : vector<16xi1>, vector<16xf32>
        %broadcast_in_dim3A_93 = arith.constant 5 : i32
        %broadcast_in_dim3A_94 = vector.broadcast %broadcast_in_dim3A_93 : i32 to vector<16xi32>
        %get3A_95 = arith.constant 5 : i32
        %get3A_96 = arith.index_cast %get3A_95 : i32 to index
        %get3A_97 = arith.index_cast %mul3A_25 : i32 to index
        %get3A_98 = tpu.vector_load %arg7[%get3A_96, %get3A_97] {strides = array<i32>} : memref<64x256xf32, #tpu.memory_space<vmem>>, vector<1x16xf32>,
        %get3A_99 = vector.shape_cast %get3A_98 : vector<1x16xf32> to vector<16xf32>
        %gt3A_100 = arith.cmpf ogt, %get3A_99, %select_n3A_92 : vector<16xf32>
        %gt3A_101 = arith.cmpf ogt, %get3A_99, %select_n3A_90 : vector<16xf32>
        %select_n3A_102 = arith.select %gt3A_101, %broadcast_in_dim3A_94, %select_n3A_88 : vector<16xi1>, vector<16xi32>
        %select_n3A_103 = arith.select %gt3A_100, %select_n3A_91, %select_n3A_102 : vector<16xi1>, vector<16xi32>
        %select_n3A_104 = arith.select %gt3A_101, %get3A_99, %select_n3A_90 : vector<16xi1>, vector<16xf32>
        %select_n3A_105 = arith.select %gt3A_100, %select_n3A_92, %select_n3A_104 : vector<16xi1>, vector<16xf32>
        %select_n3A_106 = arith.select %gt3A_100, %broadcast_in_dim3A_94, %select_n3A_91 : vector<16xi1>, vector<16xi32>
        %select_n3A_107 = arith.select %gt3A_100, %get3A_99, %select_n3A_92 : vector<16xi1>, vector<16xf32>
        %broadcast_in_dim3A_108 = arith.constant 6 : i32
        %broadcast_in_dim3A_109 = vector.broadcast %broadcast_in_dim3A_108 : i32 to vector<16xi32>
        %get3A_110 = arith.constant 6 : i32
        %get3A_111 = arith.index_cast %get3A_110 : i32 to index
        %get3A_112 = arith.index_cast %mul3A_25 : i32 to index
        %get3A_113 = tpu.vector_load %arg7[%get3A_111, %get3A_112] {strides = array<i32>} : memref<64x256xf32, #tpu.memory_space<vmem>>, vector<1x16xf32>,
        %get3A_114 = vector.shape_cast %get3A_113 : vector<1x16xf32> to vector<16xf32>
        %gt3A_115 = arith.cmpf ogt, %get3A_114, %select_n3A_107 : vector<16xf32>
        %gt3A_116 = arith.cmpf ogt, %get3A_114, %select_n3A_105 : vector<16xf32>
        %select_n3A_117 = arith.select %gt3A_116, %broadcast_in_dim3A_109, %select_n3A_103 : vector<16xi1>, vector<16xi32>
        %select_n3A_118 = arith.select %gt3A_115, %select_n3A_106, %select_n3A_117 : vector<16xi1>, vector<16xi32>
        %select_n3A_119 = arith.select %gt3A_116, %get3A_114, %select_n3A_105 : vector<16xi1>, vector<16xf32>
        %select_n3A_120 = arith.select %gt3A_115, %select_n3A_107, %select_n3A_119 : vector<16xi1>, vector<16xf32>
        %select_n3A_121 = arith.select %gt3A_115, %broadcast_in_dim3A_109, %select_n3A_106 : vector<16xi1>, vector<16xi32>
        %select_n3A_122 = arith.select %gt3A_115, %get3A_114, %select_n3A_107 : vector<16xi1>, vector<16xf32>
        %broadcast_in_dim3A_123 = arith.constant 7 : i32
        %broadcast_in_dim3A_124 = vector.broadcast %broadcast_in_dim3A_123 : i32 to vector<16xi32>
        %get3A_125 = arith.constant 7 : i32
        %get3A_126 = arith.index_cast %get3A_125 : i32 to index
        %get3A_127 = arith.index_cast %mul3A_25 : i32 to index
        %get3A_128 = tpu.vector_load %arg7[%get3A_126, %get3A_127] {strides = array<i32>} : memref<64x256xf32, #tpu.memory_space<vmem>>, vector<1x16xf32>,
        %get3A_129 = vector.shape_cast %get3A_128 : vector<1x16xf32> to vector<16xf32>
        %gt3A_130 = arith.cmpf ogt, %get3A_129, %select_n3A_122 : vector<16xf32>
        %gt3A_131 = arith.cmpf ogt, %get3A_129, %select_n3A_120 : vector<16xf32>
        %select_n3A_132 = arith.select %gt3A_131, %broadcast_in_dim3A_124, %select_n3A_118 : vector<16xi1>, vector<16xi32>
        %select_n3A_133 = arith.select %gt3A_130, %select_n3A_121, %select_n3A_132 : vector<16xi1>, vector<16xi32>
        %select_n3A_134 = arith.select %gt3A_131, %get3A_129, %select_n3A_120 : vector<16xi1>, vector<16xf32>
        %select_n3A_135 = arith.select %gt3A_130, %select_n3A_122, %select_n3A_134 : vector<16xi1>, vector<16xf32>
        %select_n3A_136 = arith.select %gt3A_130, %broadcast_in_dim3A_124, %select_n3A_121 : vector<16xi1>, vector<16xi32>
        %select_n3A_137 = arith.select %gt3A_130, %get3A_129, %select_n3A_122 : vector<16xi1>, vector<16xf32>
        %broadcast_in_dim3A_138 = arith.constant 8 : i32
        %broadcast_in_dim3A_139 = vector.broadcast %broadcast_in_dim3A_138 : i32 to vector<16xi32>
        %get3A_140 = arith.constant 8 : i32
        %get3A_141 = arith.index_cast %get3A_140 : i32 to index
        %get3A_142 = arith.index_cast %mul3A_25 : i32 to index
        %get3A_143 = tpu.vector_load %arg7[%get3A_141, %get3A_142] {strides = array<i32>} : memref<64x256xf32, #tpu.memory_space<vmem>>, vector<1x16xf32>,
        %get3A_144 = vector.shape_cast %get3A_143 : vector<1x16xf32> to vector<16xf32>
        %gt3A_145 = arith.cmpf ogt, %get3A_144, %select_n3A_137 : vector<16xf32>
        %gt3A_146 = arith.cmpf ogt, %get3A_144, %select_n3A_135 : vector<16xf32>
        %select_n3A_147 = arith.select %gt3A_146, %broadcast_in_dim3A_139, %select_n3A_133 : vector<16xi1>, vector<16xi32>
        %select_n3A_148 = arith.select %gt3A_145, %select_n3A_136, %select_n3A_147 : vector<16xi1>, vector<16xi32>
        %select_n3A_149 = arith.select %gt3A_146, %get3A_144, %select_n3A_135 : vector<16xi1>, vector<16xf32>
        %select_n3A_150 = arith.select %gt3A_145, %select_n3A_137, %select_n3A_149 : vector<16xi1>, vector<16xf32>
        %select_n3A_151 = arith.select %gt3A_145, %broadcast_in_dim3A_139, %select_n3A_136 : vector<16xi1>, vector<16xi32>
        %select_n3A_152 = arith.select %gt3A_145, %get3A_144, %select_n3A_137 : vector<16xi1>, vector<16xf32>
        %broadcast_in_dim3A_153 = arith.constant 9 : i32
        %broadcast_in_dim3A_154 = vector.broadcast %broadcast_in_dim3A_153 : i32 to vector<16xi32>
        %get3A_155 = arith.constant 9 : i32
        %get3A_156 = arith.index_cast %get3A_155 : i32 to index
        %get3A_157 = arith.index_cast %mul3A_25 : i32 to index
        %get3A_158 = tpu.vector_load %arg7[%get3A_156, %get3A_157] {strides = array<i32>} : memref<64x256xf32, #tpu.memory_space<vmem>>, vector<1x16xf32>,
        %get3A_159 = vector.shape_cast %get3A_158 : vector<1x16xf32> to vector<16xf32>
        %gt3A_160 = arith.cmpf ogt, %get3A_159, %select_n3A_152 : vector<16xf32>
        %gt3A_161 = arith.cmpf ogt, %get3A_159, %select_n3A_150 : vector<16xf32>
        %select_n3A_162 = arith.select %gt3A_161, %broadcast_in_dim3A_154, %select_n3A_148 : vector<16xi1>, vector<16xi32>
        %select_n3A_163 = arith.select %gt3A_160, %select_n3A_151, %select_n3A_162 : vector<16xi1>, vector<16xi32>
        %select_n3A_164 = arith.select %gt3A_161, %get3A_159, %select_n3A_150 : vector<16xi1>, vector<16xf32>
        %select_n3A_165 = arith.select %gt3A_160, %select_n3A_152, %select_n3A_164 : vector<16xi1>, vector<16xf32>
        %select_n3A_166 = arith.select %gt3A_160, %broadcast_in_dim3A_154, %select_n3A_151 : vector<16xi1>, vector<16xi32>
        %select_n3A_167 = arith.select %gt3A_160, %get3A_159, %select_n3A_152 : vector<16xi1>, vector<16xf32>
        %broadcast_in_dim3A_168 = arith.constant 10 : i32
        %broadcast_in_dim3A_169 = vector.broadcast %broadcast_in_dim3A_168 : i32 to vector<16xi32>
        %get3A_170 = arith.constant 10 : i32
        %get3A_171 = arith.index_cast %get3A_170 : i32 to index
        %get3A_172 = arith.index_cast %mul3A_25 : i32 to index
        %get3A_173 = tpu.vector_load %arg7[%get3A_171, %get3A_172] {strides = array<i32>} : memref<64x256xf32, #tpu.memory_space<vmem>>, vector<1x16xf32>,
        %get3A_174 = vector.shape_cast %get3A_173 : vector<1x16xf32> to vector<16xf32>
        %gt3A_175 = arith.cmpf ogt, %get3A_174, %select_n3A_167 : vector<16xf32>
        %gt3A_176 = arith.cmpf ogt, %get3A_174, %select_n3A_165 : vector<16xf32>
        %select_n3A_177 = arith.select %gt3A_176, %broadcast_in_dim3A_169, %select_n3A_163 : vector<16xi1>, vector<16xi32>
        %select_n3A_178 = arith.select %gt3A_175, %select_n3A_166, %select_n3A_177 : vector<16xi1>, vector<16xi32>
        %select_n3A_179 = arith.select %gt3A_176, %get3A_174, %select_n3A_165 : vector<16xi1>, vector<16xf32>
        %select_n3A_180 = arith.select %gt3A_175, %select_n3A_167, %select_n3A_179 : vector<16xi1>, vector<16xf32>
        %select_n3A_181 = arith.select %gt3A_175, %broadcast_in_dim3A_169, %select_n3A_166 : vector<16xi1>, vector<16xi32>
        %select_n3A_182 = arith.select %gt3A_175, %get3A_174, %select_n3A_167 : vector<16xi1>, vector<16xf32>
        %broadcast_in_dim3A_183 = arith.constant 11 : i32
        %broadcast_in_dim3A_184 = vector.broadcast %broadcast_in_dim3A_183 : i32 to vector<16xi32>
        %get3A_185 = arith.constant 11 : i32
        %get3A_186 = arith.index_cast %get3A_185 : i32 to index
        %get3A_187 = arith.index_cast %mul3A_25 : i32 to index
        %get3A_188 = tpu.vector_load %arg7[%get3A_186, %get3A_187] {strides = array<i32>} : memref<64x256xf32, #tpu.memory_space<vmem>>, vector<1x16xf32>,
        %get3A_189 = vector.shape_cast %get3A_188 : vector<1x16xf32> to vector<16xf32>
        %gt3A_190 = arith.cmpf ogt, %get3A_189, %select_n3A_182 : vector<16xf32>
        %gt3A_191 = arith.cmpf ogt, %get3A_189, %select_n3A_180 : vector<16xf32>
        %select_n3A_192 = arith.select %gt3A_191, %broadcast_in_dim3A_184, %select_n3A_178 : vector<16xi1>, vector<16xi32>
        %select_n3A_193 = arith.select %gt3A_190, %select_n3A_181, %select_n3A_192 : vector<16xi1>, vector<16xi32>
        %select_n3A_194 = arith.select %gt3A_191, %get3A_189, %select_n3A_180 : vector<16xi1>, vector<16xf32>
        %select_n3A_195 = arith.select %gt3A_190, %select_n3A_182, %select_n3A_194 : vector<16xi1>, vector<16xf32>
        %select_n3A_196 = arith.select %gt3A_190, %broadcast_in_dim3A_184, %select_n3A_181 : vector<16xi1>, vector<16xi32>
        %select_n3A_197 = arith.select %gt3A_190, %get3A_189, %select_n3A_182 : vector<16xi1>, vector<16xf32>
        %broadcast_in_dim3A_198 = arith.constant 12 : i32
        %broadcast_in_dim3A_199 = vector.broadcast %broadcast_in_dim3A_198 : i32 to vector<16xi32>
        %get3A_200 = arith.constant 12 : i32
        %get3A_201 = arith.index_cast %get3A_200 : i32 to index
        %get3A_202 = arith.index_cast %mul3A_25 : i32 to index
        %get3A_203 = tpu.vector_load %arg7[%get3A_201, %get3A_202] {strides = array<i32>} : memref<64x256xf32, #tpu.memory_space<vmem>>, vector<1x16xf32>,
        %get3A_204 = vector.shape_cast %get3A_203 : vector<1x16xf32> to vector<16xf32>
        %gt3A_205 = arith.cmpf ogt, %get3A_204, %select_n3A_197 : vector<16xf32>
        %gt3A_206 = arith.cmpf ogt, %get3A_204, %select_n3A_195 : vector<16xf32>
        %select_n3A_207 = arith.select %gt3A_206, %broadcast_in_dim3A_199, %select_n3A_193 : vector<16xi1>, vector<16xi32>
        %select_n3A_208 = arith.select %gt3A_205, %select_n3A_196, %select_n3A_207 : vector<16xi1>, vector<16xi32>
        %select_n3A_209 = arith.select %gt3A_206, %get3A_204, %select_n3A_195 : vector<16xi1>, vector<16xf32>
        %select_n3A_210 = arith.select %gt3A_205, %select_n3A_197, %select_n3A_209 : vector<16xi1>, vector<16xf32>
        %select_n3A_211 = arith.select %gt3A_205, %broadcast_in_dim3A_199, %select_n3A_196 : vector<16xi1>, vector<16xi32>
        %select_n3A_212 = arith.select %gt3A_205, %get3A_204, %select_n3A_197 : vector<16xi1>, vector<16xf32>
        %broadcast_in_dim3A_213 = arith.constant 13 : i32
        %broadcast_in_dim3A_214 = vector.broadcast %broadcast_in_dim3A_213 : i32 to vector<16xi32>
        %get3A_215 = arith.constant 13 : i32
        %get3A_216 = arith.index_cast %get3A_215 : i32 to index
        %get3A_217 = arith.index_cast %mul3A_25 : i32 to index
        %get3A_218 = tpu.vector_load %arg7[%get3A_216, %get3A_217] {strides = array<i32>} : memref<64x256xf32, #tpu.memory_space<vmem>>, vector<1x16xf32>,
        %get3A_219 = vector.shape_cast %get3A_218 : vector<1x16xf32> to vector<16xf32>
        %gt3A_220 = arith.cmpf ogt, %get3A_219, %select_n3A_212 : vector<16xf32>
        %gt3A_221 = arith.cmpf ogt, %get3A_219, %select_n3A_210 : vector<16xf32>
        %select_n3A_222 = arith.select %gt3A_221, %broadcast_in_dim3A_214, %select_n3A_208 : vector<16xi1>, vector<16xi32>
        %select_n3A_223 = arith.select %gt3A_220, %select_n3A_211, %select_n3A_222 : vector<16xi1>, vector<16xi32>
        %select_n3A_224 = arith.select %gt3A_221, %get3A_219, %select_n3A_210 : vector<16xi1>, vector<16xf32>
        %select_n3A_225 = arith.select %gt3A_220, %select_n3A_212, %select_n3A_224 : vector<16xi1>, vector<16xf32>
        %select_n3A_226 = arith.select %gt3A_220, %broadcast_in_dim3A_214, %select_n3A_211 : vector<16xi1>, vector<16xi32>
        %select_n3A_227 = arith.select %gt3A_220, %get3A_219, %select_n3A_212 : vector<16xi1>, vector<16xf32>
        %broadcast_in_dim3A_228 = arith.constant 14 : i32
        %broadcast_in_dim3A_229 = vector.broadcast %broadcast_in_dim3A_228 : i32 to vector<16xi32>
        %get3A_230 = arith.constant 14 : i32
        %get3A_231 = arith.index_cast %get3A_230 : i32 to index
        %get3A_232 = arith.index_cast %mul3A_25 : i32 to index
        %get3A_233 = tpu.vector_load %arg7[%get3A_231, %get3A_232] {strides = array<i32>} : memref<64x256xf32, #tpu.memory_space<vmem>>, vector<1x16xf32>,
        %get3A_234 = vector.shape_cast %get3A_233 : vector<1x16xf32> to vector<16xf32>
        %gt3A_235 = arith.cmpf ogt, %get3A_234, %select_n3A_227 : vector<16xf32>
        %gt3A_236 = arith.cmpf ogt, %get3A_234, %select_n3A_225 : vector<16xf32>
        %select_n3A_237 = arith.select %gt3A_236, %broadcast_in_dim3A_229, %select_n3A_223 : vector<16xi1>, vector<16xi32>
        %select_n3A_238 = arith.select %gt3A_235, %select_n3A_226, %select_n3A_237 : vector<16xi1>, vector<16xi32>
        %select_n3A_239 = arith.select %gt3A_236, %get3A_234, %select_n3A_225 : vector<16xi1>, vector<16xf32>
        %select_n3A_240 = arith.select %gt3A_235, %select_n3A_227, %select_n3A_239 : vector<16xi1>, vector<16xf32>
        %select_n3A_241 = arith.select %gt3A_235, %broadcast_in_dim3A_229, %select_n3A_226 : vector<16xi1>, vector<16xi32>
        %select_n3A_242 = arith.select %gt3A_235, %get3A_234, %select_n3A_227 : vector<16xi1>, vector<16xf32>
        %broadcast_in_dim3A_243 = arith.constant 15 : i32
        %broadcast_in_dim3A_244 = vector.broadcast %broadcast_in_dim3A_243 : i32 to vector<16xi32>
        %get3A_245 = arith.constant 15 : i32
        %get3A_246 = arith.index_cast %get3A_245 : i32 to index
        %get3A_247 = arith.index_cast %mul3A_25 : i32 to index
        %get3A_248 = tpu.vector_load %arg7[%get3A_246, %get3A_247] {strides = array<i32>} : memref<64x256xf32, #tpu.memory_space<vmem>>, vector<1x16xf32>,
        %get3A_249 = vector.shape_cast %get3A_248 : vector<1x16xf32> to vector<16xf32>
        %gt3A_250 = arith.cmpf ogt, %get3A_249, %select_n3A_242 : vector<16xf32>
        %gt3A_251 = arith.cmpf ogt, %get3A_249, %select_n3A_240 : vector<16xf32>
        %select_n3A_252 = arith.select %gt3A_251, %broadcast_in_dim3A_244, %select_n3A_238 : vector<16xi1>, vector<16xi32>
        %select_n3A_253 = arith.select %gt3A_250, %select_n3A_241, %select_n3A_252 : vector<16xi1>, vector<16xi32>
        %select_n3A_254 = arith.select %gt3A_251, %get3A_249, %select_n3A_240 : vector<16xi1>, vector<16xf32>
        %select_n3A_255 = arith.select %gt3A_250, %select_n3A_242, %select_n3A_254 : vector<16xi1>, vector<16xf32>
        %select_n3A_256 = arith.select %gt3A_250, %broadcast_in_dim3A_244, %select_n3A_241 : vector<16xi1>, vector<16xi32>
        %select_n3A_257 = arith.select %gt3A_250, %get3A_249, %select_n3A_242 : vector<16xi1>, vector<16xf32>
        %broadcast_in_dim3A_258 = arith.constant 16 : i32
        %broadcast_in_dim3A_259 = vector.broadcast %broadcast_in_dim3A_258 : i32 to vector<16xi32>
        %get3A_260 = arith.constant 16 : i32
        %get3A_261 = arith.index_cast %get3A_260 : i32 to index
        %get3A_262 = arith.index_cast %mul3A_25 : i32 to index
        %get3A_263 = tpu.vector_load %arg7[%get3A_261, %get3A_262] {strides = array<i32>} : memref<64x256xf32, #tpu.memory_space<vmem>>, vector<1x16xf32>,
        %get3A_264 = vector.shape_cast %get3A_263 : vector<1x16xf32> to vector<16xf32>
        %gt3A_265 = arith.cmpf ogt, %get3A_264, %select_n3A_257 : vector<16xf32>
        %gt3A_266 = arith.cmpf ogt, %get3A_264, %select_n3A_255 : vector<16xf32>
        %select_n3A_267 = arith.select %gt3A_266, %broadcast_in_dim3A_259, %select_n3A_253 : vector<16xi1>, vector<16xi32>
        %select_n3A_268 = arith.select %gt3A_265, %select_n3A_256, %select_n3A_267 : vector<16xi1>, vector<16xi32>
        %select_n3A_269 = arith.select %gt3A_266, %get3A_264, %select_n3A_255 : vector<16xi1>, vector<16xf32>
        %select_n3A_270 = arith.select %gt3A_265, %select_n3A_257, %select_n3A_269 : vector<16xi1>, vector<16xf32>
        %select_n3A_271 = arith.select %gt3A_265, %broadcast_in_dim3A_259, %select_n3A_256 : vector<16xi1>, vector<16xi32>
        %select_n3A_272 = arith.select %gt3A_265, %get3A_264, %select_n3A_257 : vector<16xi1>, vector<16xf32>
        %broadcast_in_dim3A_273 = arith.constant 17 : i32
        %broadcast_in_dim3A_274 = vector.broadcast %broadcast_in_dim3A_273 : i32 to vector<16xi32>
        %get3A_275 = arith.constant 17 : i32
        %get3A_276 = arith.index_cast %get3A_275 : i32 to index
        %get3A_277 = arith.index_cast %mul3A_25 : i32 to index
        %get3A_278 = tpu.vector_load %arg7[%get3A_276, %get3A_277] {strides = array<i32>} : memref<64x256xf32, #tpu.memory_space<vmem>>, vector<1x16xf32>,
        %get3A_279 = vector.shape_cast %get3A_278 : vector<1x16xf32> to vector<16xf32>
        %gt3A_280 = arith.cmpf ogt, %get3A_279, %select_n3A_272 : vector<16xf32>
        %gt3A_281 = arith.cmpf ogt, %get3A_279, %select_n3A_270 : vector<16xf32>
        %select_n3A_282 = arith.select %gt3A_281, %broadcast_in_dim3A_274, %select_n3A_268 : vector<16xi1>, vector<16xi32>
        %select_n3A_283 = arith.select %gt3A_280, %select_n3A_271, %select_n3A_282 : vector<16xi1>, vector<16xi32>
        %select_n3A_284 = arith.select %gt3A_281, %get3A_279, %select_n3A_270 : vector<16xi1>, vector<16xf32>
        %select_n3A_285 = arith.select %gt3A_280, %select_n3A_272, %select_n3A_284 : vector<16xi1>, vector<16xf32>
        %select_n3A_286 = arith.select %gt3A_280, %broadcast_in_dim3A_274, %select_n3A_271 : vector<16xi1>, vector<16xi32>
        %select_n3A_287 = arith.select %gt3A_280, %get3A_279, %select_n3A_272 : vector<16xi1>, vector<16xf32>
        %broadcast_in_dim3A_288 = arith.constant 18 : i32
        %broadcast_in_dim3A_289 = vector.broadcast %broadcast_in_dim3A_288 : i32 to vector<16xi32>
        %get3A_290 = arith.constant 18 : i32
        %get3A_291 = arith.index_cast %get3A_290 : i32 to index
        %get3A_292 = arith.index_cast %mul3A_25 : i32 to index
        %get3A_293 = tpu.vector_load %arg7[%get3A_291, %get3A_292] {strides = array<i32>} : memref<64x256xf32, #tpu.memory_space<vmem>>, vector<1x16xf32>,
        %get3A_294 = vector.shape_cast %get3A_293 : vector<1x16xf32> to vector<16xf32>
        %gt3A_295 = arith.cmpf ogt, %get3A_294, %select_n3A_287 : vector<16xf32>
        %gt3A_296 = arith.cmpf ogt, %get3A_294, %select_n3A_285 : vector<16xf32>
        %select_n3A_297 = arith.select %gt3A_296, %broadcast_in_dim3A_289, %select_n3A_283 : vector<16xi1>, vector<16xi32>
        %select_n3A_298 = arith.select %gt3A_295, %select_n3A_286, %select_n3A_297 : vector<16xi1>, vector<16xi32>
        %select_n3A_299 = arith.select %gt3A_296, %get3A_294, %select_n3A_285 : vector<16xi1>, vector<16xf32>
        %select_n3A_300 = arith.select %gt3A_295, %select_n3A_287, %select_n3A_299 : vector<16xi1>, vector<16xf32>
        %select_n3A_301 = arith.select %gt3A_295, %broadcast_in_dim3A_289, %select_n3A_286 : vector<16xi1>, vector<16xi32>
        %select_n3A_302 = arith.select %gt3A_295, %get3A_294, %select_n3A_287 : vector<16xi1>, vector<16xf32>
        %broadcast_in_dim3A_303 = arith.constant 19 : i32
        %broadcast_in_dim3A_304 = vector.broadcast %broadcast_in_dim3A_303 : i32 to vector<16xi32>
        %get3A_305 = arith.constant 19 : i32
        %get3A_306 = arith.index_cast %get3A_305 : i32 to index
        %get3A_307 = arith.index_cast %mul3A_25 : i32 to index
        %get3A_308 = tpu.vector_load %arg7[%get3A_306, %get3A_307] {strides = array<i32>} : memref<64x256xf32, #tpu.memory_space<vmem>>, vector<1x16xf32>,
        %get3A_309 = vector.shape_cast %get3A_308 : vector<1x16xf32> to vector<16xf32>
        %gt3A_310 = arith.cmpf ogt, %get3A_309, %select_n3A_302 : vector<16xf32>
        %gt3A_311 = arith.cmpf ogt, %get3A_309, %select_n3A_300 : vector<16xf32>
        %select_n3A_312 = arith.select %gt3A_311, %broadcast_in_dim3A_304, %select_n3A_298 : vector<16xi1>, vector<16xi32>
        %select_n3A_313 = arith.select %gt3A_310, %select_n3A_301, %select_n3A_312 : vector<16xi1>, vector<16xi32>
        %select_n3A_314 = arith.select %gt3A_311, %get3A_309, %select_n3A_300 : vector<16xi1>, vector<16xf32>
        %select_n3A_315 = arith.select %gt3A_310, %select_n3A_302, %select_n3A_314 : vector<16xi1>, vector<16xf32>
        %select_n3A_316 = arith.select %gt3A_310, %broadcast_in_dim3A_304, %select_n3A_301 : vector<16xi1>, vector<16xi32>
        %select_n3A_317 = arith.select %gt3A_310, %get3A_309, %select_n3A_302 : vector<16xi1>, vector<16xf32>
        %broadcast_in_dim3A_318 = arith.constant 20 : i32
        %broadcast_in_dim3A_319 = vector.broadcast %broadcast_in_dim3A_318 : i32 to vector<16xi32>
        %get3A_320 = arith.constant 20 : i32
        %get3A_321 = arith.index_cast %get3A_320 : i32 to index
        %get3A_322 = arith.index_cast %mul3A_25 : i32 to index
        %get3A_323 = tpu.vector_load %arg7[%get3A_321, %get3A_322] {strides = array<i32>} : memref<64x256xf32, #tpu.memory_space<vmem>>, vector<1x16xf32>,
        %get3A_324 = vector.shape_cast %get3A_323 : vector<1x16xf32> to vector<16xf32>
        %gt3A_325 = arith.cmpf ogt, %get3A_324, %select_n3A_317 : vector<16xf32>
        %gt3A_326 = arith.cmpf ogt, %get3A_324, %select_n3A_315 : vector<16xf32>
        %select_n3A_327 = arith.select %gt3A_326, %broadcast_in_dim3A_319, %select_n3A_313 : vector<16xi1>, vector<16xi32>
        %select_n3A_328 = arith.select %gt3A_325, %select_n3A_316, %select_n3A_327 : vector<16xi1>, vector<16xi32>
        %select_n3A_329 = arith.select %gt3A_326, %get3A_324, %select_n3A_315 : vector<16xi1>, vector<16xf32>
        %select_n3A_330 = arith.select %gt3A_325, %select_n3A_317, %select_n3A_329 : vector<16xi1>, vector<16xf32>
        %select_n3A_331 = arith.select %gt3A_325, %broadcast_in_dim3A_319, %select_n3A_316 : vector<16xi1>, vector<16xi32>
        %select_n3A_332 = arith.select %gt3A_325, %get3A_324, %select_n3A_317 : vector<16xi1>, vector<16xf32>
        %broadcast_in_dim3A_333 = arith.constant 21 : i32
        %broadcast_in_dim3A_334 = vector.broadcast %broadcast_in_dim3A_333 : i32 to vector<16xi32>
        %get3A_335 = arith.constant 21 : i32
        %get3A_336 = arith.index_cast %get3A_335 : i32 to index
        %get3A_337 = arith.index_cast %mul3A_25 : i32 to index
        %get3A_338 = tpu.vector_load %arg7[%get3A_336, %get3A_337] {strides = array<i32>} : memref<64x256xf32, #tpu.memory_space<vmem>>, vector<1x16xf32>,
        %get3A_339 = vector.shape_cast %get3A_338 : vector<1x16xf32> to vector<16xf32>
        %gt3A_340 = arith.cmpf ogt, %get3A_339, %select_n3A_332 : vector<16xf32>
        %gt3A_341 = arith.cmpf ogt, %get3A_339, %select_n3A_330 : vector<16xf32>
        %select_n3A_342 = arith.select %gt3A_341, %broadcast_in_dim3A_334, %select_n3A_328 : vector<16xi1>, vector<16xi32>
        %select_n3A_343 = arith.select %gt3A_340, %select_n3A_331, %select_n3A_342 : vector<16xi1>, vector<16xi32>
        %select_n3A_344 = arith.select %gt3A_341, %get3A_339, %select_n3A_330 : vector<16xi1>, vector<16xf32>
        %select_n3A_345 = arith.select %gt3A_340, %select_n3A_332, %select_n3A_344 : vector<16xi1>, vector<16xf32>
        %select_n3A_346 = arith.select %gt3A_340, %broadcast_in_dim3A_334, %select_n3A_331 : vector<16xi1>, vector<16xi32>
        %select_n3A_347 = arith.select %gt3A_340, %get3A_339, %select_n3A_332 : vector<16xi1>, vector<16xf32>
        %broadcast_in_dim3A_348 = arith.constant 22 : i32
        %broadcast_in_dim3A_349 = vector.broadcast %broadcast_in_dim3A_348 : i32 to vector<16xi32>
        %get3A_350 = arith.constant 22 : i32
        %get3A_351 = arith.index_cast %get3A_350 : i32 to index
        %get3A_352 = arith.index_cast %mul3A_25 : i32 to index
        %get3A_353 = tpu.vector_load %arg7[%get3A_351, %get3A_352] {strides = array<i32>} : memref<64x256xf32, #tpu.memory_space<vmem>>, vector<1x16xf32>,
        %get3A_354 = vector.shape_cast %get3A_353 : vector<1x16xf32> to vector<16xf32>
        %gt3A_355 = arith.cmpf ogt, %get3A_354, %select_n3A_347 : vector<16xf32>
        %gt3A_356 = arith.cmpf ogt, %get3A_354, %select_n3A_345 : vector<16xf32>
        %select_n3A_357 = arith.select %gt3A_356, %broadcast_in_dim3A_349, %select_n3A_343 : vector<16xi1>, vector<16xi32>
        %select_n3A_358 = arith.select %gt3A_355, %select_n3A_346, %select_n3A_357 : vector<16xi1>, vector<16xi32>
        %select_n3A_359 = arith.select %gt3A_356, %get3A_354, %select_n3A_345 : vector<16xi1>, vector<16xf32>
        %select_n3A_360 = arith.select %gt3A_355, %select_n3A_347, %select_n3A_359 : vector<16xi1>, vector<16xf32>
        %select_n3A_361 = arith.select %gt3A_355, %broadcast_in_dim3A_349, %select_n3A_346 : vector<16xi1>, vector<16xi32>
        %select_n3A_362 = arith.select %gt3A_355, %get3A_354, %select_n3A_347 : vector<16xi1>, vector<16xf32>
        %broadcast_in_dim3A_363 = arith.constant 23 : i32
        %broadcast_in_dim3A_364 = vector.broadcast %broadcast_in_dim3A_363 : i32 to vector<16xi32>
        %get3A_365 = arith.constant 23 : i32
        %get3A_366 = arith.index_cast %get3A_365 : i32 to index
        %get3A_367 = arith.index_cast %mul3A_25 : i32 to index
        %get3A_368 = tpu.vector_load %arg7[%get3A_366, %get3A_367] {strides = array<i32>} : memref<64x256xf32, #tpu.memory_space<vmem>>, vector<1x16xf32>,
        %get3A_369 = vector.shape_cast %get3A_368 : vector<1x16xf32> to vector<16xf32>
        %gt3A_370 = arith.cmpf ogt, %get3A_369, %select_n3A_362 : vector<16xf32>
        %gt3A_371 = arith.cmpf ogt, %get3A_369, %select_n3A_360 : vector<16xf32>
        %select_n3A_372 = arith.select %gt3A_371, %broadcast_in_dim3A_364, %select_n3A_358 : vector<16xi1>, vector<16xi32>
        %select_n3A_373 = arith.select %gt3A_370, %select_n3A_361, %select_n3A_372 : vector<16xi1>, vector<16xi32>
        %select_n3A_374 = arith.select %gt3A_371, %get3A_369, %select_n3A_360 : vector<16xi1>, vector<16xf32>
        %select_n3A_375 = arith.select %gt3A_370, %select_n3A_362, %select_n3A_374 : vector<16xi1>, vector<16xf32>
        %select_n3A_376 = arith.select %gt3A_370, %broadcast_in_dim3A_364, %select_n3A_361 : vector<16xi1>, vector<16xi32>
        %select_n3A_377 = arith.select %gt3A_370, %get3A_369, %select_n3A_362 : vector<16xi1>, vector<16xf32>
        %broadcast_in_dim3A_378 = arith.constant 24 : i32
        %broadcast_in_dim3A_379 = vector.broadcast %broadcast_in_dim3A_378 : i32 to vector<16xi32>
        %get3A_380 = arith.constant 24 : i32
        %get3A_381 = arith.index_cast %get3A_380 : i32 to index
        %get3A_382 = arith.index_cast %mul3A_25 : i32 to index
        %get3A_383 = tpu.vector_load %arg7[%get3A_381, %get3A_382] {strides = array<i32>} : memref<64x256xf32, #tpu.memory_space<vmem>>, vector<1x16xf32>,
        %get3A_384 = vector.shape_cast %get3A_383 : vector<1x16xf32> to vector<16xf32>
        %gt3A_385 = arith.cmpf ogt, %get3A_384, %select_n3A_377 : vector<16xf32>
        %gt3A_386 = arith.cmpf ogt, %get3A_384, %select_n3A_375 : vector<16xf32>
        %select_n3A_387 = arith.select %gt3A_386, %broadcast_in_dim3A_379, %select_n3A_373 : vector<16xi1>, vector<16xi32>
        %select_n3A_388 = arith.select %gt3A_385, %select_n3A_376, %select_n3A_387 : vector<16xi1>, vector<16xi32>
        %select_n3A_389 = arith.select %gt3A_386, %get3A_384, %select_n3A_375 : vector<16xi1>, vector<16xf32>
        %select_n3A_390 = arith.select %gt3A_385, %select_n3A_377, %select_n3A_389 : vector<16xi1>, vector<16xf32>
        %select_n3A_391 = arith.select %gt3A_385, %broadcast_in_dim3A_379, %select_n3A_376 : vector<16xi1>, vector<16xi32>
        %select_n3A_392 = arith.select %gt3A_385, %get3A_384, %select_n3A_377 : vector<16xi1>, vector<16xf32>
        %broadcast_in_dim3A_393 = arith.constant 25 : i32
        %broadcast_in_dim3A_394 = vector.broadcast %broadcast_in_dim3A_393 : i32 to vector<16xi32>
        %get3A_395 = arith.constant 25 : i32
        %get3A_396 = arith.index_cast %get3A_395 : i32 to index
        %get3A_397 = arith.index_cast %mul3A_25 : i32 to index
        %get3A_398 = tpu.vector_load %arg7[%get3A_396, %get3A_397] {strides = array<i32>} : memref<64x256xf32, #tpu.memory_space<vmem>>, vector<1x16xf32>,
        %get3A_399 = vector.shape_cast %get3A_398 : vector<1x16xf32> to vector<16xf32>
        %gt3A_400 = arith.cmpf ogt, %get3A_399, %select_n3A_392 : vector<16xf32>
        %gt3A_401 = arith.cmpf ogt, %get3A_399, %select_n3A_390 : vector<16xf32>
        %select_n3A_402 = arith.select %gt3A_401, %broadcast_in_dim3A_394, %select_n3A_388 : vector<16xi1>, vector<16xi32>
        %select_n3A_403 = arith.select %gt3A_400, %select_n3A_391, %select_n3A_402 : vector<16xi1>, vector<16xi32>
        %select_n3A_404 = arith.select %gt3A_401, %get3A_399, %select_n3A_390 : vector<16xi1>, vector<16xf32>
        %select_n3A_405 = arith.select %gt3A_400, %select_n3A_392, %select_n3A_404 : vector<16xi1>, vector<16xf32>
        %select_n3A_406 = arith.select %gt3A_400, %broadcast_in_dim3A_394, %select_n3A_391 : vector<16xi1>, vector<16xi32>
        %select_n3A_407 = arith.select %gt3A_400, %get3A_399, %select_n3A_392 : vector<16xi1>, vector<16xf32>
        %broadcast_in_dim3A_408 = arith.constant 26 : i32
        %broadcast_in_dim3A_409 = vector.broadcast %broadcast_in_dim3A_408 : i32 to vector<16xi32>
        %get3A_410 = arith.constant 26 : i32
        %get3A_411 = arith.index_cast %get3A_410 : i32 to index
        %get3A_412 = arith.index_cast %mul3A_25 : i32 to index
        %get3A_413 = tpu.vector_load %arg7[%get3A_411, %get3A_412] {strides = array<i32>} : memref<64x256xf32, #tpu.memory_space<vmem>>, vector<1x16xf32>,
        %get3A_414 = vector.shape_cast %get3A_413 : vector<1x16xf32> to vector<16xf32>
        %gt3A_415 = arith.cmpf ogt, %get3A_414, %select_n3A_407 : vector<16xf32>
        %gt3A_416 = arith.cmpf ogt, %get3A_414, %select_n3A_405 : vector<16xf32>
        %select_n3A_417 = arith.select %gt3A_416, %broadcast_in_dim3A_409, %select_n3A_403 : vector<16xi1>, vector<16xi32>
        %select_n3A_418 = arith.select %gt3A_415, %select_n3A_406, %select_n3A_417 : vector<16xi1>, vector<16xi32>
        %select_n3A_419 = arith.select %gt3A_416, %get3A_414, %select_n3A_405 : vector<16xi1>, vector<16xf32>
        %select_n3A_420 = arith.select %gt3A_415, %select_n3A_407, %select_n3A_419 : vector<16xi1>, vector<16xf32>
        %select_n3A_421 = arith.select %gt3A_415, %broadcast_in_dim3A_409, %select_n3A_406 : vector<16xi1>, vector<16xi32>
        %select_n3A_422 = arith.select %gt3A_415, %get3A_414, %select_n3A_407 : vector<16xi1>, vector<16xf32>
        %broadcast_in_dim3A_423 = arith.constant 27 : i32
        %broadcast_in_dim3A_424 = vector.broadcast %broadcast_in_dim3A_423 : i32 to vector<16xi32>
        %get3A_425 = arith.constant 27 : i32
        %get3A_426 = arith.index_cast %get3A_425 : i32 to index
        %get3A_427 = arith.index_cast %mul3A_25 : i32 to index
        %get3A_428 = tpu.vector_load %arg7[%get3A_426, %get3A_427] {strides = array<i32>} : memref<64x256xf32, #tpu.memory_space<vmem>>, vector<1x16xf32>,
        %get3A_429 = vector.shape_cast %get3A_428 : vector<1x16xf32> to vector<16xf32>
        %gt3A_430 = arith.cmpf ogt, %get3A_429, %select_n3A_422 : vector<16xf32>
        %gt3A_431 = arith.cmpf ogt, %get3A_429, %select_n3A_420 : vector<16xf32>
        %select_n3A_432 = arith.select %gt3A_431, %broadcast_in_dim3A_424, %select_n3A_418 : vector<16xi1>, vector<16xi32>
        %select_n3A_433 = arith.select %gt3A_430, %select_n3A_421, %select_n3A_432 : vector<16xi1>, vector<16xi32>
        %select_n3A_434 = arith.select %gt3A_431, %get3A_429, %select_n3A_420 : vector<16xi1>, vector<16xf32>
        %select_n3A_435 = arith.select %gt3A_430, %select_n3A_422, %select_n3A_434 : vector<16xi1>, vector<16xf32>
        %select_n3A_436 = arith.select %gt3A_430, %broadcast_in_dim3A_424, %select_n3A_421 : vector<16xi1>, vector<16xi32>
        %select_n3A_437 = arith.select %gt3A_430, %get3A_429, %select_n3A_422 : vector<16xi1>, vector<16xf32>
        %broadcast_in_dim3A_438 = arith.constant 28 : i32
        %broadcast_in_dim3A_439 = vector.broadcast %broadcast_in_dim3A_438 : i32 to vector<16xi32>
        %get3A_440 = arith.constant 28 : i32
        %get3A_441 = arith.index_cast %get3A_440 : i32 to index
        %get3A_442 = arith.index_cast %mul3A_25 : i32 to index
        %get3A_443 = tpu.vector_load %arg7[%get3A_441, %get3A_442] {strides = array<i32>} : memref<64x256xf32, #tpu.memory_space<vmem>>, vector<1x16xf32>,
        %get3A_444 = vector.shape_cast %get3A_443 : vector<1x16xf32> to vector<16xf32>
        %gt3A_445 = arith.cmpf ogt, %get3A_444, %select_n3A_437 : vector<16xf32>
        %gt3A_446 = arith.cmpf ogt, %get3A_444, %select_n3A_435 : vector<16xf32>
        %select_n3A_447 = arith.select %gt3A_446, %broadcast_in_dim3A_439, %select_n3A_433 : vector<16xi1>, vector<16xi32>
        %select_n3A_448 = arith.select %gt3A_445, %select_n3A_436, %select_n3A_447 : vector<16xi1>, vector<16xi32>
        %select_n3A_449 = arith.select %gt3A_446, %get3A_444, %select_n3A_435 : vector<16xi1>, vector<16xf32>
        %select_n3A_450 = arith.select %gt3A_445, %select_n3A_437, %select_n3A_449 : vector<16xi1>, vector<16xf32>
        %select_n3A_451 = arith.select %gt3A_445, %broadcast_in_dim3A_439, %select_n3A_436 : vector<16xi1>, vector<16xi32>
        %select_n3A_452 = arith.select %gt3A_445, %get3A_444, %select_n3A_437 : vector<16xi1>, vector<16xf32>
        %broadcast_in_dim3A_453 = arith.constant 29 : i32
        %broadcast_in_dim3A_454 = vector.broadcast %broadcast_in_dim3A_453 : i32 to vector<16xi32>
        %get3A_455 = arith.constant 29 : i32
        %get3A_456 = arith.index_cast %get3A_455 : i32 to index
        %get3A_457 = arith.index_cast %mul3A_25 : i32 to index
        %get3A_458 = tpu.vector_load %arg7[%get3A_456, %get3A_457] {strides = array<i32>} : memref<64x256xf32, #tpu.memory_space<vmem>>, vector<1x16xf32>,
        %get3A_459 = vector.shape_cast %get3A_458 : vector<1x16xf32> to vector<16xf32>
        %gt3A_460 = arith.cmpf ogt, %get3A_459, %select_n3A_452 : vector<16xf32>
        %gt3A_461 = arith.cmpf ogt, %get3A_459, %select_n3A_450 : vector<16xf32>
        %select_n3A_462 = arith.select %gt3A_461, %broadcast_in_dim3A_454, %select_n3A_448 : vector<16xi1>, vector<16xi32>
        %select_n3A_463 = arith.select %gt3A_460, %select_n3A_451, %select_n3A_462 : vector<16xi1>, vector<16xi32>
        %select_n3A_464 = arith.select %gt3A_461, %get3A_459, %select_n3A_450 : vector<16xi1>, vector<16xf32>
        %select_n3A_465 = arith.select %gt3A_460, %select_n3A_452, %select_n3A_464 : vector<16xi1>, vector<16xf32>
        %select_n3A_466 = arith.select %gt3A_460, %broadcast_in_dim3A_454, %select_n3A_451 : vector<16xi1>, vector<16xi32>
        %select_n3A_467 = arith.select %gt3A_460, %get3A_459, %select_n3A_452 : vector<16xi1>, vector<16xf32>
        %broadcast_in_dim3A_468 = arith.constant 30 : i32
        %broadcast_in_dim3A_469 = vector.broadcast %broadcast_in_dim3A_468 : i32 to vector<16xi32>
        %get3A_470 = arith.constant 30 : i32
        %get3A_471 = arith.index_cast %get3A_470 : i32 to index
        %get3A_472 = arith.index_cast %mul3A_25 : i32 to index
        %get3A_473 = tpu.vector_load %arg7[%get3A_471, %get3A_472] {strides = array<i32>} : memref<64x256xf32, #tpu.memory_space<vmem>>, vector<1x16xf32>,
        %get3A_474 = vector.shape_cast %get3A_473 : vector<1x16xf32> to vector<16xf32>
        %gt3A_475 = arith.cmpf ogt, %get3A_474, %select_n3A_467 : vector<16xf32>
        %gt3A_476 = arith.cmpf ogt, %get3A_474, %select_n3A_465 : vector<16xf32>
        %select_n3A_477 = arith.select %gt3A_476, %broadcast_in_dim3A_469, %select_n3A_463 : vector<16xi1>, vector<16xi32>
        %select_n3A_478 = arith.select %gt3A_475, %select_n3A_466, %select_n3A_477 : vector<16xi1>, vector<16xi32>
        %select_n3A_479 = arith.select %gt3A_476, %get3A_474, %select_n3A_465 : vector<16xi1>, vector<16xf32>
        %select_n3A_480 = arith.select %gt3A_475, %select_n3A_467, %select_n3A_479 : vector<16xi1>, vector<16xf32>
        %select_n3A_481 = arith.select %gt3A_475, %broadcast_in_dim3A_469, %select_n3A_466 : vector<16xi1>, vector<16xi32>
        %select_n3A_482 = arith.select %gt3A_475, %get3A_474, %select_n3A_467 : vector<16xi1>, vector<16xf32>
        %broadcast_in_dim3A_483 = arith.constant 31 : i32
        %broadcast_in_dim3A_484 = vector.broadcast %broadcast_in_dim3A_483 : i32 to vector<16xi32>
        %get3A_485 = arith.constant 31 : i32
        %get3A_486 = arith.index_cast %get3A_485 : i32 to index
        %get3A_487 = arith.index_cast %mul3A_25 : i32 to index
        %get3A_488 = tpu.vector_load %arg7[%get3A_486, %get3A_487] {strides = array<i32>} : memref<64x256xf32, #tpu.memory_space<vmem>>, vector<1x16xf32>,
        %get3A_489 = vector.shape_cast %get3A_488 : vector<1x16xf32> to vector<16xf32>
        %gt3A_490 = arith.cmpf ogt, %get3A_489, %select_n3A_482 : vector<16xf32>
        %gt3A_491 = arith.cmpf ogt, %get3A_489, %select_n3A_480 : vector<16xf32>
        %select_n3A_492 = arith.select %gt3A_491, %broadcast_in_dim3A_484, %select_n3A_478 : vector<16xi1>, vector<16xi32>
        %select_n3A_493 = arith.select %gt3A_490, %select_n3A_481, %select_n3A_492 : vector<16xi1>, vector<16xi32>
        %select_n3A_494 = arith.select %gt3A_491, %get3A_489, %select_n3A_480 : vector<16xi1>, vector<16xf32>
        %select_n3A_495 = arith.select %gt3A_490, %select_n3A_482, %select_n3A_494 : vector<16xi1>, vector<16xf32>
        %select_n3A_496 = arith.select %gt3A_490, %broadcast_in_dim3A_484, %select_n3A_481 : vector<16xi1>, vector<16xi32>
        %select_n3A_497 = arith.select %gt3A_490, %get3A_489, %select_n3A_482 : vector<16xi1>, vector<16xf32>
        %broadcast_in_dim3A_498 = arith.constant 32 : i32
        %broadcast_in_dim3A_499 = vector.broadcast %broadcast_in_dim3A_498 : i32 to vector<16xi32>
        %get3A_500 = arith.constant 32 : i32
        %get3A_501 = arith.index_cast %get3A_500 : i32 to index
        %get3A_502 = arith.index_cast %mul3A_25 : i32 to index
        %get3A_503 = tpu.vector_load %arg7[%get3A_501, %get3A_502] {strides = array<i32>} : memref<64x256xf32, #tpu.memory_space<vmem>>, vector<1x16xf32>,
        %get3A_504 = vector.shape_cast %get3A_503 : vector<1x16xf32> to vector<16xf32>
        %gt3A_505 = arith.cmpf ogt, %get3A_504, %select_n3A_497 : vector<16xf32>
        %gt3A_506 = arith.cmpf ogt, %get3A_504, %select_n3A_495 : vector<16xf32>
        %select_n3A_507 = arith.select %gt3A_506, %broadcast_in_dim3A_499, %select_n3A_493 : vector<16xi1>, vector<16xi32>
        %select_n3A_508 = arith.select %gt3A_505, %select_n3A_496, %select_n3A_507 : vector<16xi1>, vector<16xi32>
        %select_n3A_509 = arith.select %gt3A_506, %get3A_504, %select_n3A_495 : vector<16xi1>, vector<16xf32>
        %select_n3A_510 = arith.select %gt3A_505, %select_n3A_497, %select_n3A_509 : vector<16xi1>, vector<16xf32>
        %select_n3A_511 = arith.select %gt3A_505, %broadcast_in_dim3A_499, %select_n3A_496 : vector<16xi1>, vector<16xi32>
        %select_n3A_512 = arith.select %gt3A_505, %get3A_504, %select_n3A_497 : vector<16xi1>, vector<16xf32>
        %broadcast_in_dim3A_513 = arith.constant 33 : i32
        %broadcast_in_dim3A_514 = vector.broadcast %broadcast_in_dim3A_513 : i32 to vector<16xi32>
        %get3A_515 = arith.constant 33 : i32
        %get3A_516 = arith.index_cast %get3A_515 : i32 to index
        %get3A_517 = arith.index_cast %mul3A_25 : i32 to index
        %get3A_518 = tpu.vector_load %arg7[%get3A_516, %get3A_517] {strides = array<i32>} : memref<64x256xf32, #tpu.memory_space<vmem>>, vector<1x16xf32>,
        %get3A_519 = vector.shape_cast %get3A_518 : vector<1x16xf32> to vector<16xf32>
        %gt3A_520 = arith.cmpf ogt, %get3A_519, %select_n3A_512 : vector<16xf32>
        %gt3A_521 = arith.cmpf ogt, %get3A_519, %select_n3A_510 : vector<16xf32>
        %select_n3A_522 = arith.select %gt3A_521, %broadcast_in_dim3A_514, %select_n3A_508 : vector<16xi1>, vector<16xi32>
        %select_n3A_523 = arith.select %gt3A_520, %select_n3A_511, %select_n3A_522 : vector<16xi1>, vector<16xi32>
        %select_n3A_524 = arith.select %gt3A_521, %get3A_519, %select_n3A_510 : vector<16xi1>, vector<16xf32>
        %select_n3A_525 = arith.select %gt3A_520, %select_n3A_512, %select_n3A_524 : vector<16xi1>, vector<16xf32>
        %select_n3A_526 = arith.select %gt3A_520, %broadcast_in_dim3A_514, %select_n3A_511 : vector<16xi1>, vector<16xi32>
        %select_n3A_527 = arith.select %gt3A_520, %get3A_519, %select_n3A_512 : vector<16xi1>, vector<16xf32>
        %broadcast_in_dim3A_528 = arith.constant 34 : i32
        %broadcast_in_dim3A_529 = vector.broadcast %broadcast_in_dim3A_528 : i32 to vector<16xi32>
        %get3A_530 = arith.constant 34 : i32
        %get3A_531 = arith.index_cast %get3A_530 : i32 to index
        %get3A_532 = arith.index_cast %mul3A_25 : i32 to index
        %get3A_533 = tpu.vector_load %arg7[%get3A_531, %get3A_532] {strides = array<i32>} : memref<64x256xf32, #tpu.memory_space<vmem>>, vector<1x16xf32>,
        %get3A_534 = vector.shape_cast %get3A_533 : vector<1x16xf32> to vector<16xf32>
        %gt3A_535 = arith.cmpf ogt, %get3A_534, %select_n3A_527 : vector<16xf32>
        %gt3A_536 = arith.cmpf ogt, %get3A_534, %select_n3A_525 : vector<16xf32>
        %select_n3A_537 = arith.select %gt3A_536, %broadcast_in_dim3A_529, %select_n3A_523 : vector<16xi1>, vector<16xi32>
        %select_n3A_538 = arith.select %gt3A_535, %select_n3A_526, %select_n3A_537 : vector<16xi1>, vector<16xi32>
        %select_n3A_539 = arith.select %gt3A_536, %get3A_534, %select_n3A_525 : vector<16xi1>, vector<16xf32>
        %select_n3A_540 = arith.select %gt3A_535, %select_n3A_527, %select_n3A_539 : vector<16xi1>, vector<16xf32>
        %select_n3A_541 = arith.select %gt3A_535, %broadcast_in_dim3A_529, %select_n3A_526 : vector<16xi1>, vector<16xi32>
        %select_n3A_542 = arith.select %gt3A_535, %get3A_534, %select_n3A_527 : vector<16xi1>, vector<16xf32>
        %broadcast_in_dim3A_543 = arith.constant 35 : i32
        %broadcast_in_dim3A_544 = vector.broadcast %broadcast_in_dim3A_543 : i32 to vector<16xi32>
        %get3A_545 = arith.constant 35 : i32
        %get3A_546 = arith.index_cast %get3A_545 : i32 to index
        %get3A_547 = arith.index_cast %mul3A_25 : i32 to index
        %get3A_548 = tpu.vector_load %arg7[%get3A_546, %get3A_547] {strides = array<i32>} : memref<64x256xf32, #tpu.memory_space<vmem>>, vector<1x16xf32>,
        %get3A_549 = vector.shape_cast %get3A_548 : vector<1x16xf32> to vector<16xf32>
        %gt3A_550 = arith.cmpf ogt, %get3A_549, %select_n3A_542 : vector<16xf32>
        %gt3A_551 = arith.cmpf ogt, %get3A_549, %select_n3A_540 : vector<16xf32>
        %select_n3A_552 = arith.select %gt3A_551, %broadcast_in_dim3A_544, %select_n3A_538 : vector<16xi1>, vector<16xi32>
        %select_n3A_553 = arith.select %gt3A_550, %select_n3A_541, %select_n3A_552 : vector<16xi1>, vector<16xi32>
        %select_n3A_554 = arith.select %gt3A_551, %get3A_549, %select_n3A_540 : vector<16xi1>, vector<16xf32>
        %select_n3A_555 = arith.select %gt3A_550, %select_n3A_542, %select_n3A_554 : vector<16xi1>, vector<16xf32>
        %select_n3A_556 = arith.select %gt3A_550, %broadcast_in_dim3A_544, %select_n3A_541 : vector<16xi1>, vector<16xi32>
        %select_n3A_557 = arith.select %gt3A_550, %get3A_549, %select_n3A_542 : vector<16xi1>, vector<16xf32>
        %broadcast_in_dim3A_558 = arith.constant 36 : i32
        %broadcast_in_dim3A_559 = vector.broadcast %broadcast_in_dim3A_558 : i32 to vector<16xi32>
        %get3A_560 = arith.constant 36 : i32
        %get3A_561 = arith.index_cast %get3A_560 : i32 to index
        %get3A_562 = arith.index_cast %mul3A_25 : i32 to index
        %get3A_563 = tpu.vector_load %arg7[%get3A_561, %get3A_562] {strides = array<i32>} : memref<64x256xf32, #tpu.memory_space<vmem>>, vector<1x16xf32>,
        %get3A_564 = vector.shape_cast %get3A_563 : vector<1x16xf32> to vector<16xf32>
        %gt3A_565 = arith.cmpf ogt, %get3A_564, %select_n3A_557 : vector<16xf32>
        %gt3A_566 = arith.cmpf ogt, %get3A_564, %select_n3A_555 : vector<16xf32>
        %select_n3A_567 = arith.select %gt3A_566, %broadcast_in_dim3A_559, %select_n3A_553 : vector<16xi1>, vector<16xi32>
        %select_n3A_568 = arith.select %gt3A_565, %select_n3A_556, %select_n3A_567 : vector<16xi1>, vector<16xi32>
        %select_n3A_569 = arith.select %gt3A_566, %get3A_564, %select_n3A_555 : vector<16xi1>, vector<16xf32>
        %select_n3A_570 = arith.select %gt3A_565, %select_n3A_557, %select_n3A_569 : vector<16xi1>, vector<16xf32>
        %select_n3A_571 = arith.select %gt3A_565, %broadcast_in_dim3A_559, %select_n3A_556 : vector<16xi1>, vector<16xi32>
        %select_n3A_572 = arith.select %gt3A_565, %get3A_564, %select_n3A_557 : vector<16xi1>, vector<16xf32>
        %broadcast_in_dim3A_573 = arith.constant 37 : i32
        %broadcast_in_dim3A_574 = vector.broadcast %broadcast_in_dim3A_573 : i32 to vector<16xi32>
        %get3A_575 = arith.constant 37 : i32
        %get3A_576 = arith.index_cast %get3A_575 : i32 to index
        %get3A_577 = arith.index_cast %mul3A_25 : i32 to index
        %get3A_578 = tpu.vector_load %arg7[%get3A_576, %get3A_577] {strides = array<i32>} : memref<64x256xf32, #tpu.memory_space<vmem>>, vector<1x16xf32>,
        %get3A_579 = vector.shape_cast %get3A_578 : vector<1x16xf32> to vector<16xf32>
        %gt3A_580 = arith.cmpf ogt, %get3A_579, %select_n3A_572 : vector<16xf32>
        %gt3A_581 = arith.cmpf ogt, %get3A_579, %select_n3A_570 : vector<16xf32>
        %select_n3A_582 = arith.select %gt3A_581, %broadcast_in_dim3A_574, %select_n3A_568 : vector<16xi1>, vector<16xi32>
        %select_n3A_583 = arith.select %gt3A_580, %select_n3A_571, %select_n3A_582 : vector<16xi1>, vector<16xi32>
        %select_n3A_584 = arith.select %gt3A_581, %get3A_579, %select_n3A_570 : vector<16xi1>, vector<16xf32>
        %select_n3A_585 = arith.select %gt3A_580, %select_n3A_572, %select_n3A_584 : vector<16xi1>, vector<16xf32>
        %select_n3A_586 = arith.select %gt3A_580, %broadcast_in_dim3A_574, %select_n3A_571 : vector<16xi1>, vector<16xi32>
        %select_n3A_587 = arith.select %gt3A_580, %get3A_579, %select_n3A_572 : vector<16xi1>, vector<16xf32>
        %broadcast_in_dim3A_588 = arith.constant 38 : i32
        %broadcast_in_dim3A_589 = vector.broadcast %broadcast_in_dim3A_588 : i32 to vector<16xi32>
        %get3A_590 = arith.constant 38 : i32
        %get3A_591 = arith.index_cast %get3A_590 : i32 to index
        %get3A_592 = arith.index_cast %mul3A_25 : i32 to index
        %get3A_593 = tpu.vector_load %arg7[%get3A_591, %get3A_592] {strides = array<i32>} : memref<64x256xf32, #tpu.memory_space<vmem>>, vector<1x16xf32>,
        %get3A_594 = vector.shape_cast %get3A_593 : vector<1x16xf32> to vector<16xf32>
        %gt3A_595 = arith.cmpf ogt, %get3A_594, %select_n3A_587 : vector<16xf32>
        %gt3A_596 = arith.cmpf ogt, %get3A_594, %select_n3A_585 : vector<16xf32>
        %select_n3A_597 = arith.select %gt3A_596, %broadcast_in_dim3A_589, %select_n3A_583 : vector<16xi1>, vector<16xi32>
        %select_n3A_598 = arith.select %gt3A_595, %select_n3A_586, %select_n3A_597 : vector<16xi1>, vector<16xi32>
        %select_n3A_599 = arith.select %gt3A_596, %get3A_594, %select_n3A_585 : vector<16xi1>, vector<16xf32>
        %select_n3A_600 = arith.select %gt3A_595, %select_n3A_587, %select_n3A_599 : vector<16xi1>, vector<16xf32>
        %select_n3A_601 = arith.select %gt3A_595, %broadcast_in_dim3A_589, %select_n3A_586 : vector<16xi1>, vector<16xi32>
        %select_n3A_602 = arith.select %gt3A_595, %get3A_594, %select_n3A_587 : vector<16xi1>, vector<16xf32>
        %broadcast_in_dim3A_603 = arith.constant 39 : i32
        %broadcast_in_dim3A_604 = vector.broadcast %broadcast_in_dim3A_603 : i32 to vector<16xi32>
        %get3A_605 = arith.constant 39 : i32
        %get3A_606 = arith.index_cast %get3A_605 : i32 to index
        %get3A_607 = arith.index_cast %mul3A_25 : i32 to index
        %get3A_608 = tpu.vector_load %arg7[%get3A_606, %get3A_607] {strides = array<i32>} : memref<64x256xf32, #tpu.memory_space<vmem>>, vector<1x16xf32>,
        %get3A_609 = vector.shape_cast %get3A_608 : vector<1x16xf32> to vector<16xf32>
        %gt3A_610 = arith.cmpf ogt, %get3A_609, %select_n3A_602 : vector<16xf32>
        %gt3A_611 = arith.cmpf ogt, %get3A_609, %select_n3A_600 : vector<16xf32>
        %select_n3A_612 = arith.select %gt3A_611, %broadcast_in_dim3A_604, %select_n3A_598 : vector<16xi1>, vector<16xi32>
        %select_n3A_613 = arith.select %gt3A_610, %select_n3A_601, %select_n3A_612 : vector<16xi1>, vector<16xi32>
        %select_n3A_614 = arith.select %gt3A_611, %get3A_609, %select_n3A_600 : vector<16xi1>, vector<16xf32>
        %select_n3A_615 = arith.select %gt3A_610, %select_n3A_602, %select_n3A_614 : vector<16xi1>, vector<16xf32>
        %select_n3A_616 = arith.select %gt3A_610, %broadcast_in_dim3A_604, %select_n3A_601 : vector<16xi1>, vector<16xi32>
        %select_n3A_617 = arith.select %gt3A_610, %get3A_609, %select_n3A_602 : vector<16xi1>, vector<16xf32>
        %broadcast_in_dim3A_618 = arith.constant 40 : i32
        %broadcast_in_dim3A_619 = vector.broadcast %broadcast_in_dim3A_618 : i32 to vector<16xi32>
        %get3A_620 = arith.constant 40 : i32
        %get3A_621 = arith.index_cast %get3A_620 : i32 to index
        %get3A_622 = arith.index_cast %mul3A_25 : i32 to index
        %get3A_623 = tpu.vector_load %arg7[%get3A_621, %get3A_622] {strides = array<i32>} : memref<64x256xf32, #tpu.memory_space<vmem>>, vector<1x16xf32>,
        %get3A_624 = vector.shape_cast %get3A_623 : vector<1x16xf32> to vector<16xf32>
        %gt3A_625 = arith.cmpf ogt, %get3A_624, %select_n3A_617 : vector<16xf32>
        %gt3A_626 = arith.cmpf ogt, %get3A_624, %select_n3A_615 : vector<16xf32>
        %select_n3A_627 = arith.select %gt3A_626, %broadcast_in_dim3A_619, %select_n3A_613 : vector<16xi1>, vector<16xi32>
        %select_n3A_628 = arith.select %gt3A_625, %select_n3A_616, %select_n3A_627 : vector<16xi1>, vector<16xi32>
        %select_n3A_629 = arith.select %gt3A_626, %get3A_624, %select_n3A_615 : vector<16xi1>, vector<16xf32>
        %select_n3A_630 = arith.select %gt3A_625, %select_n3A_617, %select_n3A_629 : vector<16xi1>, vector<16xf32>
        %select_n3A_631 = arith.select %gt3A_625, %broadcast_in_dim3A_619, %select_n3A_616 : vector<16xi1>, vector<16xi32>
        %select_n3A_632 = arith.select %gt3A_625, %get3A_624, %select_n3A_617 : vector<16xi1>, vector<16xf32>
        %broadcast_in_dim3A_633 = arith.constant 41 : i32
        %broadcast_in_dim3A_634 = vector.broadcast %broadcast_in_dim3A_633 : i32 to vector<16xi32>
        %get3A_635 = arith.constant 41 : i32
        %get3A_636 = arith.index_cast %get3A_635 : i32 to index
        %get3A_637 = arith.index_cast %mul3A_25 : i32 to index
        %get3A_638 = tpu.vector_load %arg7[%get3A_636, %get3A_637] {strides = array<i32>} : memref<64x256xf32, #tpu.memory_space<vmem>>, vector<1x16xf32>,
        %get3A_639 = vector.shape_cast %get3A_638 : vector<1x16xf32> to vector<16xf32>
        %gt3A_640 = arith.cmpf ogt, %get3A_639, %select_n3A_632 : vector<16xf32>
        %gt3A_641 = arith.cmpf ogt, %get3A_639, %select_n3A_630 : vector<16xf32>
        %select_n3A_642 = arith.select %gt3A_641, %broadcast_in_dim3A_634, %select_n3A_628 : vector<16xi1>, vector<16xi32>
        %select_n3A_643 = arith.select %gt3A_640, %select_n3A_631, %select_n3A_642 : vector<16xi1>, vector<16xi32>
        %select_n3A_644 = arith.select %gt3A_641, %get3A_639, %select_n3A_630 : vector<16xi1>, vector<16xf32>
        %select_n3A_645 = arith.select %gt3A_640, %select_n3A_632, %select_n3A_644 : vector<16xi1>, vector<16xf32>
        %select_n3A_646 = arith.select %gt3A_640, %broadcast_in_dim3A_634, %select_n3A_631 : vector<16xi1>, vector<16xi32>
        %select_n3A_647 = arith.select %gt3A_640, %get3A_639, %select_n3A_632 : vector<16xi1>, vector<16xf32>
        %broadcast_in_dim3A_648 = arith.constant 42 : i32
        %broadcast_in_dim3A_649 = vector.broadcast %broadcast_in_dim3A_648 : i32 to vector<16xi32>
        %get3A_650 = arith.constant 42 : i32
        %get3A_651 = arith.index_cast %get3A_650 : i32 to index
        %get3A_652 = arith.index_cast %mul3A_25 : i32 to index
        %get3A_653 = tpu.vector_load %arg7[%get3A_651, %get3A_652] {strides = array<i32>} : memref<64x256xf32, #tpu.memory_space<vmem>>, vector<1x16xf32>,
        %get3A_654 = vector.shape_cast %get3A_653 : vector<1x16xf32> to vector<16xf32>
        %gt3A_655 = arith.cmpf ogt, %get3A_654, %select_n3A_647 : vector<16xf32>
        %gt3A_656 = arith.cmpf ogt, %get3A_654, %select_n3A_645 : vector<16xf32>
        %select_n3A_657 = arith.select %gt3A_656, %broadcast_in_dim3A_649, %select_n3A_643 : vector<16xi1>, vector<16xi32>
        %select_n3A_658 = arith.select %gt3A_655, %select_n3A_646, %select_n3A_657 : vector<16xi1>, vector<16xi32>
        %select_n3A_659 = arith.select %gt3A_656, %get3A_654, %select_n3A_645 : vector<16xi1>, vector<16xf32>
        %select_n3A_660 = arith.select %gt3A_655, %select_n3A_647, %select_n3A_659 : vector<16xi1>, vector<16xf32>
        %select_n3A_661 = arith.select %gt3A_655, %broadcast_in_dim3A_649, %select_n3A_646 : vector<16xi1>, vector<16xi32>
        %select_n3A_662 = arith.select %gt3A_655, %get3A_654, %select_n3A_647 : vector<16xi1>, vector<16xf32>
        %broadcast_in_dim3A_663 = arith.constant 43 : i32
        %broadcast_in_dim3A_664 = vector.broadcast %broadcast_in_dim3A_663 : i32 to vector<16xi32>
        %get3A_665 = arith.constant 43 : i32
        %get3A_666 = arith.index_cast %get3A_665 : i32 to index
        %get3A_667 = arith.index_cast %mul3A_25 : i32 to index
        %get3A_668 = tpu.vector_load %arg7[%get3A_666, %get3A_667] {strides = array<i32>} : memref<64x256xf32, #tpu.memory_space<vmem>>, vector<1x16xf32>,
        %get3A_669 = vector.shape_cast %get3A_668 : vector<1x16xf32> to vector<16xf32>
        %gt3A_670 = arith.cmpf ogt, %get3A_669, %select_n3A_662 : vector<16xf32>
        %gt3A_671 = arith.cmpf ogt, %get3A_669, %select_n3A_660 : vector<16xf32>
        %select_n3A_672 = arith.select %gt3A_671, %broadcast_in_dim3A_664, %select_n3A_658 : vector<16xi1>, vector<16xi32>
        %select_n3A_673 = arith.select %gt3A_670, %select_n3A_661, %select_n3A_672 : vector<16xi1>, vector<16xi32>
        %select_n3A_674 = arith.select %gt3A_671, %get3A_669, %select_n3A_660 : vector<16xi1>, vector<16xf32>
        %select_n3A_675 = arith.select %gt3A_670, %select_n3A_662, %select_n3A_674 : vector<16xi1>, vector<16xf32>
        %select_n3A_676 = arith.select %gt3A_670, %broadcast_in_dim3A_664, %select_n3A_661 : vector<16xi1>, vector<16xi32>
        %select_n3A_677 = arith.select %gt3A_670, %get3A_669, %select_n3A_662 : vector<16xi1>, vector<16xf32>
        %broadcast_in_dim3A_678 = arith.constant 44 : i32
        %broadcast_in_dim3A_679 = vector.broadcast %broadcast_in_dim3A_678 : i32 to vector<16xi32>
        %get3A_680 = arith.constant 44 : i32
        %get3A_681 = arith.index_cast %get3A_680 : i32 to index
        %get3A_682 = arith.index_cast %mul3A_25 : i32 to index
        %get3A_683 = tpu.vector_load %arg7[%get3A_681, %get3A_682] {strides = array<i32>} : memref<64x256xf32, #tpu.memory_space<vmem>>, vector<1x16xf32>,
        %get3A_684 = vector.shape_cast %get3A_683 : vector<1x16xf32> to vector<16xf32>
        %gt3A_685 = arith.cmpf ogt, %get3A_684, %select_n3A_677 : vector<16xf32>
        %gt3A_686 = arith.cmpf ogt, %get3A_684, %select_n3A_675 : vector<16xf32>
        %select_n3A_687 = arith.select %gt3A_686, %broadcast_in_dim3A_679, %select_n3A_673 : vector<16xi1>, vector<16xi32>
        %select_n3A_688 = arith.select %gt3A_685, %select_n3A_676, %select_n3A_687 : vector<16xi1>, vector<16xi32>
        %select_n3A_689 = arith.select %gt3A_686, %get3A_684, %select_n3A_675 : vector<16xi1>, vector<16xf32>
        %select_n3A_690 = arith.select %gt3A_685, %select_n3A_677, %select_n3A_689 : vector<16xi1>, vector<16xf32>
        %select_n3A_691 = arith.select %gt3A_685, %broadcast_in_dim3A_679, %select_n3A_676 : vector<16xi1>, vector<16xi32>
        %select_n3A_692 = arith.select %gt3A_685, %get3A_684, %select_n3A_677 : vector<16xi1>, vector<16xf32>
        %broadcast_in_dim3A_693 = arith.constant 45 : i32
        %broadcast_in_dim3A_694 = vector.broadcast %broadcast_in_dim3A_693 : i32 to vector<16xi32>
        %get3A_695 = arith.constant 45 : i32
        %get3A_696 = arith.index_cast %get3A_695 : i32 to index
        %get3A_697 = arith.index_cast %mul3A_25 : i32 to index
        %get3A_698 = tpu.vector_load %arg7[%get3A_696, %get3A_697] {strides = array<i32>} : memref<64x256xf32, #tpu.memory_space<vmem>>, vector<1x16xf32>,
        %get3A_699 = vector.shape_cast %get3A_698 : vector<1x16xf32> to vector<16xf32>
        %gt3A_700 = arith.cmpf ogt, %get3A_699, %select_n3A_692 : vector<16xf32>
        %gt3A_701 = arith.cmpf ogt, %get3A_699, %select_n3A_690 : vector<16xf32>
        %select_n3A_702 = arith.select %gt3A_701, %broadcast_in_dim3A_694, %select_n3A_688 : vector<16xi1>, vector<16xi32>
        %select_n3A_703 = arith.select %gt3A_700, %select_n3A_691, %select_n3A_702 : vector<16xi1>, vector<16xi32>
        %select_n3A_704 = arith.select %gt3A_701, %get3A_699, %select_n3A_690 : vector<16xi1>, vector<16xf32>
        %select_n3A_705 = arith.select %gt3A_700, %select_n3A_692, %select_n3A_704 : vector<16xi1>, vector<16xf32>
        %select_n3A_706 = arith.select %gt3A_700, %broadcast_in_dim3A_694, %select_n3A_691 : vector<16xi1>, vector<16xi32>
        %select_n3A_707 = arith.select %gt3A_700, %get3A_699, %select_n3A_692 : vector<16xi1>, vector<16xf32>
        %broadcast_in_dim3A_708 = arith.constant 46 : i32
        %broadcast_in_dim3A_709 = vector.broadcast %broadcast_in_dim3A_708 : i32 to vector<16xi32>
        %get3A_710 = arith.constant 46 : i32
        %get3A_711 = arith.index_cast %get3A_710 : i32 to index
        %get3A_712 = arith.index_cast %mul3A_25 : i32 to index
        %get3A_713 = tpu.vector_load %arg7[%get3A_711, %get3A_712] {strides = array<i32>} : memref<64x256xf32, #tpu.memory_space<vmem>>, vector<1x16xf32>,
        %get3A_714 = vector.shape_cast %get3A_713 : vector<1x16xf32> to vector<16xf32>
        %gt3A_715 = arith.cmpf ogt, %get3A_714, %select_n3A_707 : vector<16xf32>
        %gt3A_716 = arith.cmpf ogt, %get3A_714, %select_n3A_705 : vector<16xf32>
        %select_n3A_717 = arith.select %gt3A_716, %broadcast_in_dim3A_709, %select_n3A_703 : vector<16xi1>, vector<16xi32>
        %select_n3A_718 = arith.select %gt3A_715, %select_n3A_706, %select_n3A_717 : vector<16xi1>, vector<16xi32>
        %select_n3A_719 = arith.select %gt3A_716, %get3A_714, %select_n3A_705 : vector<16xi1>, vector<16xf32>
        %select_n3A_720 = arith.select %gt3A_715, %select_n3A_707, %select_n3A_719 : vector<16xi1>, vector<16xf32>
        %select_n3A_721 = arith.select %gt3A_715, %broadcast_in_dim3A_709, %select_n3A_706 : vector<16xi1>, vector<16xi32>
        %select_n3A_722 = arith.select %gt3A_715, %get3A_714, %select_n3A_707 : vector<16xi1>, vector<16xf32>
        %broadcast_in_dim3A_723 = arith.constant 47 : i32
        %broadcast_in_dim3A_724 = vector.broadcast %broadcast_in_dim3A_723 : i32 to vector<16xi32>
        %get3A_725 = arith.constant 47 : i32
        %get3A_726 = arith.index_cast %get3A_725 : i32 to index
        %get3A_727 = arith.index_cast %mul3A_25 : i32 to index
        %get3A_728 = tpu.vector_load %arg7[%get3A_726, %get3A_727] {strides = array<i32>} : memref<64x256xf32, #tpu.memory_space<vmem>>, vector<1x16xf32>,
        %get3A_729 = vector.shape_cast %get3A_728 : vector<1x16xf32> to vector<16xf32>
        %gt3A_730 = arith.cmpf ogt, %get3A_729, %select_n3A_722 : vector<16xf32>
        %gt3A_731 = arith.cmpf ogt, %get3A_729, %select_n3A_720 : vector<16xf32>
        %select_n3A_732 = arith.select %gt3A_731, %broadcast_in_dim3A_724, %select_n3A_718 : vector<16xi1>, vector<16xi32>
        %select_n3A_733 = arith.select %gt3A_730, %select_n3A_721, %select_n3A_732 : vector<16xi1>, vector<16xi32>
        %select_n3A_734 = arith.select %gt3A_731, %get3A_729, %select_n3A_720 : vector<16xi1>, vector<16xf32>
        %select_n3A_735 = arith.select %gt3A_730, %select_n3A_722, %select_n3A_734 : vector<16xi1>, vector<16xf32>
        %select_n3A_736 = arith.select %gt3A_730, %broadcast_in_dim3A_724, %select_n3A_721 : vector<16xi1>, vector<16xi32>
        %select_n3A_737 = arith.select %gt3A_730, %get3A_729, %select_n3A_722 : vector<16xi1>, vector<16xf32>
        %broadcast_in_dim3A_738 = arith.constant 48 : i32
        %broadcast_in_dim3A_739 = vector.broadcast %broadcast_in_dim3A_738 : i32 to vector<16xi32>
        %get3A_740 = arith.constant 48 : i32
        %get3A_741 = arith.index_cast %get3A_740 : i32 to index
        %get3A_742 = arith.index_cast %mul3A_25 : i32 to index
        %get3A_743 = tpu.vector_load %arg7[%get3A_741, %get3A_742] {strides = array<i32>} : memref<64x256xf32, #tpu.memory_space<vmem>>, vector<1x16xf32>,
        %get3A_744 = vector.shape_cast %get3A_743 : vector<1x16xf32> to vector<16xf32>
        %gt3A_745 = arith.cmpf ogt, %get3A_744, %select_n3A_737 : vector<16xf32>
        %gt3A_746 = arith.cmpf ogt, %get3A_744, %select_n3A_735 : vector<16xf32>
        %select_n3A_747 = arith.select %gt3A_746, %broadcast_in_dim3A_739, %select_n3A_733 : vector<16xi1>, vector<16xi32>
        %select_n3A_748 = arith.select %gt3A_745, %select_n3A_736, %select_n3A_747 : vector<16xi1>, vector<16xi32>
        %select_n3A_749 = arith.select %gt3A_746, %get3A_744, %select_n3A_735 : vector<16xi1>, vector<16xf32>
        %select_n3A_750 = arith.select %gt3A_745, %select_n3A_737, %select_n3A_749 : vector<16xi1>, vector<16xf32>
        %select_n3A_751 = arith.select %gt3A_745, %broadcast_in_dim3A_739, %select_n3A_736 : vector<16xi1>, vector<16xi32>
        %select_n3A_752 = arith.select %gt3A_745, %get3A_744, %select_n3A_737 : vector<16xi1>, vector<16xf32>
        %broadcast_in_dim3A_753 = arith.constant 49 : i32
        %broadcast_in_dim3A_754 = vector.broadcast %broadcast_in_dim3A_753 : i32 to vector<16xi32>
        %get3A_755 = arith.constant 49 : i32
        %get3A_756 = arith.index_cast %get3A_755 : i32 to index
        %get3A_757 = arith.index_cast %mul3A_25 : i32 to index
        %get3A_758 = tpu.vector_load %arg7[%get3A_756, %get3A_757] {strides = array<i32>} : memref<64x256xf32, #tpu.memory_space<vmem>>, vector<1x16xf32>,
        %get3A_759 = vector.shape_cast %get3A_758 : vector<1x16xf32> to vector<16xf32>
        %gt3A_760 = arith.cmpf ogt, %get3A_759, %select_n3A_752 : vector<16xf32>
        %gt3A_761 = arith.cmpf ogt, %get3A_759, %select_n3A_750 : vector<16xf32>
        %select_n3A_762 = arith.select %gt3A_761, %broadcast_in_dim3A_754, %select_n3A_748 : vector<16xi1>, vector<16xi32>
        %select_n3A_763 = arith.select %gt3A_760, %select_n3A_751, %select_n3A_762 : vector<16xi1>, vector<16xi32>
        %select_n3A_764 = arith.select %gt3A_761, %get3A_759, %select_n3A_750 : vector<16xi1>, vector<16xf32>
        %select_n3A_765 = arith.select %gt3A_760, %select_n3A_752, %select_n3A_764 : vector<16xi1>, vector<16xf32>
        %select_n3A_766 = arith.select %gt3A_760, %broadcast_in_dim3A_754, %select_n3A_751 : vector<16xi1>, vector<16xi32>
        %select_n3A_767 = arith.select %gt3A_760, %get3A_759, %select_n3A_752 : vector<16xi1>, vector<16xf32>
        %broadcast_in_dim3A_768 = arith.constant 50 : i32
        %broadcast_in_dim3A_769 = vector.broadcast %broadcast_in_dim3A_768 : i32 to vector<16xi32>
        %get3A_770 = arith.constant 50 : i32
        %get3A_771 = arith.index_cast %get3A_770 : i32 to index
        %get3A_772 = arith.index_cast %mul3A_25 : i32 to index
        %get3A_773 = tpu.vector_load %arg7[%get3A_771, %get3A_772] {strides = array<i32>} : memref<64x256xf32, #tpu.memory_space<vmem>>, vector<1x16xf32>,
        %get3A_774 = vector.shape_cast %get3A_773 : vector<1x16xf32> to vector<16xf32>
        %gt3A_775 = arith.cmpf ogt, %get3A_774, %select_n3A_767 : vector<16xf32>
        %gt3A_776 = arith.cmpf ogt, %get3A_774, %select_n3A_765 : vector<16xf32>
        %select_n3A_777 = arith.select %gt3A_776, %broadcast_in_dim3A_769, %select_n3A_763 : vector<16xi1>, vector<16xi32>
        %select_n3A_778 = arith.select %gt3A_775, %select_n3A_766, %select_n3A_777 : vector<16xi1>, vector<16xi32>
        %select_n3A_779 = arith.select %gt3A_776, %get3A_774, %select_n3A_765 : vector<16xi1>, vector<16xf32>
        %select_n3A_780 = arith.select %gt3A_775, %select_n3A_767, %select_n3A_779 : vector<16xi1>, vector<16xf32>
        %select_n3A_781 = arith.select %gt3A_775, %broadcast_in_dim3A_769, %select_n3A_766 : vector<16xi1>, vector<16xi32>
        %select_n3A_782 = arith.select %gt3A_775, %get3A_774, %select_n3A_767 : vector<16xi1>, vector<16xf32>
        %broadcast_in_dim3A_783 = arith.constant 51 : i32
        %broadcast_in_dim3A_784 = vector.broadcast %broadcast_in_dim3A_783 : i32 to vector<16xi32>
        %get3A_785 = arith.constant 51 : i32
        %get3A_786 = arith.index_cast %get3A_785 : i32 to index
        %get3A_787 = arith.index_cast %mul3A_25 : i32 to index
        %get3A_788 = tpu.vector_load %arg7[%get3A_786, %get3A_787] {strides = array<i32>} : memref<64x256xf32, #tpu.memory_space<vmem>>, vector<1x16xf32>,
        %get3A_789 = vector.shape_cast %get3A_788 : vector<1x16xf32> to vector<16xf32>
        %gt3A_790 = arith.cmpf ogt, %get3A_789, %select_n3A_782 : vector<16xf32>
        %gt3A_791 = arith.cmpf ogt, %get3A_789, %select_n3A_780 : vector<16xf32>
        %select_n3A_792 = arith.select %gt3A_791, %broadcast_in_dim3A_784, %select_n3A_778 : vector<16xi1>, vector<16xi32>
        %select_n3A_793 = arith.select %gt3A_790, %select_n3A_781, %select_n3A_792 : vector<16xi1>, vector<16xi32>
        %select_n3A_794 = arith.select %gt3A_791, %get3A_789, %select_n3A_780 : vector<16xi1>, vector<16xf32>
        %select_n3A_795 = arith.select %gt3A_790, %select_n3A_782, %select_n3A_794 : vector<16xi1>, vector<16xf32>
        %select_n3A_796 = arith.select %gt3A_790, %broadcast_in_dim3A_784, %select_n3A_781 : vector<16xi1>, vector<16xi32>
        %select_n3A_797 = arith.select %gt3A_790, %get3A_789, %select_n3A_782 : vector<16xi1>, vector<16xf32>
        %broadcast_in_dim3A_798 = arith.constant 52 : i32
        %broadcast_in_dim3A_799 = vector.broadcast %broadcast_in_dim3A_798 : i32 to vector<16xi32>
        %get3A_800 = arith.constant 52 : i32
        %get3A_801 = arith.index_cast %get3A_800 : i32 to index
        %get3A_802 = arith.index_cast %mul3A_25 : i32 to index
        %get3A_803 = tpu.vector_load %arg7[%get3A_801, %get3A_802] {strides = array<i32>} : memref<64x256xf32, #tpu.memory_space<vmem>>, vector<1x16xf32>,
        %get3A_804 = vector.shape_cast %get3A_803 : vector<1x16xf32> to vector<16xf32>
        %gt3A_805 = arith.cmpf ogt, %get3A_804, %select_n3A_797 : vector<16xf32>
        %gt3A_806 = arith.cmpf ogt, %get3A_804, %select_n3A_795 : vector<16xf32>
        %select_n3A_807 = arith.select %gt3A_806, %broadcast_in_dim3A_799, %select_n3A_793 : vector<16xi1>, vector<16xi32>
        %select_n3A_808 = arith.select %gt3A_805, %select_n3A_796, %select_n3A_807 : vector<16xi1>, vector<16xi32>
        %select_n3A_809 = arith.select %gt3A_806, %get3A_804, %select_n3A_795 : vector<16xi1>, vector<16xf32>
        %select_n3A_810 = arith.select %gt3A_805, %select_n3A_797, %select_n3A_809 : vector<16xi1>, vector<16xf32>
        %select_n3A_811 = arith.select %gt3A_805, %broadcast_in_dim3A_799, %select_n3A_796 : vector<16xi1>, vector<16xi32>
        %select_n3A_812 = arith.select %gt3A_805, %get3A_804, %select_n3A_797 : vector<16xi1>, vector<16xf32>
        %broadcast_in_dim3A_813 = arith.constant 53 : i32
        %broadcast_in_dim3A_814 = vector.broadcast %broadcast_in_dim3A_813 : i32 to vector<16xi32>
        %get3A_815 = arith.constant 53 : i32
        %get3A_816 = arith.index_cast %get3A_815 : i32 to index
        %get3A_817 = arith.index_cast %mul3A_25 : i32 to index
        %get3A_818 = tpu.vector_load %arg7[%get3A_816, %get3A_817] {strides = array<i32>} : memref<64x256xf32, #tpu.memory_space<vmem>>, vector<1x16xf32>,
        %get3A_819 = vector.shape_cast %get3A_818 : vector<1x16xf32> to vector<16xf32>
        %gt3A_820 = arith.cmpf ogt, %get3A_819, %select_n3A_812 : vector<16xf32>
        %gt3A_821 = arith.cmpf ogt, %get3A_819, %select_n3A_810 : vector<16xf32>
        %select_n3A_822 = arith.select %gt3A_821, %broadcast_in_dim3A_814, %select_n3A_808 : vector<16xi1>, vector<16xi32>
        %select_n3A_823 = arith.select %gt3A_820, %select_n3A_811, %select_n3A_822 : vector<16xi1>, vector<16xi32>
        %select_n3A_824 = arith.select %gt3A_821, %get3A_819, %select_n3A_810 : vector<16xi1>, vector<16xf32>
        %select_n3A_825 = arith.select %gt3A_820, %select_n3A_812, %select_n3A_824 : vector<16xi1>, vector<16xf32>
        %select_n3A_826 = arith.select %gt3A_820, %broadcast_in_dim3A_814, %select_n3A_811 : vector<16xi1>, vector<16xi32>
        %select_n3A_827 = arith.select %gt3A_820, %get3A_819, %select_n3A_812 : vector<16xi1>, vector<16xf32>
        %broadcast_in_dim3A_828 = arith.constant 54 : i32
        %broadcast_in_dim3A_829 = vector.broadcast %broadcast_in_dim3A_828 : i32 to vector<16xi32>
        %get3A_830 = arith.constant 54 : i32
        %get3A_831 = arith.index_cast %get3A_830 : i32 to index
        %get3A_832 = arith.index_cast %mul3A_25 : i32 to index
        %get3A_833 = tpu.vector_load %arg7[%get3A_831, %get3A_832] {strides = array<i32>} : memref<64x256xf32, #tpu.memory_space<vmem>>, vector<1x16xf32>,
        %get3A_834 = vector.shape_cast %get3A_833 : vector<1x16xf32> to vector<16xf32>
        %gt3A_835 = arith.cmpf ogt, %get3A_834, %select_n3A_827 : vector<16xf32>
        %gt3A_836 = arith.cmpf ogt, %get3A_834, %select_n3A_825 : vector<16xf32>
        %select_n3A_837 = arith.select %gt3A_836, %broadcast_in_dim3A_829, %select_n3A_823 : vector<16xi1>, vector<16xi32>
        %select_n3A_838 = arith.select %gt3A_835, %select_n3A_826, %select_n3A_837 : vector<16xi1>, vector<16xi32>
        %select_n3A_839 = arith.select %gt3A_836, %get3A_834, %select_n3A_825 : vector<16xi1>, vector<16xf32>
        %select_n3A_840 = arith.select %gt3A_835, %select_n3A_827, %select_n3A_839 : vector<16xi1>, vector<16xf32>
        %select_n3A_841 = arith.select %gt3A_835, %broadcast_in_dim3A_829, %select_n3A_826 : vector<16xi1>, vector<16xi32>
        %select_n3A_842 = arith.select %gt3A_835, %get3A_834, %select_n3A_827 : vector<16xi1>, vector<16xf32>
        %broadcast_in_dim3A_843 = arith.constant 55 : i32
        %broadcast_in_dim3A_844 = vector.broadcast %broadcast_in_dim3A_843 : i32 to vector<16xi32>
        %get3A_845 = arith.constant 55 : i32
        %get3A_846 = arith.index_cast %get3A_845 : i32 to index
        %get3A_847 = arith.index_cast %mul3A_25 : i32 to index
        %get3A_848 = tpu.vector_load %arg7[%get3A_846, %get3A_847] {strides = array<i32>} : memref<64x256xf32, #tpu.memory_space<vmem>>, vector<1x16xf32>,
        %get3A_849 = vector.shape_cast %get3A_848 : vector<1x16xf32> to vector<16xf32>
        %gt3A_850 = arith.cmpf ogt, %get3A_849, %select_n3A_842 : vector<16xf32>
        %gt3A_851 = arith.cmpf ogt, %get3A_849, %select_n3A_840 : vector<16xf32>
        %select_n3A_852 = arith.select %gt3A_851, %broadcast_in_dim3A_844, %select_n3A_838 : vector<16xi1>, vector<16xi32>
        %select_n3A_853 = arith.select %gt3A_850, %select_n3A_841, %select_n3A_852 : vector<16xi1>, vector<16xi32>
        %select_n3A_854 = arith.select %gt3A_851, %get3A_849, %select_n3A_840 : vector<16xi1>, vector<16xf32>
        %select_n3A_855 = arith.select %gt3A_850, %select_n3A_842, %select_n3A_854 : vector<16xi1>, vector<16xf32>
        %select_n3A_856 = arith.select %gt3A_850, %broadcast_in_dim3A_844, %select_n3A_841 : vector<16xi1>, vector<16xi32>
        %select_n3A_857 = arith.select %gt3A_850, %get3A_849, %select_n3A_842 : vector<16xi1>, vector<16xf32>
        %broadcast_in_dim3A_858 = arith.constant 56 : i32
        %broadcast_in_dim3A_859 = vector.broadcast %broadcast_in_dim3A_858 : i32 to vector<16xi32>
        %get3A_860 = arith.constant 56 : i32
        %get3A_861 = arith.index_cast %get3A_860 : i32 to index
        %get3A_862 = arith.index_cast %mul3A_25 : i32 to index
        %get3A_863 = tpu.vector_load %arg7[%get3A_861, %get3A_862] {strides = array<i32>} : memref<64x256xf32, #tpu.memory_space<vmem>>, vector<1x16xf32>,
        %get3A_864 = vector.shape_cast %get3A_863 : vector<1x16xf32> to vector<16xf32>
        %gt3A_865 = arith.cmpf ogt, %get3A_864, %select_n3A_857 : vector<16xf32>
        %gt3A_866 = arith.cmpf ogt, %get3A_864, %select_n3A_855 : vector<16xf32>
        %select_n3A_867 = arith.select %gt3A_866, %broadcast_in_dim3A_859, %select_n3A_853 : vector<16xi1>, vector<16xi32>
        %select_n3A_868 = arith.select %gt3A_865, %select_n3A_856, %select_n3A_867 : vector<16xi1>, vector<16xi32>
        %select_n3A_869 = arith.select %gt3A_866, %get3A_864, %select_n3A_855 : vector<16xi1>, vector<16xf32>
        %select_n3A_870 = arith.select %gt3A_865, %select_n3A_857, %select_n3A_869 : vector<16xi1>, vector<16xf32>
        %select_n3A_871 = arith.select %gt3A_865, %broadcast_in_dim3A_859, %select_n3A_856 : vector<16xi1>, vector<16xi32>
        %select_n3A_872 = arith.select %gt3A_865, %get3A_864, %select_n3A_857 : vector<16xi1>, vector<16xf32>
        %broadcast_in_dim3A_873 = arith.constant 57 : i32
        %broadcast_in_dim3A_874 = vector.broadcast %broadcast_in_dim3A_873 : i32 to vector<16xi32>
        %get3A_875 = arith.constant 57 : i32
        %get3A_876 = arith.index_cast %get3A_875 : i32 to index
        %get3A_877 = arith.index_cast %mul3A_25 : i32 to index
        %get3A_878 = tpu.vector_load %arg7[%get3A_876, %get3A_877] {strides = array<i32>} : memref<64x256xf32, #tpu.memory_space<vmem>>, vector<1x16xf32>,
        %get3A_879 = vector.shape_cast %get3A_878 : vector<1x16xf32> to vector<16xf32>
        %gt3A_880 = arith.cmpf ogt, %get3A_879, %select_n3A_872 : vector<16xf32>
        %gt3A_881 = arith.cmpf ogt, %get3A_879, %select_n3A_870 : vector<16xf32>
        %select_n3A_882 = arith.select %gt3A_881, %broadcast_in_dim3A_874, %select_n3A_868 : vector<16xi1>, vector<16xi32>
        %select_n3A_883 = arith.select %gt3A_880, %select_n3A_871, %select_n3A_882 : vector<16xi1>, vector<16xi32>
        %select_n3A_884 = arith.select %gt3A_881, %get3A_879, %select_n3A_870 : vector<16xi1>, vector<16xf32>
        %select_n3A_885 = arith.select %gt3A_880, %select_n3A_872, %select_n3A_884 : vector<16xi1>, vector<16xf32>
        %select_n3A_886 = arith.select %gt3A_880, %broadcast_in_dim3A_874, %select_n3A_871 : vector<16xi1>, vector<16xi32>
        %select_n3A_887 = arith.select %gt3A_880, %get3A_879, %select_n3A_872 : vector<16xi1>, vector<16xf32>
        %broadcast_in_dim3A_888 = arith.constant 58 : i32
        %broadcast_in_dim3A_889 = vector.broadcast %broadcast_in_dim3A_888 : i32 to vector<16xi32>
        %get3A_890 = arith.constant 58 : i32
        %get3A_891 = arith.index_cast %get3A_890 : i32 to index
        %get3A_892 = arith.index_cast %mul3A_25 : i32 to index
        %get3A_893 = tpu.vector_load %arg7[%get3A_891, %get3A_892] {strides = array<i32>} : memref<64x256xf32, #tpu.memory_space<vmem>>, vector<1x16xf32>,
        %get3A_894 = vector.shape_cast %get3A_893 : vector<1x16xf32> to vector<16xf32>
        %gt3A_895 = arith.cmpf ogt, %get3A_894, %select_n3A_887 : vector<16xf32>
        %gt3A_896 = arith.cmpf ogt, %get3A_894, %select_n3A_885 : vector<16xf32>
        %select_n3A_897 = arith.select %gt3A_896, %broadcast_in_dim3A_889, %select_n3A_883 : vector<16xi1>, vector<16xi32>
        %select_n3A_898 = arith.select %gt3A_895, %select_n3A_886, %select_n3A_897 : vector<16xi1>, vector<16xi32>
        %select_n3A_899 = arith.select %gt3A_896, %get3A_894, %select_n3A_885 : vector<16xi1>, vector<16xf32>
        %select_n3A_900 = arith.select %gt3A_895, %select_n3A_887, %select_n3A_899 : vector<16xi1>, vector<16xf32>
        %select_n3A_901 = arith.select %gt3A_895, %broadcast_in_dim3A_889, %select_n3A_886 : vector<16xi1>, vector<16xi32>
        %select_n3A_902 = arith.select %gt3A_895, %get3A_894, %select_n3A_887 : vector<16xi1>, vector<16xf32>
        %broadcast_in_dim3A_903 = arith.constant 59 : i32
        %broadcast_in_dim3A_904 = vector.broadcast %broadcast_in_dim3A_903 : i32 to vector<16xi32>
        %get3A_905 = arith.constant 59 : i32
        %get3A_906 = arith.index_cast %get3A_905 : i32 to index
        %get3A_907 = arith.index_cast %mul3A_25 : i32 to index
        %get3A_908 = tpu.vector_load %arg7[%get3A_906, %get3A_907] {strides = array<i32>} : memref<64x256xf32, #tpu.memory_space<vmem>>, vector<1x16xf32>,
        %get3A_909 = vector.shape_cast %get3A_908 : vector<1x16xf32> to vector<16xf32>
        %gt3A_910 = arith.cmpf ogt, %get3A_909, %select_n3A_902 : vector<16xf32>
        %gt3A_911 = arith.cmpf ogt, %get3A_909, %select_n3A_900 : vector<16xf32>
        %select_n3A_912 = arith.select %gt3A_911, %broadcast_in_dim3A_904, %select_n3A_898 : vector<16xi1>, vector<16xi32>
        %select_n3A_913 = arith.select %gt3A_910, %select_n3A_901, %select_n3A_912 : vector<16xi1>, vector<16xi32>
        %select_n3A_914 = arith.select %gt3A_911, %get3A_909, %select_n3A_900 : vector<16xi1>, vector<16xf32>
        %select_n3A_915 = arith.select %gt3A_910, %select_n3A_902, %select_n3A_914 : vector<16xi1>, vector<16xf32>
        %select_n3A_916 = arith.select %gt3A_910, %broadcast_in_dim3A_904, %select_n3A_901 : vector<16xi1>, vector<16xi32>
        %select_n3A_917 = arith.select %gt3A_910, %get3A_909, %select_n3A_902 : vector<16xi1>, vector<16xf32>
        %broadcast_in_dim3A_918 = arith.constant 60 : i32
        %broadcast_in_dim3A_919 = vector.broadcast %broadcast_in_dim3A_918 : i32 to vector<16xi32>
        %get3A_920 = arith.constant 60 : i32
        %get3A_921 = arith.index_cast %get3A_920 : i32 to index
        %get3A_922 = arith.index_cast %mul3A_25 : i32 to index
        %get3A_923 = tpu.vector_load %arg7[%get3A_921, %get3A_922] {strides = array<i32>} : memref<64x256xf32, #tpu.memory_space<vmem>>, vector<1x16xf32>,
        %get3A_924 = vector.shape_cast %get3A_923 : vector<1x16xf32> to vector<16xf32>
        %gt3A_925 = arith.cmpf ogt, %get3A_924, %select_n3A_917 : vector<16xf32>
        %gt3A_926 = arith.cmpf ogt, %get3A_924, %select_n3A_915 : vector<16xf32>
        %select_n3A_927 = arith.select %gt3A_926, %broadcast_in_dim3A_919, %select_n3A_913 : vector<16xi1>, vector<16xi32>
        %select_n3A_928 = arith.select %gt3A_925, %select_n3A_916, %select_n3A_927 : vector<16xi1>, vector<16xi32>
        %select_n3A_929 = arith.select %gt3A_926, %get3A_924, %select_n3A_915 : vector<16xi1>, vector<16xf32>
        %select_n3A_930 = arith.select %gt3A_925, %select_n3A_917, %select_n3A_929 : vector<16xi1>, vector<16xf32>
        %select_n3A_931 = arith.select %gt3A_925, %broadcast_in_dim3A_919, %select_n3A_916 : vector<16xi1>, vector<16xi32>
        %select_n3A_932 = arith.select %gt3A_925, %get3A_924, %select_n3A_917 : vector<16xi1>, vector<16xf32>
        %broadcast_in_dim3A_933 = arith.constant 61 : i32
        %broadcast_in_dim3A_934 = vector.broadcast %broadcast_in_dim3A_933 : i32 to vector<16xi32>
        %get3A_935 = arith.constant 61 : i32
        %get3A_936 = arith.index_cast %get3A_935 : i32 to index
        %get3A_937 = arith.index_cast %mul3A_25 : i32 to index
        %get3A_938 = tpu.vector_load %arg7[%get3A_936, %get3A_937] {strides = array<i32>} : memref<64x256xf32, #tpu.memory_space<vmem>>, vector<1x16xf32>,
        %get3A_939 = vector.shape_cast %get3A_938 : vector<1x16xf32> to vector<16xf32>
        %gt3A_940 = arith.cmpf ogt, %get3A_939, %select_n3A_932 : vector<16xf32>
        %gt3A_941 = arith.cmpf ogt, %get3A_939, %select_n3A_930 : vector<16xf32>
        %select_n3A_942 = arith.select %gt3A_941, %broadcast_in_dim3A_934, %select_n3A_928 : vector<16xi1>, vector<16xi32>
        %select_n3A_943 = arith.select %gt3A_940, %select_n3A_931, %select_n3A_942 : vector<16xi1>, vector<16xi32>
        %select_n3A_944 = arith.select %gt3A_941, %get3A_939, %select_n3A_930 : vector<16xi1>, vector<16xf32>
        %select_n3A_945 = arith.select %gt3A_940, %select_n3A_932, %select_n3A_944 : vector<16xi1>, vector<16xf32>
        %select_n3A_946 = arith.select %gt3A_940, %broadcast_in_dim3A_934, %select_n3A_931 : vector<16xi1>, vector<16xi32>
        %select_n3A_947 = arith.select %gt3A_940, %get3A_939, %select_n3A_932 : vector<16xi1>, vector<16xf32>
        %broadcast_in_dim3A_948 = arith.constant 62 : i32
        %broadcast_in_dim3A_949 = vector.broadcast %broadcast_in_dim3A_948 : i32 to vector<16xi32>
        %get3A_950 = arith.constant 62 : i32
        %get3A_951 = arith.index_cast %get3A_950 : i32 to index
        %get3A_952 = arith.index_cast %mul3A_25 : i32 to index
        %get3A_953 = tpu.vector_load %arg7[%get3A_951, %get3A_952] {strides = array<i32>} : memref<64x256xf32, #tpu.memory_space<vmem>>, vector<1x16xf32>,
        %get3A_954 = vector.shape_cast %get3A_953 : vector<1x16xf32> to vector<16xf32>
        %gt3A_955 = arith.cmpf ogt, %get3A_954, %select_n3A_947 : vector<16xf32>
        %gt3A_956 = arith.cmpf ogt, %get3A_954, %select_n3A_945 : vector<16xf32>
        %select_n3A_957 = arith.select %gt3A_956, %broadcast_in_dim3A_949, %select_n3A_943 : vector<16xi1>, vector<16xi32>
        %select_n3A_958 = arith.select %gt3A_955, %select_n3A_946, %select_n3A_957 : vector<16xi1>, vector<16xi32>
        %select_n3A_959 = arith.select %gt3A_956, %get3A_954, %select_n3A_945 : vector<16xi1>, vector<16xf32>
        %select_n3A_960 = arith.select %gt3A_955, %select_n3A_947, %select_n3A_959 : vector<16xi1>, vector<16xf32>
        %select_n3A_961 = arith.select %gt3A_955, %broadcast_in_dim3A_949, %select_n3A_946 : vector<16xi1>, vector<16xi32>
        %select_n3A_962 = arith.select %gt3A_955, %get3A_954, %select_n3A_947 : vector<16xi1>, vector<16xf32>
        %broadcast_in_dim3A_963 = arith.constant 63 : i32
        %broadcast_in_dim3A_964 = vector.broadcast %broadcast_in_dim3A_963 : i32 to vector<16xi32>
        %get3A_965 = arith.constant 63 : i32
        %get3A_966 = arith.index_cast %get3A_965 : i32 to index
        %get3A_967 = arith.index_cast %mul3A_25 : i32 to index
        %get3A_968 = tpu.vector_load %arg7[%get3A_966, %get3A_967] {strides = array<i32>} : memref<64x256xf32, #tpu.memory_space<vmem>>, vector<1x16xf32>,
        %get3A_969 = vector.shape_cast %get3A_968 : vector<1x16xf32> to vector<16xf32>
        %gt3A_970 = arith.cmpf ogt, %get3A_969, %select_n3A_962 : vector<16xf32>
        %gt3A_971 = arith.cmpf ogt, %get3A_969, %select_n3A_960 : vector<16xf32>
        %select_n3A_972 = arith.select %gt3A_971, %broadcast_in_dim3A_964, %select_n3A_958 : vector<16xi1>, vector<16xi32>
        %select_n3A_973 = arith.select %gt3A_970, %select_n3A_961, %select_n3A_972 : vector<16xi1>, vector<16xi32>
        %select_n3A_974 = arith.select %gt3A_971, %get3A_969, %select_n3A_960 : vector<16xi1>, vector<16xf32>
        %select_n3A_975 = arith.select %gt3A_970, %select_n3A_962, %select_n3A_974 : vector<16xi1>, vector<16xf32>
        %select_n3A_976 = arith.select %gt3A_970, %broadcast_in_dim3A_964, %select_n3A_961 : vector<16xi1>, vector<16xi32>
        %select_n3A_977 = arith.select %gt3A_970, %get3A_969, %select_n3A_962 : vector<16xi1>, vector<16xf32>
        %sub3A = arith.subf %select_n3A_975, %select_n3A_977 : vector<16xf32>
        %exp3A = math.exp %sub3A : vector<16xf32>
        %add3A_978 = arith.constant 1.000000e+00 : f32
        %add3A_979 = vector.broadcast %add3A_978 : f32 to vector<16xf32>
        %add3A_980 = arith.addf %add3A_979, %exp3A : vector<16xf32>
        %div3A = arith.constant 1.000000e+00 : f32
        %div3A_981 = vector.broadcast %div3A : f32 to vector<16xf32>
        %div3A_982 = arith.divf %div3A_981, %add3A_980 : vector<16xf32>
        %mul3A_983 = arith.constant 256 : i32
        %mul3A_984 = arith.muli %scan3A_9, %mul3A_983 : i32
        %mul3A_985 = arith.constant 16 : i32
        %mul3A_986 = arith.muli %scan3A_22, %mul3A_985 : i32
        %add3A_987 = arith.addi %mul3A_984, %mul3A_986 : i32
        %swap3A = arith.index_cast %add3A_987 : i32 to index
        %swap3A_988 = tpu.vector_load %arg8[%swap3A] {strides = array<i32>} : memref<512xf32, #tpu.memory_space<vmem>>, vector<16xf32>,
        %swap3A_989 = vector.shape_cast %swap3A_988 : vector<16xf32> to vector<16xf32>
        %swap3A_990 = vector.shape_cast %div3A_982 : vector<16xf32> to vector<16xf32>
        tpu.vector_store %arg8[%swap3A], %swap3A_990 {strides = array<i32>} : memref<512xf32, #tpu.memory_space<vmem>>, vector<16xf32>,
        %sub3A_991 = arith.constant 1.000000e+00 : f32
        %sub3A_992 = vector.broadcast %sub3A_991 : f32 to vector<16xf32>
        %sub3A_993 = arith.subf %sub3A_992, %div3A_982 : vector<16xf32>
        %swap3A_994 = arith.index_cast %add3A_987 : i32 to index
        %swap3A_995 = tpu.vector_load %arg9[%swap3A_994] {strides = array<i32>} : memref<512xf32, #tpu.memory_space<vmem>>, vector<16xf32>,
        %swap3A_996 = vector.shape_cast %swap3A_995 : vector<16xf32> to vector<16xf32>
        %swap3A_997 = vector.shape_cast %sub3A_993 : vector<16xf32> to vector<16xf32>
        tpu.vector_store %arg9[%swap3A_994], %swap3A_997 {strides = array<i32>} : memref<512xf32, #tpu.memory_space<vmem>>, vector<16xf32>,
        %swap3A_998 = arith.index_cast %add3A_987 : i32 to index
        %swap3A_999 = tpu.vector_load %arg10[%swap3A_998] {strides = array<i32>} : memref<512xi32, #tpu.memory_space<vmem>>, vector<16xi32>,
        %swap3A_1000 = vector.shape_cast %swap3A_999 : vector<16xi32> to vector<16xi32>
        %swap3A_1001 = vector.shape_cast %select_n3A_976 : vector<16xi32> to vector<16xi32>
        tpu.vector_store %arg10[%swap3A_998], %swap3A_1001 {strides = array<i32>} : memref<512xi32, #tpu.memory_space<vmem>>, vector<16xi32>,
        %swap3A_1002 = arith.index_cast %add3A_987 : i32 to index
        %swap3A_1003 = tpu.vector_load %arg11[%swap3A_1002] {strides = array<i32>} : memref<512xi32, #tpu.memory_space<vmem>>, vector<16xi32>,
        %swap3A_1004 = vector.shape_cast %swap3A_1003 : vector<16xi32> to vector<16xi32>
        %swap3A_1005 = vector.shape_cast %select_n3A_973 : vector<16xi32> to vector<16xi32>
        tpu.vector_store %arg11[%swap3A_1002], %swap3A_1005 {strides = array<i32>} : memref<512xi32, #tpu.memory_space<vmem>>, vector<16xi32>,
        %scan3A_1006 = arith.constant 0 : i32
        scf.yield %scan3A_1006 : i32
      }
      %scan3A_20 = arith.constant 16 : i32
      %scan3A_21 = arith.constant 0 : i32
      scf.yield %scan3A_21 : i32
    }
    %scan3A_8 = arith.constant 2 : i32
    "tpu.region"() ({
      %run_scoped3A = tpu.sem_alloc : memref<!tpu.dma_semaphore, #tpu.memory_space<semaphore_mem>>
      %dma_start3A = tpu.memref_slice %arg3[%mul3A_2] : memref<16384xf32, #tpu.memory_space<hbm>> -> memref<512xf32, #tpu.memory_space<hbm>>
      %dma_start3A_9 = tpu.memref_slice %arg3[%mul3A_2] : memref<16384xf32, #tpu.memory_space<hbm>> -> memref<512xf32, #tpu.memory_space<hbm>>
      tpu.enqueue_dma source(%arg8 : memref<512xf32, #tpu.memory_space<vmem>>) target(%dma_start3A_9 : memref<512xf32, #tpu.memory_space<hbm>>) target_semaphore(%run_scoped3A : memref<!tpu.dma_semaphore, #tpu.memory_space<semaphore_mem>>)
      %dma_wait3A = tpu.memref_slice %arg3[%mul3A_2] : memref<16384xf32, #tpu.memory_space<hbm>> -> memref<512xf32, #tpu.memory_space<hbm>>
      %dma_wait3A_10 = tpu.memref_slice %arg3[%mul3A_2] : memref<16384xf32, #tpu.memory_space<hbm>> -> memref<512xf32, #tpu.memory_space<hbm>>
      tpu.wait_dma2 semaphore(%run_scoped3A : memref<!tpu.dma_semaphore, #tpu.memory_space<semaphore_mem>>) src(%arg8 : memref<512xf32, #tpu.memory_space<vmem>>) dst(%dma_wait3A_10 : memref<512xf32, #tpu.memory_space<hbm>>)
      tpu.yield
    }) : () -> ()
    "tpu.region"() ({
      %run_scoped3A = tpu.sem_alloc : memref<!tpu.dma_semaphore, #tpu.memory_space<semaphore_mem>>
      %dma_start3A = tpu.memref_slice %arg4[%mul3A_2] : memref<16384xf32, #tpu.memory_space<hbm>> -> memref<512xf32, #tpu.memory_space<hbm>>
      %dma_start3A_9 = tpu.memref_slice %arg4[%mul3A_2] : memref<16384xf32, #tpu.memory_space<hbm>> -> memref<512xf32, #tpu.memory_space<hbm>>
      tpu.enqueue_dma source(%arg9 : memref<512xf32, #tpu.memory_space<vmem>>) target(%dma_start3A_9 : memref<512xf32, #tpu.memory_space<hbm>>) target_semaphore(%run_scoped3A : memref<!tpu.dma_semaphore, #tpu.memory_space<semaphore_mem>>)
      %dma_wait3A = tpu.memref_slice %arg4[%mul3A_2] : memref<16384xf32, #tpu.memory_space<hbm>> -> memref<512xf32, #tpu.memory_space<hbm>>
      %dma_wait3A_10 = tpu.memref_slice %arg4[%mul3A_2] : memref<16384xf32, #tpu.memory_space<hbm>> -> memref<512xf32, #tpu.memory_space<hbm>>
      tpu.wait_dma2 semaphore(%run_scoped3A : memref<!tpu.dma_semaphore, #tpu.memory_space<semaphore_mem>>) src(%arg9 : memref<512xf32, #tpu.memory_space<vmem>>) dst(%dma_wait3A_10 : memref<512xf32, #tpu.memory_space<hbm>>)
      tpu.yield
    }) : () -> ()
    "tpu.region"() ({
      %run_scoped3A = tpu.sem_alloc : memref<!tpu.dma_semaphore, #tpu.memory_space<semaphore_mem>>
      %dma_start3A = tpu.memref_slice %arg5[%mul3A_2] : memref<16384xi32, #tpu.memory_space<hbm>> -> memref<512xi32, #tpu.memory_space<hbm>>
      %dma_start3A_9 = tpu.memref_slice %arg5[%mul3A_2] : memref<16384xi32, #tpu.memory_space<hbm>> -> memref<512xi32, #tpu.memory_space<hbm>>
      tpu.enqueue_dma source(%arg10 : memref<512xi32, #tpu.memory_space<vmem>>) target(%dma_start3A_9 : memref<512xi32, #tpu.memory_space<hbm>>) target_semaphore(%run_scoped3A : memref<!tpu.dma_semaphore, #tpu.memory_space<semaphore_mem>>)
      %dma_wait3A = tpu.memref_slice %arg5[%mul3A_2] : memref<16384xi32, #tpu.memory_space<hbm>> -> memref<512xi32, #tpu.memory_space<hbm>>
      %dma_wait3A_10 = tpu.memref_slice %arg5[%mul3A_2] : memref<16384xi32, #tpu.memory_space<hbm>> -> memref<512xi32, #tpu.memory_space<hbm>>
      tpu.wait_dma2 semaphore(%run_scoped3A : memref<!tpu.dma_semaphore, #tpu.memory_space<semaphore_mem>>) src(%arg10 : memref<512xi32, #tpu.memory_space<vmem>>) dst(%dma_wait3A_10 : memref<512xi32, #tpu.memory_space<hbm>>)
      tpu.yield
    }) : () -> ()
    "tpu.region"() ({
      %run_scoped3A = tpu.sem_alloc : memref<!tpu.dma_semaphore, #tpu.memory_space<semaphore_mem>>
      %dma_start3A = tpu.memref_slice %arg6[%mul3A_2] : memref<16384xi32, #tpu.memory_space<hbm>> -> memref<512xi32, #tpu.memory_space<hbm>>
      %dma_start3A_9 = tpu.memref_slice %arg6[%mul3A_2] : memref<16384xi32, #tpu.memory_space<hbm>> -> memref<512xi32, #tpu.memory_space<hbm>>
      tpu.enqueue_dma source(%arg11 : memref<512xi32, #tpu.memory_space<vmem>>) target(%dma_start3A_9 : memref<512xi32, #tpu.memory_space<hbm>>) target_semaphore(%run_scoped3A : memref<!tpu.dma_semaphore, #tpu.memory_space<semaphore_mem>>)
      %dma_wait3A = tpu.memref_slice %arg6[%mul3A_2] : memref<16384xi32, #tpu.memory_space<hbm>> -> memref<512xi32, #tpu.memory_space<hbm>>
      %dma_wait3A_10 = tpu.memref_slice %arg6[%mul3A_2] : memref<16384xi32, #tpu.memory_space<hbm>> -> memref<512xi32, #tpu.memory_space<hbm>>
      tpu.wait_dma2 semaphore(%run_scoped3A : memref<!tpu.dma_semaphore, #tpu.memory_space<semaphore_mem>>) src(%arg11 : memref<512xi32, #tpu.memory_space<vmem>>) dst(%dma_wait3A_10 : memref<512xi32, #tpu.memory_space<hbm>>)
      tpu.yield
    }) : () -> ()
    return
  }
}

module attributes {stable_mosaic.version = 14 : i64} {
  func.func @_scores_kernel(%arg0: i32, %arg1: memref<2048x768xf32, #tpu.memory_space<vmem>>, %arg2: memref<2048x768xf32, #tpu.memory_space<vmem>>, %arg3: memref<1536x64xf32, #tpu.memory_space<vmem>>, %arg4: memref<1x64xf32, #tpu.memory_space<vmem>>, %arg5: memref<64x2048xf32, #tpu.memory_space<vmem>>) attributes {dimension_semantics = [#tpu.dimension_semantics<arbitrary>], iteration_bounds = array<i64: 8>, scalar_prefetch = 0 : i64, scratch_operands = 0 : i64, tpu.core_type = #tpu.core_type<tc>, window_params = [{transform_indices = @transform_0, window_bounds = array<i64: 2048, 768>}, {transform_indices = @transform_1, window_bounds = array<i64: 2048, 768>}, {pipeline_mode = #tpu.pipeline_mode<synchronous>, transform_indices = @transform_2, window_bounds = array<i64: 1536, 64>}, {pipeline_mode = #tpu.pipeline_mode<synchronous>, transform_indices = @transform_3, window_bounds = array<i64: 1, 64>}, {transform_indices = @transform_4, window_bounds = array<i64: 64, 2048>}]} {
    %get3A = arith.constant 0 : index
    %get3A_0 = arith.constant 0 : index
    %get3A_1 = vector.load %arg1[%get3A, %get3A_0] : memref<2048x768xf32, #tpu.memory_space<vmem>>, vector<2048x768xf32>
    %get3A_2 = arith.constant 0 : index
    %get3A_3 = arith.constant 0 : index
    %get3A_4 = vector.load %arg2[%get3A_2, %get3A_3] : memref<2048x768xf32, #tpu.memory_space<vmem>>, vector<2048x768xf32>
    %mul3A = arith.mulf %get3A_1, %get3A_1 : vector<2048x768xf32>
    %mul3A_5 = arith.mulf %get3A_4, %get3A_4 : vector<2048x768xf32>
    %add3A = arith.addf %mul3A, %mul3A_5 : vector<2048x768xf32>
    %sqrt3A = math.sqrt %add3A : vector<2048x768xf32>
    %atan23A = math.atan2 %get3A_4, %get3A_1 : vector<2048x768xf32>
    %concatenate3A = tpu.concatenate %sqrt3A, %atan23A in 1 : vector<2048x768xf32>, vector<2048x768xf32> -> vector<2048x1536xf32>
    %get3A_6 = arith.constant 0 : index
    %get3A_7 = arith.constant 0 : index
    %get3A_8 = vector.load %arg3[%get3A_6, %get3A_7] : memref<1536x64xf32, #tpu.memory_space<vmem>>, vector<1536x64xf32>
    %dot_general3A = arith.constant dense<0.000000e+00> : vector<2048x64xf32>
    %dot_general3A_9 = tpu.matmul %concatenate3A, %get3A_8, %dot_general3A {dimension_numbers = #tpu.dot_dimension_numbers<[1], [0], [0], [1], [0, 0, 1, 1], [], []>, transpose_lhs_hint = false} : vector<2048x1536xf32>, vector<1536x64xf32>, vector<2048x64xf32> -> vector<2048x64xf32>
    %get3A_10 = arith.constant 0 : index
    %get3A_11 = arith.constant 0 : index
    %get3A_12 = vector.load %arg4[%get3A_10, %get3A_11] : memref<1x64xf32, #tpu.memory_space<vmem>>, vector<1x64xf32>
    %add3A_13 = vector.broadcast %get3A_12 : vector<1x64xf32> to vector<2048x64xf32>
    %add3A_14 = arith.addf %dot_general3A_9, %add3A_13 : vector<2048x64xf32>
    %transpose3A = tpu.transpose %add3A_14, [1, 0] : vector<2048x64xf32> -> vector<64x2048xf32>
    %swap3A = arith.constant 0 : index
    %swap3A_15 = arith.constant 0 : index
    %swap3A_16 = vector.load %arg5[%swap3A, %swap3A_15] : memref<64x2048xf32, #tpu.memory_space<vmem>>, vector<64x2048xf32>
    tpu.vector_store %arg5[%swap3A, %swap3A_15], %transpose3A {strides = array<i32>} : memref<64x2048xf32, #tpu.memory_space<vmem>>, vector<64x2048xf32>,
    return
  }
  func.func @transform_0(%arg0: i32) -> (i32, i32) {
    %c0_i32 = arith.constant 0 : i32
    %c0_i32_0 = arith.constant 0 : i32
    return %arg0, %c0_i32 : i32, i32
  }
  func.func @transform_1(%arg0: i32) -> (i32, i32) {
    %c0_i32 = arith.constant 0 : i32
    %c0_i32_0 = arith.constant 0 : i32
    return %arg0, %c0_i32 : i32, i32
  }
  func.func @transform_2(%arg0: i32) -> (i32, i32) {
    %c0_i32 = arith.constant 0 : i32
    %c0_i32_0 = arith.constant 0 : i32
    %c0_i32_1 = arith.constant 0 : i32
    return %c0_i32, %c0_i32_0 : i32, i32
  }
  func.func @transform_3(%arg0: i32) -> (i32, i32) {
    %c0_i32 = arith.constant 0 : i32
    %c0_i32_0 = arith.constant 0 : i32
    %c0_i32_1 = arith.constant 0 : i32
    return %c0_i32, %c0_i32_0 : i32, i32
  }
  func.func @transform_4(%arg0: i32) -> (i32, i32) {
    %c0_i32 = arith.constant 0 : i32
    %c0_i32_0 = arith.constant 0 : i32
    return %c0_i32, %arg0 : i32, i32
  }
}

</mosaic_0001>

<sc_bundles>
// kernel: kernel.6.cloned.1.call-start
scs
__scs_entry_jumppad:
0x0: {  	(pc) =	sbr.rel $0x88, $3  }
0x1: {  	(tag) =	ssettag $0x0;
	lr =	simm.s32 $0x1  }
0x2: {  	[smem:$0x3F9D] =	sst lr;
	_ =	strace $0xD0000000  }
0x3: {  	_ = 	snop  }
0x4: {  	_ = 	snop  }
0x5: {  	_ = 	snop  }
0x6: {  	_ = 	snop  }
0x7: {  	_ = 	snop  }
__scs_overlays_trampoline_lowered:
0x8: {  	[smem:$0x3FAC] =	sst s0  }
0x9: {  	[smem:$0x3FAD] =	sst s1  }
0xa: {  	[smem:$0x3FAE] =	sst s2  }
0xb: {  	[smem:$0x3FAF] =	sst s3  }
0xc: {  	[smem:$0x3FB0] =	sst s4  }
0xd: {  	[smem:$0x3FB1] =	sst s5  }
0xe: {  	[smem:$0x3FB2] =	sst s6  }
0xf: {  	[smem:$0x3FB3] =	sst s7  }
0x10: {  	[smem:$0x3FB4] =	sst s8  }
0x11: {  	[smem:$0x3FB5] =	sst s9;
	s0 =	simm.s32 @!p0 $0x0  }
0x12: {  	s1 =	sld [smem:$0x3F9B];
	s0 =	simm.s32 @p0 $0x1  }
0x13: {  	[smem:$0x3FB6] =	sst s0;
	s0 =	simm.s32 @!p1 $0x0  }
0x14: {  	s2 =	sld [smem:$0x3F9A];
	s0 =	simm.s32 @p1 $0x1  }
0x15: {  	[smem:$0x3FB7] =	sst s0;
	s0 =	simm.s32 @!p2 $0x0  }
0x16: {  	s3 =	sld [smem:$0x3FDB];
	s0 =	simm.s32 @p2 $0x1  }
0x17: {  	s4 =	simm.s32 $0x1BF5;
	[smem:$0x3FB9] =	sst s0  }
0x18: {  	s0 =	sld [smem:$0x3F9C];
	_ =	swait.ge [sflag:s4], $0x0  }
0x19: {  	s7 =	sld [smem:$0x3F9D]  }
0x1a: {  	s8 =	sadd.s32 $0xFFFFE003, lr  }
0x1b: {  	s9 =	sadd.s32 $0xFFFFFEF7, lr;
	s5 =	simm.s32 $0xFFFFFFFF;
	p2 =	slt.u32 s8, $0xFFFFF086  }
0x1c: {  	p1 =	slt.u32 s9, $0xF7A;
	s5 =	simm.s32 @!p2 $0x0  }
0x1d: {  	s5 =	simm.s32 @p1 $0x1;
	p0 =	seq.s32 s7, s2  }
0x1e: {  	s7 =	smul.u32 @!p0 $0xF7A, s2;
	p2 =	seq.s32 @!p0 s5, $0x0  }
0x1f: {  	s9 =	smul.u32 $0xF7A, s1;
	s8 =	simm.s32 @!p0 $0x1BF5;
	p2 =	por !p2, p0  }
0x20: {  	[sflag:s8] =	ssyncset.s32 @!p0 $0xFFFFF086;
	s6 =	sadd.s32 @!p0 s3, s7;
	s7 =	simm.s32 @!p0 $0x108  }
0x21: {  	s3 =	sadd.s32 s3, s9;
	s6 =	sadd.s32 @!p0 $0x88, s6;
	s7 =	simm.s32 @p2 $0x1082  }
0x22: {  	[simem:s7], [sflag:s8] =	dma.local @!p0 [hbm:s6], $0xF7A  }
0x23: {  	s9 =	sor.u32 $0xD0000000, s2;
	s6 =	simm.s32 $0x108;
	_ =	swait.ge @!p0 [sflag:s8], $0x0  }
0x24: {  	s3 =	sadd.s32 $0x88, s3;
	s6 =	simm.s32 @!p1 $0x1082;
	[sflag:s4] =	ssyncset.s32 $0xFFFFF086  }
0x25: {  	[simem:s6], [sflag:s4] =	dma.local [hbm:s3], $0xF7A  }
0x26: {  	[smem:$0x3F9D] =	sst s1;
	(tag) =	ssettag s2;
	_ =	strace s9  }
0x27: {  	s1 =	sld [smem:$0x3FAD]  }
0x28: {  	s2 =	sld [smem:$0x3FAE]  }
0x29: {  	s4 =	sld [smem:$0x3FB0]  }
0x2a: {  	p0 =	seq.s32 s5, $0x0;
	s5 =	sld [smem:$0x3FB1]  }
0x2b: {  	s6 =	sld [smem:$0x3FB2]  }
0x2c: {  	s7 =	sld [smem:$0x3FB3]  }
0x2d: {  	s3 =	simm.s32 $0x108;
	s8 =	sld [smem:$0x3FB4]  }
0x2e: {  	s3 =	simm.s32 @!p0 $0x1082;
	s9 =	sld [smem:$0x3FB5]  }
0x2f: {  	lr =	sadd.s32 s0, s3;
	s0 =	sld [smem:$0x3FAC]  }
0x30: {  	s3 =	sld [smem:$0x3FAF]  }
0x31: {  	[smem:$0x3FB8] =	sst s10  }
0x32: {  	s10 =	sld [smem:$0x3FB6];
	_ =	sdelay $0x3  }
0x33: {  	p0 =	seq.s32 s10, $0x1;
	s10 =	sld [smem:$0x3FB8];
	_ =	sdelay $0x3  }
0x34: {  	[smem:$0x3FB8] =	sst s10  }
0x35: {  	s10 =	sld [smem:$0x3FB7];
	_ =	sdelay $0x3  }
0x36: {  	p1 =	seq.s32 s10, $0x1;
	s10 =	sld [smem:$0x3FB8];
	_ =	sdelay $0x3  }
0x37: {  	[smem:$0x3FB8] =	sst s10  }
0x38: {  	s10 =	sld [smem:$0x3FB9]  }
0x39: {  	_ = 	snop;
	(pc) =	sbr.ind lr, $3  }
0x3a: {  	_ = 	snop  }
0x3b: {  	_ = 	snop  }
0x3c: {  	p2 =	seq.s32 s10, $0x1;
	s10 =	sld [smem:$0x3FB8]  }
0x3d: {  	_ =	shalt  }
0x3e: {  	_ =	shalt  }
0x3f: {  	_ =	shalt  }
0x40: {  	_ =	shalt  }
0x41: {  	_ =	shalt  }
0x42: {  	_ =	shalt  }
0x43: {  	_ =	shalt  }
0x44: {  	_ =	shalt  }
0x45: {  	_ =	shalt  }
0x46: {  	_ =	shalt  }
0x47: {  	_ =	shalt  }
0x48: {  	_ =	shalt  }
0x49: {  	_ =	shalt  }
0x4a: {  	_ =	shalt  }
0x4b: {  	_ =	shalt  }
0x4c: {  	_ =	shalt  }
0x4d: {  	_ =	shalt  }
0x4e: {  	_ =	shalt  }
0x4f: {  	_ =	shalt  }
0x50: {  	_ =	shalt  }
0x51: {  	_ =	shalt  }
0x52: {  	_ =	shalt  }
0x53: {  	_ =	shalt  }
0x54: {  	_ =	shalt  }
0x55: {  	_ =	shalt  }
0x56: {  	_ =	shalt  }
0x57: {  	_ =	shalt  }
0x58: {  	_ =	shalt  }
0x59: {  	_ =	shalt  }
0x5a: {  	_ =	shalt  }
0x5b: {  	_ =	shalt  }
0x5c: {  	_ =	shalt  }
0x5d: {  	_ =	shalt  }
0x5e: {  	_ =	shalt  }
0x5f: {  	_ =	shalt  }
0x60: {  	_ =	shalt  }
0x61: {  	_ =	shalt  }
0x62: {  	_ =	shalt  }
0x63: {  	_ =	shalt  }
0x64: {  	_ =	shalt  }
0x65: {  	_ =	shalt  }
0x66: {  	_ =	shalt  }
0x67: {  	_ =	shalt  }
0x68: {  	_ =	shalt  }
0x69: {  	_ =	shalt  }
0x6a: {  	_ =	shalt  }
0x6b: {  	_ =	shalt  }
0x6c: {  	_ =	shalt  }
0x6d: {  	_ =	shalt  }
0x6e: {  	_ =	shalt  }
0x6f: {  	_ =	shalt  }
0x70: {  	_ =	shalt  }
0x71: {  	_ =	shalt  }
0x72: {  	_ =	shalt  }
0x73: {  	_ =	shalt  }
0x74: {  	_ =	shalt  }
0x75: {  	_ =	shalt  }
0x76: {  	_ =	shalt  }
0x77: {  	_ =	shalt  }
0x78: {  	_ =	shalt  }
0x79: {  	_ =	shalt  }
0x7a: {  	_ =	shalt  }
0x7b: {  	_ =	shalt  }
0x7c: {  	_ =	shalt  }
0x7d: {  	_ =	shalt  }
0x7e: {  	_ =	shalt  }
0x7f: {  	_ =	shalt  }
0x80: {  	_ =	shalt  }
0x81: {  	_ =	shalt  }
0x82: {  	_ =	shalt  }
0x83: {  	_ =	shalt  }
0x84: {  	_ =	shalt  }
0x85: {  	_ =	shalt  }
0x86: {  	_ =	shalt  }
0x87: {  	_ =	shalt  }
.Lfunc_end0:
.L_simem_size_0:
called_computation_lowered:
.L_overlay_start_0:
0x88: {  	s2 =	sld [smem:$0x3FD9]  }
0x89: {  	s3 =	sld [smem:$0x3FFE];
	_ =	sdelay $0x1  }
0x8a: {  	s1 =	srdreg.scid  }
0x8b: {  	s0 =	sand.u32 $0x1, s1  }
0x8c: {  	s15 =	sshll.u32 s0, $0xA;
	s2 =	sadd.s32 s3, s2  }
0x8d: {  	s2 =	sadd.s32 s2, s15  }
0x8e: {  	[smem:$0x3FC4] =	sst s2  }
0x8f: {  	_ = 	snop  }
0x90: {  	s2 =	sld [smem:$0x3FD0];
	_ =	sdelay $0x2  }
0x91: {  	s16 =	simm.s32 $0xB;
	s4 =	simm.s32 $0x10  }
0x92: {  	[smem:s4], [sflag:s16] =	dma.local [hbm:s2], $0x1  }
0x93: {  	_ =	swait.eq [sflag:s16], $0x1  }
0x94: {  	[sflag:s16] =	ssyncset.done $0x0  }
0x95: {  	[sflag:s16] =	ssyncadd.s32 $0xFFFFFFFF  }
0x96: {  	s17 =	sld [smem:$0x11];
	(tm) =	ssettm $0x1  }
0x97: {  	s18 =	sld [smem:$0x3FFB];
	_ =	sdelay $0x3  }
0x98: {  	_ =	strace s18  }
0x99: {  	s2 =	sld [smem:$0x3FFC];
	_ =	sdelay $0x3  }
0x9a: {  	_ =	strace s2  }
0x9b: {  	s2 =	sld [smem:$0x3FFD];
	_ =	sdelay $0x3  }
0x9c: {  	_ =	strace s2  }
0x9d: {  	_ =	strace $0x8FFFFFFF  }
0x9e: {  	s19 =	sld [smem:$0x3FDB];
	_ =	sdelay $0x1  }
0x9f: {  	s20 =	simm.s32 $_scs_section_size  }
0xa0: {  	s5 =	simm.s32 $_size__tile_overlayer_lowered;
	s6 =	simm.s32 $_tile_overlayer_lowered  }
0xa1: {  	s7 =	simm.s32 $0x1BFF;
	s21 =	sshll.u32 s6, $0x1;
	s4 =	sadd.s32 s20, s19  }
0xa2: {  	s22 =	simm.s32 $0x0;
	s5 =	sshll.u32 s5, $0x1;
	s6 =	sadd.s32 s21, s4  }
0xa3: {  	[timem:s22], [sflag:s7] =	dma.local [hbm:s6], s5  }
0xa4: {  	_ =	swait.ge [sflag:s7], s5  }
0xa5: {  	s5 =	ssub.s32 $0x0, s5;
	[sflag:s7] =	ssyncset.done $0x0  }
0xa6: {  	[sflag:s7] =	ssyncadd.s32 s5;
	_ =	sdelay $0x1  }
0xa7: {  	s23 =	simm.s32 $0x1B8B  }
0xa8: {  	_ =	swait.ge [sflag:s23], $0x1  }
0xa9: {  	[sflag:s23] =	ssyncset.done $0x0  }
0xaa: {  	[sflag:s23] =	ssyncadd.s32 $0xFFFFFFFF  }
0xab: {  	s5 =	sld [smem:$0x0]  }
0xac: {  	s6 =	sand.u32 $0xFFFFFFFE, s1  }
0xad: {  	p0 =	sne.s32 s1, s6  }
0xae: {  	s6 =	sshll.u32 @p0 s6, $0xE  }
0xaf: {  	s6 =	sadd.s32 @p0 $0x11B8D, s6;
	s7 =	sshll.u32 @p0 s5, $0x11  }
0xb0: {  	s6 =	sor.u32 @p0 s7, s6  }
0xb1: {  	[sflag:s6] =	ssyncadd.remote.s32 @p0 $0x1;
	_ =	sdelay $0x1  }
0xb2: {  	s6 =	simm.s32 @p0 $0x1B8D  }
0xb3: {  	_ =	swait.eq @p0 [sflag:s6], $0x1  }
0xb4: {  	[sflag:s6] =	ssyncadd.s32 @p0 $0xFFFFFFFF  }
0xb5: {  	s7 =	sshll.u32 @!p0 s1, $0xE  }
0xb6: {  	s7 =	sor.u32 @!p0 $0x4000, s7;
	s6 =	simm.s32 @!p0 $0x1B8D  }
0xb7: {  	s5 =	sshll.u32 @!p0 s5, $0x11;
	s7 =	sadd.s32 @!p0 $0x11B8D, s7;
	_ =	swait.eq @!p0 [sflag:s6], $0x1  }
0xb8: {  	s5 =	sor.u32 @!p0 s5, s7;
	[sflag:s6] =	ssyncadd.s32 @!p0 $0xFFFFFFFF  }
0xb9: {  	s25 =	simm.s32 $0x1B8E;
	s24 =	sld [smem:$0x3FFE];
	[sflag:s5] =	ssyncadd.remote.s32 @!p0 $0x1  }
0xba: {  	s26 =	simm.s32 $execute0_lowered;
	[smem:$0x3FD2] =	sst s25  }
0xbb: {  	s6 =	sshll.u32 s26, $0x1;
	_ =	strace $0x80000049;
	[dreg:$0x1] =	wrdreg $0xFFFFFFFF  }
0xbc: {  	s28 =	simm.s32 $_size_execute0_lowered;
	s4 =	sadd.s32 s4, s6;
	[dreg:$0x0] =	wrdreg $0x0  }
0xbd: {  	s6 =	sshll.u32 s28, $0x1;
	[dreg:$0x2] =	wrdreg s4  }
0xbe: {  	[dreg:$0x3] =	wrdreg s6  }
0xbf: {  	[dreg:$0x4] =	wrdreg $0xC0  }
0xc0: {  	_ =	task [dreg:s22], $0x5FFFF  }
0xc1: {  	[dreg:$0x1] =	wrdreg $0xFFFFFFFF  }
0xc2: {  	[dreg:$0x0] =	wrdreg $0x60  }
0xc3: {  	[dreg:$0x2] =	wrdreg s24  }
0xc4: {  	[dreg:$0x3] =	wrdreg s17  }
0xc5: {  	[dreg:$0x4] =	wrdreg $0x9  }
0xc6: {  	_ =	task.clear_ibuf [dreg:s22], $0x5FFFF;
	_ =	strace $0x90000049  }
0xc7: {  	s29 =	simm.s32 $0x9;
	_ =	strace $0x8000004B  }
0xc8: {  	_ =	swait.ge [sflag:s29], $0x1  }
0xc9: {  	[sflag:s29] =	ssyncadd.s32 $0xFFFFFFFF  }
0xca: {  	_ =	strace $0x9000004B  }
0xcb: {  	_ =	sfence  }
0xcc: {  	s30 =	sld [smem:$0x0];
	_ =	sdelay $0x2  }
0xcd: {  	s31 =	sshll.u32 s1, $0xD;
	s1 =	sshrl.u32 s1, $0x2  }
0xce: {  	s4 =	sand.u32 $0x4000, s31;
	s1 =	sadd.s32 s1, s30  }
0xcf: {  	s0 =	sor.u32 s4, s0;
	s1 =	sshll.u32 s1, $0x11  }
0xd0: {  	s0 =	sor.u32 s1, s0  }
0xd1: {  	s0 =	sadd.s32 $0x8F2B, s0  }
0xd2: {  	[sflag:s0] =	ssyncadd.remote.s32 $0x1  }
0xd3: {  	_ =	sfence.sel $0xFFFF  }
0xd4: {  	[dreg:$0x0] =	wrdreg $0xFFFFFFFF;
	(pc) =	sbr.abs _section_cstart, $3  }
0xd5: {  	[dreg:$0x1] =	wrdreg $0xFFFFFFFF  }
0xd6: {  	_ =	task.clear_ibuf [dreg:s22], $0x2FFFF;
	_ =	strace $0x9FFFFFFF  }
0xd7: {  	(tm) =	ssettm $0x7FFFFFFF  }
tec
execute0_lowered:
.L_overlay_start_1:
0x0: {  	(tag) =	ssettag $0x1  }
0x1: {  	s3 =	rddreg [dreg:$0x0]  }
0x2: {  	s4 =	rddreg [dreg:$0x1];
	s2 =	srdreg.scid  }
0x3: {  	s0 =	rddreg [dreg:$0x2];
	s1 =	stileid.u32  }
0x4: {  	s10 =	simm.s32 $0x20000;
	s11 =	simm.s32 $0x1;
	s12 =	simm.s32 $0x4000  }
0x5: {  	s13 =	simm.s32 $0x4200;
	s14 =	simm.s32 $0x4400;
	s15 =	simm.s32 $0x4600  }
0x6: {  	s16 =	simm.s32 $0x0;
	s5 =	sand.u32 $0x1, s2;
	s2 =	simm.s32 $0x0  }
0x7: {  	s6 =	sshll.u32 s1, $0xA;
	s7 =	sshll.u32 s5, $0x9;
	[smem:$0x7FF] =	sst s2  }
0x8: {  	s5 =	ssub.s32 $0x2, s5;
	s6 =	sor.u32 s7, s6;
	_ =	strace $0x8000004A  }
0x9: {  	s31 =	sshrl.u32 s5, $0x1;
	s7 =	sshrl.u32 s6, $0x3;
	s6 =	sadd.s32 s6, s3  }
0xa: {  	s9 =	ssub.s32 s5, s31;
	s8 =	sadd.s32 s7, s3;
	s3 =	sadd.s32 $0x23600, s6  }
0xb: {  	s4 =	sadd.s32 s4, s7;
	s5 =	sadd.s32 $0x43600, s8;
	s6 =	sadd.s32 $0x43E00, s8  }
0xc: {  	v0 =	vimm.s32 $0x0;
	s7 =	sadd.s32 $0x44600, s8;
	s8 =	smax.u32 s9, $0x1;
	s9 =	simm.s32 $0x800  }
.LBB2_1:
0xd: {  	p1 =	por $0x1, $0x1;
	s17 =	simm.s32 $0x0  }
.LBB2_2:
0xe: {  	s18 =	sadd.s32 s17, s3;
	s19 =	simm.s32 $0x0  }
0xf: {  	[tilespmem:s19], [sflag:$0x1] =	stream.strided.gather [hbm4b:s18+s9], $0x4000, s10, s9, $0x38;
	[tilespmem:$0x4800] =	vst v63  }
0x10: {  	_ =	swait.ge [sflag:s11], $0x4000  }
0x11: {  	s26 =	sand.u32 $0x70, s19;
	s20 =	sand.u32 $0x400, s19;
	[sflag:s11] =	ssyncset.done $0x0  }
0x12: {  	s18 =	sor.u32 s26, s20;
	[sflag:s11] =	ssyncadd.s32 $0xFFFFC000  }
0x13: {  	v1 =	vld [tilespmem:s18+$0x80]  }
0x14: {  	v2 =	vld [tilespmem:s18+$0x0];
	_ =	sdelay $0x2  }
0x15: {  	v3 =	vld [tilespmem:s18+$0x100]  }
0x16: {  	vm0 =	vlt.f32 v1, $-Inf;
	vm1 =	vgt.f32 v1, $-Inf  }
0x17: {  	vm2 =	vgt.f32 v1, v2;
	vm0 =	vmor vm1, vm0  }
0x18: {  	vm1 =	vmneg vm2;
	v5 =	vnsel vm0, $0xFF800000, v1  }
0x19: {  	v38 =	vld [tilespmem:s18+$0x180];
	v5 =	vsel vm1, v5, v2  }
0x1a: {  	v1 =	vsel vm1, v2, v1;
	v2 =	vimm.s32 $0x0;
	vm10 =	vgt.f32 v3, v5  }
0x1b: {  	v4 =	vimm.s32 $0x0;
	v2 =	vsel vm10, $0xFFFFFFFF, v2  }
0x1c: {  	v4 =	vsel vm2, $0xFFFFFFFF, v4;
	vm2 =	vgt.f32 v3, v1;
	[tilespmem:$0x1FB70] =	vst v2;
	v2 =	vsel vm10, v3, v5  }
0x1d: {  	v39 =	vld [tilespmem:s18+$0x200];
	v2 =	vsel vm2, v1, v2  }
0x1e: {  	v1 =	vsel vm2, v3, v1;
	v3 =	vimm.s32 $0x0;
	vm11 =	vgt.f32 v38, v2  }
0x1f: {  	v3 =	vsel vm11, $0xFFFFFFFF, v3  }
0x20: {  	vm3 =	vgt.f32 v38, v1;
	v2 =	vsel vm11, v38, v2;
	[tilespmem:$0x1FB80] =	vst v3;
	v3 =	vld [tilespmem:s18+$0x280]  }
0x21: {  	v2 =	vsel vm3, v1, v2  }
0x22: {  	v1 =	vsel vm3, v38, v1;
	vm12 =	vgt.f32 v39, v2  }
0x23: {  	v41 =	vld [tilespmem:s18+$0x300];
	vm4 =	vgt.f32 v39, v1;
	v2 =	vsel vm12, v39, v2  }
0x24: {  	v2 =	vsel vm4, v1, v2  }
0x25: {  	s19 =	sor.u32 s19, s19;
	v1 =	vsel vm4, v39, v1;
	vm13 =	vgt.f32 v3, v2  }
0x26: {  	s19 =	sor.u32 $0x380, s19;
	vm5 =	vgt.f32 v3, v1;
	v2 =	vsel vm13, v3, v2  }
0x27: {  	v43 =	vld [tilespmem:s19+$0x0];
	v2 =	vsel vm5, v1, v2  }
0x28: {  	v1 =	vsel vm5, v3, v1;
	v3 =	vimm.s32 $0x0;
	vm14 =	vgt.f32 v41, v2  }
0x29: {  	v3 =	vsel vm14, $0xFFFFFFFF, v3  }
0x2a: {  	vm6 =	vgt.f32 v41, v1;
	v2 =	vsel vm14, v41, v2;
	[tilespmem:$0x1FBB0] =	vst v3;
	v3 =	vld [tilespmem:s18+$0x800]  }
0x2b: {  	v2 =	vsel vm6, v1, v2  }
0x2c: {  	v1 =	vsel vm6, v41, v1;
	vm15 =	vgt.f32 v43, v2  }
0x2d: {  	v45 =	vld [tilespmem:s18+$0x880];
	vm7 =	vgt.f32 v43, v1;
	v2 =	vsel vm15, v43, v2  }
0x2e: {  	v42 =	vimm.s32 $0x0;
	v46 =	vimm.s32 $0x0;
	v2 =	vsel vm7, v1, v2  }
0x2f: {  	v5 =	vsel vm13, $0xFFFFFFFF, v42;
	v1 =	vsel vm7, v43, v1;
	vm8 =	vgt.f32 v3, v2  }
0x30: {  	[tilespmem:$0x1FBA0] =	vst v5;
	v5 =	vsel vm8, $0xFFFFFFFF, v46;
	v2 =	vsel vm8, v3, v2;
	vm8 =	vgt.f32 v3, v1  }
0x31: {  	v37 =	vimm.s32 $0x0;
	v47 =	vld [tilespmem:s18+$0x900];
	v2 =	vsel vm8, v1, v2  }
0x32: {  	v1 =	vsel vm8, v3, v1;
	v3 =	vimm.s32 $0x0;
	vm9 =	vgt.f32 v45, v2  }
0x33: {  	v40 =	vimm.s32 $0x0;
	v44 =	vimm.s32 $0x0;
	[tilespmem:$0x1FB50] =	vst v4;
	v3 =	vsel vm9, $0xFFFFFFFF, v3  }
0x34: {  	v4 =	vsel vm0, $0xFFFFFFFF, v37;
	v2 =	vsel vm9, v45, v2;
	vm9 =	vgt.f32 v45, v1;
	[tilespmem:$0x1FBE0] =	vst v3;
	v3 =	vld [tilespmem:s18+$0x980]  }
0x35: {  	v48 =	vimm.s32 $0x0;
	[tilespmem:$0x1FB60] =	vst v4;
	v4 =	vsel vm12, $0xFFFFFFFF, v40;
	v2 =	vsel vm9, v1, v2  }
0x36: {  	[tilespmem:$0x1FB90] =	vst v4;
	v4 =	vsel vm15, $0xFFFFFFFF, v44;
	v1 =	vsel vm9, v45, v1;
	vm10 =	vgt.f32 v47, v2  }
0x37: {  	v49 =	vld [tilespmem:s18+$0xA00];
	[tilespmem:$0x1FBC0] =	vst v4;
	v4 =	vsel vm10, $0xFFFFFFFF, v48;
	v2 =	vsel vm10, v47, v2;
	vm10 =	vgt.f32 v47, v1  }
0x38: {  	v2 =	vsel vm10, v1, v2  }
0x39: {  	v50 =	vimm.s32 $0x0;
	v1 =	vsel vm10, v47, v1;
	vm11 =	vgt.f32 v3, v2  }
0x3a: {  	[tilespmem:$0x1FBD0] =	vst v5;
	v5 =	vsel vm11, $0xFFFFFFFF, v50;
	v2 =	vsel vm11, v3, v2;
	vm11 =	vgt.f32 v3, v1  }
0x3b: {  	v51 =	vld [tilespmem:s18+$0xA80];
	v2 =	vsel vm11, v1, v2  }
0x3c: {  	v1 =	vsel vm11, v3, v1;
	v3 =	vimm.s32 $0x0;
	vm12 =	vgt.f32 v49, v2  }
0x3d: {  	v52 =	vimm.s32 $0x0;
	v3 =	vsel vm12, $0xFFFFFFFF, v3  }
0x3e: {  	v54 =	vimm.s32 $0x0;
	v2 =	vsel vm12, v49, v2;
	vm12 =	vgt.f32 v49, v1;
	[tilespmem:$0x1FC10] =	vst v3;
	v3 =	vld [tilespmem:s18+$0xB00]  }
0x3f: {  	v6 =	vimm.s32 $0x0;
	v56 =	vimm.s32 $0x0;
	v2 =	vsel vm12, v1, v2  }
0x40: {  	v58 =	vimm.s32 $0x0;
	v1 =	vsel vm12, v49, v1;
	vm13 =	vgt.f32 v51, v2  }
0x41: {  	v53 =	vld [tilespmem:s18+$0xB80];
	[tilespmem:$0x1FBF0] =	vst v4;
	v4 =	vsel vm13, $0xFFFFFFFF, v52;
	v2 =	vsel vm13, v51, v2;
	vm13 =	vgt.f32 v51, v1  }
0x42: {  	v61 =	vimm.s32 $0x0;
	v8 =	vimm.s32 $0x0;
	v2 =	vsel vm13, v1, v2  }
0x43: {  	v12 =	vimm.s32 $0x0;
	v1 =	vsel vm13, v51, v1;
	vm14 =	vgt.f32 v3, v2  }
0x44: {  	v55 =	vld [tilespmem:s18+$0x1000];
	[tilespmem:$0x1FC00] =	vst v5;
	v5 =	vsel vm14, $0xFFFFFFFF, v54;
	v2 =	vsel vm14, v3, v2;
	vm14 =	vgt.f32 v3, v1  }
0x45: {  	v15 =	vimm.s32 $0x0;
	v18 =	vimm.s32 $0x0;
	v2 =	vsel vm14, v1, v2  }
0x46: {  	v59 =	vld [tilespmem:$0x1FB50];
	v1 =	vsel vm14, v3, v1;
	v3 =	vimm.s32 $0x0;
	vm15 =	vgt.f32 v53, v2  }
0x47: {  	v7 =	vld [tilespmem:$0x1FB60];
	v3 =	vsel vm15, $0xFFFFFFFF, v3;
	v2 =	vsel vm15, v53, v2;
	vm15 =	vgt.f32 v53, v1  }
0x48: {  	v21 =	vimm.s32 $0x0;
	v24 =	vimm.s32 $0x0;
	[tilespmem:$0x1FC40] =	vst v3;
	v3 =	vld [tilespmem:s18+$0x1080];
	v2 =	vsel vm15, v1, v2  }
0x49: {  	v62 =	vld [tilespmem:$0x1FB70];
	v6 =	vsel vm15, $0xFFFFFFFF, v6;
	v1 =	vsel vm15, v53, v1;
	vm15 =	vgt.f32 v55, v2  }
0x4a: {  	v27 =	vimm.s32 $0x0;
	[tilespmem:$0x1FC20] =	vst v4;
	vm0 =	vgt.f32 v55, v1;
	v4 =	vsel vm15, $0xFFFFFFFF, v56  }
0x4b: {  	[tilespmem:$0x1FC50] =	vst v6;
	v2 =	vsel vm15, v55, v2;
	v6 =	vsel vm0, $0xFFFFFFFF, v58;
	vm15 =	vnez.u8 v59  }
0x4c: {  	v57 =	vld [tilespmem:s18+$0x1100];
	[tilespmem:$0x1FC70] =	vst v6;
	v6 =	vsel vm15, $0x1, v0;
	vm15 =	vnez.u8 v7;
	v2 =	vsel vm0, v1, v2  }
0x4d: {  	v1 =	vsel vm0, v55, v1;
	vm1 =	vmand vm1, vm15;
	vm0 =	vgt.f32 v3, v2  }
0x4e: {  	[tilespmem:$0x1FC30] =	vst v5;
	vm15 =	vnez.u8 v62;
	v60 =	vsel vm1, $0x1, v0;
	v5 =	vsel vm0, $0xFFFFFFFF, v61  }
0x4f: {  	v2 =	vsel vm0, v3, v2;
	[tilespmem:$0x1FC80] =	vst v5;
	v5 =	vsel vm15, $0x2, v60;
	vm15 =	vgt.f32 v3, v1  }
0x50: {  	v30 =	vimm.s32 $0x0;
	v33 =	vimm.s32 $0x0;
	v2 =	vsel vm15, v1, v2  }
0x51: {  	v63 =	vld [tilespmem:s18+$0x1180];
	[tilespmem:$0x1FC60] =	vst v4;
	v1 =	vsel vm15, v3, v1;
	v3 =	vimm.s32 $0x0;
	vm0 =	vgt.f32 v57, v2  }
0x52: {  	v36 =	vimm.s32 $0x0;
	v10 =	vimm.s32 $0x0;
	v51 =	vld [tilespmem:$0x1FC60];
	v3 =	vsel vm0, $0xFFFFFFFF, v3  }
0x53: {  	v40 =	vimm.s32 $0x0;
	v43 =	vimm.s32 $0x0;
	v46 =	vimm.s32 $0x0;
	[tilespmem:$0x1FCA0] =	vst v3;
	v3 =	vld [tilespmem:$0x1FB80]  }
0x54: {  	v50 =	vimm.s32 $0x0;
	v54 =	vimm.s32 $0x0;
	v59 =	vimm.s32 $0x0  }
0x55: {  	v13 =	vld [tilespmem:$0x1FB90];
	v62 =	vimm.s32 $0x0;
	v8 =	vsel vm15, $0xFFFFFFFF, v8;
	v5 =	vsel vm2, v6, v5  }
0x56: {  	v6 =	vsel vm2, $0x2, v6;
	vm2 =	vgt.f32 v57, v1;
	v2 =	vsel vm0, v57, v2  }
0x57: {  	v11 =	vld [tilespmem:s18+$0x1200];
	vm1 =	vnez.u8 v51;
	v2 =	vsel vm2, v1, v2;
	v1 =	vsel vm2, v57, v1  }
0x58: {  	v16 =	vld [tilespmem:$0x1FBA0];
	v57 =	vimm.s32 $0x0;
	vm0 =	vgt.f32 v63, v2;
	vm15 =	vnez.u8 v3  }
0x59: {  	v4 =	vsel vm0, $0xFFFFFFFF, v12;
	v2 =	vsel vm0, v63, v2;
	v3 =	vsel vm15, $0x3, v5  }
0x5a: {  	vm15 =	vnez.u8 v13;
	v13 =	vimm.s32 $0x0;
	v3 =	vsel vm3, v6, v3  }
0x5b: {  	v14 =	vld [tilespmem:s18+$0x1280];
	v6 =	vsel vm3, $0x3, v6;
	vm3 =	vgt.f32 v63, v1;
	v3 =	vsel vm15, $0x4, v3  }
0x5c: {  	v19 =	vld [tilespmem:$0x1FBB0];
	v2 =	vsel vm3, v1, v2;
	v1 =	vsel vm3, v63, v1;
	v3 =	vsel vm4, v6, v3  }
0x5d: {  	v6 =	vsel vm4, $0x4, v6;
	vm15 =	vgt.f32 v11, v2;
	vm4 =	vnez.u8 v16  }
0x5e: {  	v16 =	vimm.s32 $0x0;
	v7 =	vsel vm15, $0xFFFFFFFF, v15;
	v3 =	vsel vm4, $0x5, v3  }
0x5f: {  	v22 =	vld [tilespmem:$0x1FBC0];
	v2 =	vsel vm15, v11, v2;
	vm4 =	vgt.f32 v11, v1;
	v3 =	vsel vm5, v6, v3  }
0x60: {  	v17 =	vld [tilespmem:s18+$0x1300];
	v2 =	vsel vm4, v1, v2;
	v6 =	vsel vm5, $0x5, v6;
	v1 =	vsel vm4, v11, v1  }
0x61: {  	vm5 =	vnez.u8 v19;
	v19 =	vimm.s32 $0x0;
	vm15 =	vgt.f32 v14, v2  }
0x62: {  	v25 =	vld [tilespmem:$0x1FBD0];
	v3 =	vsel vm5, $0x6, v3;
	vm5 =	vgt.f32 v14, v1;
	v5 =	vsel vm15, $0xFFFFFFFF, v18  }
0x63: {  	v2 =	vsel vm15, v14, v2;
	v3 =	vsel vm6, v6, v3;
	v6 =	vsel vm6, $0x6, v6  }
0x64: {  	v20 =	vld [tilespmem:s18+$0x1380];
	vm6 =	vnez.u8 v22;
	v22 =	vimm.s32 $0x0;
	v2 =	vsel vm5, v1, v2  }
0x65: {  	v28 =	vld [tilespmem:$0x1FBE0];
	v1 =	vsel vm5, v14, v1;
	v3 =	vsel vm6, $0x7, v3;
	vm15 =	vgt.f32 v17, v2  }
0x66: {  	vm6 =	vgt.f32 v17, v1;
	v3 =	vsel vm7, v6, v3;
	v6 =	vsel vm7, $0x7, v6  }
0x67: {  	v31 =	vld [tilespmem:$0x1FBF0];
	vm7 =	vnez.u8 v25;
	v25 =	vimm.s32 $0x0;
	v2 =	vsel vm15, v17, v2  }
0x68: {  	[tilespmem:$0x1FCB0] =	vst v4;
	v4 =	vsel vm15, $0xFFFFFFFF, v21;
	v3 =	vsel vm7, $0x8, v3;
	v2 =	vsel vm6, v1, v2  }
0x69: {  	v23 =	vld [tilespmem:s18+$0x1800];
	v1 =	vsel vm6, v17, v1;
	v3 =	vsel vm8, v6, v3;
	v6 =	vsel vm8, $0x8, v6  }
0x6a: {  	v34 =	vld [tilespmem:$0x1FC00];
	vm8 =	vnez.u8 v28;
	vm15 =	vgt.f32 v20, v2;
	vm7 =	vgt.f32 v20, v1  }
0x6b: {  	[tilespmem:$0x1FCC0] =	vst v7;
	v3 =	vsel vm8, $0x9, v3;
	v7 =	vsel vm15, $0xFFFFFFFF, v24;
	v2 =	vsel vm15, v20, v2  }
0x6c: {  	v26 =	vld [tilespmem:s18+$0x1880];
	v3 =	vsel vm9, v6, v3;
	v6 =	vsel vm9, $0x9, v6;
	vm9 =	vnez.u8 v31  }
0x6d: {  	v37 =	vld [tilespmem:$0x1FC10];
	v2 =	vsel vm7, v1, v2;
	v1 =	vsel vm7, v20, v1;
	v3 =	vsel vm9, $0xA, v3  }
0x6e: {  	vm15 =	vgt.f32 v23, v2;
	vm8 =	vgt.f32 v23, v1;
	v3 =	vsel vm10, v6, v3  }
0x6f: {  	v6 =	vsel vm10, $0xA, v6;
	vm10 =	vnez.u8 v34;
	v34 =	vimm.s32 $0x0  }
0x70: {  	v29 =	vld [tilespmem:s18+$0x1900];
	[tilespmem:$0x1FCD0] =	vst v5;
	v5 =	vsel vm15, $0xFFFFFFFF, v27;
	v2 =	vsel vm15, v23, v2;
	v3 =	vsel vm10, $0xB, v3  }
0x71: {  	v2 =	vsel vm8, v1, v2;
	v1 =	vsel vm8, v23, v1;
	v3 =	vsel vm11, v6, v3  }
0x72: {  	v6 =	vsel vm11, $0xB, v6;
	vm11 =	vnez.u8 v37;
	vm15 =	vgt.f32 v26, v2  }
0x73: {  	v32 =	vld [tilespmem:s18+$0x1980];
	v37 =	vimm.s32 $0x0;
	vm9 =	vgt.f32 v26, v1;
	v2 =	vsel vm15, v26, v2  }
0x74: {  	v3 =	vsel vm11, $0xC, v3;
	v41 =	vsel vm12, $0xC, v6;
	v2 =	vsel vm9, v1, v2  }
0x75: {  	v39 =	vld [tilespmem:$0x1FC20];
	[tilespmem:$0x1FCE0] =	vst v4;
	v4 =	vsel vm15, $0xFFFFFFFF, v30;
	v1 =	vsel vm9, v26, v1;
	vm15 =	vgt.f32 v29, v2  }
0x76: {  	v35 =	vld [tilespmem:s18+$0x1A00];
	v3 =	vsel vm12, v6, v3;
	vm10 =	vgt.f32 v29, v1;
	v2 =	vsel vm15, v29, v2  }
0x77: {  	v30 =	vimm.s32 $0x0;
	v26 =	vimm.s32 $0x0;
	v2 =	vsel vm10, v1, v2  }
0x78: {  	[tilespmem:$0x1FCF0] =	vst v7;
	v7 =	vsel vm15, $0xFFFFFFFF, v33;
	v1 =	vsel vm10, v29, v1;
	vm15 =	vgt.f32 v32, v2  }
0x79: {  	v44 =	vld [tilespmem:$0x1FC30];
	v33 =	vimm.s32 $0x0;
	vm11 =	vgt.f32 v32, v1;
	v2 =	vsel vm15, v32, v2  }
0x7a: {  	v38 =	vld [tilespmem:s18+$0x1A80];
	[tilespmem:$0x1FD00] =	vst v5;
	v5 =	vsel vm15, $0xFFFFFFFF, v36;
	vm15 =	vnez.u8 v39;
	v2 =	vsel vm11, v1, v2  }
0x7b: {  	v3 =	vsel vm15, $0xD, v3;
	v1 =	vsel vm11, v32, v1;
	vm15 =	vgt.f32 v35, v2  }
0x7c: {  	v47 =	vld [tilespmem:$0x1FC40];
	v29 =	vimm.s32 $0x0;
	vm12 =	vgt.f32 v35, v1;
	v2 =	vsel vm15, v35, v2  }
0x7d: {  	[tilespmem:$0x1FD10] =	vst v4;
	v3 =	vsel vm13, v41, v3;
	v4 =	vsel vm15, $0xFFFFFFFF, v40;
	v2 =	vsel vm12, v1, v2  }
0x7e: {  	v42 =	vld [tilespmem:s18+$0x1B00];
	[tilespmem:$0x1FD40] =	vst v4;
	v4 =	vsel vm13, $0xD, v41;
	v1 =	vsel vm12, v35, v1;
	vm13 =	vnez.u8 v44  }
0x7f: {  	v49 =	vld [tilespmem:$0x1FC50];
	v41 =	vimm.s32 $0x0;
	vm15 =	vgt.f32 v38, v2;
	v3 =	vsel vm13, $0xE, v3  }
0x80: {  	[tilespmem:$0x1FD20] =	vst v7;
	vm13 =	vgt.f32 v38, v1;
	v7 =	vsel vm15, $0xFFFFFFFF, v43;
	v2 =	vsel vm15, v38, v2  }
0x81: {  	v3 =	vsel vm14, v4, v3;
	v4 =	vsel vm14, $0xE, v4;
	vm14 =	vnez.u8 v47  }
0x82: {  	v45 =	vld [tilespmem:s18+$0x1B80];
	v2 =	vsel vm13, v1, v2;
	v1 =	vsel vm13, v38, v1;
	v3 =	vsel vm14, $0xF, v3  }
0x83: {  	v53 =	vld [tilespmem:$0x1FC70];
	v38 =	vimm.s32 $0x0;
	vm15 =	vgt.f32 v42, v2;
	vm14 =	vgt.f32 v42, v1  }
0x84: {  	v55 =	vld [tilespmem:$0x1FC80];
	[tilespmem:$0x1FD30] =	vst v5;
	v5 =	vsel vm15, $0xFFFFFFFF, v46;
	v2 =	vsel vm15, v42, v2;
	vm15 =	vnez.u8 v49  }
0x85: {  	v46 =	vimm.s32 $0x0;
	v49 =	vimm.s32 $0x0;
	v3 =	vsel vm15, v4, v3  }
0x86: {  	v48 =	vld [tilespmem:s18+$0x2000];
	[tilespmem:$0x1FC90] =	vst v8;
	v2 =	vsel vm14, v1, v2;
	v4 =	vsel vm15, $0xF, v4;
	v1 =	vsel vm14, v42, v1  }
0x87: {  	v58 =	vld [tilespmem:$0x1FC90];
	v42 =	vimm.s32 $0x0;
	vm0 =	vgt.f32 v45, v2;
	v3 =	vsel vm1, $0x10, v3  }
0x88: {  	v6 =	vsel vm0, $0xFFFFFFFF, v50;
	v2 =	vsel vm0, v45, v2;
	vm0 =	vnez.u8 v53  }
0x89: {  	v52 =	vld [tilespmem:s18+$0x2080];
	vm15 =	vgt.f32 v45, v1;
	vm1 =	vnez.u8 v55;
	v3 =	vsel vm0, v4, v3  }
0x8a: {  	v60 =	vld [tilespmem:$0x1FCA0];
	v2 =	vsel vm15, v1, v2;
	v4 =	vsel vm0, $0x10, v4;
	v1 =	vsel vm15, v45, v1  }
0x8b: {  	v63 =	vld [tilespmem:$0x1FCB0];
	v45 =	vimm.s32 $0x0;
	vm0 =	vgt.f32 v48, v2;
	v3 =	vsel vm1, $0x11, v3  }
0x8c: {  	[tilespmem:$0x1FD50] =	vst v7;
	vm1 =	vnez.u8 v58;
	v7 =	vsel vm0, $0xFFFFFFFF, v54;
	v2 =	vsel vm0, v48, v2  }
0x8d: {  	vm0 =	vgt.f32 v48, v1;
	v3 =	vsel vm1, v4, v3;
	v4 =	vsel vm1, $0x11, v4  }
0x8e: {  	v56 =	vld [tilespmem:s18+$0x2100];
	v8 =	vsel vm0, $0xFFFFFFFF, v57;
	v2 =	vsel vm0, v1, v2;
	v1 =	vsel vm0, v48, v1  }
0x8f: {  	v11 =	vld [tilespmem:$0x1FCC0];
	vm0 =	vnez.u8 v60;
	v60 =	vimm.s32 $0x0;
	vm1 =	vgt.f32 v52, v2  }
0x90: {  	v3 =	vsel vm0, $0x12, v3;
	vm0 =	vnez.u8 v63;
	v63 =	vimm.s32 $0x0  }
0x91: {  	[tilespmem:$0x1FD60] =	vst v5;
	v5 =	vsel vm1, $0xFFFFFFFF, v59;
	v2 =	vsel vm1, v52, v2;
	vm1 =	vgt.f32 v52, v1  }
0x92: {  	v14 =	vld [tilespmem:$0x1FCD0];
	v3 =	vsel vm2, v4, v3;
	v4 =	vsel vm2, $0x12, v4;
	v59 =	vimm.s32 $0x0  }
0x93: {  	v61 =	vld [tilespmem:s18+$0x2180];
	v2 =	vsel vm1, v1, v2;
	v1 =	vsel vm1, v52, v1;
	v3 =	vsel vm0, $0x13, v3  }
0x94: {  	v17 =	vld [tilespmem:$0x1FCE0];
	vm0 =	vnez.u8 v11;
	v52 =	vimm.s32 $0x0;
	vm2 =	vgt.f32 v56, v2  }
0x95: {  	[tilespmem:$0x1FD70] =	vst v6;
	v3 =	vsel vm3, v4, v3;
	v4 =	vsel vm3, $0x13, v4;
	v6 =	vsel vm2, $0xFFFFFFFF, v62  }
0x96: {  	v2 =	vsel vm2, v56, v2;
	vm2 =	vgt.f32 v56, v1;
	v3 =	vsel vm0, $0x14, v3  }
0x97: {  	v20 =	vld [tilespmem:$0x1FCF0];
	vm0 =	vnez.u8 v14;
	v2 =	vsel vm2, v1, v2;
	v1 =	vsel vm2, v56, v1  }
0x98: {  	v9 =	vld [tilespmem:s18+$0x2200];
	v3 =	vsel vm4, v4, v3;
	v4 =	vsel vm4, $0x14, v4;
	v56 =	vimm.s32 $0x0  }
0x99: {  	vm3 =	vgt.f32 v61, v2;
	v3 =	vsel vm0, $0x15, v3;
	vm0 =	vnez.u8 v17  }
0x9a: {  	v23 =	vld [tilespmem:$0x1FD00];
	[tilespmem:$0x1FD80] =	vst v7;
	v7 =	vsel vm3, $0xFFFFFFFF, v10;
	v2 =	vsel vm3, v61, v2;
	vm3 =	vgt.f32 v61, v1  }
0x9b: {  	v12 =	vld [tilespmem:s18+$0x2280];
	v3 =	vsel vm5, v4, v3;
	v4 =	vsel vm5, $0x15, v4;
	v2 =	vsel vm3, v1, v2  }
0x9c: {  	v1 =	vsel vm3, v61, v1;
	v3 =	vsel vm0, $0x16, v3;
	vm0 =	vnez.u8 v20  }
0x9d: {  	vm4 =	vgt.f32 v9, v2;
	v3 =	vsel vm6, v4, v3;
	v4 =	vsel vm6, $0x16, v4  }
0x9e: {  	v27 =	vld [tilespmem:$0x1FD10];
	[tilespmem:$0x1FDA0] =	vst v5;
	v5 =	vsel vm4, $0xFFFFFFFF, v13;
	v2 =	vsel vm4, v9, v2;
	vm4 =	vgt.f32 v9, v1  }
0x9f: {  	v15 =	vld [tilespmem:s18+$0x2300];
	v3 =	vsel vm0, $0x17, v3;
	vm0 =	vnez.u8 v23;
	v2 =	vsel vm4, v1, v2  }
0xa0: {  	v1 =	vsel vm4, v9, v1;
	v3 =	vsel vm7, v4, v3;
	vm5 =	vgt.f32 v12, v2  }
0xa1: {  	[tilespmem:$0x1FDB0] =	vst v6;
	v4 =	vsel vm7, $0x17, v4;
	v3 =	vsel vm0, $0x18, v3;
	v6 =	vsel vm5, $0xFFFFFFFF, v16  }
0xa2: {  	v18 =	vld [tilespmem:s18+$0x2380];
	v2 =	vsel vm5, v12, v2;
	vm5 =	vgt.f32 v12, v1;
	v3 =	vsel vm8, v4, v3  }
0xa3: {  	v4 =	vsel vm8, $0x18, v4;
	vm8 =	vnez.u8 v27;
	v2 =	vsel vm5, v1, v2  }
0xa4: {  	v1 =	vsel vm5, v12, v1;
	v3 =	vsel vm8, $0x19, v3;
	vm6 =	vgt.f32 v15, v2  }
0xa5: {  	v21 =	vld [tilespmem:s18+$0x2800];
	[tilespmem:$0x1FDC0] =	vst v7;
	v7 =	vsel vm6, $0xFFFFFFFF, v19;
	v2 =	vsel vm6, v15, v2;
	vm6 =	vgt.f32 v15, v1  }
0xa6: {  	v12 =	vimm.s32 $0x0;
	v3 =	vsel vm9, v4, v3;
	v2 =	vsel vm6, v1, v2  }
0xa7: {  	v24 =	vld [tilespmem:s18+$0x2880];
	v4 =	vsel vm9, $0x19, v4;
	v1 =	vsel vm6, v15, v1;
	vm7 =	vgt.f32 v18, v2  }
0xa8: {  	v31 =	vld [tilespmem:$0x1FD20];
	[tilespmem:$0x1FDD0] =	vst v5;
	v5 =	vsel vm7, $0xFFFFFFFF, v22;
	v2 =	vsel vm7, v18, v2;
	vm7 =	vgt.f32 v18, v1  }
0xa9: {  	v35 =	vld [tilespmem:$0x1FD30];
	[tilespmem:$0x1FD90] =	vst v8;
	v15 =	vimm.s32 $0x0;
	v8 =	vsel vm7, $0xFFFFFFFF, v25;
	v2 =	vsel vm7, v1, v2  }
0xaa: {  	v1 =	vsel vm7, v18, v1;
	v18 =	vimm.s32 $0x0;
	vm7 =	vgt.f32 v21, v2  }
0xab: {  	[tilespmem:$0x1FDE0] =	vst v6;
	vm8 =	vgt.f32 v21, v1;
	v6 =	vsel vm7, $0xFFFFFFFF, v26;
	v2 =	vsel vm7, v21, v2  }
0xac: {  	[tilespmem:$0x1FE10] =	vst v8;
	v8 =	vsel vm8, $0xFFFFFFFF, v29;
	v2 =	vsel vm8, v1, v2;
	v1 =	vsel vm8, v21, v1  }
0xad: {  	v28 =	vld [tilespmem:s18+$0x2900];
	vm8 =	vnez.u8 v31;
	v21 =	vimm.s32 $0x0;
	vm9 =	vgt.f32 v24, v2  }
0xae: {  	v39 =	vld [tilespmem:$0x1FD40];
	[tilespmem:$0x1FDF0] =	vst v7;
	v3 =	vsel vm8, $0x1A, v3;
	vm8 =	vnez.u8 v35;
	v7 =	vsel vm9, $0xFFFFFFFF, v30  }
0xaf: {  	v2 =	vsel vm9, v24, v2;
	vm9 =	vgt.f32 v24, v1;
	v3 =	vsel vm10, v4, v3  }
0xb0: {  	[tilespmem:$0x1FE30] =	vst v8;
	v4 =	vsel vm10, $0x1A, v4;
	v8 =	vsel vm9, $0xFFFFFFFF, v33;
	v2 =	vsel vm9, v1, v2  }
0xb1: {  	v32 =	vld [tilespmem:s18+$0x2980];
	v1 =	vsel vm9, v24, v1;
	v3 =	vsel vm8, $0x1B, v3;
	v24 =	vimm.s32 $0x0  }
0xb2: {  	v36 =	vld [tilespmem:s18+$0x2A00];
	vm10 =	vgt.f32 v28, v2;
	vm9 =	vgt.f32 v28, v1;
	v3 =	vsel vm11, v4, v3  }
0xb3: {  	v43 =	vld [tilespmem:$0x1FD50];
	[tilespmem:$0x1FE00] =	vst v5;
	v4 =	vsel vm11, $0x1B, v4;
	vm11 =	vnez.u8 v39;
	v5 =	vsel vm10, $0xFFFFFFFF, v34  }
0xb4: {  	v50 =	vld [tilespmem:$0x1FD70];
	[tilespmem:$0x1FE50] =	vst v8;
	v2 =	vsel vm10, v28, v2;
	v8 =	vsel vm9, $0xFFFFFFFF, v37;
	v3 =	vsel vm11, $0x1C, v3  }
0xb5: {  	v53 =	vld [tilespmem:$0x1FD80];
	v2 =	vsel vm9, v1, v2;
	v1 =	vsel vm9, v28, v1;
	v3 =	vsel vm12, v4, v3  }
0xb6: {  	v4 =	vsel vm12, $0x1C, v4;
	v28 =	vimm.s32 $0x0;
	vm10 =	vgt.f32 v32, v2  }
0xb7: {  	v47 =	vld [tilespmem:$0x1FD60];
	[tilespmem:$0x1FE20] =	vst v6;
	vm8 =	vgt.f32 v32, v1;
	v6 =	vsel vm10, $0xFFFFFFFF, v38;
	v2 =	vsel vm10, v32, v2  }
0xb8: {  	[tilespmem:$0x1FE70] =	vst v8;
	v8 =	vsel vm8, $0xFFFFFFFF, v41;
	vm10 =	vnez.u8 v43;
	v2 =	vsel vm8, v1, v2  }
0xb9: {  	v40 =	vld [tilespmem:s18+$0x2A80];
	v1 =	vsel vm8, v32, v1;
	v3 =	vsel vm10, $0x1D, v3;
	vm8 =	vnez.u8 v50  }
0xba: {  	v55 =	vld [tilespmem:$0x1FD90];
	vm10 =	vnez.u8 v53;
	v32 =	vimm.s32 $0x0;
	vm9 =	vgt.f32 v36, v2  }
0xbb: {  	vm11 =	vgt.f32 v36, v1;
	v3 =	vsel vm13, v4, v3;
	v4 =	vsel vm13, $0x1D, v4  }
0xbc: {  	[tilespmem:$0x1FE40] =	vst v7;
	vm13 =	vnez.u8 v47;
	v7 =	vsel vm9, $0xFFFFFFFF, v42;
	v2 =	vsel vm9, v36, v2  }
0xbd: {  	v44 =	vld [tilespmem:s18+$0x2B00];
	[tilespmem:$0x1FE90] =	vst v8;
	v8 =	vsel vm11, $0xFFFFFFFF, v45;
	v3 =	vsel vm13, $0x1E, v3;
	v2 =	vsel vm11, v1, v2  }
0xbe: {  	v43 =	vld [tilespmem:$0x1FE90];
	v1 =	vsel vm11, v36, v1;
	v3 =	vsel vm14, v4, v3;
	v4 =	vsel vm14, $0x1E, v4  }
0xbf: {  	vm11 =	vnez.u8 v55;
	v36 =	vimm.s32 $0x0;
	vm12 =	vgt.f32 v40, v2  }
0xc0: {  	[tilespmem:$0x1FE60] =	vst v5;
	v3 =	vsel vm8, $0x1F, v3;
	v5 =	vsel vm12, $0xFFFFFFFF, v46;
	v2 =	vsel vm12, v40, v2  }
0xc1: {  	v48 =	vld [tilespmem:s18+$0x2B80];
	vm12 =	vgt.f32 v40, v1;
	v3 =	vsel vm15, v4, v3;
	v4 =	vsel vm15, $0x1F, v4  }
0xc2: {  	v2 =	vsel vm12, v1, v2;
	v1 =	vsel vm12, v40, v1;
	v3 =	vsel vm10, $0x20, v3  }
0xc3: {  	v57 =	vld [tilespmem:$0x1FDA0];
	v40 =	vimm.s32 $0x0;
	vm0 =	vnez.u8 v43;
	vm14 =	vgt.f32 v44, v2  }
0xc4: {  	v13 =	vld [tilespmem:$0x1FDC0];
	[tilespmem:$0x1FE80] =	vst v6;
	v6 =	vsel vm14, $0xFFFFFFFF, v49;
	v2 =	vsel vm14, v44, v2;
	vm14 =	vgt.f32 v44, v1  }
0xc5: {  	v51 =	vld [tilespmem:s18+$0x3000];
	v3 =	vsel vm11, v4, v3;
	v4 =	vsel vm11, $0x20, v4;
	v2 =	vsel vm14, v1, v2  }
0xc6: {  	v1 =	vsel vm14, v44, v1;
	v44 =	vimm.s32 $0x0;
	vm9 =	vgt.f32 v48, v2  }
0xc7: {  	v61 =	vld [tilespmem:$0x1FDB0];
	[tilespmem:$0x1FEA0] =	vst v7;
	vm13 =	vgt.f32 v48, v1;
	v7 =	vsel vm9, $0xFFFFFFFF, v52;
	v2 =	vsel vm9, v48, v2  }
0xc8: {  	v54 =	vld [tilespmem:s18+$0x3080];
	vm9 =	vnez.u8 v57;
	v2 =	vsel vm13, v1, v2;
	v1 =	vsel vm13, v48, v1  }
0xc9: {  	v3 =	vsel vm9, $0x21, v3;
	vm9 =	vnez.u8 v13;
	v48 =	vimm.s32 $0x0  }
0xca: {  	v16 =	vld [tilespmem:$0x1FDD0];
	vm15 =	vgt.f32 v51, v2;
	vm10 =	vgt.f32 v51, v1;
	v3 =	vsel vm1, v4, v3  }
0xcb: {  	v22 =	vld [tilespmem:$0x1FDF0];
	[tilespmem:$0x1FEC0] =	vst v5;
	v4 =	vsel vm1, $0x21, v4;
	v5 =	vsel vm15, $0xFFFFFFFF, v56;
	v2 =	vsel vm15, v51, v2  }
0xcc: {  	v58 =	vld [tilespmem:s18+$0x3100];
	[tilespmem:$0x1FEB0] =	vst v8;
	v8 =	vsel vm10, $0xFFFFFFFF, v59;
	vm15 =	vnez.u8 v61;
	v2 =	vsel vm10, v1, v2  }
0xcd: {  	v19 =	vld [tilespmem:$0x1FDE0];
	v1 =	vsel vm10, v51, v1;
	v3 =	vsel vm15, $0x22, v3;
	vm11 =	vgt.f32 v54, v2  }
0xce: {  	[tilespmem:$0x1FED0] =	vst v6;
	vm7 =	vgt.f32 v54, v1;
	v3 =	vsel vm2, v4, v3;
	v4 =	vsel vm2, $0x22, v4  }
0xcf: {  	[tilespmem:$0x1FF00] =	vst v8;
	v6 =	vsel vm11, $0xFFFFFFFF, v60;
	v2 =	vsel vm11, v54, v2;
	v8 =	vsel vm7, $0xFFFFFFFF, v63  }
0xd0: {  	v3 =	vsel vm9, $0x23, v3;
	vm11 =	vnez.u8 v16;
	vm9 =	vnez.u8 v22  }
0xd1: {  	v62 =	vld [tilespmem:s18+$0x3180];
	v2 =	vsel vm7, v1, v2;
	v1 =	vsel vm7, v54, v1;
	v3 =	vsel vm3, v4, v3  }
0xd2: {  	v25 =	vld [tilespmem:$0x1FE00];
	v4 =	vsel vm3, $0x23, v4;
	vm7 =	vnez.u8 v19;
	vm8 =	vgt.f32 v58, v2  }
0xd3: {  	[tilespmem:$0x1FEE0] =	vst v7;
	vm15 =	vgt.f32 v58, v1;
	v3 =	vsel vm11, $0x24, v3;
	v7 =	vsel vm8, $0xFFFFFFFF, v12  }
0xd4: {  	v14 =	vld [tilespmem:s18+$0x3200];
	v2 =	vsel vm8, v58, v2;
	v3 =	vsel vm4, v4, v3;
	v4 =	vsel vm4, $0x24, v4  }
0xd5: {  	v17 =	vld [tilespmem:s18+$0x3280];
	v2 =	vsel vm15, v1, v2;
	v1 =	vsel vm15, v58, v1;
	v3 =	vsel vm7, $0x25, v3  }
0xd6: {  	v27 =	vld [tilespmem:$0x1FE10];
	vm10 =	vgt.f32 v62, v2;
	vm11 =	vgt.f32 v62, v1;
	v3 =	vsel vm5, v4, v3  }
0xd7: {  	v31 =	vld [tilespmem:$0x1FE30];
	v4 =	vsel vm5, $0x25, v4;
	vm5 =	vnez.u8 v25;
	v2 =	vsel vm10, v62, v2  }
0xd8: {  	[tilespmem:$0x1FEF0] =	vst v5;
	v5 =	vsel vm10, $0xFFFFFFFF, v15;
	v3 =	vsel vm9, $0x26, v3;
	v2 =	vsel vm11, v1, v2  }
0xd9: {  	v1 =	vsel vm11, v62, v1;
	v3 =	vsel vm6, v4, v3;
	vm4 =	vgt.f32 v14, v2  }
0xda: {  	v20 =	vld [tilespmem:s18+$0x3300];
	v4 =	vsel vm6, $0x26, v4;
	vm10 =	vgt.f32 v14, v1;
	v2 =	vsel vm4, v14, v2  }
0xdb: {  	v23 =	vld [tilespmem:s18+$0x3380];
	vm6 =	vnez.u8 v27;
	v3 =	vsel vm5, $0x27, v3;
	v2 =	vsel vm10, v1, v2  }
0xdc: {  	v29 =	vld [tilespmem:$0x1FE20];
	vm5 =	vnez.u8 v31;
	v1 =	vsel vm10, v14, v1;
	vm8 =	vgt.f32 v17, v2  }
0xdd: {  	v33 =	vld [tilespmem:$0x1FE40];
	[tilespmem:$0x1FF10] =	vst v6;
	v6 =	vsel vm4, $0xFFFFFFFF, v18;
	vm9 =	vgt.f32 v17, v1;
	v2 =	vsel vm8, v17, v2  }
0xde: {  	v35 =	vld [tilespmem:$0x1FE50];
	v3 =	vsel vm6, v4, v3;
	v4 =	vsel vm6, $0x27, v4;
	v2 =	vsel vm9, v1, v2  }
0xdf: {  	[tilespmem:$0x1FF30] =	vst v7;
	v7 =	vsel vm8, $0xFFFFFFFF, v21;
	v1 =	vsel vm9, v17, v1;
	vm4 =	vgt.f32 v20, v2  }
0xe0: {  	[tilespmem:$0x1FF40] =	vst v5;
	vm8 =	vgt.f32 v20, v1;
	v5 =	vsel vm4, $0xFFFFFFFF, v24;
	v2 =	vsel vm4, v20, v2  }
0xe1: {  	v26 =	vld [tilespmem:s18+$0x3800];
	vm4 =	vnez.u8 v29;
	v2 =	vsel vm8, v1, v2;
	v1 =	vsel vm8, v20, v1  }
0xe2: {  	v3 =	vsel vm4, $0x28, v3;
	vm4 =	vnez.u8 v33;
	vm7 =	vgt.f32 v23, v2  }
0xe3: {  	v37 =	vld [tilespmem:$0x1FE60];
	v3 =	vsel vm5, v4, v3;
	v4 =	vsel vm5, $0x28, v4;
	vm5 =	vnez.u8 v35  }
0xe4: {  	v30 =	vld [tilespmem:s18+$0x3880];
	[tilespmem:$0x1FF50] =	vst v6;
	v6 =	vsel vm7, $0xFFFFFFFF, v28;
	v2 =	vsel vm7, v23, v2;
	vm7 =	vgt.f32 v23, v1  }
0xe5: {  	v39 =	vld [tilespmem:$0x1FE70];
	v3 =	vsel vm4, $0x29, v3;
	v2 =	vsel vm7, v1, v2;
	v1 =	vsel vm7, v23, v1  }
0xe6: {  	v34 =	vld [tilespmem:s18+$0x3900];
	v3 =	vsel vm5, v4, v3;
	v4 =	vsel vm5, $0x29, v4;
	vm6 =	vgt.f32 v26, v2  }
0xe7: {  	v41 =	vld [tilespmem:$0x1FE80];
	[tilespmem:$0x1FF60] =	vst v7;
	v7 =	vsel vm6, $0xFFFFFFFF, v32;
	v2 =	vsel vm6, v26, v2;
	vm6 =	vgt.f32 v26, v1  }
0xe8: {  	vm5 =	vnez.u8 v37;
	v2 =	vsel vm6, v1, v2;
	v1 =	vsel vm6, v26, v1  }
0xe9: {  	v38 =	vld [tilespmem:s18+$0x3980];
	v3 =	vsel vm5, $0x2A, v3;
	vm4 =	vgt.f32 v30, v2;
	vm5 =	vgt.f32 v30, v1  }
0xea: {  	v45 =	vld [tilespmem:$0x1FEA0];
	[tilespmem:$0x1FF70] =	vst v5;
	v5 =	vsel vm4, $0xFFFFFFFF, v36;
	v2 =	vsel vm4, v30, v2;
	vm4 =	vnez.u8 v39  }
0xeb: {  	v47 =	vld [tilespmem:$0x1FEB0];
	v3 =	vsel vm4, v4, v3;
	v2 =	vsel vm5, v1, v2;
	v4 =	vsel vm4, $0x2A, v4  }
0xec: {  	v1 =	vsel vm5, v30, v1;
	vm4 =	vnez.u8 v41;
	vm1 =	vgt.f32 v34, v2  }
0xed: {  	v49 =	vld [tilespmem:$0x1FEC0];
	[tilespmem:$0x1FF80] =	vst v6;
	v3 =	vsel vm4, $0x2B, v3;
	vm4 =	vgt.f32 v34, v1;
	v6 =	vsel vm1, $0xFFFFFFFF, v40  }
0xee: {  	v2 =	vsel vm1, v34, v2;
	v3 =	vsel vm0, v4, v3;
	v4 =	vsel vm0, $0x2B, v4  }
0xef: {  	v42 =	vld [tilespmem:s18+$0x3A00];
	vm0 =	vnez.u8 v45;
	v2 =	vsel vm4, v1, v2;
	v1 =	vsel vm4, v34, v1  }
0xf0: {  	v52 =	vld [tilespmem:$0x1FED0];
	v3 =	vsel vm0, $0x2C, v3;
	vm0 =	vnez.u8 v47;
	vm1 =	vgt.f32 v38, v2  }
0xf1: {  	vm3 =	vgt.f32 v38, v1;
	v3 =	vsel vm0, v4, v3;
	v4 =	vsel vm0, $0x2C, v4  }
0xf2: {  	v46 =	vld [tilespmem:s18+$0x3A80];
	[tilespmem:$0x1FF90] =	vst v7;
	vm0 =	vnez.u8 v49;
	v7 =	vsel vm1, $0xFFFFFFFF, v44;
	v2 =	vsel vm1, v38, v2  }
0xf3: {  	v3 =	vsel vm0, $0x2D, v3;
	v2 =	vsel vm3, v1, v2;
	v1 =	vsel vm3, v38, v1  }
0xf4: {  	v50 =	vld [tilespmem:s18+$0x3B00];
	v3 =	vsel vm12, v4, v3;
	v4 =	vsel vm12, $0x2D, v4;
	vm1 =	vgt.f32 v42, v2  }
0xf5: {  	v54 =	vld [tilespmem:$0x1FEE0];
	vm12 =	vnez.u8 v52;
	vm2 =	vgt.f32 v42, v1;
	v2 =	vsel vm1, v42, v2  }
0xf6: {  	v51 =	vimm.s32 $0x0;
	v3 =	vsel vm12, $0x2E, v3;
	v2 =	vsel vm2, v1, v2  }
0xf7: {  	[tilespmem:$0x1FFA0] =	vst v5;
	v5 =	vsel vm1, $0xFFFFFFFF, v48;
	v1 =	vsel vm2, v42, v1;
	vm1 =	vgt.f32 v46, v2  }
0xf8: {  	v53 =	vld [tilespmem:s18+$0x3B80];
	[tilespmem:$0x1FFB0] =	vst v6;
	v6 =	vsel vm1, $0xFFFFFFFF, v51;
	v2 =	vsel vm1, v46, v2;
	vm1 =	vgt.f32 v46, v1  }
0xf9: {  	v3 =	vsel vm14, v4, v3;
	v4 =	vsel vm14, $0x2E, v4;
	v2 =	vsel vm1, v1, v2  }
0xfa: {  	vm14 =	vnez.u8 v54;
	v1 =	vsel vm1, v46, v1;
	vm12 =	vgt.f32 v50, v2  }
0xfb: {  	v3 =	vsel vm14, $0x2F, v3;
	vm14 =	vgt.f32 v50, v1;
	v2 =	vsel vm12, v50, v2  }
0xfc: {  	v55 =	vimm.s32 $0x0;
	v3 =	vsel vm13, v4, v3;
	v2 =	vsel vm14, v1, v2  }
0xfd: {  	v56 =	vld [tilespmem:$0x1FEF0];
	v4 =	vsel vm13, $0x2F, v4;
	v1 =	vsel vm14, v50, v1;
	vm13 =	vgt.f32 v53, v2  }
0xfe: {  	v57 =	vld [tilespmem:$0x1FF00];
	[tilespmem:$0x1FFD0] =	vst v5;
	v5 =	vsel vm13, $0xFFFFFFFF, v55;
	v2 =	vsel vm13, v53, v2;
	vm13 =	vgt.f32 v53, v1  }
0xff: {  	[tilespmem:$0x1FF20] =	vst v8;
	v58 =	vld [tilespmem:$0x1FF10];
	v2 =	vsel vm13, v1, v2;
	v1 =	vsel vm13, v53, v1  }
0x100: {  	v1 =	vsub.f32 v2, v1;
	v2 =	vld [tilespmem:$0x1FF20]  }
0x101: {  	v59 =	vld [tilespmem:$0x1FF30]  }
0x102: {  	vm0 =	vnez.u8 v56  }
0x103: {  	v60 =	vld [tilespmem:$0x1FF40];
	v3 =	vsel vm0, $0x30, v3;
	vm0 =	vnez.u8 v57  }
0x104: {  	v3 =	vsel vm0, v4, v3;
	v4 =	vsel vm0, $0x30, v4;
	vm0 =	vnez.u8 v58  }
0x105: {  	v3 =	vsel vm0, $0x31, v3;
	vm0 =	vnez.u8 v2  }
0x106: {  	v2 =	vsel vm0, v4, v3;
	v3 =	vsel vm0, $0x31, v4;
	vm0 =	vnez.u8 v59  }
0x107: {  	v1 =	vmul.f32 $1.442695020e+00, v1;
	v2 =	vsel vm0, $0x32, v2  }
0x108: {  	v2 =	vsel vm15, v3, v2;
	v3 =	vsel vm15, $0x32, v3;
	vm15 =	vnez.u8 v60  }
0x109: {  	v2 =	vsel vm15, $0x33, v2  }
0x10a: {  	(erf) = vpow2.f32 v1;
	v1 =	vsel vm11, v3, v2;
	v2 =	vsel vm11, $0x33, v3;
	v3 =	vld [tilespmem:$0x1FF50];
	_ =	sdelay $0x4  }
0x10b: {  	vm11 =	vnez.u8 v3;
	v3 =	vld [tilespmem:$0x1FF60];
	_ =	sdelay $0x4  }
0x10c: {  	vm15 =	vnez.u8 v3;
	v3 =	vld [tilespmem:$0x1FF70];
	_ =	sdelay $0x3  }
0x10d: {  	v1 =	vsel vm11, $0x34, v1  }
0x10e: {  	v1 =	vsel vm10, v2, v1;
	v2 =	vsel vm10, $0x34, v2;
	vm10 =	vnez.u8 v3;
	v3 =	vld [tilespmem:$0x1FF80];
	_ =	sdelay $0x4  }
0x10f: {  	vm11 =	vnez.u8 v3;
	v3 =	vpop (erf)  }
0x110: {  	v3 =	vadd.f32 $1.000000000e+00, v3;
	_ =	sdelay $0x1  }
0x111: {  	(erf) = vrcp.f32 v3;
	v3 =	vld [tilespmem:$0x1FFB0];
	_ =	sdelay $0x1  }
0x112: {  	v1 =	vsel vm15, $0x35, v1  }
0x113: {  	v1 =	vsel vm9, v2, v1  }
0x114: {  	[tilespmem:$0x1FFC0] =	vst v7;
	v2 =	vsel vm9, $0x35, v2;
	v1 =	vsel vm10, $0x36, v1  }
0x115: {  	v1 =	vsel vm8, v2, v1;
	v2 =	vsel vm8, $0x36, v2;
	vm8 =	vnez.u8 v3;
	v3 =	vld [tilespmem:$0x1FFC0];
	_ =	sdelay $0x1  }
0x116: {  	v61 =	vld [tilespmem:$0x1FF90];
	_ =	sdelay $0x1  }
0x117: {  	v62 =	vld [tilespmem:$0x1FFA0]  }
0x118: {  	vm9 =	vnez.u8 v3;
	v3 =	vld [tilespmem:$0x1FFD0]  }
0x119: {  	v1 =	vsel vm11, $0x37, v1  }
0x11a: {  	vm15 =	vnez.u8 v61;
	v1 =	vsel vm7, v2, v1  }
0x11b: {  	v2 =	vsel vm7, $0x37, v2;
	v1 =	vsel vm15, $0x38, v1  }
0x11c: {  	[tilespmem:$0x1FFE0] =	vst v6;
	vm7 =	vnez.u8 v62;
	v1 =	vsel vm6, v2, v1  }
0x11d: {  	v2 =	vsel vm6, $0x38, v2;
	v1 =	vsel vm7, $0x39, v1;
	vm10 =	vnez.u8 v3;
	v3 =	vld [tilespmem:$0x1FFE0]  }
0x11e: {  	v1 =	vsel vm5, v2, v1  }
0x11f: {  	v2 =	vsel vm5, $0x39, v2;
	v1 =	vsel vm8, $0x3A, v1  }
0x120: {  	s28 =	sshll.u32 s17, $0x2;
	v1 =	vsel vm4, v2, v1  }
0x121: {  	s29 =	sshra.s32 s28, $0x2;
	v2 =	vsel vm4, $0x3A, v2;
	v1 =	vsel vm9, $0x3B, v1  }
0x122: {  	s31 =	sadd.s32 $0x4000, s29;
	[tilespmem:$0x1FFF0] =	vst v5;
	v1 =	vsel vm3, v2, v1;
	vm11 =	vnez.u8 v3;
	v3 =	vpop (erf)  }
0x123: {  	v2 =	vsel vm3, $0x3B, v2;
	v1 =	vsel vm10, $0x3C, v1;
	v63 =	vsub.f32 $1.000000000e+00, v3;
	[tilespmem:s31+$0x0] =	vst v3;
	v3 =	vld [tilespmem:$0x1FFF0]  }
0x124: {  	v1 =	vsel vm2, v2, v1  }
0x125: {  	v2 =	vsel vm2, $0x3C, v2;
	v1 =	vsel vm11, $0x3D, v1  }
0x126: {  	v1 =	vsel vm1, v2, v1  }
0x127: {  	s21 =	simm.s32 $0x10;
	s22 =	simm.s32 $0x80;
	p0 =	por p1, p1;
	v2 =	vsel vm1, $0x3D, v2;
	v1 =	vsel vm12, $0x3E, v1  }
0x128: {  	s24 =	sand.u32 $0x70, s21;
	s25 =	sand.u32 $0x400, s22;
	s18 =	sadd.s32 $0x4200, s29;
	v1 =	vsel vm14, v2, v1;
	v2 =	vsel vm14, $0x3E, v2;
	vm15 =	vnez.u8 v3  }
0x129: {  	s17 =	sadd.s32 $0x4600, s29;
	s30 =	sadd.s32 $0x4400, s29;
	s26 =	simm.s32 $0x20;
	[tilespmem:s18+$0x0] =	vst v63;
	v3 =	vsel vm13, $0x3F, v2;
	v1 =	vsel vm15, $0x3F, v1  }
0x12a: {  	s20 =	sadd.s32 $0x10, s30;
	s19 =	sadd.s32 $0x10, s31;
	s18 =	sadd.s32 $0x10, s18;
	[tilespmem:s30+$0x0] =	vst v3;
	v1 =	vsel vm13, v2, v1  }
.LBB2_3:
0x12b: {  	s24 =	sor.u32 s24, s25  }
0x12c: {  	[tilespmem:s17+$0x0] =	vst v1;
	s17 =	sadd.s32 $0x10, s17;
	s25 =	smov.u32 s26;
	s23 =	sadd.s32 $0x10, s26  }
0x12d: {  	p1 =	sne.s32 s26, $0xF0;
	v1 =	vld [tilespmem:s24+$0x80]  }
0x12e: {  	v2 =	vld [tilespmem:s24+$0x0];
	_ =	sdelay $0x2  }
0x12f: {  	v3 =	vld [tilespmem:s24+$0x100]  }
0x130: {  	vm0 =	vlt.f32 v1, $-Inf;
	vm1 =	vgt.f32 v1, $-Inf  }
0x131: {  	vm2 =	vgt.f32 v1, v2;
	vm0 =	vmor vm1, vm0;
	v4 =	vld [tilespmem:s24+$0x180]  }
0x132: {  	vm1 =	vmneg vm2;
	v5 =	vnsel vm0, $0xFF800000, v1;
	v6 =	vsel vm2, $0x1, v0  }
0x133: {  	vm0 =	vmand vm1, vm0;
	v5 =	vsel vm1, v5, v2;
	v1 =	vsel vm1, v2, v1  }
0x134: {  	v2 =	vsel vm0, $0x1, v0;
	vm0 =	vgt.f32 v3, v1;
	vm1 =	vgt.f32 v3, v5  }
0x135: {  	v2 =	vsel vm1, $0x2, v2;
	v5 =	vsel vm1, v3, v5;
	v3 =	vsel vm0, v3, v1;
	v7 =	vld [tilespmem:s24+$0x200]  }
0x136: {  	v2 =	vsel vm0, v6, v2;
	v1 =	vsel vm0, v1, v5;
	vm1 =	vgt.f32 v4, v3  }
0x137: {  	v5 =	vsel vm0, $0x2, v6;
	vm0 =	vgt.f32 v4, v1;
	v6 =	vsel vm1, v4, v3  }
0x138: {  	v2 =	vsel vm0, $0x3, v2;
	v1 =	vsel vm0, v4, v1;
	v4 =	vsel vm1, $0x3, v5;
	v8 =	vld [tilespmem:s24+$0x280]  }
0x139: {  	v2 =	vsel vm1, v5, v2;
	v1 =	vsel vm1, v3, v1  }
0x13a: {  	vm0 =	vgt.f32 v7, v6;
	vm1 =	vgt.f32 v7, v1  }
0x13b: {  	v2 =	vsel vm1, $0x4, v2;
	v1 =	vsel vm1, v7, v1;
	v3 =	vsel vm0, v7, v6;
	v5 =	vld [tilespmem:s24+$0x300]  }
0x13c: {  	s26 =	sor.u32 s22, s21;
	s21 =	smov.u32 s25;
	v2 =	vsel vm0, v4, v2;
	v1 =	vsel vm0, v6, v1  }
0x13d: {  	s25 =	sor.u32 $0x380, s26;
	v4 =	vsel vm0, $0x4, v4;
	vm0 =	vgt.f32 v8, v1  }
0x13e: {  	vm1 =	vgt.f32 v8, v3;
	v2 =	vsel vm0, $0x5, v2;
	v1 =	vsel vm0, v8, v1;
	v6 =	vld [tilespmem:s25+$0x0]  }
0x13f: {  	v2 =	vsel vm1, v4, v2;
	v1 =	vsel vm1, v3, v1  }
0x140: {  	v4 =	vsel vm1, $0x5, v4;
	v3 =	vsel vm1, v8, v3;
	vm0 =	vgt.f32 v5, v1  }
0x141: {  	vm1 =	vgt.f32 v5, v3;
	v2 =	vsel vm0, $0x6, v2;
	v1 =	vsel vm0, v5, v1;
	v7 =	vld [tilespmem:s24+$0x800]  }
0x142: {  	v8 =	vsel vm1, $0x6, v4;
	v1 =	vsel vm1, v3, v1;
	v3 =	vsel vm1, v5, v3  }
0x143: {  	v2 =	vsel vm1, v4, v2;
	vm0 =	vgt.f32 v6, v3;
	vm1 =	vgt.f32 v6, v1  }
0x144: {  	v2 =	vsel vm1, $0x7, v2;
	v1 =	vsel vm1, v6, v1;
	v4 =	vsel vm0, v6, v3;
	v5 =	vld [tilespmem:s24+$0x880]  }
0x145: {  	v2 =	vsel vm0, v8, v2;
	v1 =	vsel vm0, v3, v1;
	v3 =	vsel vm0, $0x7, v8  }
0x146: {  	vm0 =	vgt.f32 v7, v4;
	vm1 =	vgt.f32 v7, v1  }
0x147: {  	v2 =	vsel vm1, $0x8, v2;
	v1 =	vsel vm1, v7, v1;
	v6 =	vsel vm0, v7, v4;
	v7 =	vld [tilespmem:s24+$0x900]  }
0x148: {  	v2 =	vsel vm0, v3, v2;
	v1 =	vsel vm0, v4, v1  }
0x149: {  	v3 =	vsel vm0, $0x8, v3;
	vm0 =	vgt.f32 v5, v1  }
0x14a: {  	vm1 =	vgt.f32 v5, v6;
	v2 =	vsel vm0, $0x9, v2;
	v1 =	vsel vm0, v5, v1;
	v4 =	vld [tilespmem:s24+$0x980]  }
0x14b: {  	v2 =	vsel vm1, v3, v2;
	v1 =	vsel vm1, v6, v1;
	v3 =	vsel vm1, $0x9, v3  }
0x14c: {  	v5 =	vsel vm1, v5, v6;
	vm0 =	vgt.f32 v7, v1  }
0x14d: {  	vm1 =	vgt.f32 v7, v5;
	v2 =	vsel vm0, $0xA, v2;
	v1 =	vsel vm0, v7, v1;
	v6 =	vld [tilespmem:s24+$0xA00]  }
0x14e: {  	v2 =	vsel vm1, v3, v2;
	v1 =	vsel vm1, v5, v1  }
0x14f: {  	v3 =	vsel vm1, $0xA, v3;
	v5 =	vsel vm1, v7, v5;
	vm0 =	vgt.f32 v4, v1  }
0x150: {  	vm1 =	vgt.f32 v4, v5;
	v2 =	vsel vm0, $0xB, v2;
	v1 =	vsel vm0, v4, v1;
	v7 =	vld [tilespmem:s24+$0xA80]  }
0x151: {  	v2 =	vsel vm1, v3, v2;
	v1 =	vsel vm1, v5, v1  }
0x152: {  	v4 =	vsel vm1, v4, v5;
	vm0 =	vgt.f32 v6, v1  }
0x153: {  	vm2 =	vgt.f32 v6, v4;
	v1 =	vsel vm0, v6, v1;
	v5 =	vld [tilespmem:s24+$0xB00]  }
0x154: {  	v3 =	vsel vm1, $0xB, v3;
	v2 =	vsel vm0, $0xC, v2;
	v1 =	vsel vm2, v4, v1  }
0x155: {  	v2 =	vsel vm2, v3, v2;
	v4 =	vsel vm2, v6, v4;
	vm0 =	vgt.f32 v7, v1;
	v6 =	vld [tilespmem:s24+$0xB80]  }
0x156: {  	vm1 =	vgt.f32 v7, v4;
	v2 =	vsel vm0, $0xD, v2;
	v1 =	vsel vm0, v7, v1  }
0x157: {  	v3 =	vsel vm2, $0xC, v3;
	v1 =	vsel vm1, v4, v1;
	v4 =	vsel vm1, v7, v4  }
0x158: {  	v2 =	vsel vm1, v3, v2;
	vm0 =	vgt.f32 v5, v4;
	vm2 =	vgt.f32 v5, v1  }
0x159: {  	v3 =	vsel vm1, $0xD, v3;
	v1 =	vsel vm2, v5, v1;
	v5 =	vsel vm0, v5, v4;
	v7 =	vld [tilespmem:s24+$0x1000]  }
0x15a: {  	v2 =	vsel vm2, $0xE, v2;
	v1 =	vsel vm0, v4, v1;
	vm1 =	vgt.f32 v6, v5  }
0x15b: {  	v2 =	vsel vm0, v3, v2;
	vm2 =	vgt.f32 v6, v1;
	v4 =	vsel vm1, v6, v5  }
0x15c: {  	v3 =	vsel vm0, $0xE, v3;
	v2 =	vsel vm2, $0xF, v2;
	v1 =	vsel vm2, v6, v1;
	v6 =	vld [tilespmem:s24+$0x1080]  }
0x15d: {  	v2 =	vsel vm1, v3, v2;
	v1 =	vsel vm1, v5, v1  }
0x15e: {  	v3 =	vsel vm1, $0xF, v3;
	vm0 =	vgt.f32 v7, v1  }
0x15f: {  	vm1 =	vgt.f32 v7, v4;
	v2 =	vsel vm0, $0x10, v2;
	v1 =	vsel vm0, v7, v1;
	v5 =	vld [tilespmem:s24+$0x1100]  }
0x160: {  	v2 =	vsel vm1, v3, v2;
	v1 =	vsel vm1, v4, v1;
	v4 =	vsel vm1, v7, v4  }
0x161: {  	v3 =	vsel vm1, $0x10, v3;
	vm0 =	vgt.f32 v6, v1  }
0x162: {  	vm1 =	vgt.f32 v6, v4;
	v2 =	vsel vm0, $0x11, v2;
	v1 =	vsel vm0, v6, v1;
	v7 =	vld [tilespmem:s24+$0x1180]  }
0x163: {  	v2 =	vsel vm1, v3, v2;
	v1 =	vsel vm1, v4, v1  }
0x164: {  	v3 =	vsel vm1, $0x11, v3;
	v4 =	vsel vm1, v6, v4;
	vm0 =	vgt.f32 v5, v1  }
0x165: {  	vm1 =	vgt.f32 v5, v4;
	v2 =	vsel vm0, $0x12, v2;
	v1 =	vsel vm0, v5, v1;
	v6 =	vld [tilespmem:s24+$0x1200]  }
0x166: {  	v2 =	vsel vm1, v3, v2;
	v1 =	vsel vm1, v4, v1  }
0x167: {  	v3 =	vsel vm1, $0x12, v3;
	v4 =	vsel vm1, v5, v4;
	vm0 =	vgt.f32 v7, v1  }
0x168: {  	vm1 =	vgt.f32 v7, v4;
	v2 =	vsel vm0, $0x13, v2;
	v1 =	vsel vm0, v7, v1;
	v5 =	vld [tilespmem:s24+$0x1280]  }
0x169: {  	v2 =	vsel vm1, v3, v2;
	v1 =	vsel vm1, v4, v1;
	v4 =	vsel vm1, v7, v4  }
0x16a: {  	v3 =	vsel vm1, $0x13, v3;
	vm0 =	vgt.f32 v6, v1  }
0x16b: {  	vm1 =	vgt.f32 v6, v4;
	v2 =	vsel vm0, $0x14, v2;
	v1 =	vsel vm0, v6, v1;
	v7 =	vld [tilespmem:s24+$0x1300]  }
0x16c: {  	v2 =	vsel vm1, v3, v2;
	v1 =	vsel vm1, v4, v1;
	v3 =	vsel vm1, $0x14, v3  }
0x16d: {  	v4 =	vsel vm1, v6, v4;
	vm0 =	vgt.f32 v5, v1  }
0x16e: {  	vm1 =	vgt.f32 v5, v4;
	v2 =	vsel vm0, $0x15, v2;
	v1 =	vsel vm0, v5, v1;
	v6 =	vld [tilespmem:s24+$0x1380]  }
0x16f: {  	v8 =	vsel vm1, $0x15, v3;
	v1 =	vsel vm1, v4, v1  }
0x170: {  	v2 =	vsel vm1, v3, v2;
	v3 =	vsel vm1, v5, v4;
	vm0 =	vgt.f32 v7, v1  }
0x171: {  	vm1 =	vgt.f32 v7, v3;
	v2 =	vsel vm0, $0x16, v2;
	v1 =	vsel vm0, v7, v1;
	v4 =	vld [tilespmem:s24+$0x1800]  }
0x172: {  	v2 =	vsel vm1, v8, v2;
	v1 =	vsel vm1, v3, v1;
	v3 =	vsel vm1, v7, v3  }
0x173: {  	v5 =	vsel vm1, $0x16, v8;
	vm0 =	vgt.f32 v6, v1  }
0x174: {  	vm1 =	vgt.f32 v6, v3;
	v2 =	vsel vm0, $0x17, v2;
	v1 =	vsel vm0, v6, v1;
	v7 =	vld [tilespmem:s24+$0x1880]  }
0x175: {  	v2 =	vsel vm1, v5, v2;
	v1 =	vsel vm1, v3, v1  }
0x176: {  	v5 =	vsel vm1, $0x17, v5;
	v3 =	vsel vm1, v6, v3;
	vm0 =	vgt.f32 v4, v1  }
0x177: {  	vm1 =	vgt.f32 v4, v3;
	v2 =	vsel vm0, $0x18, v2;
	v1 =	vsel vm0, v4, v1;
	v6 =	vld [tilespmem:s24+$0x1900]  }
0x178: {  	v2 =	vsel vm1, v5, v2;
	v1 =	vsel vm1, v3, v1  }
0x179: {  	v5 =	vsel vm1, $0x18, v5;
	v3 =	vsel vm1, v4, v3;
	vm0 =	vgt.f32 v7, v1  }
0x17a: {  	vm1 =	vgt.f32 v7, v3;
	v2 =	vsel vm0, $0x19, v2;
	v1 =	vsel vm0, v7, v1;
	v4 =	vld [tilespmem:s24+$0x1980]  }
0x17b: {  	v2 =	vsel vm1, v5, v2;
	v1 =	vsel vm1, v3, v1  }
0x17c: {  	v5 =	vsel vm1, $0x19, v5;
	v3 =	vsel vm1, v7, v3;
	vm0 =	vgt.f32 v6, v1  }
0x17d: {  	vm1 =	vgt.f32 v6, v3;
	v2 =	vsel vm0, $0x1A, v2;
	v1 =	vsel vm0, v6, v1;
	v7 =	vld [tilespmem:s24+$0x1A00]  }
0x17e: {  	v2 =	vsel vm1, v5, v2;
	v1 =	vsel vm1, v3, v1;
	v3 =	vsel vm1, v6, v3  }
0x17f: {  	v5 =	vsel vm1, $0x1A, v5;
	vm0 =	vgt.f32 v4, v1  }
0x180: {  	vm1 =	vgt.f32 v4, v3;
	v2 =	vsel vm0, $0x1B, v2;
	v1 =	vsel vm0, v4, v1;
	v6 =	vld [tilespmem:s24+$0x1A80]  }
0x181: {  	v2 =	vsel vm1, v5, v2;
	v1 =	vsel vm1, v3, v1;
	v3 =	vsel vm1, v4, v3  }
0x182: {  	vm0 =	vgt.f32 v7, v3;
	vm2 =	vgt.f32 v7, v1  }
0x183: {  	v4 =	vsel vm1, $0x1B, v5;
	v2 =	vsel vm2, $0x1C, v2;
	v1 =	vsel vm2, v7, v1;
	v5 =	vld [tilespmem:s24+$0x1B00]  }
0x184: {  	v2 =	vsel vm0, v4, v2;
	v1 =	vsel vm0, v3, v1;
	v3 =	vsel vm0, v7, v3  }
0x185: {  	v4 =	vsel vm0, $0x1C, v4;
	vm0 =	vgt.f32 v6, v1  }
0x186: {  	vm1 =	vgt.f32 v6, v3;
	v2 =	vsel vm0, $0x1D, v2;
	v1 =	vsel vm0, v6, v1;
	v7 =	vld [tilespmem:s24+$0x1B80]  }
0x187: {  	v2 =	vsel vm1, v4, v2;
	v1 =	vsel vm1, v3, v1;
	v3 =	vsel vm1, v6, v3  }
0x188: {  	v4 =	vsel vm1, $0x1D, v4;
	vm0 =	vgt.f32 v5, v1  }
0x189: {  	vm1 =	vgt.f32 v5, v3;
	v2 =	vsel vm0, $0x1E, v2;
	v1 =	vsel vm0, v5, v1;
	v6 =	vld [tilespmem:s24+$0x2000]  }
0x18a: {  	v2 =	vsel vm1, v4, v2;
	v1 =	vsel vm1, v3, v1;
	v3 =	vsel vm1, v5, v3  }
0x18b: {  	v4 =	vsel vm1, $0x1E, v4;
	vm0 =	vgt.f32 v7, v1  }
0x18c: {  	vm1 =	vgt.f32 v7, v3;
	v2 =	vsel vm0, $0x1F, v2;
	v1 =	vsel vm0, v7, v1;
	v5 =	vld [tilespmem:s24+$0x2080]  }
0x18d: {  	v2 =	vsel vm1, v4, v2;
	v1 =	vsel vm1, v3, v1;
	v3 =	vsel vm1, v7, v3  }
0x18e: {  	v4 =	vsel vm1, $0x1F, v4;
	vm0 =	vgt.f32 v6, v1  }
0x18f: {  	vm1 =	vgt.f32 v6, v3;
	v2 =	vsel vm0, $0x20, v2;
	v1 =	vsel vm0, v6, v1;
	v7 =	vld [tilespmem:s24+$0x2100]  }
0x190: {  	v2 =	vsel vm1, v4, v2;
	v1 =	vsel vm1, v3, v1;
	v3 =	vsel vm1, v6, v3  }
0x191: {  	vm0 =	vgt.f32 v5, v1  }
0x192: {  	v4 =	vsel vm1, $0x20, v4;
	vm1 =	vgt.f32 v5, v3;
	v1 =	vsel vm0, v5, v1;
	v6 =	vld [tilespmem:s24+$0x2180]  }
0x193: {  	v2 =	vsel vm0, $0x21, v2;
	v8 =	vsel vm1, $0x21, v4;
	v1 =	vsel vm1, v3, v1  }
0x194: {  	v2 =	vsel vm1, v4, v2;
	v3 =	vsel vm1, v5, v3;
	vm0 =	vgt.f32 v7, v1  }
0x195: {  	vm1 =	vgt.f32 v7, v3;
	v2 =	vsel vm0, $0x22, v2;
	v1 =	vsel vm0, v7, v1;
	v4 =	vld [tilespmem:s24+$0x2200]  }
0x196: {  	v2 =	vsel vm1, v8, v2;
	v1 =	vsel vm1, v3, v1;
	v3 =	vsel vm1, v7, v3  }
0x197: {  	v5 =	vsel vm1, $0x22, v8;
	vm0 =	vgt.f32 v6, v1  }
0x198: {  	vm1 =	vgt.f32 v6, v3;
	v2 =	vsel vm0, $0x23, v2;
	v1 =	vsel vm0, v6, v1;
	v7 =	vld [tilespmem:s24+$0x2280]  }
0x199: {  	v2 =	vsel vm1, v5, v2;
	v1 =	vsel vm1, v3, v1;
	v3 =	vsel vm1, v6, v3  }
0x19a: {  	v5 =	vsel vm1, $0x23, v5;
	vm0 =	vgt.f32 v4, v1  }
0x19b: {  	vm1 =	vgt.f32 v4, v3;
	v2 =	vsel vm0, $0x24, v2;
	v1 =	vsel vm0, v4, v1;
	v6 =	vld [tilespmem:s24+$0x2300]  }
0x19c: {  	v2 =	vsel vm1, v5, v2;
	v1 =	vsel vm1, v3, v1;
	v5 =	vsel vm1, $0x24, v5  }
0x19d: {  	v3 =	vsel vm1, v4, v3;
	vm0 =	vgt.f32 v7, v1  }
0x19e: {  	vm1 =	vgt.f32 v7, v3;
	v2 =	vsel vm0, $0x25, v2;
	v1 =	vsel vm0, v7, v1;
	v4 =	vld [tilespmem:s24+$0x2380]  }
0x19f: {  	v2 =	vsel vm1, v5, v2;
	v1 =	vsel vm1, v3, v1;
	v5 =	vsel vm1, $0x25, v5  }
0x1a0: {  	v3 =	vsel vm1, v7, v3;
	vm0 =	vgt.f32 v6, v1  }
0x1a1: {  	vm1 =	vgt.f32 v6, v3;
	v2 =	vsel vm0, $0x26, v2;
	v1 =	vsel vm0, v6, v1;
	v7 =	vld [tilespmem:s24+$0x2800]  }
0x1a2: {  	v8 =	vsel vm1, $0x26, v5;
	v1 =	vsel vm1, v3, v1;
	v3 =	vsel vm1, v6, v3  }
0x1a3: {  	v2 =	vsel vm1, v5, v2;
	vm0 =	vgt.f32 v4, v1  }
0x1a4: {  	vm1 =	vgt.f32 v4, v3;
	v2 =	vsel vm0, $0x27, v2;
	v1 =	vsel vm0, v4, v1;
	v5 =	vld [tilespmem:s24+$0x2880]  }
0x1a5: {  	v2 =	vsel vm1, v8, v2;
	v1 =	vsel vm1, v3, v1;
	v3 =	vsel vm1, v4, v3  }
0x1a6: {  	v4 =	vsel vm1, $0x27, v8;
	vm0 =	vgt.f32 v7, v1  }
0x1a7: {  	vm1 =	vgt.f32 v7, v3;
	v2 =	vsel vm0, $0x28, v2;
	v1 =	vsel vm0, v7, v1;
	v6 =	vld [tilespmem:s24+$0x2900]  }
0x1a8: {  	v8 =	vsel vm1, $0x28, v4;
	v1 =	vsel vm1, v3, v1;
	v3 =	vsel vm1, v7, v3  }
0x1a9: {  	v2 =	vsel vm1, v4, v2;
	vm0 =	vgt.f32 v5, v1  }
0x1aa: {  	vm1 =	vgt.f32 v5, v3;
	v2 =	vsel vm0, $0x29, v2;
	v1 =	vsel vm0, v5, v1;
	v4 =	vld [tilespmem:s24+$0x2980]  }
0x1ab: {  	v2 =	vsel vm1, v8, v2;
	v1 =	vsel vm1, v3, v1;
	v3 =	vsel vm1, v5, v3  }
0x1ac: {  	v5 =	vsel vm1, $0x29, v8;
	vm0 =	vgt.f32 v6, v1  }
0x1ad: {  	vm1 =	vgt.f32 v6, v3;
	v2 =	vsel vm0, $0x2A, v2;
	v1 =	vsel vm0, v6, v1;
	v7 =	vld [tilespmem:s24+$0x2A00]  }
0x1ae: {  	v8 =	vsel vm1, $0x2A, v5;
	v1 =	vsel vm1, v3, v1;
	v3 =	vsel vm1, v6, v3  }
0x1af: {  	v2 =	vsel vm1, v5, v2;
	vm0 =	vgt.f32 v4, v1  }
0x1b0: {  	vm1 =	vgt.f32 v4, v3;
	v2 =	vsel vm0, $0x2B, v2;
	v1 =	vsel vm0, v4, v1;
	v5 =	vld [tilespmem:s24+$0x2A80]  }
0x1b1: {  	v6 =	vsel vm1, $0x2B, v8;
	v2 =	vsel vm1, v8, v2;
	v1 =	vsel vm1, v3, v1  }
0x1b2: {  	v3 =	vsel vm1, v4, v3;
	vm0 =	vgt.f32 v7, v1  }
0x1b3: {  	vm1 =	vgt.f32 v7, v3;
	v2 =	vsel vm0, $0x2C, v2;
	v1 =	vsel vm0, v7, v1;
	v4 =	vld [tilespmem:s24+$0x2B00]  }
0x1b4: {  	v2 =	vsel vm1, v6, v2;
	v1 =	vsel vm1, v3, v1;
	v3 =	vsel vm1, v7, v3  }
0x1b5: {  	v6 =	vsel vm1, $0x2C, v6;
	vm0 =	vgt.f32 v5, v1  }
0x1b6: {  	vm1 =	vgt.f32 v5, v3;
	v2 =	vsel vm0, $0x2D, v2;
	v1 =	vsel vm0, v5, v1;
	v7 =	vld [tilespmem:s24+$0x2B80]  }
0x1b7: {  	v2 =	vsel vm1, v6, v2;
	v1 =	vsel vm1, v3, v1;
	v3 =	vsel vm1, v5, v3  }
0x1b8: {  	v5 =	vsel vm1, $0x2D, v6;
	vm0 =	vgt.f32 v4, v1  }
0x1b9: {  	vm1 =	vgt.f32 v4, v3;
	v2 =	vsel vm0, $0x2E, v2;
	v1 =	vsel vm0, v4, v1;
	v6 =	vld [tilespmem:s24+$0x3000]  }
0x1ba: {  	v2 =	vsel vm1, v5, v2;
	v1 =	vsel vm1, v3, v1;
	v3 =	vsel vm1, v4, v3  }
0x1bb: {  	v4 =	vsel vm1, $0x2E, v5;
	vm0 =	vgt.f32 v7, v1  }
0x1bc: {  	vm1 =	vgt.f32 v7, v3;
	v2 =	vsel vm0, $0x2F, v2;
	v1 =	vsel vm0, v7, v1;
	v5 =	vld [tilespmem:s24+$0x3080]  }
0x1bd: {  	v2 =	vsel vm1, v4, v2;
	v1 =	vsel vm1, v3, v1;
	v3 =	vsel vm1, v7, v3  }
0x1be: {  	v4 =	vsel vm1, $0x2F, v4;
	vm0 =	vgt.f32 v6, v1  }
0x1bf: {  	vm1 =	vgt.f32 v6, v3;
	v2 =	vsel vm0, $0x30, v2;
	v1 =	vsel vm0, v6, v1;
	v7 =	vld [tilespmem:s24+$0x3100]  }
0x1c0: {  	v2 =	vsel vm1, v4, v2;
	v1 =	vsel vm1, v3, v1;
	v3 =	vsel vm1, v6, v3  }
0x1c1: {  	v4 =	vsel vm1, $0x30, v4;
	vm0 =	vgt.f32 v5, v1  }
0x1c2: {  	vm1 =	vgt.f32 v5, v3;
	v2 =	vsel vm0, $0x31, v2;
	v1 =	vsel vm0, v5, v1;
	v6 =	vld [tilespmem:s24+$0x3180]  }
0x1c3: {  	v8 =	vsel vm1, $0x31, v4;
	v1 =	vsel vm1, v3, v1;
	v3 =	vsel vm1, v5, v3  }
0x1c4: {  	v2 =	vsel vm1, v4, v2;
	vm0 =	vgt.f32 v7, v1  }
0x1c5: {  	vm1 =	vgt.f32 v7, v3;
	v2 =	vsel vm0, $0x32, v2;
	v1 =	vsel vm0, v7, v1;
	v4 =	vld [tilespmem:s24+$0x3200]  }
0x1c6: {  	v2 =	vsel vm1, v8, v2;
	v1 =	vsel vm1, v3, v1;
	v3 =	vsel vm1, v7, v3  }
0x1c7: {  	v5 =	vsel vm1, $0x32, v8;
	vm0 =	vgt.f32 v6, v1  }
0x1c8: {  	vm1 =	vgt.f32 v6, v3;
	v2 =	vsel vm0, $0x33, v2;
	v1 =	vsel vm0, v6, v1;
	v7 =	vld [tilespmem:s24+$0x3280]  }
0x1c9: {  	v2 =	vsel vm1, v5, v2;
	v1 =	vsel vm1, v3, v1;
	v3 =	vsel vm1, v6, v3  }
0x1ca: {  	v5 =	vsel vm1, $0x33, v5;
	vm0 =	vgt.f32 v4, v1  }
0x1cb: {  	vm1 =	vgt.f32 v4, v3;
	v2 =	vsel vm0, $0x34, v2;
	v1 =	vsel vm0, v4, v1;
	v6 =	vld [tilespmem:s24+$0x3300]  }
0x1cc: {  	v2 =	vsel vm1, v5, v2;
	v1 =	vsel vm1, v3, v1;
	v3 =	vsel vm1, v4, v3  }
0x1cd: {  	v4 =	vsel vm1, $0x34, v5;
	vm0 =	vgt.f32 v7, v1  }
0x1ce: {  	vm1 =	vgt.f32 v7, v3;
	v2 =	vsel vm0, $0x35, v2;
	v1 =	vsel vm0, v7, v1;
	v5 =	vld [tilespmem:s24+$0x3380]  }
0x1cf: {  	v8 =	vsel vm1, $0x35, v4;
	v1 =	vsel vm1, v3, v1;
	v3 =	vsel vm1, v7, v3  }
0x1d0: {  	v2 =	vsel vm1, v4, v2;
	vm0 =	vgt.f32 v6, v1  }
0x1d1: {  	vm1 =	vgt.f32 v6, v3;
	v2 =	vsel vm0, $0x36, v2;
	v1 =	vsel vm0, v6, v1;
	v4 =	vld [tilespmem:s24+$0x3800]  }
0x1d2: {  	v7 =	vsel vm1, $0x36, v8;
	v1 =	vsel vm1, v3, v1;
	v3 =	vsel vm1, v6, v3  }
0x1d3: {  	v2 =	vsel vm1, v8, v2;
	vm0 =	vgt.f32 v5, v1  }
0x1d4: {  	vm1 =	vgt.f32 v5, v3;
	v2 =	vsel vm0, $0x37, v2;
	v1 =	vsel vm0, v5, v1;
	v6 =	vld [tilespmem:s24+$0x3880]  }
0x1d5: {  	v2 =	vsel vm1, v7, v2;
	v1 =	vsel vm1, v3, v1;
	v3 =	vsel vm1, v5, v3  }
0x1d6: {  	v5 =	vsel vm1, $0x37, v7;
	vm0 =	vgt.f32 v4, v1  }
0x1d7: {  	vm1 =	vgt.f32 v4, v3;
	v2 =	vsel vm0, $0x38, v2;
	v1 =	vsel vm0, v4, v1;
	v7 =	vld [tilespmem:s24+$0x3900]  }
0x1d8: {  	v2 =	vsel vm1, v5, v2;
	v1 =	vsel vm1, v3, v1;
	v3 =	vsel vm1, v4, v3  }
0x1d9: {  	v4 =	vsel vm1, $0x38, v5;
	vm0 =	vgt.f32 v6, v1  }
0x1da: {  	vm1 =	vgt.f32 v6, v3;
	v2 =	vsel vm0, $0x39, v2;
	v1 =	vsel vm0, v6, v1;
	v5 =	vld [tilespmem:s24+$0x3980]  }
0x1db: {  	v8 =	vsel vm1, $0x39, v4;
	v1 =	vsel vm1, v3, v1;
	v3 =	vsel vm1, v6, v3  }
0x1dc: {  	v2 =	vsel vm1, v4, v2;
	vm0 =	vgt.f32 v7, v1  }
0x1dd: {  	vm1 =	vgt.f32 v7, v3;
	v2 =	vsel vm0, $0x3A, v2;
	v1 =	vsel vm0, v7, v1;
	v4 =	vld [tilespmem:s24+$0x3A00]  }
0x1de: {  	v2 =	vsel vm1, v8, v2;
	v1 =	vsel vm1, v3, v1;
	v3 =	vsel vm1, v7, v3  }
0x1df: {  	v6 =	vsel vm1, $0x3A, v8;
	vm0 =	vgt.f32 v5, v1  }
0x1e0: {  	vm1 =	vgt.f32 v5, v3;
	v2 =	vsel vm0, $0x3B, v2;
	v1 =	vsel vm0, v5, v1;
	v7 =	vld [tilespmem:s24+$0x3A80]  }
0x1e1: {  	v2 =	vsel vm1, v6, v2;
	v1 =	vsel vm1, v3, v1;
	v3 =	vsel vm1, v5, v3  }
0x1e2: {  	v5 =	vsel vm1, $0x3B, v6;
	vm0 =	vgt.f32 v4, v1  }
0x1e3: {  	vm1 =	vgt.f32 v4, v3;
	v2 =	vsel vm0, $0x3C, v2;
	v1 =	vsel vm0, v4, v1;
	v6 =	vld [tilespmem:s24+$0x3B00]  }
0x1e4: {  	v2 =	vsel vm1, v5, v2;
	v1 =	vsel vm1, v3, v1;
	v3 =	vsel vm1, v4, v3  }
0x1e5: {  	v4 =	vsel vm1, $0x3C, v5;
	vm0 =	vgt.f32 v7, v1  }
0x1e6: {  	vm1 =	vgt.f32 v7, v3;
	v2 =	vsel vm0, $0x3D, v2;
	v1 =	vsel vm0, v7, v1;
	v5 =	vld [tilespmem:s24+$0x3B80]  }
0x1e7: {  	v2 =	vsel vm1, v4, v2;
	v1 =	vsel vm1, v3, v1;
	v3 =	vsel vm1, v7, v3  }
0x1e8: {  	v4 =	vsel vm1, $0x3D, v4;
	vm0 =	vgt.f32 v6, v1  }
0x1e9: {  	vm1 =	vgt.f32 v6, v3;
	v2 =	vsel vm0, $0x3E, v2;
	v1 =	vsel vm0, v6, v1  }
0x1ea: {  	v2 =	vsel vm1, v4, v2;
	v1 =	vsel vm1, v3, v1;
	v3 =	vsel vm1, v6, v3  }
0x1eb: {  	v4 =	vsel vm1, $0x3E, v4;
	vm0 =	vgt.f32 v5, v1  }
0x1ec: {  	vm1 =	vgt.f32 v5, v3;
	v2 =	vsel vm0, $0x3F, v2;
	v6 =	vsel vm0, v5, v1  }
0x1ed: {  	v1 =	vsel vm1, v4, v2;
	v2 =	vsel vm1, v3, v6;
	v3 =	vsel vm1, v5, v3  }
0x1ee: {  	v4 =	vsel vm1, $0x3F, v4;
	v2 =	vsub.f32 v2, v3;
	_ =	sdelay $0x1  }
0x1ef: {  	v2 =	vmul.f32 $1.442695020e+00, v2;
	_ =	sdelay $0x1  }
0x1f0: {  	(erf) = vpow2.f32 v2;
	_ =	sdelay $0x8  }
0x1f1: {  	v2 =	vpop (erf)  }
0x1f2: {  	v2 =	vadd.f32 $1.000000000e+00, v2;
	_ =	sdelay $0x1  }
0x1f3: {  	(erf) = vrcp.f32 v2;
	_ =	sdelay $0x8  }
.Ltmp0:
0x1f4: {  	v2 =	vpop (erf);
	(pc) =	sbr.rel @p1 .LBB2_3-.Ltmp0, $4  }
0x1f5: {  	[tilespmem:s19+$0x0] =	vst v2;
	v2 =	vsub.f32 $1.000000000e+00, v2  }
0x1f6: {  	s22 =	sadd.s32 $0x80, s22  }
0x1f7: {  	s26 =	smov.u32 s23;
	s19 =	sadd.s32 $0x10, s19;
	[tilespmem:s18+$0x0] =	vst v2;
	s18 =	sadd.s32 $0x10, s18  }
0x1f8: {  	s25 =	sand.u32 $0x400, s22;
	s24 =	sand.u32 $0x70, s21;
	[tilespmem:s20+$0x0] =	vst v4;
	s20 =	sadd.s32 $0x10, s20  }
0x1f9: {  	s23 =	sor.u32 s24, s25;
	[tilespmem:s17+$0x0] =	vst v1  }
0x1fa: {  	v1 =	vld [tilespmem:s23+$0x80]  }
0x1fb: {  	v2 =	vld [tilespmem:s23+$0x0];
	_ =	sdelay $0x2  }
0x1fc: {  	v3 =	vld [tilespmem:s23+$0x100]  }
0x1fd: {  	vm0 =	vlt.f32 v1, $-Inf;
	vm1 =	vgt.f32 v1, $-Inf  }
0x1fe: {  	vm2 =	vgt.f32 v1, v2;
	vm0 =	vmor vm1, vm0  }
0x1ff: {  	vm1 =	vmneg vm2;
	v5 =	vnsel vm0, $0xFF800000, v1  }
0x200: {  	v44 =	vld [tilespmem:s23+$0x180];
	v5 =	vsel vm1, v5, v2  }
0x201: {  	v1 =	vsel vm1, v2, v1;
	v2 =	vimm.s32 $0x0;
	vm10 =	vgt.f32 v3, v5  }
0x202: {  	v4 =	vimm.s32 $0x0;
	v2 =	vsel vm10, $0xFFFFFFFF, v2  }
0x203: {  	v4 =	vsel vm2, $0xFFFFFFFF, v4;
	vm2 =	vgt.f32 v3, v1;
	[tilespmem:$0x1F6E0] =	vst v2;
	v2 =	vsel vm10, v3, v5  }
0x204: {  	v45 =	vld [tilespmem:s23+$0x200];
	v2 =	vsel vm2, v1, v2  }
0x205: {  	v1 =	vsel vm2, v3, v1;
	v3 =	vimm.s32 $0x0;
	vm11 =	vgt.f32 v44, v2  }
0x206: {  	v3 =	vsel vm11, $0xFFFFFFFF, v3  }
0x207: {  	vm3 =	vgt.f32 v44, v1;
	v2 =	vsel vm11, v44, v2;
	[tilespmem:$0x1F6F0] =	vst v3;
	v3 =	vld [tilespmem:s23+$0x280]  }
0x208: {  	v2 =	vsel vm3, v1, v2  }
0x209: {  	v1 =	vsel vm3, v44, v1;
	vm12 =	vgt.f32 v45, v2  }
0x20a: {  	v47 =	vld [tilespmem:s23+$0x300];
	vm4 =	vgt.f32 v45, v1;
	v2 =	vsel vm12, v45, v2  }
0x20b: {  	v2 =	vsel vm4, v1, v2  }
0x20c: {  	s21 =	sor.u32 s22, s21;
	v1 =	vsel vm4, v45, v1;
	vm13 =	vgt.f32 v3, v2  }
0x20d: {  	s21 =	sor.u32 $0x380, s21;
	vm5 =	vgt.f32 v3, v1;
	v2 =	vsel vm13, v3, v2  }
0x20e: {  	v49 =	vld [tilespmem:s21+$0x0];
	v2 =	vsel vm5, v1, v2  }
0x20f: {  	v1 =	vsel vm5, v3, v1;
	v3 =	vimm.s32 $0x0;
	vm14 =	vgt.f32 v47, v2  }
0x210: {  	v3 =	vsel vm14, $0xFFFFFFFF, v3  }
0x211: {  	vm6 =	vgt.f32 v47, v1;
	v2 =	vsel vm14, v47, v2;
	[tilespmem:$0x1F720] =	vst v3;
	v3 =	vld [tilespmem:s23+$0x800]  }
0x212: {  	v2 =	vsel vm6, v1, v2  }
0x213: {  	v1 =	vsel vm6, v47, v1;
	vm15 =	vgt.f32 v49, v2  }
0x214: {  	v51 =	vld [tilespmem:s23+$0x880];
	vm7 =	vgt.f32 v49, v1;
	v2 =	vsel vm15, v49, v2  }
0x215: {  	v48 =	vimm.s32 $0x0;
	v52 =	vimm.s32 $0x0;
	v2 =	vsel vm7, v1, v2  }
0x216: {  	v5 =	vsel vm13, $0xFFFFFFFF, v48;
	v1 =	vsel vm7, v49, v1;
	vm8 =	vgt.f32 v3, v2  }
0x217: {  	[tilespmem:$0x1F710] =	vst v5;
	v5 =	vsel vm8, $0xFFFFFFFF, v52;
	v2 =	vsel vm8, v3, v2;
	vm8 =	vgt.f32 v3, v1  }
0x218: {  	v43 =	vimm.s32 $0x0;
	v53 =	vld [tilespmem:s23+$0x900];
	v2 =	vsel vm8, v1, v2  }
0x219: {  	v1 =	vsel vm8, v3, v1;
	v3 =	vimm.s32 $0x0;
	vm9 =	vgt.f32 v51, v2  }
0x21a: {  	v46 =	vimm.s32 $0x0;
	v50 =	vimm.s32 $0x0;
	[tilespmem:$0x1F6C0] =	vst v4;
	v3 =	vsel vm9, $0xFFFFFFFF, v3  }
0x21b: {  	v4 =	vsel vm0, $0xFFFFFFFF, v43;
	v2 =	vsel vm9, v51, v2;
	vm9 =	vgt.f32 v51, v1;
	[tilespmem:$0x1F750] =	vst v3;
	v3 =	vld [tilespmem:s23+$0x980]  }
0x21c: {  	v54 =	vimm.s32 $0x0;
	[tilespmem:$0x1F6D0] =	vst v4;
	v4 =	vsel vm12, $0xFFFFFFFF, v46;
	v2 =	vsel vm9, v1, v2  }
0x21d: {  	[tilespmem:$0x1F700] =	vst v4;
	v4 =	vsel vm15, $0xFFFFFFFF, v50;
	v1 =	vsel vm9, v51, v1;
	vm10 =	vgt.f32 v53, v2  }
0x21e: {  	v55 =	vld [tilespmem:s23+$0xA00];
	[tilespmem:$0x1F730] =	vst v4;
	v4 =	vsel vm10, $0xFFFFFFFF, v54;
	v2 =	vsel vm10, v53, v2;
	vm10 =	vgt.f32 v53, v1  }
0x21f: {  	v2 =	vsel vm10, v1, v2  }
0x220: {  	v56 =	vimm.s32 $0x0;
	v1 =	vsel vm10, v53, v1;
	vm11 =	vgt.f32 v3, v2  }
0x221: {  	[tilespmem:$0x1F740] =	vst v5;
	v5 =	vsel vm11, $0xFFFFFFFF, v56;
	v2 =	vsel vm11, v3, v2;
	vm11 =	vgt.f32 v3, v1  }
0x222: {  	v57 =	vld [tilespmem:s23+$0xA80];
	v2 =	vsel vm11, v1, v2  }
0x223: {  	v1 =	vsel vm11, v3, v1;
	v3 =	vimm.s32 $0x0;
	vm12 =	vgt.f32 v55, v2  }
0x224: {  	v3 =	vsel vm12, $0xFFFFFFFF, v3  }
0x225: {  	v58 =	vimm.s32 $0x0;
	v2 =	vsel vm12, v55, v2;
	vm12 =	vgt.f32 v55, v1;
	[tilespmem:$0x1F780] =	vst v3;
	v3 =	vld [tilespmem:s23+$0xB00]  }
0x226: {  	v60 =	vimm.s32 $0x0;
	v6 =	vimm.s32 $0x0;
	v2 =	vsel vm12, v1, v2  }
0x227: {  	v62 =	vimm.s32 $0x0;
	v1 =	vsel vm12, v55, v1;
	vm13 =	vgt.f32 v57, v2  }
0x228: {  	v59 =	vld [tilespmem:s23+$0xB80];
	[tilespmem:$0x1F760] =	vst v4;
	v4 =	vsel vm13, $0xFFFFFFFF, v58;
	v2 =	vsel vm13, v57, v2;
	vm13 =	vgt.f32 v57, v1  }
0x229: {  	v9 =	vimm.s32 $0x0;
	v12 =	vimm.s32 $0x0;
	v2 =	vsel vm13, v1, v2  }
0x22a: {  	v8 =	vimm.s32 $0x0;
	v1 =	vsel vm13, v57, v1;
	vm14 =	vgt.f32 v3, v2  }
0x22b: {  	v61 =	vld [tilespmem:s23+$0x1000];
	[tilespmem:$0x1F770] =	vst v5;
	v5 =	vsel vm14, $0xFFFFFFFF, v60;
	v2 =	vsel vm14, v3, v2;
	vm14 =	vgt.f32 v3, v1  }
0x22c: {  	v16 =	vimm.s32 $0x0;
	v19 =	vimm.s32 $0x0;
	v2 =	vsel vm14, v1, v2  }
0x22d: {  	v10 =	vld [tilespmem:$0x1F6C0];
	v1 =	vsel vm14, v3, v1;
	v3 =	vimm.s32 $0x0;
	vm15 =	vgt.f32 v59, v2  }
0x22e: {  	v7 =	vld [tilespmem:$0x1F6D0];
	v3 =	vsel vm15, $0xFFFFFFFF, v3;
	v2 =	vsel vm15, v59, v2;
	vm15 =	vgt.f32 v59, v1  }
0x22f: {  	v22 =	vimm.s32 $0x0;
	v25 =	vimm.s32 $0x0;
	[tilespmem:$0x1F7B0] =	vst v3;
	v3 =	vld [tilespmem:s23+$0x1080];
	v2 =	vsel vm15, v1, v2  }
0x230: {  	v13 =	vld [tilespmem:$0x1F6E0];
	v6 =	vsel vm15, $0xFFFFFFFF, v6;
	v1 =	vsel vm15, v59, v1;
	vm15 =	vgt.f32 v61, v2  }
0x231: {  	v28 =	vimm.s32 $0x0;
	[tilespmem:$0x1F790] =	vst v4;
	vm0 =	vgt.f32 v61, v1;
	v4 =	vsel vm15, $0xFFFFFFFF, v62  }
0x232: {  	[tilespmem:$0x1F7C0] =	vst v6;
	v2 =	vsel vm15, v61, v2;
	v6 =	vsel vm0, $0xFFFFFFFF, v9;
	vm15 =	vnez.u8 v10  }
0x233: {  	v63 =	vld [tilespmem:s23+$0x1100];
	[tilespmem:$0x1F7E0] =	vst v6;
	v6 =	vsel vm15, $0x1, v0;
	vm15 =	vnez.u8 v7;
	v2 =	vsel vm0, v1, v2  }
0x234: {  	v1 =	vsel vm0, v61, v1;
	vm1 =	vmand vm1, vm15;
	vm0 =	vgt.f32 v3, v2  }
0x235: {  	[tilespmem:$0x1F7A0] =	vst v5;
	vm15 =	vnez.u8 v13;
	v11 =	vsel vm1, $0x1, v0;
	v5 =	vsel vm0, $0xFFFFFFFF, v12  }
0x236: {  	v2 =	vsel vm0, v3, v2;
	[tilespmem:$0x1F7F0] =	vst v5;
	v5 =	vsel vm15, $0x2, v11;
	vm15 =	vgt.f32 v3, v1  }
0x237: {  	v31 =	vimm.s32 $0x0;
	v34 =	vimm.s32 $0x0;
	v2 =	vsel vm15, v1, v2  }
0x238: {  	v14 =	vld [tilespmem:s23+$0x1180];
	[tilespmem:$0x1F7D0] =	vst v4;
	v1 =	vsel vm15, v3, v1;
	v3 =	vimm.s32 $0x0;
	vm0 =	vgt.f32 v63, v2  }
0x239: {  	v37 =	vimm.s32 $0x0;
	v40 =	vimm.s32 $0x0;
	v55 =	vld [tilespmem:$0x1F7D0];
	v3 =	vsel vm0, $0xFFFFFFFF, v3  }
0x23a: {  	v44 =	vimm.s32 $0x0;
	v47 =	vimm.s32 $0x0;
	v50 =	vimm.s32 $0x0;
	[tilespmem:$0x1F810] =	vst v3;
	v3 =	vld [tilespmem:$0x1F6F0]  }
0x23b: {  	v54 =	vimm.s32 $0x0;
	v58 =	vimm.s32 $0x0;
	v10 =	vimm.s32 $0x0  }
0x23c: {  	v17 =	vld [tilespmem:$0x1F700];
	v61 =	vimm.s32 $0x0;
	v13 =	vimm.s32 $0x0;
	v5 =	vsel vm2, v6, v5  }
0x23d: {  	v6 =	vsel vm2, $0x2, v6;
	vm2 =	vgt.f32 v63, v1;
	v2 =	vsel vm0, v63, v2  }
0x23e: {  	v15 =	vld [tilespmem:s23+$0x1200];
	v8 =	vsel vm15, $0xFFFFFFFF, v8;
	vm1 =	vnez.u8 v55;
	v2 =	vsel vm2, v1, v2  }
0x23f: {  	v20 =	vld [tilespmem:$0x1F710];
	v1 =	vsel vm2, v63, v1;
	vm0 =	vgt.f32 v14, v2;
	vm15 =	vnez.u8 v3  }
0x240: {  	v63 =	vimm.s32 $0x0;
	v4 =	vsel vm0, $0xFFFFFFFF, v16;
	v3 =	vsel vm15, $0x3, v5  }
0x241: {  	v2 =	vsel vm0, v14, v2;
	vm15 =	vnez.u8 v17;
	v3 =	vsel vm3, v6, v3  }
0x242: {  	v18 =	vld [tilespmem:s23+$0x1280];
	v6 =	vsel vm3, $0x3, v6;
	vm3 =	vgt.f32 v14, v1;
	v3 =	vsel vm15, $0x4, v3  }
0x243: {  	v23 =	vld [tilespmem:$0x1F720];
	v16 =	vimm.s32 $0x0;
	v2 =	vsel vm3, v1, v2;
	v3 =	vsel vm4, v6, v3  }
0x244: {  	v6 =	vsel vm4, $0x4, v6;
	vm15 =	vgt.f32 v15, v2;
	vm4 =	vnez.u8 v20  }
0x245: {  	v1 =	vsel vm3, v14, v1;
	v7 =	vsel vm15, $0xFFFFFFFF, v19;
	v3 =	vsel vm4, $0x5, v3  }
0x246: {  	v26 =	vld [tilespmem:$0x1F730];
	v2 =	vsel vm15, v15, v2;
	vm4 =	vgt.f32 v15, v1;
	v19 =	vimm.s32 $0x0  }
0x247: {  	v21 =	vld [tilespmem:s23+$0x1300];
	v3 =	vsel vm5, v6, v3;
	v2 =	vsel vm4, v1, v2;
	v6 =	vsel vm5, $0x5, v6  }
0x248: {  	v1 =	vsel vm4, v15, v1;
	vm5 =	vnez.u8 v23;
	vm15 =	vgt.f32 v18, v2  }
0x249: {  	v29 =	vld [tilespmem:$0x1F740];
	v3 =	vsel vm5, $0x6, v3;
	vm5 =	vgt.f32 v18, v1;
	v5 =	vsel vm15, $0xFFFFFFFF, v22  }
0x24a: {  	v2 =	vsel vm15, v18, v2;
	v3 =	vsel vm6, v6, v3;
	v6 =	vsel vm6, $0x6, v6  }
0x24b: {  	v24 =	vld [tilespmem:s23+$0x1380];
	vm6 =	vnez.u8 v26;
	v22 =	vimm.s32 $0x0;
	v2 =	vsel vm5, v1, v2  }
0x24c: {  	v32 =	vld [tilespmem:$0x1F750];
	v1 =	vsel vm5, v18, v1;
	v3 =	vsel vm6, $0x7, v3;
	vm15 =	vgt.f32 v21, v2  }
0x24d: {  	vm6 =	vgt.f32 v21, v1;
	v3 =	vsel vm7, v6, v3;
	v6 =	vsel vm7, $0x7, v6  }
0x24e: {  	[tilespmem:$0x1F820] =	vst v4;
	vm7 =	vnez.u8 v29;
	v4 =	vsel vm15, $0xFFFFFFFF, v25;
	v2 =	vsel vm15, v21, v2  }
0x24f: {  	v35 =	vld [tilespmem:$0x1F760];
	v3 =	vsel vm7, $0x8, v3;
	v25 =	vimm.s32 $0x0;
	v2 =	vsel vm6, v1, v2  }
0x250: {  	v27 =	vld [tilespmem:s23+$0x1800];
	v1 =	vsel vm6, v21, v1;
	v3 =	vsel vm8, v6, v3;
	v6 =	vsel vm8, $0x8, v6  }
0x251: {  	vm8 =	vnez.u8 v32;
	v32 =	vimm.s32 $0x0;
	vm15 =	vgt.f32 v24, v2  }
0x252: {  	v38 =	vld [tilespmem:$0x1F770];
	[tilespmem:$0x1F830] =	vst v7;
	vm7 =	vgt.f32 v24, v1;
	v3 =	vsel vm8, $0x9, v3;
	v7 =	vsel vm15, $0xFFFFFFFF, v28  }
0x253: {  	v30 =	vld [tilespmem:s23+$0x1880];
	v2 =	vsel vm15, v24, v2;
	v3 =	vsel vm9, v6, v3;
	v6 =	vsel vm9, $0x9, v6  }
0x254: {  	vm9 =	vnez.u8 v35;
	v28 =	vimm.s32 $0x0;
	v2 =	vsel vm7, v1, v2  }
0x255: {  	v1 =	vsel vm7, v24, v1;
	v3 =	vsel vm9, $0xA, v3;
	vm15 =	vgt.f32 v27, v2  }
0x256: {  	v33 =	vld [tilespmem:s23+$0x1900];
	vm8 =	vgt.f32 v27, v1;
	v3 =	vsel vm10, v6, v3;
	v2 =	vsel vm15, v27, v2  }
0x257: {  	v41 =	vld [tilespmem:$0x1F780];
	v6 =	vsel vm10, $0xA, v6;
	vm10 =	vnez.u8 v38;
	v2 =	vsel vm8, v1, v2  }
0x258: {  	[tilespmem:$0x1F840] =	vst v5;
	v5 =	vsel vm15, $0xFFFFFFFF, v31;
	v1 =	vsel vm8, v27, v1;
	vm15 =	vgt.f32 v30, v2  }
0x259: {  	v36 =	vld [tilespmem:s23+$0x1980];
	v3 =	vsel vm10, $0xB, v3;
	vm9 =	vgt.f32 v30, v1;
	v2 =	vsel vm15, v30, v2  }
0x25a: {  	v3 =	vsel vm11, v6, v3;
	v6 =	vsel vm11, $0xB, v6;
	v2 =	vsel vm9, v1, v2  }
0x25b: {  	v43 =	vld [tilespmem:$0x1F790];
	[tilespmem:$0x1F850] =	vst v4;
	v4 =	vsel vm15, $0xFFFFFFFF, v34;
	v1 =	vsel vm9, v30, v1;
	vm15 =	vgt.f32 v33, v2  }
0x25c: {  	v39 =	vld [tilespmem:s23+$0x1A00];
	vm11 =	vnez.u8 v41;
	vm10 =	vgt.f32 v33, v1;
	v2 =	vsel vm15, v33, v2  }
0x25d: {  	v35 =	vimm.s32 $0x0;
	v3 =	vsel vm11, $0xC, v3;
	v2 =	vsel vm10, v1, v2  }
0x25e: {  	[tilespmem:$0x1F860] =	vst v7;
	v7 =	vsel vm15, $0xFFFFFFFF, v37;
	v1 =	vsel vm10, v33, v1;
	vm15 =	vgt.f32 v36, v2  }
0x25f: {  	v48 =	vld [tilespmem:$0x1F7A0];
	v3 =	vsel vm12, v6, v3;
	vm11 =	vgt.f32 v36, v1;
	v2 =	vsel vm15, v36, v2  }
0x260: {  	v42 =	vld [tilespmem:s23+$0x1A80];
	[tilespmem:$0x1F870] =	vst v5;
	v5 =	vsel vm15, $0xFFFFFFFF, v40;
	vm15 =	vnez.u8 v43;
	v2 =	vsel vm11, v1, v2  }
0x261: {  	v3 =	vsel vm15, $0xD, v3;
	v1 =	vsel vm11, v36, v1;
	vm15 =	vgt.f32 v39, v2  }
0x262: {  	v51 =	vld [tilespmem:$0x1F7B0];
	v45 =	vsel vm12, $0xC, v6;
	vm12 =	vgt.f32 v39, v1;
	v2 =	vsel vm15, v39, v2  }
0x263: {  	v46 =	vld [tilespmem:s23+$0x1B00];
	[tilespmem:$0x1F880] =	vst v4;
	v3 =	vsel vm13, v45, v3;
	v4 =	vsel vm15, $0xFFFFFFFF, v44;
	v2 =	vsel vm12, v1, v2  }
0x264: {  	v53 =	vld [tilespmem:$0x1F7C0];
	[tilespmem:$0x1F8B0] =	vst v4;
	v4 =	vsel vm13, $0xD, v45;
	v1 =	vsel vm12, v39, v1;
	vm13 =	vnez.u8 v48  }
0x265: {  	vm15 =	vgt.f32 v42, v2;
	v3 =	vsel vm13, $0xE, v3;
	vm13 =	vgt.f32 v42, v1  }
0x266: {  	[tilespmem:$0x1F890] =	vst v7;
	v7 =	vsel vm15, $0xFFFFFFFF, v47;
	v2 =	vsel vm15, v42, v2;
	v3 =	vsel vm14, v4, v3  }
0x267: {  	v49 =	vld [tilespmem:s23+$0x1B80];
	v4 =	vsel vm14, $0xE, v4;
	vm14 =	vnez.u8 v51;
	v2 =	vsel vm13, v1, v2  }
0x268: {  	v57 =	vld [tilespmem:$0x1F7E0];
	v1 =	vsel vm13, v42, v1;
	v3 =	vsel vm14, $0xF, v3;
	vm15 =	vgt.f32 v46, v2  }
0x269: {  	[tilespmem:$0x1F8A0] =	vst v5;
	v5 =	vsel vm15, $0xFFFFFFFF, v50;
	v2 =	vsel vm15, v46, v2;
	vm15 =	vnez.u8 v53  }
0x26a: {  	v52 =	vld [tilespmem:s23+$0x2000];
	v31 =	vimm.s32 $0x0;
	vm14 =	vgt.f32 v46, v1;
	v3 =	vsel vm15, v4, v3  }
0x26b: {  	v2 =	vsel vm14, v1, v2;
	v4 =	vsel vm15, $0xF, v4;
	v1 =	vsel vm14, v46, v1  }
0x26c: {  	vm0 =	vgt.f32 v49, v2;
	v3 =	vsel vm1, $0x10, v3;
	vm15 =	vgt.f32 v49, v1  }
0x26d: {  	v6 =	vsel vm0, $0xFFFFFFFF, v54;
	v2 =	vsel vm0, v49, v2;
	vm0 =	vnez.u8 v57  }
0x26e: {  	v59 =	vld [tilespmem:$0x1F7F0];
	[tilespmem:$0x1F800] =	vst v8;
	v40 =	vimm.s32 $0x0;
	v3 =	vsel vm0, v4, v3;
	v2 =	vsel vm15, v1, v2  }
0x26f: {  	v62 =	vld [tilespmem:$0x1F800];
	v4 =	vsel vm0, $0x10, v4;
	v1 =	vsel vm15, v49, v1;
	vm0 =	vgt.f32 v52, v2  }
0x270: {  	v56 =	vld [tilespmem:s23+$0x2080];
	[tilespmem:$0x1F8C0] =	vst v7;
	v7 =	vsel vm0, $0xFFFFFFFF, v58;
	v2 =	vsel vm0, v52, v2;
	vm0 =	vgt.f32 v52, v1  }
0x271: {  	v43 =	vimm.s32 $0x0;
	v36 =	vimm.s32 $0x0;
	v8 =	vsel vm0, $0xFFFFFFFF, v61  }
0x272: {  	v44 =	vimm.s32 $0x0;
	v39 =	vimm.s32 $0x0;
	v47 =	vimm.s32 $0x0;
	[tilespmem:$0x1F900] =	vst v8;
	v8 =	vld [tilespmem:$0x1F810]  }
0x273: {  	v50 =	vimm.s32 $0x0;
	v53 =	vimm.s32 $0x0;
	vm1 =	vnez.u8 v59  }
0x274: {  	v11 =	vld [tilespmem:$0x1F820];
	v3 =	vsel vm1, $0x11, v3;
	vm1 =	vnez.u8 v62;
	v2 =	vsel vm0, v1, v2  }
0x275: {  	v60 =	vld [tilespmem:s23+$0x2100];
	v3 =	vsel vm1, v4, v3;
	v4 =	vsel vm1, $0x11, v4;
	vm1 =	vgt.f32 v56, v2  }
0x276: {  	[tilespmem:$0x1F8D0] =	vst v5;
	v57 =	vimm.s32 $0x0;
	v1 =	vsel vm0, v52, v1;
	v5 =	vsel vm1, $0xFFFFFFFF, v63  }
0x277: {  	v14 =	vld [tilespmem:$0x1F830];
	v2 =	vsel vm1, v56, v2;
	vm1 =	vgt.f32 v56, v1;
	vm0 =	vnez.u8 v8  }
0x278: {  	v61 =	vimm.s32 $0x0;
	v2 =	vsel vm1, v1, v2;
	v3 =	vsel vm0, $0x12, v3  }
0x279: {  	v9 =	vld [tilespmem:s23+$0x2180];
	v1 =	vsel vm1, v56, v1;
	vm0 =	vnez.u8 v11;
	v3 =	vsel vm2, v4, v3  }
0x27a: {  	v17 =	vld [tilespmem:$0x1F840];
	v4 =	vsel vm2, $0x12, v4;
	vm2 =	vmmov vm1;
	vm1 =	vgt.f32 v60, v2  }
0x27b: {  	[tilespmem:$0x1F8E0] =	vst v6;
	v6 =	vsel vm1, $0xFFFFFFFF, v10;
	v3 =	vsel vm0, $0x13, v3;
	v2 =	vsel vm1, v60, v2  }
0x27c: {  	vm1 =	vgt.f32 v60, v1;
	vm0 =	vnez.u8 v14;
	v3 =	vsel vm3, v4, v3  }
0x27d: {  	v2 =	vsel vm1, v1, v2;
	v4 =	vsel vm3, $0x13, v4;
	v1 =	vsel vm1, v60, v1  }
0x27e: {  	v20 =	vld [tilespmem:$0x1F850];
	vm3 =	vmmov vm1;
	v60 =	vimm.s32 $0x0;
	vm1 =	vgt.f32 v9, v2  }
0x27f: {  	v12 =	vld [tilespmem:s23+$0x2200];
	v3 =	vsel vm0, $0x14, v3;
	vm0 =	vnez.u8 v17;
	v17 =	vimm.s32 $0x0  }
0x280: {  	[tilespmem:$0x1F8F0] =	vst v7;
	v7 =	vsel vm1, $0xFFFFFFFF, v13;
	v2 =	vsel vm1, v9, v2;
	vm1 =	vgt.f32 v9, v1  }
0x281: {  	v23 =	vld [tilespmem:$0x1F860];
	v3 =	vsel vm4, v4, v3;
	v4 =	vsel vm4, $0x14, v4;
	v13 =	vimm.s32 $0x0  }
0x282: {  	v2 =	vsel vm1, v1, v2;
	v1 =	vsel vm1, v9, v1;
	vm4 =	vmmov vm1  }
0x283: {  	v3 =	vsel vm0, $0x15, v3;
	vm0 =	vnez.u8 v20;
	v20 =	vimm.s32 $0x0  }
0x284: {  	v15 =	vld [tilespmem:s23+$0x2280];
	vm1 =	vgt.f32 v12, v2;
	v3 =	vsel vm5, v4, v3;
	v4 =	vsel vm5, $0x15, v4  }
0x285: {  	v26 =	vld [tilespmem:$0x1F870];
	[tilespmem:$0x1F910] =	vst v5;
	v5 =	vsel vm1, $0xFFFFFFFF, v16;
	v2 =	vsel vm1, v12, v2;
	vm1 =	vgt.f32 v12, v1  }
0x286: {  	v3 =	vsel vm0, $0x16, v3;
	vm0 =	vnez.u8 v23;
	v16 =	vimm.s32 $0x0  }
0x287: {  	v23 =	vimm.s32 $0x0;
	v2 =	vsel vm1, v1, v2;
	v1 =	vsel vm1, v12, v1  }
0x288: {  	v29 =	vld [tilespmem:$0x1F880];
	vm5 =	vmmov vm1;
	v3 =	vsel vm6, v4, v3;
	v4 =	vsel vm6, $0x16, v4  }
0x289: {  	v18 =	vld [tilespmem:s23+$0x2300];
	v12 =	vimm.s32 $0x0;
	vm1 =	vgt.f32 v15, v2;
	v3 =	vsel vm0, $0x17, v3  }
0x28a: {  	[tilespmem:$0x1F920] =	vst v6;
	vm0 =	vnez.u8 v26;
	v26 =	vimm.s32 $0x0;
	v6 =	vsel vm1, $0xFFFFFFFF, v19  }
0x28b: {  	v2 =	vsel vm1, v15, v2;
	vm1 =	vgt.f32 v15, v1;
	v3 =	vsel vm7, v4, v3  }
0x28c: {  	v21 =	vld [tilespmem:s23+$0x2380];
	v4 =	vsel vm7, $0x17, v4;
	v2 =	vsel vm1, v1, v2;
	v1 =	vsel vm1, v15, v1  }
0x28d: {  	v33 =	vld [tilespmem:$0x1F890];
	vm6 =	vmmov vm1;
	v3 =	vsel vm0, $0x18, v3;
	vm0 =	vnez.u8 v29  }
0x28e: {  	v29 =	vimm.s32 $0x0;
	vm1 =	vgt.f32 v18, v2;
	v3 =	vsel vm8, v4, v3  }
0x28f: {  	[tilespmem:$0x1F930] =	vst v7;
	v7 =	vsel vm1, $0xFFFFFFFF, v22;
	v2 =	vsel vm1, v18, v2;
	vm1 =	vgt.f32 v18, v1  }
0x290: {  	v24 =	vld [tilespmem:s23+$0x2800];
	v4 =	vsel vm8, $0x18, v4;
	v3 =	vsel vm0, $0x19, v3;
	v2 =	vsel vm1, v1, v2  }
0x291: {  	v1 =	vsel vm1, v18, v1;
	vm7 =	vmmov vm1;
	v3 =	vsel vm9, v4, v3  }
0x292: {  	v4 =	vsel vm9, $0x19, v4;
	vm9 =	vnez.u8 v33;
	vm1 =	vgt.f32 v21, v2  }
0x293: {  	v27 =	vld [tilespmem:s23+$0x2880];
	[tilespmem:$0x1F940] =	vst v5;
	v5 =	vsel vm1, $0xFFFFFFFF, v25;
	v2 =	vsel vm1, v21, v2;
	vm1 =	vgt.f32 v21, v1  }
0x294: {  	v33 =	vimm.s32 $0x0;
	v3 =	vsel vm9, $0x1A, v3;
	v2 =	vsel vm1, v1, v2  }
0x295: {  	v30 =	vld [tilespmem:s23+$0x2900];
	v1 =	vsel vm1, v21, v1;
	vm8 =	vmmov vm1;
	vm1 =	vgt.f32 v24, v2  }
0x296: {  	v37 =	vld [tilespmem:$0x1F8A0];
	v3 =	vsel vm10, v4, v3;
	vm0 =	vgt.f32 v24, v1;
	v2 =	vsel vm1, v24, v2  }
0x297: {  	[tilespmem:$0x1F950] =	vst v6;
	v4 =	vsel vm10, $0x1A, v4;
	v6 =	vsel vm1, $0xFFFFFFFF, v28;
	v2 =	vsel vm0, v1, v2  }
0x298: {  	v8 =	vsel vm0, $0xFFFFFFFF, v31;
	v1 =	vsel vm0, v24, v1;
	vm1 =	vgt.f32 v27, v2  }
0x299: {  	v34 =	vld [tilespmem:s23+$0x2980];
	[tilespmem:$0x1F960] =	vst v7;
	vm9 =	vgt.f32 v27, v1;
	v7 =	vsel vm1, $0xFFFFFFFF, v32;
	v2 =	vsel vm1, v27, v2  }
0x29a: {  	v41 =	vld [tilespmem:$0x1F8B0];
	[tilespmem:$0x1F990] =	vst v8;
	v8 =	vsel vm9, $0xFFFFFFFF, v35;
	v2 =	vsel vm9, v1, v2;
	v1 =	vsel vm9, v27, v1  }
0x29b: {  	vm9 =	vnez.u8 v37;
	v37 =	vimm.s32 $0x0;
	vm10 =	vgt.f32 v30, v2  }
0x29c: {  	[tilespmem:$0x1F970] =	vst v5;
	v3 =	vsel vm9, $0x1B, v3;
	v5 =	vsel vm10, $0xFFFFFFFF, v36;
	v2 =	vsel vm10, v30, v2  }
0x29d: {  	v45 =	vld [tilespmem:$0x1F8C0];
	vm10 =	vgt.f32 v30, v1;
	v3 =	vsel vm11, v4, v3;
	v4 =	vsel vm11, $0x1B, v4  }
0x29e: {  	v38 =	vld [tilespmem:s23+$0x2A00];
	[tilespmem:$0x1F9B0] =	vst v8;
	v8 =	vsel vm10, $0xFFFFFFFF, v39;
	v2 =	vsel vm10, v1, v2;
	v1 =	vsel vm10, v30, v1  }
0x29f: {  	v48 =	vld [tilespmem:$0x1F8D0];
	vm10 =	vnez.u8 v41;
	v41 =	vimm.s32 $0x0;
	vm9 =	vgt.f32 v34, v2  }
0x2a0: {  	[tilespmem:$0x1F980] =	vst v6;
	v3 =	vsel vm10, $0x1C, v3;
	vm11 =	vgt.f32 v34, v1;
	v6 =	vsel vm9, $0xFFFFFFFF, v40  }
0x2a1: {  	[tilespmem:$0x1F9D0] =	vst v8;
	v2 =	vsel vm9, v34, v2;
	v8 =	vsel vm11, $0xFFFFFFFF, v43;
	v3 =	vsel vm12, v4, v3  }
0x2a2: {  	v42 =	vld [tilespmem:s23+$0x2A80];
	v4 =	vsel vm12, $0x1C, v4;
	vm9 =	vnez.u8 v45;
	v45 =	vimm.s32 $0x0  }
0x2a3: {  	v51 =	vld [tilespmem:$0x1F8E0];
	v2 =	vsel vm11, v1, v2;
	v1 =	vsel vm11, v34, v1;
	v3 =	vsel vm9, $0x1D, v3  }
0x2a4: {  	vm11 =	vnez.u8 v48;
	v48 =	vimm.s32 $0x0;
	vm12 =	vgt.f32 v38, v2  }
0x2a5: {  	v14 =	vld [tilespmem:$0x1F930];
	[tilespmem:$0x1F9A0] =	vst v7;
	v3 =	vsel vm13, v4, v3;
	v4 =	vsel vm13, $0x1D, v4;
	v7 =	vsel vm12, $0xFFFFFFFF, v44  }
0x2a6: {  	v46 =	vld [tilespmem:s23+$0x2B00];
	v2 =	vsel vm12, v38, v2;
	vm12 =	vgt.f32 v38, v1;
	v3 =	vsel vm11, $0x1E, v3  }
0x2a7: {  	v49 =	vld [tilespmem:s23+$0x2B80];
	v2 =	vsel vm12, v1, v2;
	v1 =	vsel vm12, v38, v1;
	v3 =	vsel vm14, v4, v3  }
0x2a8: {  	v54 =	vld [tilespmem:$0x1F8F0];
	v4 =	vsel vm14, $0x1E, v4;
	vm14 =	vnez.u8 v51;
	vm10 =	vgt.f32 v42, v2  }
0x2a9: {  	v56 =	vld [tilespmem:$0x1F900];
	vm1 =	vgt.f32 v42, v1;
	v3 =	vsel vm14, $0x1F, v3;
	v2 =	vsel vm10, v42, v2  }
0x2aa: {  	v58 =	vld [tilespmem:$0x1F910];
	vm11 =	vnez.u8 v14;
	v3 =	vsel vm15, v4, v3;
	v2 =	vsel vm1, v1, v2  }
0x2ab: {  	v4 =	vsel vm15, $0x1F, v4;
	v1 =	vsel vm1, v42, v1;
	vm13 =	vgt.f32 v46, v2  }
0x2ac: {  	[tilespmem:$0x1F9E0] =	vst v6;
	vm14 =	vgt.f32 v46, v1;
	v6 =	vsel vm13, $0xFFFFFFFF, v50;
	v2 =	vsel vm13, v46, v2  }
0x2ad: {  	v52 =	vld [tilespmem:s23+$0x3000];
	vm13 =	vnez.u8 v54;
	v2 =	vsel vm14, v1, v2;
	v1 =	vsel vm14, v46, v1  }
0x2ae: {  	v3 =	vsel vm13, $0x20, v3;
	vm13 =	vnez.u8 v56;
	vm15 =	vgt.f32 v49, v2  }
0x2af: {  	v3 =	vsel vm13, v4, v3;
	v4 =	vsel vm13, $0x20, v4;
	vm13 =	vnez.u8 v58  }
0x2b0: {  	v62 =	vld [tilespmem:$0x1F920];
	[tilespmem:$0x1FA00] =	vst v7;
	v7 =	vsel vm15, $0xFFFFFFFF, v53;
	v2 =	vsel vm15, v49, v2;
	vm15 =	vgt.f32 v49, v1  }
0x2b1: {  	v55 =	vld [tilespmem:s23+$0x3080];
	[tilespmem:$0x1F9C0] =	vst v5;
	v5 =	vsel vm10, $0xFFFFFFFF, v47;
	v3 =	vsel vm13, $0x21, v3;
	v2 =	vsel vm15, v1, v2  }
0x2b2: {  	v1 =	vsel vm15, v49, v1;
	vm0 =	vmmov vm15;
	vm15 =	vgt.f32 v52, v2  }
0x2b3: {  	[tilespmem:$0x1FA10] =	vst v5;
	v5 =	vsel vm15, $0xFFFFFFFF, v57;
	v2 =	vsel vm15, v52, v2;
	vm15 =	vgt.f32 v52, v1  }
0x2b4: {  	v59 =	vld [tilespmem:s23+$0x3100];
	[tilespmem:$0x1F9F0] =	vst v8;
	v3 =	vsel vm2, v4, v3;
	v4 =	vsel vm2, $0x21, v4;
	v8 =	vsel vm15, $0xFFFFFFFF, v60  }
0x2b5: {  	v2 =	vsel vm15, v1, v2;
	v1 =	vsel vm15, v52, v1;
	vm15 =	vnez.u8 v62  }
0x2b6: {  	v18 =	vld [tilespmem:$0x1F940];
	[tilespmem:$0x1FA20] =	vst v6;
	vm13 =	vgt.f32 v55, v2;
	v3 =	vsel vm15, $0x22, v3;
	vm9 =	vgt.f32 v55, v1  }
0x2b7: {  	v21 =	vld [tilespmem:$0x1F950];
	[tilespmem:$0x1FA50] =	vst v8;
	v6 =	vsel vm13, $0xFFFFFFFF, v61;
	v2 =	vsel vm13, v55, v2;
	v8 =	vsel vm9, $0xFFFFFFFF, v12  }
0x2b8: {  	v38 =	vld [tilespmem:$0x1F9C0];
	v3 =	vsel vm3, v4, v3;
	v4 =	vsel vm3, $0x22, v4;
	v2 =	vsel vm9, v1, v2  }
0x2b9: {  	v63 =	vld [tilespmem:s23+$0x3180];
	v1 =	vsel vm9, v55, v1;
	v3 =	vsel vm11, $0x23, v3;
	vm10 =	vgt.f32 v59, v2  }
0x2ba: {  	v24 =	vld [tilespmem:$0x1F960];
	vm13 =	vgt.f32 v59, v1;
	v3 =	vsel vm4, v4, v3;
	v4 =	vsel vm4, $0x23, v4  }
0x2bb: {  	[tilespmem:$0x1FA30] =	vst v7;
	vm4 =	vnez.u8 v18;
	v7 =	vsel vm10, $0xFFFFFFFF, v13;
	v2 =	vsel vm10, v59, v2  }
0x2bc: {  	v15 =	vld [tilespmem:s23+$0x3200];
	[tilespmem:$0x1FA70] =	vst v8;
	v8 =	vsel vm13, $0xFFFFFFFF, v16;
	v3 =	vsel vm4, $0x24, v3;
	vm10 =	vnez.u8 v21  }
0x2bd: {  	v34 =	vld [tilespmem:$0x1F9A0];
	vm4 =	vnez.u8 v38;
	v2 =	vsel vm13, v1, v2;
	v1 =	vsel vm13, v59, v1  }
0x2be: {  	v3 =	vsel vm5, v4, v3;
	v4 =	vsel vm5, $0x24, v4;
	vm15 =	vgt.f32 v63, v2  }
0x2bf: {  	v27 =	vld [tilespmem:$0x1F970];
	[tilespmem:$0x1FA40] =	vst v5;
	vm5 =	vnez.u8 v24;
	v3 =	vsel vm10, $0x25, v3;
	v5 =	vsel vm15, $0xFFFFFFFF, v17  }
0x2c0: {  	v19 =	vld [tilespmem:s23+$0x3280];
	v2 =	vsel vm15, v63, v2;
	vm15 =	vgt.f32 v63, v1;
	v3 =	vsel vm6, v4, v3  }
0x2c1: {  	v4 =	vsel vm6, $0x25, v4;
	v2 =	vsel vm15, v1, v2;
	v1 =	vsel vm15, v63, v1  }
0x2c2: {  	v32 =	vld [tilespmem:$0x1F990];
	v3 =	vsel vm5, $0x26, v3;
	vm5 =	vnez.u8 v34;
	vm9 =	vgt.f32 v15, v2  }
0x2c3: {  	v22 =	vld [tilespmem:s23+$0x3300];
	vm13 =	vgt.f32 v15, v1;
	v3 =	vsel vm7, v4, v3;
	v2 =	vsel vm9, v15, v2  }
0x2c4: {  	v4 =	vsel vm7, $0x26, v4;
	vm7 =	vnez.u8 v27;
	v2 =	vsel vm13, v1, v2  }
0x2c5: {  	v30 =	vld [tilespmem:$0x1F980];
	[tilespmem:$0x1FA60] =	vst v6;
	v6 =	vsel vm9, $0xFFFFFFFF, v20;
	v1 =	vsel vm13, v15, v1;
	vm11 =	vgt.f32 v19, v2  }
0x2c6: {  	v36 =	vld [tilespmem:$0x1F9B0];
	[tilespmem:$0x1FA80] =	vst v7;
	v7 =	vsel vm11, $0xFFFFFFFF, v23;
	v2 =	vsel vm11, v19, v2;
	vm11 =	vgt.f32 v19, v1  }
0x2c7: {  	v25 =	vld [tilespmem:s23+$0x3380];
	v3 =	vsel vm7, $0x27, v3;
	vm7 =	vnez.u8 v32;
	v2 =	vsel vm11, v1, v2  }
0x2c8: {  	v3 =	vsel vm8, v4, v3;
	v1 =	vsel vm11, v19, v1;
	vm6 =	vgt.f32 v22, v2  }
0x2c9: {  	v40 =	vld [tilespmem:$0x1F9D0];
	v4 =	vsel vm8, $0x27, v4;
	vm10 =	vgt.f32 v22, v1;
	v2 =	vsel vm6, v22, v2  }
0x2ca: {  	v28 =	vld [tilespmem:s23+$0x3800];
	[tilespmem:$0x1FAA0] =	vst v5;
	v5 =	vsel vm6, $0xFFFFFFFF, v26;
	vm6 =	vnez.u8 v30;
	v2 =	vsel vm10, v1, v2  }
0x2cb: {  	v42 =	vld [tilespmem:$0x1F9E0];
	v1 =	vsel vm10, v22, v1;
	v3 =	vsel vm6, $0x28, v3;
	vm6 =	vnez.u8 v36  }
0x2cc: {  	vm9 =	vgt.f32 v25, v2;
	v3 =	vsel vm7, v4, v3;
	v4 =	vsel vm7, $0x28, v4  }
0x2cd: {  	v44 =	vld [tilespmem:$0x1F9F0];
	[tilespmem:$0x1FAB0] =	vst v6;
	v6 =	vsel vm9, $0xFFFFFFFF, v29;
	v2 =	vsel vm9, v25, v2;
	vm9 =	vgt.f32 v25, v1  }
0x2ce: {  	v31 =	vld [tilespmem:s23+$0x3880];
	v3 =	vsel vm5, $0x29, v3;
	vm5 =	vnez.u8 v40;
	v2 =	vsel vm9, v1, v2  }
0x2cf: {  	v1 =	vsel vm9, v25, v1;
	v3 =	vsel vm6, v4, v3;
	v4 =	vsel vm6, $0x29, v4  }
0x2d0: {  	v46 =	vld [tilespmem:$0x1FA00];
	vm6 =	vnez.u8 v42;
	vm8 =	vgt.f32 v28, v2;
	v3 =	vsel vm4, $0x2A, v3  }
0x2d1: {  	v35 =	vld [tilespmem:s23+$0x3900];
	[tilespmem:$0x1FAC0] =	vst v7;
	v7 =	vsel vm8, $0xFFFFFFFF, v33;
	v2 =	vsel vm8, v28, v2;
	vm8 =	vgt.f32 v28, v1  }
0x2d2: {  	vm4 =	vnez.u8 v44;
	v3 =	vsel vm5, v4, v3;
	v2 =	vsel vm8, v1, v2  }
0x2d3: {  	v49 =	vld [tilespmem:$0x1FA10];
	v4 =	vsel vm5, $0x2A, v4;
	v1 =	vsel vm8, v28, v1;
	vm7 =	vgt.f32 v31, v2  }
0x2d4: {  	v39 =	vld [tilespmem:s23+$0x3980];
	[tilespmem:$0x1FAD0] =	vst v5;
	v5 =	vsel vm7, $0xFFFFFFFF, v37;
	v2 =	vsel vm7, v31, v2;
	vm7 =	vgt.f32 v31, v1  }
0x2d5: {  	vm5 =	vnez.u8 v46;
	v3 =	vsel vm6, $0x2B, v3;
	v2 =	vsel vm7, v1, v2  }
0x2d6: {  	v3 =	vsel vm4, v4, v3;
	v1 =	vsel vm7, v31, v1;
	vm3 =	vgt.f32 v35, v2  }
0x2d7: {  	v43 =	vld [tilespmem:s23+$0x3A00];
	v4 =	vsel vm4, $0x2B, v4;
	vm6 =	vgt.f32 v35, v1;
	v2 =	vsel vm3, v35, v2  }
0x2d8: {  	vm4 =	vnez.u8 v49;
	v3 =	vsel vm5, $0x2C, v3;
	v2 =	vsel vm6, v1, v2  }
0x2d9: {  	v47 =	vld [tilespmem:s23+$0x3A80];
	[tilespmem:$0x1FAE0] =	vst v6;
	v6 =	vsel vm3, $0xFFFFFFFF, v41;
	v1 =	vsel vm6, v35, v1;
	vm3 =	vgt.f32 v39, v2  }
0x2da: {  	v52 =	vld [tilespmem:$0x1FA20];
	v3 =	vsel vm12, v4, v3;
	vm5 =	vgt.f32 v39, v1;
	v2 =	vsel vm3, v39, v2  }
0x2db: {  	v4 =	vsel vm12, $0x2C, v4;
	v3 =	vsel vm4, $0x2D, v3;
	v2 =	vsel vm5, v1, v2  }
0x2dc: {  	v3 =	vsel vm1, v4, v3;
	v1 =	vsel vm5, v39, v1;
	vm12 =	vgt.f32 v43, v2  }
0x2dd: {  	v50 =	vld [tilespmem:s23+$0x3B00];
	[tilespmem:$0x1FAF0] =	vst v7;
	v4 =	vsel vm1, $0x2D, v4;
	vm4 =	vgt.f32 v43, v1;
	v2 =	vsel vm12, v43, v2  }
0x2de: {  	[tilespmem:$0x1FB00] =	vst v5;
	v7 =	vsel vm3, $0xFFFFFFFF, v45;
	v5 =	vsel vm12, $0xFFFFFFFF, v48;
	v2 =	vsel vm4, v1, v2  }
0x2df: {  	v54 =	vld [tilespmem:$0x1FA30];
	vm12 =	vnez.u8 v52;
	v1 =	vsel vm4, v43, v1;
	vm2 =	vgt.f32 v47, v2  }
0x2e0: {  	v53 =	vld [tilespmem:s23+$0x3B80];
	v3 =	vsel vm12, $0x2E, v3;
	vm3 =	vgt.f32 v47, v1;
	v2 =	vsel vm2, v47, v2  }
0x2e1: {  	v51 =	vimm.s32 $0x0;
	v3 =	vsel vm14, v4, v3;
	v2 =	vsel vm3, v1, v2  }
0x2e2: {  	v4 =	vsel vm14, $0x2E, v4;
	v1 =	vsel vm3, v47, v1;
	vm14 =	vgt.f32 v50, v2  }
0x2e3: {  	[tilespmem:$0x1FB10] =	vst v6;
	v6 =	vsel vm2, $0xFFFFFFFF, v51;
	vm2 =	vgt.f32 v50, v1;
	v2 =	vsel vm14, v50, v2  }
0x2e4: {  	vm12 =	vnez.u8 v54;
	v2 =	vsel vm2, v1, v2  }
0x2e5: {  	v55 =	vld [tilespmem:$0x1FA40];
	v3 =	vsel vm12, $0x2F, v3;
	v1 =	vsel vm2, v50, v1;
	vm12 =	vgt.f32 v53, v2  }
0x2e6: {  	v56 =	vld [tilespmem:$0x1FA50];
	vm1 =	vgt.f32 v53, v1;
	v2 =	vsel vm12, v53, v2  }
0x2e7: {  	v57 =	vld [tilespmem:$0x1FA60];
	v2 =	vsel vm1, v1, v2;
	v1 =	vsel vm1, v53, v1  }
0x2e8: {  	v1 =	vsub.f32 v2, v1;
	v2 =	vld [tilespmem:$0x1FA70]  }
0x2e9: {  	[tilespmem:$0x1FA90] =	vst v8;
	v58 =	vld [tilespmem:$0x1FA80]  }
0x2ea: {  	v59 =	vld [tilespmem:$0x1FA90];
	v3 =	vsel vm0, v4, v3;
	v4 =	vsel vm0, $0x2F, v4;
	vm0 =	vnez.u8 v55  }
0x2eb: {  	v60 =	vld [tilespmem:$0x1FAA0];
	v3 =	vsel vm0, $0x30, v3;
	vm0 =	vnez.u8 v56  }
0x2ec: {  	v3 =	vsel vm0, v4, v3;
	v4 =	vsel vm0, $0x30, v4;
	vm0 =	vnez.u8 v57  }
0x2ed: {  	v3 =	vsel vm0, $0x31, v3;
	vm0 =	vnez.u8 v2  }
0x2ee: {  	v2 =	vsel vm0, v4, v3;
	v3 =	vsel vm0, $0x31, v4;
	vm0 =	vnez.u8 v58  }
0x2ef: {  	v1 =	vmul.f32 $1.442695020e+00, v1;
	v2 =	vsel vm0, $0x32, v2;
	vm0 =	vnez.u8 v59  }
0x2f0: {  	v2 =	vsel vm0, v3, v2;
	v3 =	vsel vm0, $0x32, v3;
	vm0 =	vnez.u8 v60  }
0x2f1: {  	v2 =	vsel vm0, $0x33, v2  }
0x2f2: {  	(erf) = vpow2.f32 v1;
	v1 =	vsel vm15, v3, v2;
	v2 =	vsel vm15, $0x33, v3;
	v3 =	vld [tilespmem:$0x1FAB0];
	_ =	sdelay $0x4  }
0x2f3: {  	vm15 =	vnez.u8 v3;
	v3 =	vld [tilespmem:$0x1FAC0];
	_ =	sdelay $0x4  }
0x2f4: {  	v1 =	vsel vm15, $0x34, v1;
	vm15 =	vnez.u8 v3;
	v3 =	vld [tilespmem:$0x1FAD0];
	_ =	sdelay $0x2  }
0x2f5: {  	v1 =	vsel vm13, v2, v1  }
0x2f6: {  	v2 =	vsel vm13, $0x34, v2;
	v1 =	vsel vm15, $0x35, v1  }
0x2f7: {  	v1 =	vsel vm11, v2, v1;
	v2 =	vsel vm11, $0x35, v2;
	vm11 =	vnez.u8 v3;
	v3 =	vld [tilespmem:$0x1FAE0];
	_ =	sdelay $0x4  }
0x2f8: {  	vm13 =	vnez.u8 v3;
	v3 =	vpop (erf)  }
0x2f9: {  	v3 =	vadd.f32 $1.000000000e+00, v3;
	_ =	sdelay $0x1  }
0x2fa: {  	(erf) = vrcp.f32 v3;
	v3 =	vld [tilespmem:$0x1FB10];
	_ =	sdelay $0x3  }
0x2fb: {  	v61 =	vld [tilespmem:$0x1FAF0];
	[tilespmem:$0x1FB20] =	vst v7;
	v1 =	vsel vm11, $0x36, v1  }
0x2fc: {  	v1 =	vsel vm10, v2, v1;
	v2 =	vsel vm10, $0x36, v2;
	vm10 =	vnez.u8 v3;
	v3 =	vld [tilespmem:$0x1FB20];
	_ =	sdelay $0x1  }
0x2fd: {  	v62 =	vld [tilespmem:$0x1FB00];
	_ =	sdelay $0x1  }
0x2fe: {  	[tilespmem:$0x1FB30] =	vst v5;
	v1 =	vsel vm13, $0x37, v1  }
0x2ff: {  	vm15 =	vnez.u8 v61;
	v1 =	vsel vm9, v2, v1;
	vm11 =	vnez.u8 v3;
	v3 =	vld [tilespmem:$0x1FB30]  }
0x300: {  	v2 =	vsel vm9, $0x37, v2;
	v1 =	vsel vm15, $0x38, v1  }
0x301: {  	vm9 =	vnez.u8 v62;
	v1 =	vsel vm8, v2, v1  }
0x302: {  	v2 =	vsel vm8, $0x38, v2;
	v1 =	vsel vm9, $0x39, v1  }
0x303: {  	[tilespmem:$0x1FB40] =	vst v6;
	v1 =	vsel vm7, v2, v1  }
0x304: {  	v2 =	vsel vm7, $0x39, v2;
	v1 =	vsel vm10, $0x3A, v1;
	vm13 =	vnez.u8 v3;
	v3 =	vld [tilespmem:$0x1FB40]  }
0x305: {  	v1 =	vsel vm6, v2, v1  }
0x306: {  	v2 =	vsel vm6, $0x3A, v2;
	v1 =	vsel vm11, $0x3B, v1  }
0x307: {  	v1 =	vsel vm5, v2, v1  }
0x308: {  	v2 =	vsel vm5, $0x3B, v2;
	v1 =	vsel vm13, $0x3C, v1  }
0x309: {  	v1 =	vsel vm4, v2, v1;
	vm15 =	vnez.u8 v3  }
0x30a: {  	v2 =	vsel vm4, $0x3C, v2;
	v1 =	vsel vm15, $0x3D, v1  }
0x30b: {  	v3 =	vpop (erf);
	v1 =	vsel vm3, v2, v1  }
.Ltmp1:
0x30c: {  	v63 =	vsub.f32 $1.000000000e+00, v3;
	v2 =	vsel vm3, $0x3D, v2;
	v1 =	vsel vm14, $0x3E, v1;
	(pc) =	sbr.rel @p0 .LBB2_2-.Ltmp1, $4  }
0x30d: {  	[tilespmem:s19+$0x0] =	vst v3;
	v1 =	vsel vm2, v2, v1;
	v2 =	vsel vm2, $0x3E, v2  }
0x30e: {  	[tilespmem:s18+$0x0] =	vst v63;
	v1 =	vsel vm12, $0x3F, v1;
	v3 =	vsel vm1, $0x3F, v2  }
0x30f: {  	s31 =	sadd.s32 $0x10, s17;
	v1 =	vsel vm1, v2, v1;
	[tilespmem:s20+$0x0] =	vst v3  }
0x310: {  	s17 =	simm.s32 $0x100;
	p1 =	por $0x0, $0x0;
	[tilespmem:s31+$0x0] =	vst v1  }
0x311: {  	[hbm4b:s4+s2] =	stream.linear.scatter [tilespmem:s12], [sflag:$0x1], $0x200, $0x38;
	[tilespmem:$0x4800] =	vst v63  }
0x312: {  	_ =	swait.ge [sflag:s11], $0x200  }
0x313: {  	[sflag:s11] =	ssyncset.done $0x0  }
0x314: {  	[sflag:s11] =	ssyncadd.s32 $0xFFFFFE00  }
0x315: {  	[hbm4b:s5+s2] =	stream.linear.scatter [tilespmem:s13], [sflag:$0x1], $0x200, $0x38;
	[tilespmem:$0x4800] =	vst v63  }
0x316: {  	_ =	swait.ge [sflag:s11], $0x200  }
0x317: {  	[sflag:s11] =	ssyncset.done $0x0  }
0x318: {  	[sflag:s11] =	ssyncadd.s32 $0xFFFFFE00  }
0x319: {  	[hbm4b:s6+s2] =	stream.linear.scatter [tilespmem:s14], [sflag:$0x1], $0x200, $0x38;
	[tilespmem:$0x4800] =	vst v63  }
0x31a: {  	s16 =	sadd.s32 $0x1, s16;
	_ =	swait.ge [sflag:s11], $0x200  }
0x31b: {  	p0 =	sne.s32 s16, s8;
	[sflag:s11] =	ssyncset.done $0x0  }
.Ltmp2:
0x31c: {  	[sflag:s11] =	ssyncadd.s32 $0xFFFFFE00;
	(pc) =	sbr.rel @p0 .LBB2_1-.Ltmp2, $4  }
0x31d: {  	[hbm4b:s7+s2] =	stream.linear.scatter [tilespmem:s15], [sflag:$0x1], $0x200, $0x38;
	[tilespmem:$0x4800] =	vst v63  }
0x31e: {  	_ =	swait.ge [sflag:s11], $0x200  }
0x31f: {  	[sflag:s11] =	ssyncset.done $0x0  }
0x320: {  	[sflag:s11] =	ssyncadd.s32 $0xFFFFFE00  }
0x321: {  	_ =	sfence.sel $0x180000  }
0x322: {  	[bflag:$0x0] =	sbarrier.arrive $0xFFFF  }
0x323: {  	p0 =	sne.s32 s1, $0x0;
	_ =	strace $0x9000004A  }
0x324: {  	s0 =	sadd.s32 @!p0 $0x100000, s0;
	[bflag:$0x2] =	sbarrier.arrive $0xFFFF  }
0x325: {  	[sflag:s0] =	ssyncadd.tile.s32 @!p0 $0x1;
	_ =	shalt  }
.Lfunc_end2:
_tile_overlayer_lowered:
.L_overlay_start_2:
0x326: {  	(tag) =	ssettag $0x2  }
0x327: {  	s0 =	rddreg [dreg:$0x0];
	s2 =	stileid.u32  }
0x328: {  	s1 =	rddreg [dreg:$0x1];
	p0 =	sne.s32 s2, $0x0  }
0x329: {  	s3 =	rddreg [dreg:$0x2];
	[bflag:$0x3] =	sbarrier.arrive $0xFFFF;
	s2 =	simm.s32 @!p0 $0x1C01  }
0x32a: {  	[timem:s3], [sflag:s2] =	dma.local @!p0 [hbm:s0], s1  }
0x32b: {  	s0 =	simm.s32 @!p0 $0x1  }
0x32c: {  	_ =	swait.ge @!p0 [sflag:s0], s1  }
0x32d: {  	s1 =	ssub.s32 @!p0 $0x0, s1;
	[sflag:s0] =	ssyncset.done @!p0 $0x0  }
0x32e: {  	[sflag:s0] =	ssyncadd.s32 @!p0 s1  }
0x32f: {  	[bflag:$0x3] =	sbarrier.arrive $0xFFFF  }
0x330: {  	_ =	shalt  }

// kernel: kernel.9.cloned.1.call-start
scs
__scs_entry_jumppad:
0x0: {  	(pc) =	sbr.rel $0x88, $3  }
0x1: {  	(tag) =	ssettag $0x0;
	lr =	simm.s32 $0x1  }
0x2: {  	[smem:$0x3F9D] =	sst lr;
	_ =	strace $0xD0000000  }
0x3: {  	_ = 	snop  }
0x4: {  	_ = 	snop  }
0x5: {  	_ = 	snop  }
0x6: {  	_ = 	snop  }
0x7: {  	_ = 	snop  }
__scs_overlays_trampoline_lowered:
0x8: {  	[smem:$0x3FAC] =	sst s0  }
0x9: {  	[smem:$0x3FAD] =	sst s1  }
0xa: {  	[smem:$0x3FAE] =	sst s2  }
0xb: {  	[smem:$0x3FAF] =	sst s3  }
0xc: {  	[smem:$0x3FB0] =	sst s4  }
0xd: {  	[smem:$0x3FB1] =	sst s5  }
0xe: {  	[smem:$0x3FB2] =	sst s6  }
0xf: {  	[smem:$0x3FB3] =	sst s7  }
0x10: {  	[smem:$0x3FB4] =	sst s8  }
0x11: {  	[smem:$0x3FB5] =	sst s9;
	s0 =	simm.s32 @!p0 $0x0  }
0x12: {  	s1 =	sld [smem:$0x3F9B];
	s0 =	simm.s32 @p0 $0x1  }
0x13: {  	[smem:$0x3FB6] =	sst s0;
	s0 =	simm.s32 @!p1 $0x0  }
0x14: {  	s2 =	sld [smem:$0x3F9A];
	s0 =	simm.s32 @p1 $0x1  }
0x15: {  	[smem:$0x3FB7] =	sst s0;
	s0 =	simm.s32 @!p2 $0x0  }
0x16: {  	s3 =	sld [smem:$0x3FDB];
	s0 =	simm.s32 @p2 $0x1  }
0x17: {  	s4 =	simm.s32 $0x1BF5;
	[smem:$0x3FB9] =	sst s0  }
0x18: {  	s0 =	sld [smem:$0x3F9C];
	_ =	swait.ge [sflag:s4], $0x0  }
0x19: {  	s7 =	sld [smem:$0x3F9D]  }
0x1a: {  	s8 =	sadd.s32 $0xFFFFE003, lr  }
0x1b: {  	s9 =	sadd.s32 $0xFFFFFEF7, lr;
	s5 =	simm.s32 $0xFFFFFFFF;
	p2 =	slt.u32 s8, $0xFFFFF086  }
0x1c: {  	p1 =	slt.u32 s9, $0xF7A;
	s5 =	simm.s32 @!p2 $0x0  }
0x1d: {  	s5 =	simm.s32 @p1 $0x1;
	p0 =	seq.s32 s7, s2  }
0x1e: {  	s7 =	smul.u32 @!p0 $0xF7A, s2;
	p2 =	seq.s32 @!p0 s5, $0x0  }
0x1f: {  	s9 =	smul.u32 $0xF7A, s1;
	s8 =	simm.s32 @!p0 $0x1BF5;
	p2 =	por !p2, p0  }
0x20: {  	[sflag:s8] =	ssyncset.s32 @!p0 $0xFFFFF086;
	s6 =	sadd.s32 @!p0 s3, s7;
	s7 =	simm.s32 @!p0 $0x108  }
0x21: {  	s3 =	sadd.s32 s3, s9;
	s6 =	sadd.s32 @!p0 $0x88, s6;
	s7 =	simm.s32 @p2 $0x1082  }
0x22: {  	[simem:s7], [sflag:s8] =	dma.local @!p0 [hbm:s6], $0xF7A  }
0x23: {  	s9 =	sor.u32 $0xD0000000, s2;
	s6 =	simm.s32 $0x108;
	_ =	swait.ge @!p0 [sflag:s8], $0x0  }
0x24: {  	s3 =	sadd.s32 $0x88, s3;
	s6 =	simm.s32 @!p1 $0x1082;
	[sflag:s4] =	ssyncset.s32 $0xFFFFF086  }
0x25: {  	[simem:s6], [sflag:s4] =	dma.local [hbm:s3], $0xF7A  }
0x26: {  	[smem:$0x3F9D] =	sst s1;
	(tag) =	ssettag s2;
	_ =	strace s9  }
0x27: {  	s1 =	sld [smem:$0x3FAD]  }
0x28: {  	s2 =	sld [smem:$0x3FAE]  }
0x29: {  	s4 =	sld [smem:$0x3FB0]  }
0x2a: {  	p0 =	seq.s32 s5, $0x0;
	s5 =	sld [smem:$0x3FB1]  }
0x2b: {  	s6 =	sld [smem:$0x3FB2]  }
0x2c: {  	s7 =	sld [smem:$0x3FB3]  }
0x2d: {  	s3 =	simm.s32 $0x108;
	s8 =	sld [smem:$0x3FB4]  }
0x2e: {  	s3 =	simm.s32 @!p0 $0x1082;
	s9 =	sld [smem:$0x3FB5]  }
0x2f: {  	lr =	sadd.s32 s0, s3;
	s0 =	sld [smem:$0x3FAC]  }
0x30: {  	s3 =	sld [smem:$0x3FAF]  }
0x31: {  	[smem:$0x3FB8] =	sst s10  }
0x32: {  	s10 =	sld [smem:$0x3FB6];
	_ =	sdelay $0x3  }
0x33: {  	p0 =	seq.s32 s10, $0x1;
	s10 =	sld [smem:$0x3FB8];
	_ =	sdelay $0x3  }
0x34: {  	[smem:$0x3FB8] =	sst s10  }
0x35: {  	s10 =	sld [smem:$0x3FB7];
	_ =	sdelay $0x3  }
0x36: {  	p1 =	seq.s32 s10, $0x1;
	s10 =	sld [smem:$0x3FB8];
	_ =	sdelay $0x3  }
0x37: {  	[smem:$0x3FB8] =	sst s10  }
0x38: {  	s10 =	sld [smem:$0x3FB9]  }
0x39: {  	_ = 	snop;
	(pc) =	sbr.ind lr, $3  }
0x3a: {  	_ = 	snop  }
0x3b: {  	_ = 	snop  }
0x3c: {  	p2 =	seq.s32 s10, $0x1;
	s10 =	sld [smem:$0x3FB8]  }
0x3d: {  	_ =	shalt  }
0x3e: {  	_ =	shalt  }
0x3f: {  	_ =	shalt  }
0x40: {  	_ =	shalt  }
0x41: {  	_ =	shalt  }
0x42: {  	_ =	shalt  }
0x43: {  	_ =	shalt  }
0x44: {  	_ =	shalt  }
0x45: {  	_ =	shalt  }
0x46: {  	_ =	shalt  }
0x47: {  	_ =	shalt  }
0x48: {  	_ =	shalt  }
0x49: {  	_ =	shalt  }
0x4a: {  	_ =	shalt  }
0x4b: {  	_ =	shalt  }
0x4c: {  	_ =	shalt  }
0x4d: {  	_ =	shalt  }
0x4e: {  	_ =	shalt  }
0x4f: {  	_ =	shalt  }
0x50: {  	_ =	shalt  }
0x51: {  	_ =	shalt  }
0x52: {  	_ =	shalt  }
0x53: {  	_ =	shalt  }
0x54: {  	_ =	shalt  }
0x55: {  	_ =	shalt  }
0x56: {  	_ =	shalt  }
0x57: {  	_ =	shalt  }
0x58: {  	_ =	shalt  }
0x59: {  	_ =	shalt  }
0x5a: {  	_ =	shalt  }
0x5b: {  	_ =	shalt  }
0x5c: {  	_ =	shalt  }
0x5d: {  	_ =	shalt  }
0x5e: {  	_ =	shalt  }
0x5f: {  	_ =	shalt  }
0x60: {  	_ =	shalt  }
0x61: {  	_ =	shalt  }
0x62: {  	_ =	shalt  }
0x63: {  	_ =	shalt  }
0x64: {  	_ =	shalt  }
0x65: {  	_ =	shalt  }
0x66: {  	_ =	shalt  }
0x67: {  	_ =	shalt  }
0x68: {  	_ =	shalt  }
0x69: {  	_ =	shalt  }
0x6a: {  	_ =	shalt  }
0x6b: {  	_ =	shalt  }
0x6c: {  	_ =	shalt  }
0x6d: {  	_ =	shalt  }
0x6e: {  	_ =	shalt  }
0x6f: {  	_ =	shalt  }
0x70: {  	_ =	shalt  }
0x71: {  	_ =	shalt  }
0x72: {  	_ =	shalt  }
0x73: {  	_ =	shalt  }
0x74: {  	_ =	shalt  }
0x75: {  	_ =	shalt  }
0x76: {  	_ =	shalt  }
0x77: {  	_ =	shalt  }
0x78: {  	_ =	shalt  }
0x79: {  	_ =	shalt  }
0x7a: {  	_ =	shalt  }
0x7b: {  	_ =	shalt  }
0x7c: {  	_ =	shalt  }
0x7d: {  	_ =	shalt  }
0x7e: {  	_ =	shalt  }
0x7f: {  	_ =	shalt  }
0x80: {  	_ =	shalt  }
0x81: {  	_ =	shalt  }
0x82: {  	_ =	shalt  }
0x83: {  	_ =	shalt  }
0x84: {  	_ =	shalt  }
0x85: {  	_ =	shalt  }
0x86: {  	_ =	shalt  }
0x87: {  	_ =	shalt  }
.Lfunc_end0:
.L_simem_size_0:
called_computation.1_lowered:
.L_overlay_start_0:
0x88: {  	s2 =	sld [smem:$0x3FD9]  }
0x89: {  	s3 =	sld [smem:$0x3FFE];
	_ =	sdelay $0x1  }
0x8a: {  	s1 =	srdreg.scid  }
0x8b: {  	s0 =	sand.u32 $0x1, s1  }
0x8c: {  	s16 =	sshll.u32 s0, $0xA;
	s2 =	sadd.s32 s3, s2  }
0x8d: {  	s2 =	sadd.s32 s2, s16  }
0x8e: {  	[smem:$0x3FC4] =	sst s2  }
0x8f: {  	_ = 	snop  }
0x90: {  	(tm) =	ssettm $0x1  }
0x91: {  	s17 =	sld [smem:$0x3FFB];
	_ =	sdelay $0x3  }
0x92: {  	_ =	strace s17  }
0x93: {  	s2 =	sld [smem:$0x3FFC];
	_ =	sdelay $0x3  }
0x94: {  	_ =	strace s2  }
0x95: {  	s2 =	sld [smem:$0x3FFD];
	_ =	sdelay $0x3  }
0x96: {  	_ =	strace s2  }
0x97: {  	_ =	strace $0x8FFFFFFF  }
0x98: {  	s18 =	sld [smem:$0x3FDB];
	_ =	sdelay $0x1  }
0x99: {  	s19 =	simm.s32 $_scs_section_size  }
0x9a: {  	s4 =	simm.s32 $_size__tile_overlayer_lowered;
	s5 =	simm.s32 $_tile_overlayer_lowered  }
0x9b: {  	s22 =	simm.s32 $0x1BFF;
	s21 =	sshll.u32 s5, $0x1;
	s2 =	sadd.s32 s19, s18  }
0x9c: {  	s6 =	simm.s32 $0x0;
	s20 =	sshll.u32 s4, $0x1;
	s4 =	sadd.s32 s21, s2  }
0x9d: {  	[timem:s6], [sflag:s22] =	dma.local [hbm:s4], s20  }
0x9e: {  	_ =	swait.ge [sflag:s22], s20  }
0x9f: {  	s3 =	ssub.s32 $0x0, s20;
	[sflag:s22] =	ssyncset.done $0x0  }
0xa0: {  	[sflag:s22] =	ssyncadd.s32 s3;
	_ =	sdelay $0x1  }
0xa1: {  	s23 =	simm.s32 $0x1B8B  }
0xa2: {  	_ =	swait.ge [sflag:s23], $0x1  }
0xa3: {  	[sflag:s23] =	ssyncset.done $0x0  }
0xa4: {  	s25 =	simm.s32 $0x1B8E;
	s24 =	sld [smem:$0x3FFE];
	[sflag:s23] =	ssyncadd.s32 $0xFFFFFFFF  }
0xa5: {  	s26 =	simm.s32 $execute0_lowered;
	[smem:$0x3FD2] =	sst s25  }
0xa6: {  	s4 =	sshll.u32 s26, $0x1;
	_ =	strace $0x80000046;
	[dreg:$0x1] =	wrdreg $0xFFFFFFFF  }
0xa7: {  	s28 =	simm.s32 $_size_execute0_lowered;
	s2 =	sadd.s32 s2, s4;
	[dreg:$0x0] =	wrdreg $0x0  }
0xa8: {  	s4 =	sshll.u32 s28, $0x1;
	[dreg:$0x2] =	wrdreg s2  }
0xa9: {  	[dreg:$0x3] =	wrdreg s4  }
0xaa: {  	[dreg:$0x4] =	wrdreg $0xC0  }
0xab: {  	_ =	task [dreg:s6], $0x5FFFF  }
0xac: {  	[dreg:$0x1] =	wrdreg $0xFFFFFFFF  }
0xad: {  	[dreg:$0x0] =	wrdreg $0x60  }
0xae: {  	[dreg:$0x2] =	wrdreg s24  }
0xaf: {  	[dreg:$0x3] =	wrdreg $0xA  }
0xb0: {  	_ =	task.clear_ibuf [dreg:s6], $0x4FFFF;
	_ =	strace $0x90000046  }
0xb1: {  	s29 =	simm.s32 $0xA;
	_ =	strace $0x80000048  }
0xb2: {  	_ =	swait.ge [sflag:s29], $0x1  }
0xb3: {  	[sflag:s29] =	ssyncadd.s32 $0xFFFFFFFF  }
0xb4: {  	_ =	strace $0x90000048  }
0xb5: {  	_ =	sfence  }
0xb6: {  	s30 =	sld [smem:$0x0];
	_ =	sdelay $0x2  }
0xb7: {  	s31 =	sshll.u32 s1, $0xD;
	s1 =	sshrl.u32 s1, $0x2  }
0xb8: {  	s3 =	sand.u32 $0x4000, s31;
	s1 =	sadd.s32 s1, s30  }
0xb9: {  	s0 =	sor.u32 s3, s0;
	s1 =	sshll.u32 s1, $0x11  }
0xba: {  	s0 =	sor.u32 s1, s0  }
0xbb: {  	s0 =	sadd.s32 $0x8F2B, s0  }
0xbc: {  	[sflag:s0] =	ssyncadd.remote.s32 $0x1  }
0xbd: {  	_ =	sfence.sel $0xFFFF  }
0xbe: {  	[dreg:$0x0] =	wrdreg $0xFFFFFFFF;
	(pc) =	sbr.abs _section_cstart, $3  }
0xbf: {  	[dreg:$0x1] =	wrdreg $0xFFFFFFFF  }
0xc0: {  	_ =	task.clear_ibuf [dreg:s6], $0x2FFFF;
	_ =	strace $0x9FFFFFFF  }
0xc1: {  	(tm) =	ssettm $0x7FFFFFFF  }
tec
execute0_lowered:
.L_overlay_start_1:
0x0: {  	(tag) =	ssettag $0x1  }
0x1: {  	s3 =	rddreg [dreg:$0x0];
	s2 =	srdreg.scid  }
0x2: {  	s0 =	rddreg [dreg:$0x1];
	s1 =	stileid.u32  }
0x3: {  	s9 =	simm.s32 $0x800;
	s10 =	simm.s32 $0x20000;
	s11 =	simm.s32 $0x1  }
0x4: {  	s12 =	simm.s32 $0x4000;
	s13 =	simm.s32 $0x4200;
	s14 =	simm.s32 $0x4400  }
0x5: {  	s15 =	simm.s32 $0x4600;
	s16 =	simm.s32 $0x0;
	s4 =	sand.u32 $0x1, s2  }
0x6: {  	s2 =	simm.s32 $0x0;
	s5 =	sshll.u32 s1, $0xA;
	s6 =	sshll.u32 s4, $0x9  }
0x7: {  	[smem:$0x7FF] =	sst s2;
	s4 =	ssub.s32 $0x2, s4;
	s5 =	sor.u32 s6, s5  }
0x8: {  	_ =	strace $0x80000047;
	s31 =	sshrl.u32 s4, $0x1;
	s6 =	sshrl.u32 s5, $0x3  }
0x9: {  	s5 =	sadd.s32 s5, s3;
	s8 =	ssub.s32 s4, s31;
	s7 =	sadd.s32 s6, s3  }
0xa: {  	s3 =	sadd.s32 $0x1600, s5;
	s8 =	smax.u32 s8, $0x1;
	s4 =	sadd.s32 $0x21600, s7  }
0xb: {  	v0 =	vimm.s32 $0x0;
	s5 =	sadd.s32 $0x21E00, s7;
	s6 =	sadd.s32 $0x22600, s7;
	s7 =	sadd.s32 $0x22E00, s7  }
.LBB2_1:
0xc: {  	p1 =	por $0x1, $0x1;
	s17 =	simm.s32 $0x0  }
.LBB2_2:
0xd: {  	s18 =	sadd.s32 s17, s3;
	s19 =	simm.s32 $0x0  }
0xe: {  	[tilespmem:s19], [sflag:$0x1] =	stream.strided.gather [hbm4b:s18+s9], $0x4000, s10, s9, $0x38;
	[tilespmem:$0x4800] =	vst v63  }
0xf: {  	_ =	swait.ge [sflag:s11], $0x4000  }
0x10: {  	s26 =	sand.u32 $0x70, s19;
	s20 =	sand.u32 $0x400, s19;
	[sflag:s11] =	ssyncset.done $0x0  }
0x11: {  	s18 =	sor.u32 s26, s20;
	[sflag:s11] =	ssyncadd.s32 $0xFFFFC000  }
0x12: {  	v1 =	vld [tilespmem:s18+$0x80]  }
0x13: {  	v2 =	vld [tilespmem:s18+$0x0];
	_ =	sdelay $0x2  }
0x14: {  	v3 =	vld [tilespmem:s18+$0x100]  }
0x15: {  	vm0 =	vlt.f32 v1, $-Inf;
	vm1 =	vgt.f32 v1, $-Inf  }
0x16: {  	vm2 =	vgt.f32 v1, v2;
	vm0 =	vmor vm1, vm0  }
0x17: {  	vm1 =	vmneg vm2;
	v5 =	vnsel vm0, $0xFF800000, v1  }
0x18: {  	v38 =	vld [tilespmem:s18+$0x180];
	v5 =	vsel vm1, v5, v2  }
0x19: {  	v1 =	vsel vm1, v2, v1;
	v2 =	vimm.s32 $0x0;
	vm10 =	vgt.f32 v3, v5  }
0x1a: {  	v4 =	vimm.s32 $0x0;
	v2 =	vsel vm10, $0xFFFFFFFF, v2  }
0x1b: {  	v4 =	vsel vm2, $0xFFFFFFFF, v4;
	vm2 =	vgt.f32 v3, v1;
	[tilespmem:$0x1FB70] =	vst v2;
	v2 =	vsel vm10, v3, v5  }
0x1c: {  	v39 =	vld [tilespmem:s18+$0x200];
	v2 =	vsel vm2, v1, v2  }
0x1d: {  	v1 =	vsel vm2, v3, v1;
	v3 =	vimm.s32 $0x0;
	vm11 =	vgt.f32 v38, v2  }
0x1e: {  	v3 =	vsel vm11, $0xFFFFFFFF, v3  }
0x1f: {  	vm3 =	vgt.f32 v38, v1;
	v2 =	vsel vm11, v38, v2;
	[tilespmem:$0x1FB80] =	vst v3;
	v3 =	vld [tilespmem:s18+$0x280]  }
0x20: {  	v2 =	vsel vm3, v1, v2  }
0x21: {  	v1 =	vsel vm3, v38, v1;
	vm12 =	vgt.f32 v39, v2  }
0x22: {  	v41 =	vld [tilespmem:s18+$0x300];
	vm4 =	vgt.f32 v39, v1;
	v2 =	vsel vm12, v39, v2  }
0x23: {  	v2 =	vsel vm4, v1, v2  }
0x24: {  	s19 =	sor.u32 s19, s19;
	v1 =	vsel vm4, v39, v1;
	vm13 =	vgt.f32 v3, v2  }
0x25: {  	s19 =	sor.u32 $0x380, s19;
	vm5 =	vgt.f32 v3, v1;
	v2 =	vsel vm13, v3, v2  }
0x26: {  	v43 =	vld [tilespmem:s19+$0x0];
	v2 =	vsel vm5, v1, v2  }
0x27: {  	v1 =	vsel vm5, v3, v1;
	v3 =	vimm.s32 $0x0;
	vm14 =	vgt.f32 v41, v2  }
0x28: {  	v3 =	vsel vm14, $0xFFFFFFFF, v3  }
0x29: {  	vm6 =	vgt.f32 v41, v1;
	v2 =	vsel vm14, v41, v2;
	[tilespmem:$0x1FBB0] =	vst v3;
	v3 =	vld [tilespmem:s18+$0x800]  }
0x2a: {  	v2 =	vsel vm6, v1, v2  }
0x2b: {  	v1 =	vsel vm6, v41, v1;
	vm15 =	vgt.f32 v43, v2  }
0x2c: {  	v45 =	vld [tilespmem:s18+$0x880];
	vm7 =	vgt.f32 v43, v1;
	v2 =	vsel vm15, v43, v2  }
0x2d: {  	v42 =	vimm.s32 $0x0;
	v46 =	vimm.s32 $0x0;
	v2 =	vsel vm7, v1, v2  }
0x2e: {  	v5 =	vsel vm13, $0xFFFFFFFF, v42;
	v1 =	vsel vm7, v43, v1;
	vm8 =	vgt.f32 v3, v2  }
0x2f: {  	[tilespmem:$0x1FBA0] =	vst v5;
	v5 =	vsel vm8, $0xFFFFFFFF, v46;
	v2 =	vsel vm8, v3, v2;
	vm8 =	vgt.f32 v3, v1  }
0x30: {  	v37 =	vimm.s32 $0x0;
	v47 =	vld [tilespmem:s18+$0x900];
	v2 =	vsel vm8, v1, v2  }
0x31: {  	v1 =	vsel vm8, v3, v1;
	v3 =	vimm.s32 $0x0;
	vm9 =	vgt.f32 v45, v2  }
0x32: {  	v40 =	vimm.s32 $0x0;
	v44 =	vimm.s32 $0x0;
	[tilespmem:$0x1FB50] =	vst v4;
	v3 =	vsel vm9, $0xFFFFFFFF, v3  }
0x33: {  	v4 =	vsel vm0, $0xFFFFFFFF, v37;
	v2 =	vsel vm9, v45, v2;
	vm9 =	vgt.f32 v45, v1;
	[tilespmem:$0x1FBE0] =	vst v3;
	v3 =	vld [tilespmem:s18+$0x980]  }
0x34: {  	v48 =	vimm.s32 $0x0;
	[tilespmem:$0x1FB60] =	vst v4;
	v4 =	vsel vm12, $0xFFFFFFFF, v40;
	v2 =	vsel vm9, v1, v2  }
0x35: {  	[tilespmem:$0x1FB90] =	vst v4;
	v4 =	vsel vm15, $0xFFFFFFFF, v44;
	v1 =	vsel vm9, v45, v1;
	vm10 =	vgt.f32 v47, v2  }
0x36: {  	v49 =	vld [tilespmem:s18+$0xA00];
	[tilespmem:$0x1FBC0] =	vst v4;
	v4 =	vsel vm10, $0xFFFFFFFF, v48;
	v2 =	vsel vm10, v47, v2;
	vm10 =	vgt.f32 v47, v1  }
0x37: {  	v2 =	vsel vm10, v1, v2  }
0x38: {  	v50 =	vimm.s32 $0x0;
	v1 =	vsel vm10, v47, v1;
	vm11 =	vgt.f32 v3, v2  }
0x39: {  	[tilespmem:$0x1FBD0] =	vst v5;
	v5 =	vsel vm11, $0xFFFFFFFF, v50;
	v2 =	vsel vm11, v3, v2;
	vm11 =	vgt.f32 v3, v1  }
0x3a: {  	v51 =	vld [tilespmem:s18+$0xA80];
	v2 =	vsel vm11, v1, v2  }
0x3b: {  	v1 =	vsel vm11, v3, v1;
	v3 =	vimm.s32 $0x0;
	vm12 =	vgt.f32 v49, v2  }
0x3c: {  	v52 =	vimm.s32 $0x0;
	v3 =	vsel vm12, $0xFFFFFFFF, v3  }
0x3d: {  	v54 =	vimm.s32 $0x0;
	v2 =	vsel vm12, v49, v2;
	vm12 =	vgt.f32 v49, v1;
	[tilespmem:$0x1FC10] =	vst v3;
	v3 =	vld [tilespmem:s18+$0xB00]  }
0x3e: {  	v6 =	vimm.s32 $0x0;
	v56 =	vimm.s32 $0x0;
	v2 =	vsel vm12, v1, v2  }
0x3f: {  	v58 =	vimm.s32 $0x0;
	v1 =	vsel vm12, v49, v1;
	vm13 =	vgt.f32 v51, v2  }
0x40: {  	v53 =	vld [tilespmem:s18+$0xB80];
	[tilespmem:$0x1FBF0] =	vst v4;
	v4 =	vsel vm13, $0xFFFFFFFF, v52;
	v2 =	vsel vm13, v51, v2;
	vm13 =	vgt.f32 v51, v1  }
0x41: {  	v61 =	vimm.s32 $0x0;
	v8 =	vimm.s32 $0x0;
	v2 =	vsel vm13, v1, v2  }
0x42: {  	v12 =	vimm.s32 $0x0;
	v1 =	vsel vm13, v51, v1;
	vm14 =	vgt.f32 v3, v2  }
0x43: {  	v55 =	vld [tilespmem:s18+$0x1000];
	[tilespmem:$0x1FC00] =	vst v5;
	v5 =	vsel vm14, $0xFFFFFFFF, v54;
	v2 =	vsel vm14, v3, v2;
	vm14 =	vgt.f32 v3, v1  }
0x44: {  	v15 =	vimm.s32 $0x0;
	v18 =	vimm.s32 $0x0;
	v2 =	vsel vm14, v1, v2  }
0x45: {  	v59 =	vld [tilespmem:$0x1FB50];
	v1 =	vsel vm14, v3, v1;
	v3 =	vimm.s32 $0x0;
	vm15 =	vgt.f32 v53, v2  }
0x46: {  	v7 =	vld [tilespmem:$0x1FB60];
	v3 =	vsel vm15, $0xFFFFFFFF, v3;
	v2 =	vsel vm15, v53, v2;
	vm15 =	vgt.f32 v53, v1  }
0x47: {  	v21 =	vimm.s32 $0x0;
	v24 =	vimm.s32 $0x0;
	[tilespmem:$0x1FC40] =	vst v3;
	v3 =	vld [tilespmem:s18+$0x1080];
	v2 =	vsel vm15, v1, v2  }
0x48: {  	v62 =	vld [tilespmem:$0x1FB70];
	v6 =	vsel vm15, $0xFFFFFFFF, v6;
	v1 =	vsel vm15, v53, v1;
	vm15 =	vgt.f32 v55, v2  }
0x49: {  	v27 =	vimm.s32 $0x0;
	[tilespmem:$0x1FC20] =	vst v4;
	vm0 =	vgt.f32 v55, v1;
	v4 =	vsel vm15, $0xFFFFFFFF, v56  }
0x4a: {  	[tilespmem:$0x1FC50] =	vst v6;
	v2 =	vsel vm15, v55, v2;
	v6 =	vsel vm0, $0xFFFFFFFF, v58;
	vm15 =	vnez.u8 v59  }
0x4b: {  	v57 =	vld [tilespmem:s18+$0x1100];
	[tilespmem:$0x1FC70] =	vst v6;
	v6 =	vsel vm15, $0x1, v0;
	vm15 =	vnez.u8 v7;
	v2 =	vsel vm0, v1, v2  }
0x4c: {  	v1 =	vsel vm0, v55, v1;
	vm1 =	vmand vm1, vm15;
	vm0 =	vgt.f32 v3, v2  }
0x4d: {  	[tilespmem:$0x1FC30] =	vst v5;
	vm15 =	vnez.u8 v62;
	v60 =	vsel vm1, $0x1, v0;
	v5 =	vsel vm0, $0xFFFFFFFF, v61  }
0x4e: {  	v2 =	vsel vm0, v3, v2;
	[tilespmem:$0x1FC80] =	vst v5;
	v5 =	vsel vm15, $0x2, v60;
	vm15 =	vgt.f32 v3, v1  }
0x4f: {  	v30 =	vimm.s32 $0x0;
	v33 =	vimm.s32 $0x0;
	v2 =	vsel vm15, v1, v2  }
0x50: {  	v63 =	vld [tilespmem:s18+$0x1180];
	[tilespmem:$0x1FC60] =	vst v4;
	v1 =	vsel vm15, v3, v1;
	v3 =	vimm.s32 $0x0;
	vm0 =	vgt.f32 v57, v2  }
0x51: {  	v36 =	vimm.s32 $0x0;
	v10 =	vimm.s32 $0x0;
	v51 =	vld [tilespmem:$0x1FC60];
	v3 =	vsel vm0, $0xFFFFFFFF, v3  }
0x52: {  	v40 =	vimm.s32 $0x0;
	v43 =	vimm.s32 $0x0;
	v46 =	vimm.s32 $0x0;
	[tilespmem:$0x1FCA0] =	vst v3;
	v3 =	vld [tilespmem:$0x1FB80]  }
0x53: {  	v50 =	vimm.s32 $0x0;
	v54 =	vimm.s32 $0x0;
	v59 =	vimm.s32 $0x0  }
0x54: {  	v13 =	vld [tilespmem:$0x1FB90];
	v62 =	vimm.s32 $0x0;
	v8 =	vsel vm15, $0xFFFFFFFF, v8;
	v5 =	vsel vm2, v6, v5  }
0x55: {  	v6 =	vsel vm2, $0x2, v6;
	vm2 =	vgt.f32 v57, v1;
	v2 =	vsel vm0, v57, v2  }
0x56: {  	v11 =	vld [tilespmem:s18+$0x1200];
	vm1 =	vnez.u8 v51;
	v2 =	vsel vm2, v1, v2;
	v1 =	vsel vm2, v57, v1  }
0x57: {  	v16 =	vld [tilespmem:$0x1FBA0];
	v57 =	vimm.s32 $0x0;
	vm0 =	vgt.f32 v63, v2;
	vm15 =	vnez.u8 v3  }
0x58: {  	v4 =	vsel vm0, $0xFFFFFFFF, v12;
	v2 =	vsel vm0, v63, v2;
	v3 =	vsel vm15, $0x3, v5  }
0x59: {  	vm15 =	vnez.u8 v13;
	v13 =	vimm.s32 $0x0;
	v3 =	vsel vm3, v6, v3  }
0x5a: {  	v14 =	vld [tilespmem:s18+$0x1280];
	v6 =	vsel vm3, $0x3, v6;
	vm3 =	vgt.f32 v63, v1;
	v3 =	vsel vm15, $0x4, v3  }
0x5b: {  	v19 =	vld [tilespmem:$0x1FBB0];
	v2 =	vsel vm3, v1, v2;
	v1 =	vsel vm3, v63, v1;
	v3 =	vsel vm4, v6, v3  }
0x5c: {  	v6 =	vsel vm4, $0x4, v6;
	vm15 =	vgt.f32 v11, v2;
	vm4 =	vnez.u8 v16  }
0x5d: {  	v16 =	vimm.s32 $0x0;
	v7 =	vsel vm15, $0xFFFFFFFF, v15;
	v3 =	vsel vm4, $0x5, v3  }
0x5e: {  	v22 =	vld [tilespmem:$0x1FBC0];
	v2 =	vsel vm15, v11, v2;
	vm4 =	vgt.f32 v11, v1;
	v3 =	vsel vm5, v6, v3  }
0x5f: {  	v17 =	vld [tilespmem:s18+$0x1300];
	v2 =	vsel vm4, v1, v2;
	v6 =	vsel vm5, $0x5, v6;
	v1 =	vsel vm4, v11, v1  }
0x60: {  	vm5 =	vnez.u8 v19;
	v19 =	vimm.s32 $0x0;
	vm15 =	vgt.f32 v14, v2  }
0x61: {  	v25 =	vld [tilespmem:$0x1FBD0];
	v3 =	vsel vm5, $0x6, v3;
	vm5 =	vgt.f32 v14, v1;
	v5 =	vsel vm15, $0xFFFFFFFF, v18  }
0x62: {  	v2 =	vsel vm15, v14, v2;
	v3 =	vsel vm6, v6, v3;
	v6 =	vsel vm6, $0x6, v6  }
0x63: {  	v20 =	vld [tilespmem:s18+$0x1380];
	vm6 =	vnez.u8 v22;
	v22 =	vimm.s32 $0x0;
	v2 =	vsel vm5, v1, v2  }
0x64: {  	v28 =	vld [tilespmem:$0x1FBE0];
	v1 =	vsel vm5, v14, v1;
	v3 =	vsel vm6, $0x7, v3;
	vm15 =	vgt.f32 v17, v2  }
0x65: {  	vm6 =	vgt.f32 v17, v1;
	v3 =	vsel vm7, v6, v3;
	v6 =	vsel vm7, $0x7, v6  }
0x66: {  	v31 =	vld [tilespmem:$0x1FBF0];
	vm7 =	vnez.u8 v25;
	v25 =	vimm.s32 $0x0;
	v2 =	vsel vm15, v17, v2  }
0x67: {  	[tilespmem:$0x1FCB0] =	vst v4;
	v4 =	vsel vm15, $0xFFFFFFFF, v21;
	v3 =	vsel vm7, $0x8, v3;
	v2 =	vsel vm6, v1, v2  }
0x68: {  	v23 =	vld [tilespmem:s18+$0x1800];
	v1 =	vsel vm6, v17, v1;
	v3 =	vsel vm8, v6, v3;
	v6 =	vsel vm8, $0x8, v6  }
0x69: {  	v34 =	vld [tilespmem:$0x1FC00];
	vm8 =	vnez.u8 v28;
	vm15 =	vgt.f32 v20, v2;
	vm7 =	vgt.f32 v20, v1  }
0x6a: {  	[tilespmem:$0x1FCC0] =	vst v7;
	v3 =	vsel vm8, $0x9, v3;
	v7 =	vsel vm15, $0xFFFFFFFF, v24;
	v2 =	vsel vm15, v20, v2  }
0x6b: {  	v26 =	vld [tilespmem:s18+$0x1880];
	v3 =	vsel vm9, v6, v3;
	v6 =	vsel vm9, $0x9, v6;
	vm9 =	vnez.u8 v31  }
0x6c: {  	v37 =	vld [tilespmem:$0x1FC10];
	v2 =	vsel vm7, v1, v2;
	v1 =	vsel vm7, v20, v1;
	v3 =	vsel vm9, $0xA, v3  }
0x6d: {  	vm15 =	vgt.f32 v23, v2;
	vm8 =	vgt.f32 v23, v1;
	v3 =	vsel vm10, v6, v3  }
0x6e: {  	v6 =	vsel vm10, $0xA, v6;
	vm10 =	vnez.u8 v34;
	v34 =	vimm.s32 $0x0  }
0x6f: {  	v29 =	vld [tilespmem:s18+$0x1900];
	[tilespmem:$0x1FCD0] =	vst v5;
	v5 =	vsel vm15, $0xFFFFFFFF, v27;
	v2 =	vsel vm15, v23, v2;
	v3 =	vsel vm10, $0xB, v3  }
0x70: {  	v2 =	vsel vm8, v1, v2;
	v1 =	vsel vm8, v23, v1;
	v3 =	vsel vm11, v6, v3  }
0x71: {  	v6 =	vsel vm11, $0xB, v6;
	vm11 =	vnez.u8 v37;
	vm15 =	vgt.f32 v26, v2  }
0x72: {  	v32 =	vld [tilespmem:s18+$0x1980];
	v37 =	vimm.s32 $0x0;
	vm9 =	vgt.f32 v26, v1;
	v2 =	vsel vm15, v26, v2  }
0x73: {  	v3 =	vsel vm11, $0xC, v3;
	v41 =	vsel vm12, $0xC, v6;
	v2 =	vsel vm9, v1, v2  }
0x74: {  	v39 =	vld [tilespmem:$0x1FC20];
	[tilespmem:$0x1FCE0] =	vst v4;
	v4 =	vsel vm15, $0xFFFFFFFF, v30;
	v1 =	vsel vm9, v26, v1;
	vm15 =	vgt.f32 v29, v2  }
0x75: {  	v35 =	vld [tilespmem:s18+$0x1A00];
	v3 =	vsel vm12, v6, v3;
	vm10 =	vgt.f32 v29, v1;
	v2 =	vsel vm15, v29, v2  }
0x76: {  	v30 =	vimm.s32 $0x0;
	v26 =	vimm.s32 $0x0;
	v2 =	vsel vm10, v1, v2  }
0x77: {  	[tilespmem:$0x1FCF0] =	vst v7;
	v7 =	vsel vm15, $0xFFFFFFFF, v33;
	v1 =	vsel vm10, v29, v1;
	vm15 =	vgt.f32 v32, v2  }
0x78: {  	v44 =	vld [tilespmem:$0x1FC30];
	v33 =	vimm.s32 $0x0;
	vm11 =	vgt.f32 v32, v1;
	v2 =	vsel vm15, v32, v2  }
0x79: {  	v38 =	vld [tilespmem:s18+$0x1A80];
	[tilespmem:$0x1FD00] =	vst v5;
	v5 =	vsel vm15, $0xFFFFFFFF, v36;
	vm15 =	vnez.u8 v39;
	v2 =	vsel vm11, v1, v2  }
0x7a: {  	v3 =	vsel vm15, $0xD, v3;
	v1 =	vsel vm11, v32, v1;
	vm15 =	vgt.f32 v35, v2  }
0x7b: {  	v47 =	vld [tilespmem:$0x1FC40];
	v29 =	vimm.s32 $0x0;
	vm12 =	vgt.f32 v35, v1;
	v2 =	vsel vm15, v35, v2  }
0x7c: {  	[tilespmem:$0x1FD10] =	vst v4;
	v3 =	vsel vm13, v41, v3;
	v4 =	vsel vm15, $0xFFFFFFFF, v40;
	v2 =	vsel vm12, v1, v2  }
0x7d: {  	v42 =	vld [tilespmem:s18+$0x1B00];
	[tilespmem:$0x1FD40] =	vst v4;
	v4 =	vsel vm13, $0xD, v41;
	v1 =	vsel vm12, v35, v1;
	vm13 =	vnez.u8 v44  }
0x7e: {  	v49 =	vld [tilespmem:$0x1FC50];
	v41 =	vimm.s32 $0x0;
	vm15 =	vgt.f32 v38, v2;
	v3 =	vsel vm13, $0xE, v3  }
0x7f: {  	[tilespmem:$0x1FD20] =	vst v7;
	vm13 =	vgt.f32 v38, v1;
	v7 =	vsel vm15, $0xFFFFFFFF, v43;
	v2 =	vsel vm15, v38, v2  }
0x80: {  	v3 =	vsel vm14, v4, v3;
	v4 =	vsel vm14, $0xE, v4;
	vm14 =	vnez.u8 v47  }
0x81: {  	v45 =	vld [tilespmem:s18+$0x1B80];
	v2 =	vsel vm13, v1, v2;
	v1 =	vsel vm13, v38, v1;
	v3 =	vsel vm14, $0xF, v3  }
0x82: {  	v53 =	vld [tilespmem:$0x1FC70];
	v38 =	vimm.s32 $0x0;
	vm15 =	vgt.f32 v42, v2;
	vm14 =	vgt.f32 v42, v1  }
0x83: {  	v55 =	vld [tilespmem:$0x1FC80];
	[tilespmem:$0x1FD30] =	vst v5;
	v5 =	vsel vm15, $0xFFFFFFFF, v46;
	v2 =	vsel vm15, v42, v2;
	vm15 =	vnez.u8 v49  }
0x84: {  	v46 =	vimm.s32 $0x0;
	v49 =	vimm.s32 $0x0;
	v3 =	vsel vm15, v4, v3  }
0x85: {  	v48 =	vld [tilespmem:s18+$0x2000];
	[tilespmem:$0x1FC90] =	vst v8;
	v2 =	vsel vm14, v1, v2;
	v4 =	vsel vm15, $0xF, v4;
	v1 =	vsel vm14, v42, v1  }
0x86: {  	v58 =	vld [tilespmem:$0x1FC90];
	v42 =	vimm.s32 $0x0;
	vm0 =	vgt.f32 v45, v2;
	v3 =	vsel vm1, $0x10, v3  }
0x87: {  	v6 =	vsel vm0, $0xFFFFFFFF, v50;
	v2 =	vsel vm0, v45, v2;
	vm0 =	vnez.u8 v53  }
0x88: {  	v52 =	vld [tilespmem:s18+$0x2080];
	vm15 =	vgt.f32 v45, v1;
	vm1 =	vnez.u8 v55;
	v3 =	vsel vm0, v4, v3  }
0x89: {  	v60 =	vld [tilespmem:$0x1FCA0];
	v2 =	vsel vm15, v1, v2;
	v4 =	vsel vm0, $0x10, v4;
	v1 =	vsel vm15, v45, v1  }
0x8a: {  	v63 =	vld [tilespmem:$0x1FCB0];
	v45 =	vimm.s32 $0x0;
	vm0 =	vgt.f32 v48, v2;
	v3 =	vsel vm1, $0x11, v3  }
0x8b: {  	[tilespmem:$0x1FD50] =	vst v7;
	vm1 =	vnez.u8 v58;
	v7 =	vsel vm0, $0xFFFFFFFF, v54;
	v2 =	vsel vm0, v48, v2  }
0x8c: {  	vm0 =	vgt.f32 v48, v1;
	v3 =	vsel vm1, v4, v3;
	v4 =	vsel vm1, $0x11, v4  }
0x8d: {  	v56 =	vld [tilespmem:s18+$0x2100];
	v8 =	vsel vm0, $0xFFFFFFFF, v57;
	v2 =	vsel vm0, v1, v2;
	v1 =	vsel vm0, v48, v1  }
0x8e: {  	v11 =	vld [tilespmem:$0x1FCC0];
	vm0 =	vnez.u8 v60;
	v60 =	vimm.s32 $0x0;
	vm1 =	vgt.f32 v52, v2  }
0x8f: {  	v3 =	vsel vm0, $0x12, v3;
	vm0 =	vnez.u8 v63;
	v63 =	vimm.s32 $0x0  }
0x90: {  	[tilespmem:$0x1FD60] =	vst v5;
	v5 =	vsel vm1, $0xFFFFFFFF, v59;
	v2 =	vsel vm1, v52, v2;
	vm1 =	vgt.f32 v52, v1  }
0x91: {  	v14 =	vld [tilespmem:$0x1FCD0];
	v3 =	vsel vm2, v4, v3;
	v4 =	vsel vm2, $0x12, v4;
	v59 =	vimm.s32 $0x0  }
0x92: {  	v61 =	vld [tilespmem:s18+$0x2180];
	v2 =	vsel vm1, v1, v2;
	v1 =	vsel vm1, v52, v1;
	v3 =	vsel vm0, $0x13, v3  }
0x93: {  	v17 =	vld [tilespmem:$0x1FCE0];
	vm0 =	vnez.u8 v11;
	v52 =	vimm.s32 $0x0;
	vm2 =	vgt.f32 v56, v2  }
0x94: {  	[tilespmem:$0x1FD70] =	vst v6;
	v3 =	vsel vm3, v4, v3;
	v4 =	vsel vm3, $0x13, v4;
	v6 =	vsel vm2, $0xFFFFFFFF, v62  }
0x95: {  	v2 =	vsel vm2, v56, v2;
	vm2 =	vgt.f32 v56, v1;
	v3 =	vsel vm0, $0x14, v3  }
0x96: {  	v20 =	vld [tilespmem:$0x1FCF0];
	vm0 =	vnez.u8 v14;
	v2 =	vsel vm2, v1, v2;
	v1 =	vsel vm2, v56, v1  }
0x97: {  	v9 =	vld [tilespmem:s18+$0x2200];
	v3 =	vsel vm4, v4, v3;
	v4 =	vsel vm4, $0x14, v4;
	v56 =	vimm.s32 $0x0  }
0x98: {  	vm3 =	vgt.f32 v61, v2;
	v3 =	vsel vm0, $0x15, v3;
	vm0 =	vnez.u8 v17  }
0x99: {  	v23 =	vld [tilespmem:$0x1FD00];
	[tilespmem:$0x1FD80] =	vst v7;
	v7 =	vsel vm3, $0xFFFFFFFF, v10;
	v2 =	vsel vm3, v61, v2;
	vm3 =	vgt.f32 v61, v1  }
0x9a: {  	v12 =	vld [tilespmem:s18+$0x2280];
	v3 =	vsel vm5, v4, v3;
	v4 =	vsel vm5, $0x15, v4;
	v2 =	vsel vm3, v1, v2  }
0x9b: {  	v1 =	vsel vm3, v61, v1;
	v3 =	vsel vm0, $0x16, v3;
	vm0 =	vnez.u8 v20  }
0x9c: {  	vm4 =	vgt.f32 v9, v2;
	v3 =	vsel vm6, v4, v3;
	v4 =	vsel vm6, $0x16, v4  }
0x9d: {  	v27 =	vld [tilespmem:$0x1FD10];
	[tilespmem:$0x1FDA0] =	vst v5;
	v5 =	vsel vm4, $0xFFFFFFFF, v13;
	v2 =	vsel vm4, v9, v2;
	vm4 =	vgt.f32 v9, v1  }
0x9e: {  	v15 =	vld [tilespmem:s18+$0x2300];
	v3 =	vsel vm0, $0x17, v3;
	vm0 =	vnez.u8 v23;
	v2 =	vsel vm4, v1, v2  }
0x9f: {  	v1 =	vsel vm4, v9, v1;
	v3 =	vsel vm7, v4, v3;
	vm5 =	vgt.f32 v12, v2  }
0xa0: {  	[tilespmem:$0x1FDB0] =	vst v6;
	v4 =	vsel vm7, $0x17, v4;
	v3 =	vsel vm0, $0x18, v3;
	v6 =	vsel vm5, $0xFFFFFFFF, v16  }
0xa1: {  	v18 =	vld [tilespmem:s18+$0x2380];
	v2 =	vsel vm5, v12, v2;
	vm5 =	vgt.f32 v12, v1;
	v3 =	vsel vm8, v4, v3  }
0xa2: {  	v4 =	vsel vm8, $0x18, v4;
	vm8 =	vnez.u8 v27;
	v2 =	vsel vm5, v1, v2  }
0xa3: {  	v1 =	vsel vm5, v12, v1;
	v3 =	vsel vm8, $0x19, v3;
	vm6 =	vgt.f32 v15, v2  }
0xa4: {  	v21 =	vld [tilespmem:s18+$0x2800];
	[tilespmem:$0x1FDC0] =	vst v7;
	v7 =	vsel vm6, $0xFFFFFFFF, v19;
	v2 =	vsel vm6, v15, v2;
	vm6 =	vgt.f32 v15, v1  }
0xa5: {  	v12 =	vimm.s32 $0x0;
	v3 =	vsel vm9, v4, v3;
	v2 =	vsel vm6, v1, v2  }
0xa6: {  	v24 =	vld [tilespmem:s18+$0x2880];
	v4 =	vsel vm9, $0x19, v4;
	v1 =	vsel vm6, v15, v1;
	vm7 =	vgt.f32 v18, v2  }
0xa7: {  	v31 =	vld [tilespmem:$0x1FD20];
	[tilespmem:$0x1FDD0] =	vst v5;
	v5 =	vsel vm7, $0xFFFFFFFF, v22;
	v2 =	vsel vm7, v18, v2;
	vm7 =	vgt.f32 v18, v1  }
0xa8: {  	v35 =	vld [tilespmem:$0x1FD30];
	[tilespmem:$0x1FD90] =	vst v8;
	v15 =	vimm.s32 $0x0;
	v8 =	vsel vm7, $0xFFFFFFFF, v25;
	v2 =	vsel vm7, v1, v2  }
0xa9: {  	v1 =	vsel vm7, v18, v1;
	v18 =	vimm.s32 $0x0;
	vm7 =	vgt.f32 v21, v2  }
0xaa: {  	[tilespmem:$0x1FDE0] =	vst v6;
	vm8 =	vgt.f32 v21, v1;
	v6 =	vsel vm7, $0xFFFFFFFF, v26;
	v2 =	vsel vm7, v21, v2  }
0xab: {  	[tilespmem:$0x1FE10] =	vst v8;
	v8 =	vsel vm8, $0xFFFFFFFF, v29;
	v2 =	vsel vm8, v1, v2;
	v1 =	vsel vm8, v21, v1  }
0xac: {  	v28 =	vld [tilespmem:s18+$0x2900];
	vm8 =	vnez.u8 v31;
	v21 =	vimm.s32 $0x0;
	vm9 =	vgt.f32 v24, v2  }
0xad: {  	v39 =	vld [tilespmem:$0x1FD40];
	[tilespmem:$0x1FDF0] =	vst v7;
	v3 =	vsel vm8, $0x1A, v3;
	vm8 =	vnez.u8 v35;
	v7 =	vsel vm9, $0xFFFFFFFF, v30  }
0xae: {  	v2 =	vsel vm9, v24, v2;
	vm9 =	vgt.f32 v24, v1;
	v3 =	vsel vm10, v4, v3  }
0xaf: {  	[tilespmem:$0x1FE30] =	vst v8;
	v4 =	vsel vm10, $0x1A, v4;
	v8 =	vsel vm9, $0xFFFFFFFF, v33;
	v2 =	vsel vm9, v1, v2  }
0xb0: {  	v32 =	vld [tilespmem:s18+$0x2980];
	v1 =	vsel vm9, v24, v1;
	v3 =	vsel vm8, $0x1B, v3;
	v24 =	vimm.s32 $0x0  }
0xb1: {  	v36 =	vld [tilespmem:s18+$0x2A00];
	vm10 =	vgt.f32 v28, v2;
	vm9 =	vgt.f32 v28, v1;
	v3 =	vsel vm11, v4, v3  }
0xb2: {  	v43 =	vld [tilespmem:$0x1FD50];
	[tilespmem:$0x1FE00] =	vst v5;
	v4 =	vsel vm11, $0x1B, v4;
	vm11 =	vnez.u8 v39;
	v5 =	vsel vm10, $0xFFFFFFFF, v34  }
0xb3: {  	v50 =	vld [tilespmem:$0x1FD70];
	[tilespmem:$0x1FE50] =	vst v8;
	v2 =	vsel vm10, v28, v2;
	v8 =	vsel vm9, $0xFFFFFFFF, v37;
	v3 =	vsel vm11, $0x1C, v3  }
0xb4: {  	v53 =	vld [tilespmem:$0x1FD80];
	v2 =	vsel vm9, v1, v2;
	v1 =	vsel vm9, v28, v1;
	v3 =	vsel vm12, v4, v3  }
0xb5: {  	v4 =	vsel vm12, $0x1C, v4;
	v28 =	vimm.s32 $0x0;
	vm10 =	vgt.f32 v32, v2  }
0xb6: {  	v47 =	vld [tilespmem:$0x1FD60];
	[tilespmem:$0x1FE20] =	vst v6;
	vm8 =	vgt.f32 v32, v1;
	v6 =	vsel vm10, $0xFFFFFFFF, v38;
	v2 =	vsel vm10, v32, v2  }
0xb7: {  	[tilespmem:$0x1FE70] =	vst v8;
	v8 =	vsel vm8, $0xFFFFFFFF, v41;
	vm10 =	vnez.u8 v43;
	v2 =	vsel vm8, v1, v2  }
0xb8: {  	v40 =	vld [tilespmem:s18+$0x2A80];
	v1 =	vsel vm8, v32, v1;
	v3 =	vsel vm10, $0x1D, v3;
	vm8 =	vnez.u8 v50  }
0xb9: {  	v55 =	vld [tilespmem:$0x1FD90];
	vm10 =	vnez.u8 v53;
	v32 =	vimm.s32 $0x0;
	vm9 =	vgt.f32 v36, v2  }
0xba: {  	vm11 =	vgt.f32 v36, v1;
	v3 =	vsel vm13, v4, v3;
	v4 =	vsel vm13, $0x1D, v4  }
0xbb: {  	[tilespmem:$0x1FE40] =	vst v7;
	vm13 =	vnez.u8 v47;
	v7 =	vsel vm9, $0xFFFFFFFF, v42;
	v2 =	vsel vm9, v36, v2  }
0xbc: {  	v44 =	vld [tilespmem:s18+$0x2B00];
	[tilespmem:$0x1FE90] =	vst v8;
	v8 =	vsel vm11, $0xFFFFFFFF, v45;
	v3 =	vsel vm13, $0x1E, v3;
	v2 =	vsel vm11, v1, v2  }
0xbd: {  	v43 =	vld [tilespmem:$0x1FE90];
	v1 =	vsel vm11, v36, v1;
	v3 =	vsel vm14, v4, v3;
	v4 =	vsel vm14, $0x1E, v4  }
0xbe: {  	vm11 =	vnez.u8 v55;
	v36 =	vimm.s32 $0x0;
	vm12 =	vgt.f32 v40, v2  }
0xbf: {  	[tilespmem:$0x1FE60] =	vst v5;
	v3 =	vsel vm8, $0x1F, v3;
	v5 =	vsel vm12, $0xFFFFFFFF, v46;
	v2 =	vsel vm12, v40, v2  }
0xc0: {  	v48 =	vld [tilespmem:s18+$0x2B80];
	vm12 =	vgt.f32 v40, v1;
	v3 =	vsel vm15, v4, v3;
	v4 =	vsel vm15, $0x1F, v4  }
0xc1: {  	v2 =	vsel vm12, v1, v2;
	v1 =	vsel vm12, v40, v1;
	v3 =	vsel vm10, $0x20, v3  }
0xc2: {  	v57 =	vld [tilespmem:$0x1FDA0];
	v40 =	vimm.s32 $0x0;
	vm0 =	vnez.u8 v43;
	vm14 =	vgt.f32 v44, v2  }
0xc3: {  	v13 =	vld [tilespmem:$0x1FDC0];
	[tilespmem:$0x1FE80] =	vst v6;
	v6 =	vsel vm14, $0xFFFFFFFF, v49;
	v2 =	vsel vm14, v44, v2;
	vm14 =	vgt.f32 v44, v1  }
0xc4: {  	v51 =	vld [tilespmem:s18+$0x3000];
	v3 =	vsel vm11, v4, v3;
	v4 =	vsel vm11, $0x20, v4;
	v2 =	vsel vm14, v1, v2  }
0xc5: {  	v1 =	vsel vm14, v44, v1;
	v44 =	vimm.s32 $0x0;
	vm9 =	vgt.f32 v48, v2  }
0xc6: {  	v61 =	vld [tilespmem:$0x1FDB0];
	[tilespmem:$0x1FEA0] =	vst v7;
	vm13 =	vgt.f32 v48, v1;
	v7 =	vsel vm9, $0xFFFFFFFF, v52;
	v2 =	vsel vm9, v48, v2  }
0xc7: {  	v54 =	vld [tilespmem:s18+$0x3080];
	vm9 =	vnez.u8 v57;
	v2 =	vsel vm13, v1, v2;
	v1 =	vsel vm13, v48, v1  }
0xc8: {  	v3 =	vsel vm9, $0x21, v3;
	vm9 =	vnez.u8 v13;
	v48 =	vimm.s32 $0x0  }
0xc9: {  	v16 =	vld [tilespmem:$0x1FDD0];
	vm15 =	vgt.f32 v51, v2;
	vm10 =	vgt.f32 v51, v1;
	v3 =	vsel vm1, v4, v3  }
0xca: {  	v22 =	vld [tilespmem:$0x1FDF0];
	[tilespmem:$0x1FEC0] =	vst v5;
	v4 =	vsel vm1, $0x21, v4;
	v5 =	vsel vm15, $0xFFFFFFFF, v56;
	v2 =	vsel vm15, v51, v2  }
0xcb: {  	v58 =	vld [tilespmem:s18+$0x3100];
	[tilespmem:$0x1FEB0] =	vst v8;
	v8 =	vsel vm10, $0xFFFFFFFF, v59;
	vm15 =	vnez.u8 v61;
	v2 =	vsel vm10, v1, v2  }
0xcc: {  	v19 =	vld [tilespmem:$0x1FDE0];
	v1 =	vsel vm10, v51, v1;
	v3 =	vsel vm15, $0x22, v3;
	vm11 =	vgt.f32 v54, v2  }
0xcd: {  	[tilespmem:$0x1FED0] =	vst v6;
	vm7 =	vgt.f32 v54, v1;
	v3 =	vsel vm2, v4, v3;
	v4 =	vsel vm2, $0x22, v4  }
0xce: {  	[tilespmem:$0x1FF00] =	vst v8;
	v6 =	vsel vm11, $0xFFFFFFFF, v60;
	v2 =	vsel vm11, v54, v2;
	v8 =	vsel vm7, $0xFFFFFFFF, v63  }
0xcf: {  	v3 =	vsel vm9, $0x23, v3;
	vm11 =	vnez.u8 v16;
	vm9 =	vnez.u8 v22  }
0xd0: {  	v62 =	vld [tilespmem:s18+$0x3180];
	v2 =	vsel vm7, v1, v2;
	v1 =	vsel vm7, v54, v1;
	v3 =	vsel vm3, v4, v3  }
0xd1: {  	v25 =	vld [tilespmem:$0x1FE00];
	v4 =	vsel vm3, $0x23, v4;
	vm7 =	vnez.u8 v19;
	vm8 =	vgt.f32 v58, v2  }
0xd2: {  	[tilespmem:$0x1FEE0] =	vst v7;
	vm15 =	vgt.f32 v58, v1;
	v3 =	vsel vm11, $0x24, v3;
	v7 =	vsel vm8, $0xFFFFFFFF, v12  }
0xd3: {  	v14 =	vld [tilespmem:s18+$0x3200];
	v2 =	vsel vm8, v58, v2;
	v3 =	vsel vm4, v4, v3;
	v4 =	vsel vm4, $0x24, v4  }
0xd4: {  	v17 =	vld [tilespmem:s18+$0x3280];
	v2 =	vsel vm15, v1, v2;
	v1 =	vsel vm15, v58, v1;
	v3 =	vsel vm7, $0x25, v3  }
0xd5: {  	v27 =	vld [tilespmem:$0x1FE10];
	vm10 =	vgt.f32 v62, v2;
	vm11 =	vgt.f32 v62, v1;
	v3 =	vsel vm5, v4, v3  }
0xd6: {  	v31 =	vld [tilespmem:$0x1FE30];
	v4 =	vsel vm5, $0x25, v4;
	vm5 =	vnez.u8 v25;
	v2 =	vsel vm10, v62, v2  }
0xd7: {  	[tilespmem:$0x1FEF0] =	vst v5;
	v5 =	vsel vm10, $0xFFFFFFFF, v15;
	v3 =	vsel vm9, $0x26, v3;
	v2 =	vsel vm11, v1, v2  }
0xd8: {  	v1 =	vsel vm11, v62, v1;
	v3 =	vsel vm6, v4, v3;
	vm4 =	vgt.f32 v14, v2  }
0xd9: {  	v20 =	vld [tilespmem:s18+$0x3300];
	v4 =	vsel vm6, $0x26, v4;
	vm10 =	vgt.f32 v14, v1;
	v2 =	vsel vm4, v14, v2  }
0xda: {  	v23 =	vld [tilespmem:s18+$0x3380];
	vm6 =	vnez.u8 v27;
	v3 =	vsel vm5, $0x27, v3;
	v2 =	vsel vm10, v1, v2  }
0xdb: {  	v29 =	vld [tilespmem:$0x1FE20];
	vm5 =	vnez.u8 v31;
	v1 =	vsel vm10, v14, v1;
	vm8 =	vgt.f32 v17, v2  }
0xdc: {  	v33 =	vld [tilespmem:$0x1FE40];
	[tilespmem:$0x1FF10] =	vst v6;
	v6 =	vsel vm4, $0xFFFFFFFF, v18;
	vm9 =	vgt.f32 v17, v1;
	v2 =	vsel vm8, v17, v2  }
0xdd: {  	v35 =	vld [tilespmem:$0x1FE50];
	v3 =	vsel vm6, v4, v3;
	v4 =	vsel vm6, $0x27, v4;
	v2 =	vsel vm9, v1, v2  }
0xde: {  	[tilespmem:$0x1FF30] =	vst v7;
	v7 =	vsel vm8, $0xFFFFFFFF, v21;
	v1 =	vsel vm9, v17, v1;
	vm4 =	vgt.f32 v20, v2  }
0xdf: {  	[tilespmem:$0x1FF40] =	vst v5;
	vm8 =	vgt.f32 v20, v1;
	v5 =	vsel vm4, $0xFFFFFFFF, v24;
	v2 =	vsel vm4, v20, v2  }
0xe0: {  	v26 =	vld [tilespmem:s18+$0x3800];
	vm4 =	vnez.u8 v29;
	v2 =	vsel vm8, v1, v2;
	v1 =	vsel vm8, v20, v1  }
0xe1: {  	v3 =	vsel vm4, $0x28, v3;
	vm4 =	vnez.u8 v33;
	vm7 =	vgt.f32 v23, v2  }
0xe2: {  	v37 =	vld [tilespmem:$0x1FE60];
	v3 =	vsel vm5, v4, v3;
	v4 =	vsel vm5, $0x28, v4;
	vm5 =	vnez.u8 v35  }
0xe3: {  	v30 =	vld [tilespmem:s18+$0x3880];
	[tilespmem:$0x1FF50] =	vst v6;
	v6 =	vsel vm7, $0xFFFFFFFF, v28;
	v2 =	vsel vm7, v23, v2;
	vm7 =	vgt.f32 v23, v1  }
0xe4: {  	v39 =	vld [tilespmem:$0x1FE70];
	v3 =	vsel vm4, $0x29, v3;
	v2 =	vsel vm7, v1, v2;
	v1 =	vsel vm7, v23, v1  }
0xe5: {  	v34 =	vld [tilespmem:s18+$0x3900];
	v3 =	vsel vm5, v4, v3;
	v4 =	vsel vm5, $0x29, v4;
	vm6 =	vgt.f32 v26, v2  }
0xe6: {  	v41 =	vld [tilespmem:$0x1FE80];
	[tilespmem:$0x1FF60] =	vst v7;
	v7 =	vsel vm6, $0xFFFFFFFF, v32;
	v2 =	vsel vm6, v26, v2;
	vm6 =	vgt.f32 v26, v1  }
0xe7: {  	vm5 =	vnez.u8 v37;
	v2 =	vsel vm6, v1, v2;
	v1 =	vsel vm6, v26, v1  }
0xe8: {  	v38 =	vld [tilespmem:s18+$0x3980];
	v3 =	vsel vm5, $0x2A, v3;
	vm4 =	vgt.f32 v30, v2;
	vm5 =	vgt.f32 v30, v1  }
0xe9: {  	v45 =	vld [tilespmem:$0x1FEA0];
	[tilespmem:$0x1FF70] =	vst v5;
	v5 =	vsel vm4, $0xFFFFFFFF, v36;
	v2 =	vsel vm4, v30, v2;
	vm4 =	vnez.u8 v39  }
0xea: {  	v47 =	vld [tilespmem:$0x1FEB0];
	v3 =	vsel vm4, v4, v3;
	v2 =	vsel vm5, v1, v2;
	v4 =	vsel vm4, $0x2A, v4  }
0xeb: {  	v1 =	vsel vm5, v30, v1;
	vm4 =	vnez.u8 v41;
	vm1 =	vgt.f32 v34, v2  }
0xec: {  	v49 =	vld [tilespmem:$0x1FEC0];
	[tilespmem:$0x1FF80] =	vst v6;
	v3 =	vsel vm4, $0x2B, v3;
	vm4 =	vgt.f32 v34, v1;
	v6 =	vsel vm1, $0xFFFFFFFF, v40  }
0xed: {  	v2 =	vsel vm1, v34, v2;
	v3 =	vsel vm0, v4, v3;
	v4 =	vsel vm0, $0x2B, v4  }
0xee: {  	v42 =	vld [tilespmem:s18+$0x3A00];
	vm0 =	vnez.u8 v45;
	v2 =	vsel vm4, v1, v2;
	v1 =	vsel vm4, v34, v1  }
0xef: {  	v52 =	vld [tilespmem:$0x1FED0];
	v3 =	vsel vm0, $0x2C, v3;
	vm0 =	vnez.u8 v47;
	vm1 =	vgt.f32 v38, v2  }
0xf0: {  	vm3 =	vgt.f32 v38, v1;
	v3 =	vsel vm0, v4, v3;
	v4 =	vsel vm0, $0x2C, v4  }
0xf1: {  	v46 =	vld [tilespmem:s18+$0x3A80];
	[tilespmem:$0x1FF90] =	vst v7;
	vm0 =	vnez.u8 v49;
	v7 =	vsel vm1, $0xFFFFFFFF, v44;
	v2 =	vsel vm1, v38, v2  }
0xf2: {  	v3 =	vsel vm0, $0x2D, v3;
	v2 =	vsel vm3, v1, v2;
	v1 =	vsel vm3, v38, v1  }
0xf3: {  	v50 =	vld [tilespmem:s18+$0x3B00];
	v3 =	vsel vm12, v4, v3;
	v4 =	vsel vm12, $0x2D, v4;
	vm1 =	vgt.f32 v42, v2  }
0xf4: {  	v54 =	vld [tilespmem:$0x1FEE0];
	vm12 =	vnez.u8 v52;
	vm2 =	vgt.f32 v42, v1;
	v2 =	vsel vm1, v42, v2  }
0xf5: {  	v51 =	vimm.s32 $0x0;
	v3 =	vsel vm12, $0x2E, v3;
	v2 =	vsel vm2, v1, v2  }
0xf6: {  	[tilespmem:$0x1FFA0] =	vst v5;
	v5 =	vsel vm1, $0xFFFFFFFF, v48;
	v1 =	vsel vm2, v42, v1;
	vm1 =	vgt.f32 v46, v2  }
0xf7: {  	v53 =	vld [tilespmem:s18+$0x3B80];
	[tilespmem:$0x1FFB0] =	vst v6;
	v6 =	vsel vm1, $0xFFFFFFFF, v51;
	v2 =	vsel vm1, v46, v2;
	vm1 =	vgt.f32 v46, v1  }
0xf8: {  	v3 =	vsel vm14, v4, v3;
	v4 =	vsel vm14, $0x2E, v4;
	v2 =	vsel vm1, v1, v2  }
0xf9: {  	vm14 =	vnez.u8 v54;
	v1 =	vsel vm1, v46, v1;
	vm12 =	vgt.f32 v50, v2  }
0xfa: {  	v3 =	vsel vm14, $0x2F, v3;
	vm14 =	vgt.f32 v50, v1;
	v2 =	vsel vm12, v50, v2  }
0xfb: {  	v55 =	vimm.s32 $0x0;
	v3 =	vsel vm13, v4, v3;
	v2 =	vsel vm14, v1, v2  }
0xfc: {  	v56 =	vld [tilespmem:$0x1FEF0];
	v4 =	vsel vm13, $0x2F, v4;
	v1 =	vsel vm14, v50, v1;
	vm13 =	vgt.f32 v53, v2  }
0xfd: {  	v57 =	vld [tilespmem:$0x1FF00];
	[tilespmem:$0x1FFD0] =	vst v5;
	v5 =	vsel vm13, $0xFFFFFFFF, v55;
	v2 =	vsel vm13, v53, v2;
	vm13 =	vgt.f32 v53, v1  }
0xfe: {  	[tilespmem:$0x1FF20] =	vst v8;
	v58 =	vld [tilespmem:$0x1FF10];
	v2 =	vsel vm13, v1, v2;
	v1 =	vsel vm13, v53, v1  }
0xff: {  	v1 =	vsub.f32 v2, v1;
	v2 =	vld [tilespmem:$0x1FF20]  }
0x100: {  	v59 =	vld [tilespmem:$0x1FF30]  }
0x101: {  	vm0 =	vnez.u8 v56  }
0x102: {  	v60 =	vld [tilespmem:$0x1FF40];
	v3 =	vsel vm0, $0x30, v3;
	vm0 =	vnez.u8 v57  }
0x103: {  	v3 =	vsel vm0, v4, v3;
	v4 =	vsel vm0, $0x30, v4;
	vm0 =	vnez.u8 v58  }
0x104: {  	v3 =	vsel vm0, $0x31, v3;
	vm0 =	vnez.u8 v2  }
0x105: {  	v2 =	vsel vm0, v4, v3;
	v3 =	vsel vm0, $0x31, v4;
	vm0 =	vnez.u8 v59  }
0x106: {  	v1 =	vmul.f32 $1.442695020e+00, v1;
	v2 =	vsel vm0, $0x32, v2  }
0x107: {  	v2 =	vsel vm15, v3, v2;
	v3 =	vsel vm15, $0x32, v3;
	vm15 =	vnez.u8 v60  }
0x108: {  	v2 =	vsel vm15, $0x33, v2  }
0x109: {  	(erf) = vpow2.f32 v1;
	v1 =	vsel vm11, v3, v2;
	v2 =	vsel vm11, $0x33, v3;
	v3 =	vld [tilespmem:$0x1FF50];
	_ =	sdelay $0x4  }
0x10a: {  	vm11 =	vnez.u8 v3;
	v3 =	vld [tilespmem:$0x1FF60];
	_ =	sdelay $0x4  }
0x10b: {  	vm15 =	vnez.u8 v3;
	v3 =	vld [tilespmem:$0x1FF70];
	_ =	sdelay $0x3  }
0x10c: {  	v1 =	vsel vm11, $0x34, v1  }
0x10d: {  	v1 =	vsel vm10, v2, v1;
	v2 =	vsel vm10, $0x34, v2;
	vm10 =	vnez.u8 v3;
	v3 =	vld [tilespmem:$0x1FF80];
	_ =	sdelay $0x4  }
0x10e: {  	vm11 =	vnez.u8 v3;
	v3 =	vpop (erf)  }
0x10f: {  	v3 =	vadd.f32 $1.000000000e+00, v3;
	_ =	sdelay $0x1  }
0x110: {  	(erf) = vrcp.f32 v3;
	v3 =	vld [tilespmem:$0x1FFB0];
	_ =	sdelay $0x1  }
0x111: {  	v1 =	vsel vm15, $0x35, v1  }
0x112: {  	v1 =	vsel vm9, v2, v1  }
0x113: {  	[tilespmem:$0x1FFC0] =	vst v7;
	v2 =	vsel vm9, $0x35, v2;
	v1 =	vsel vm10, $0x36, v1  }
0x114: {  	v1 =	vsel vm8, v2, v1;
	v2 =	vsel vm8, $0x36, v2;
	vm8 =	vnez.u8 v3;
	v3 =	vld [tilespmem:$0x1FFC0];
	_ =	sdelay $0x1  }
0x115: {  	v61 =	vld [tilespmem:$0x1FF90];
	_ =	sdelay $0x1  }
0x116: {  	v62 =	vld [tilespmem:$0x1FFA0]  }
0x117: {  	vm9 =	vnez.u8 v3;
	v3 =	vld [tilespmem:$0x1FFD0]  }
0x118: {  	v1 =	vsel vm11, $0x37, v1  }
0x119: {  	vm15 =	vnez.u8 v61;
	v1 =	vsel vm7, v2, v1  }
0x11a: {  	v2 =	vsel vm7, $0x37, v2;
	v1 =	vsel vm15, $0x38, v1  }
0x11b: {  	[tilespmem:$0x1FFE0] =	vst v6;
	vm7 =	vnez.u8 v62;
	v1 =	vsel vm6, v2, v1  }
0x11c: {  	v2 =	vsel vm6, $0x38, v2;
	v1 =	vsel vm7, $0x39, v1;
	vm10 =	vnez.u8 v3;
	v3 =	vld [tilespmem:$0x1FFE0]  }
0x11d: {  	v1 =	vsel vm5, v2, v1  }
0x11e: {  	v2 =	vsel vm5, $0x39, v2;
	v1 =	vsel vm8, $0x3A, v1  }
0x11f: {  	s28 =	sshll.u32 s17, $0x2;
	v1 =	vsel vm4, v2, v1  }
0x120: {  	s29 =	sshra.s32 s28, $0x2;
	v2 =	vsel vm4, $0x3A, v2;
	v1 =	vsel vm9, $0x3B, v1  }
0x121: {  	s31 =	sadd.s32 $0x4000, s29;
	[tilespmem:$0x1FFF0] =	vst v5;
	v1 =	vsel vm3, v2, v1;
	vm11 =	vnez.u8 v3;
	v3 =	vpop (erf)  }
0x122: {  	v2 =	vsel vm3, $0x3B, v2;
	v1 =	vsel vm10, $0x3C, v1;
	v63 =	vsub.f32 $1.000000000e+00, v3;
	[tilespmem:s31+$0x0] =	vst v3;
	v3 =	vld [tilespmem:$0x1FFF0]  }
0x123: {  	v1 =	vsel vm2, v2, v1  }
0x124: {  	v2 =	vsel vm2, $0x3C, v2;
	v1 =	vsel vm11, $0x3D, v1  }
0x125: {  	v1 =	vsel vm1, v2, v1  }
0x126: {  	s21 =	simm.s32 $0x10;
	s22 =	simm.s32 $0x80;
	p0 =	por p1, p1;
	v2 =	vsel vm1, $0x3D, v2;
	v1 =	vsel vm12, $0x3E, v1  }
0x127: {  	s24 =	sand.u32 $0x70, s21;
	s25 =	sand.u32 $0x400, s22;
	s18 =	sadd.s32 $0x4200, s29;
	v1 =	vsel vm14, v2, v1;
	v2 =	vsel vm14, $0x3E, v2;
	vm15 =	vnez.u8 v3  }
0x128: {  	s17 =	sadd.s32 $0x4600, s29;
	s30 =	sadd.s32 $0x4400, s29;
	s26 =	simm.s32 $0x20;
	[tilespmem:s18+$0x0] =	vst v63;
	v3 =	vsel vm13, $0x3F, v2;
	v1 =	vsel vm15, $0x3F, v1  }
0x129: {  	s20 =	sadd.s32 $0x10, s30;
	s19 =	sadd.s32 $0x10, s31;
	s18 =	sadd.s32 $0x10, s18;
	[tilespmem:s30+$0x0] =	vst v3;
	v1 =	vsel vm13, v2, v1  }
.LBB2_3:
0x12a: {  	s24 =	sor.u32 s24, s25  }
0x12b: {  	[tilespmem:s17+$0x0] =	vst v1;
	s17 =	sadd.s32 $0x10, s17;
	s25 =	smov.u32 s26;
	s23 =	sadd.s32 $0x10, s26  }
0x12c: {  	p1 =	sne.s32 s26, $0xF0;
	v1 =	vld [tilespmem:s24+$0x80]  }
0x12d: {  	v2 =	vld [tilespmem:s24+$0x0];
	_ =	sdelay $0x2  }
0x12e: {  	v3 =	vld [tilespmem:s24+$0x100]  }
0x12f: {  	vm0 =	vlt.f32 v1, $-Inf;
	vm1 =	vgt.f32 v1, $-Inf  }
0x130: {  	vm2 =	vgt.f32 v1, v2;
	vm0 =	vmor vm1, vm0;
	v4 =	vld [tilespmem:s24+$0x180]  }
0x131: {  	vm1 =	vmneg vm2;
	v5 =	vnsel vm0, $0xFF800000, v1;
	v6 =	vsel vm2, $0x1, v0  }
0x132: {  	vm0 =	vmand vm1, vm0;
	v5 =	vsel vm1, v5, v2;
	v1 =	vsel vm1, v2, v1  }
0x133: {  	v2 =	vsel vm0, $0x1, v0;
	vm0 =	vgt.f32 v3, v1;
	vm1 =	vgt.f32 v3, v5  }
0x134: {  	v2 =	vsel vm1, $0x2, v2;
	v5 =	vsel vm1, v3, v5;
	v3 =	vsel vm0, v3, v1;
	v7 =	vld [tilespmem:s24+$0x200]  }
0x135: {  	v2 =	vsel vm0, v6, v2;
	v1 =	vsel vm0, v1, v5;
	vm1 =	vgt.f32 v4, v3  }
0x136: {  	v5 =	vsel vm0, $0x2, v6;
	vm0 =	vgt.f32 v4, v1;
	v6 =	vsel vm1, v4, v3  }
0x137: {  	v2 =	vsel vm0, $0x3, v2;
	v1 =	vsel vm0, v4, v1;
	v4 =	vsel vm1, $0x3, v5;
	v8 =	vld [tilespmem:s24+$0x280]  }
0x138: {  	v2 =	vsel vm1, v5, v2;
	v1 =	vsel vm1, v3, v1  }
0x139: {  	vm0 =	vgt.f32 v7, v6;
	vm1 =	vgt.f32 v7, v1  }
0x13a: {  	v2 =	vsel vm1, $0x4, v2;
	v1 =	vsel vm1, v7, v1;
	v3 =	vsel vm0, v7, v6;
	v5 =	vld [tilespmem:s24+$0x300]  }
0x13b: {  	s26 =	sor.u32 s22, s21;
	s21 =	smov.u32 s25;
	v2 =	vsel vm0, v4, v2;
	v1 =	vsel vm0, v6, v1  }
0x13c: {  	s25 =	sor.u32 $0x380, s26;
	v4 =	vsel vm0, $0x4, v4;
	vm0 =	vgt.f32 v8, v1  }
0x13d: {  	vm1 =	vgt.f32 v8, v3;
	v2 =	vsel vm0, $0x5, v2;
	v1 =	vsel vm0, v8, v1;
	v6 =	vld [tilespmem:s25+$0x0]  }
0x13e: {  	v2 =	vsel vm1, v4, v2;
	v1 =	vsel vm1, v3, v1  }
0x13f: {  	v4 =	vsel vm1, $0x5, v4;
	v3 =	vsel vm1, v8, v3;
	vm0 =	vgt.f32 v5, v1  }
0x140: {  	vm1 =	vgt.f32 v5, v3;
	v2 =	vsel vm0, $0x6, v2;
	v1 =	vsel vm0, v5, v1;
	v7 =	vld [tilespmem:s24+$0x800]  }
0x141: {  	v8 =	vsel vm1, $0x6, v4;
	v1 =	vsel vm1, v3, v1;
	v3 =	vsel vm1, v5, v3  }
0x142: {  	v2 =	vsel vm1, v4, v2;
	vm0 =	vgt.f32 v6, v3;
	vm1 =	vgt.f32 v6, v1  }
0x143: {  	v2 =	vsel vm1, $0x7, v2;
	v1 =	vsel vm1, v6, v1;
	v4 =	vsel vm0, v6, v3;
	v5 =	vld [tilespmem:s24+$0x880]  }
0x144: {  	v2 =	vsel vm0, v8, v2;
	v1 =	vsel vm0, v3, v1;
	v3 =	vsel vm0, $0x7, v8  }
0x145: {  	vm0 =	vgt.f32 v7, v4;
	vm1 =	vgt.f32 v7, v1  }
0x146: {  	v2 =	vsel vm1, $0x8, v2;
	v1 =	vsel vm1, v7, v1;
	v6 =	vsel vm0, v7, v4;
	v7 =	vld [tilespmem:s24+$0x900]  }
0x147: {  	v2 =	vsel vm0, v3, v2;
	v1 =	vsel vm0, v4, v1  }
0x148: {  	v3 =	vsel vm0, $0x8, v3;
	vm0 =	vgt.f32 v5, v1  }
0x149: {  	vm1 =	vgt.f32 v5, v6;
	v2 =	vsel vm0, $0x9, v2;
	v1 =	vsel vm0, v5, v1;
	v4 =	vld [tilespmem:s24+$0x980]  }
0x14a: {  	v2 =	vsel vm1, v3, v2;
	v1 =	vsel vm1, v6, v1;
	v3 =	vsel vm1, $0x9, v3  }
0x14b: {  	v5 =	vsel vm1, v5, v6;
	vm0 =	vgt.f32 v7, v1  }
0x14c: {  	vm1 =	vgt.f32 v7, v5;
	v2 =	vsel vm0, $0xA, v2;
	v1 =	vsel vm0, v7, v1;
	v6 =	vld [tilespmem:s24+$0xA00]  }
0x14d: {  	v2 =	vsel vm1, v3, v2;
	v1 =	vsel vm1, v5, v1  }
0x14e: {  	v3 =	vsel vm1, $0xA, v3;
	v5 =	vsel vm1, v7, v5;
	vm0 =	vgt.f32 v4, v1  }
0x14f: {  	vm1 =	vgt.f32 v4, v5;
	v2 =	vsel vm0, $0xB, v2;
	v1 =	vsel vm0, v4, v1;
	v7 =	vld [tilespmem:s24+$0xA80]  }
0x150: {  	v2 =	vsel vm1, v3, v2;
	v1 =	vsel vm1, v5, v1  }
0x151: {  	v4 =	vsel vm1, v4, v5;
	vm0 =	vgt.f32 v6, v1  }
0x152: {  	vm2 =	vgt.f32 v6, v4;
	v1 =	vsel vm0, v6, v1;
	v5 =	vld [tilespmem:s24+$0xB00]  }
0x153: {  	v3 =	vsel vm1, $0xB, v3;
	v2 =	vsel vm0, $0xC, v2;
	v1 =	vsel vm2, v4, v1  }
0x154: {  	v2 =	vsel vm2, v3, v2;
	v4 =	vsel vm2, v6, v4;
	vm0 =	vgt.f32 v7, v1;
	v6 =	vld [tilespmem:s24+$0xB80]  }
0x155: {  	vm1 =	vgt.f32 v7, v4;
	v2 =	vsel vm0, $0xD, v2;
	v1 =	vsel vm0, v7, v1  }
0x156: {  	v3 =	vsel vm2, $0xC, v3;
	v1 =	vsel vm1, v4, v1;
	v4 =	vsel vm1, v7, v4  }
0x157: {  	v2 =	vsel vm1, v3, v2;
	vm0 =	vgt.f32 v5, v4;
	vm2 =	vgt.f32 v5, v1  }
0x158: {  	v3 =	vsel vm1, $0xD, v3;
	v1 =	vsel vm2, v5, v1;
	v5 =	vsel vm0, v5, v4;
	v7 =	vld [tilespmem:s24+$0x1000]  }
0x159: {  	v2 =	vsel vm2, $0xE, v2;
	v1 =	vsel vm0, v4, v1;
	vm1 =	vgt.f32 v6, v5  }
0x15a: {  	v2 =	vsel vm0, v3, v2;
	vm2 =	vgt.f32 v6, v1;
	v4 =	vsel vm1, v6, v5  }
0x15b: {  	v3 =	vsel vm0, $0xE, v3;
	v2 =	vsel vm2, $0xF, v2;
	v1 =	vsel vm2, v6, v1;
	v6 =	vld [tilespmem:s24+$0x1080]  }
0x15c: {  	v2 =	vsel vm1, v3, v2;
	v1 =	vsel vm1, v5, v1  }
0x15d: {  	v3 =	vsel vm1, $0xF, v3;
	vm0 =	vgt.f32 v7, v1  }
0x15e: {  	vm1 =	vgt.f32 v7, v4;
	v2 =	vsel vm0, $0x10, v2;
	v1 =	vsel vm0, v7, v1;
	v5 =	vld [tilespmem:s24+$0x1100]  }
0x15f: {  	v2 =	vsel vm1, v3, v2;
	v1 =	vsel vm1, v4, v1;
	v4 =	vsel vm1, v7, v4  }
0x160: {  	v3 =	vsel vm1, $0x10, v3;
	vm0 =	vgt.f32 v6, v1  }
0x161: {  	vm1 =	vgt.f32 v6, v4;
	v2 =	vsel vm0, $0x11, v2;
	v1 =	vsel vm0, v6, v1;
	v7 =	vld [tilespmem:s24+$0x1180]  }
0x162: {  	v2 =	vsel vm1, v3, v2;
	v1 =	vsel vm1, v4, v1  }
0x163: {  	v3 =	vsel vm1, $0x11, v3;
	v4 =	vsel vm1, v6, v4;
	vm0 =	vgt.f32 v5, v1  }
0x164: {  	vm1 =	vgt.f32 v5, v4;
	v2 =	vsel vm0, $0x12, v2;
	v1 =	vsel vm0, v5, v1;
	v6 =	vld [tilespmem:s24+$0x1200]  }
0x165: {  	v2 =	vsel vm1, v3, v2;
	v1 =	vsel vm1, v4, v1  }
0x166: {  	v3 =	vsel vm1, $0x12, v3;
	v4 =	vsel vm1, v5, v4;
	vm0 =	vgt.f32 v7, v1  }
0x167: {  	vm1 =	vgt.f32 v7, v4;
	v2 =	vsel vm0, $0x13, v2;
	v1 =	vsel vm0, v7, v1;
	v5 =	vld [tilespmem:s24+$0x1280]  }
0x168: {  	v2 =	vsel vm1, v3, v2;
	v1 =	vsel vm1, v4, v1;
	v4 =	vsel vm1, v7, v4  }
0x169: {  	v3 =	vsel vm1, $0x13, v3;
	vm0 =	vgt.f32 v6, v1  }
0x16a: {  	vm1 =	vgt.f32 v6, v4;
	v2 =	vsel vm0, $0x14, v2;
	v1 =	vsel vm0, v6, v1;
	v7 =	vld [tilespmem:s24+$0x1300]  }
0x16b: {  	v2 =	vsel vm1, v3, v2;
	v1 =	vsel vm1, v4, v1;
	v3 =	vsel vm1, $0x14, v3  }
0x16c: {  	v4 =	vsel vm1, v6, v4;
	vm0 =	vgt.f32 v5, v1  }
0x16d: {  	vm1 =	vgt.f32 v5, v4;
	v2 =	vsel vm0, $0x15, v2;
	v1 =	vsel vm0, v5, v1;
	v6 =	vld [tilespmem:s24+$0x1380]  }
0x16e: {  	v8 =	vsel vm1, $0x15, v3;
	v1 =	vsel vm1, v4, v1  }
0x16f: {  	v2 =	vsel vm1, v3, v2;
	v3 =	vsel vm1, v5, v4;
	vm0 =	vgt.f32 v7, v1  }
0x170: {  	vm1 =	vgt.f32 v7, v3;
	v2 =	vsel vm0, $0x16, v2;
	v1 =	vsel vm0, v7, v1;
	v4 =	vld [tilespmem:s24+$0x1800]  }
0x171: {  	v2 =	vsel vm1, v8, v2;
	v1 =	vsel vm1, v3, v1;
	v3 =	vsel vm1, v7, v3  }
0x172: {  	v5 =	vsel vm1, $0x16, v8;
	vm0 =	vgt.f32 v6, v1  }
0x173: {  	vm1 =	vgt.f32 v6, v3;
	v2 =	vsel vm0, $0x17, v2;
	v1 =	vsel vm0, v6, v1;
	v7 =	vld [tilespmem:s24+$0x1880]  }
0x174: {  	v2 =	vsel vm1, v5, v2;
	v1 =	vsel vm1, v3, v1  }
0x175: {  	v5 =	vsel vm1, $0x17, v5;
	v3 =	vsel vm1, v6, v3;
	vm0 =	vgt.f32 v4, v1  }
0x176: {  	vm1 =	vgt.f32 v4, v3;
	v2 =	vsel vm0, $0x18, v2;
	v1 =	vsel vm0, v4, v1;
	v6 =	vld [tilespmem:s24+$0x1900]  }
0x177: {  	v2 =	vsel vm1, v5, v2;
	v1 =	vsel vm1, v3, v1  }
0x178: {  	v5 =	vsel vm1, $0x18, v5;
	v3 =	vsel vm1, v4, v3;
	vm0 =	vgt.f32 v7, v1  }
0x179: {  	vm1 =	vgt.f32 v7, v3;
	v2 =	vsel vm0, $0x19, v2;
	v1 =	vsel vm0, v7, v1;
	v4 =	vld [tilespmem:s24+$0x1980]  }
0x17a: {  	v2 =	vsel vm1, v5, v2;
	v1 =	vsel vm1, v3, v1  }
0x17b: {  	v5 =	vsel vm1, $0x19, v5;
	v3 =	vsel vm1, v7, v3;
	vm0 =	vgt.f32 v6, v1  }
0x17c: {  	vm1 =	vgt.f32 v6, v3;
	v2 =	vsel vm0, $0x1A, v2;
	v1 =	vsel vm0, v6, v1;
	v7 =	vld [tilespmem:s24+$0x1A00]  }
0x17d: {  	v2 =	vsel vm1, v5, v2;
	v1 =	vsel vm1, v3, v1;
	v3 =	vsel vm1, v6, v3  }
0x17e: {  	v5 =	vsel vm1, $0x1A, v5;
	vm0 =	vgt.f32 v4, v1  }
0x17f: {  	vm1 =	vgt.f32 v4, v3;
	v2 =	vsel vm0, $0x1B, v2;
	v1 =	vsel vm0, v4, v1;
	v6 =	vld [tilespmem:s24+$0x1A80]  }
0x180: {  	v2 =	vsel vm1, v5, v2;
	v1 =	vsel vm1, v3, v1;
	v3 =	vsel vm1, v4, v3  }
0x181: {  	vm0 =	vgt.f32 v7, v3;
	vm2 =	vgt.f32 v7, v1  }
0x182: {  	v4 =	vsel vm1, $0x1B, v5;
	v2 =	vsel vm2, $0x1C, v2;
	v1 =	vsel vm2, v7, v1;
	v5 =	vld [tilespmem:s24+$0x1B00]  }
0x183: {  	v2 =	vsel vm0, v4, v2;
	v1 =	vsel vm0, v3, v1;
	v3 =	vsel vm0, v7, v3  }
0x184: {  	v4 =	vsel vm0, $0x1C, v4;
	vm0 =	vgt.f32 v6, v1  }
0x185: {  	vm1 =	vgt.f32 v6, v3;
	v2 =	vsel vm0, $0x1D, v2;
	v1 =	vsel vm0, v6, v1;
	v7 =	vld [tilespmem:s24+$0x1B80]  }
0x186: {  	v2 =	vsel vm1, v4, v2;
	v1 =	vsel vm1, v3, v1;
	v3 =	vsel vm1, v6, v3  }
0x187: {  	v4 =	vsel vm1, $0x1D, v4;
	vm0 =	vgt.f32 v5, v1  }
0x188: {  	vm1 =	vgt.f32 v5, v3;
	v2 =	vsel vm0, $0x1E, v2;
	v1 =	vsel vm0, v5, v1;
	v6 =	vld [tilespmem:s24+$0x2000]  }
0x189: {  	v2 =	vsel vm1, v4, v2;
	v1 =	vsel vm1, v3, v1;
	v3 =	vsel vm1, v5, v3  }
0x18a: {  	v4 =	vsel vm1, $0x1E, v4;
	vm0 =	vgt.f32 v7, v1  }
0x18b: {  	vm1 =	vgt.f32 v7, v3;
	v2 =	vsel vm0, $0x1F, v2;
	v1 =	vsel vm0, v7, v1;
	v5 =	vld [tilespmem:s24+$0x2080]  }
0x18c: {  	v2 =	vsel vm1, v4, v2;
	v1 =	vsel vm1, v3, v1;
	v3 =	vsel vm1, v7, v3  }
0x18d: {  	v4 =	vsel vm1, $0x1F, v4;
	vm0 =	vgt.f32 v6, v1  }
0x18e: {  	vm1 =	vgt.f32 v6, v3;
	v2 =	vsel vm0, $0x20, v2;
	v1 =	vsel vm0, v6, v1;
	v7 =	vld [tilespmem:s24+$0x2100]  }
0x18f: {  	v2 =	vsel vm1, v4, v2;
	v1 =	vsel vm1, v3, v1;
	v3 =	vsel vm1, v6, v3  }
0x190: {  	vm0 =	vgt.f32 v5, v1  }
0x191: {  	v4 =	vsel vm1, $0x20, v4;
	vm1 =	vgt.f32 v5, v3;
	v1 =	vsel vm0, v5, v1;
	v6 =	vld [tilespmem:s24+$0x2180]  }
0x192: {  	v2 =	vsel vm0, $0x21, v2;
	v8 =	vsel vm1, $0x21, v4;
	v1 =	vsel vm1, v3, v1  }
0x193: {  	v2 =	vsel vm1, v4, v2;
	v3 =	vsel vm1, v5, v3;
	vm0 =	vgt.f32 v7, v1  }
0x194: {  	vm1 =	vgt.f32 v7, v3;
	v2 =	vsel vm0, $0x22, v2;
	v1 =	vsel vm0, v7, v1;
	v4 =	vld [tilespmem:s24+$0x2200]  }
0x195: {  	v2 =	vsel vm1, v8, v2;
	v1 =	vsel vm1, v3, v1;
	v3 =	vsel vm1, v7, v3  }
0x196: {  	v5 =	vsel vm1, $0x22, v8;
	vm0 =	vgt.f32 v6, v1  }
0x197: {  	vm1 =	vgt.f32 v6, v3;
	v2 =	vsel vm0, $0x23, v2;
	v1 =	vsel vm0, v6, v1;
	v7 =	vld [tilespmem:s24+$0x2280]  }
0x198: {  	v2 =	vsel vm1, v5, v2;
	v1 =	vsel vm1, v3, v1;
	v3 =	vsel vm1, v6, v3  }
0x199: {  	v5 =	vsel vm1, $0x23, v5;
	vm0 =	vgt.f32 v4, v1  }
0x19a: {  	vm1 =	vgt.f32 v4, v3;
	v2 =	vsel vm0, $0x24, v2;
	v1 =	vsel vm0, v4, v1;
	v6 =	vld [tilespmem:s24+$0x2300]  }
0x19b: {  	v2 =	vsel vm1, v5, v2;
	v1 =	vsel vm1, v3, v1;
	v5 =	vsel vm1, $0x24, v5  }
0x19c: {  	v3 =	vsel vm1, v4, v3;
	vm0 =	vgt.f32 v7, v1  }
0x19d: {  	vm1 =	vgt.f32 v7, v3;
	v2 =	vsel vm0, $0x25, v2;
	v1 =	vsel vm0, v7, v1;
	v4 =	vld [tilespmem:s24+$0x2380]  }
0x19e: {  	v2 =	vsel vm1, v5, v2;
	v1 =	vsel vm1, v3, v1;
	v5 =	vsel vm1, $0x25, v5  }
0x19f: {  	v3 =	vsel vm1, v7, v3;
	vm0 =	vgt.f32 v6, v1  }
0x1a0: {  	vm1 =	vgt.f32 v6, v3;
	v2 =	vsel vm0, $0x26, v2;
	v1 =	vsel vm0, v6, v1;
	v7 =	vld [tilespmem:s24+$0x2800]  }
0x1a1: {  	v8 =	vsel vm1, $0x26, v5;
	v1 =	vsel vm1, v3, v1;
	v3 =	vsel vm1, v6, v3  }
0x1a2: {  	v2 =	vsel vm1, v5, v2;
	vm0 =	vgt.f32 v4, v1  }
0x1a3: {  	vm1 =	vgt.f32 v4, v3;
	v2 =	vsel vm0, $0x27, v2;
	v1 =	vsel vm0, v4, v1;
	v5 =	vld [tilespmem:s24+$0x2880]  }
0x1a4: {  	v2 =	vsel vm1, v8, v2;
	v1 =	vsel vm1, v3, v1;
	v3 =	vsel vm1, v4, v3  }
0x1a5: {  	v4 =	vsel vm1, $0x27, v8;
	vm0 =	vgt.f32 v7, v1  }
0x1a6: {  	vm1 =	vgt.f32 v7, v3;
	v2 =	vsel vm0, $0x28, v2;
	v1 =	vsel vm0, v7, v1;
	v6 =	vld [tilespmem:s24+$0x2900]  }
0x1a7: {  	v8 =	vsel vm1, $0x28, v4;
	v1 =	vsel vm1, v3, v1;
	v3 =	vsel vm1, v7, v3  }
0x1a8: {  	v2 =	vsel vm1, v4, v2;
	vm0 =	vgt.f32 v5, v1  }
0x1a9: {  	vm1 =	vgt.f32 v5, v3;
	v2 =	vsel vm0, $0x29, v2;
	v1 =	vsel vm0, v5, v1;
	v4 =	vld [tilespmem:s24+$0x2980]  }
0x1aa: {  	v2 =	vsel vm1, v8, v2;
	v1 =	vsel vm1, v3, v1;
	v3 =	vsel vm1, v5, v3  }
0x1ab: {  	v5 =	vsel vm1, $0x29, v8;
	vm0 =	vgt.f32 v6, v1  }
0x1ac: {  	vm1 =	vgt.f32 v6, v3;
	v2 =	vsel vm0, $0x2A, v2;
	v1 =	vsel vm0, v6, v1;
	v7 =	vld [tilespmem:s24+$0x2A00]  }
0x1ad: {  	v8 =	vsel vm1, $0x2A, v5;
	v1 =	vsel vm1, v3, v1;
	v3 =	vsel vm1, v6, v3  }
0x1ae: {  	v2 =	vsel vm1, v5, v2;
	vm0 =	vgt.f32 v4, v1  }
0x1af: {  	vm1 =	vgt.f32 v4, v3;
	v2 =	vsel vm0, $0x2B, v2;
	v1 =	vsel vm0, v4, v1;
	v5 =	vld [tilespmem:s24+$0x2A80]  }
0x1b0: {  	v6 =	vsel vm1, $0x2B, v8;
	v2 =	vsel vm1, v8, v2;
	v1 =	vsel vm1, v3, v1  }
0x1b1: {  	v3 =	vsel vm1, v4, v3;
	vm0 =	vgt.f32 v7, v1  }
0x1b2: {  	vm1 =	vgt.f32 v7, v3;
	v2 =	vsel vm0, $0x2C, v2;
	v1 =	vsel vm0, v7, v1;
	v4 =	vld [tilespmem:s24+$0x2B00]  }
0x1b3: {  	v2 =	vsel vm1, v6, v2;
	v1 =	vsel vm1, v3, v1;
	v3 =	vsel vm1, v7, v3  }
0x1b4: {  	v6 =	vsel vm1, $0x2C, v6;
	vm0 =	vgt.f32 v5, v1  }
0x1b5: {  	vm1 =	vgt.f32 v5, v3;
	v2 =	vsel vm0, $0x2D, v2;
	v1 =	vsel vm0, v5, v1;
	v7 =	vld [tilespmem:s24+$0x2B80]  }
0x1b6: {  	v2 =	vsel vm1, v6, v2;
	v1 =	vsel vm1, v3, v1;
	v3 =	vsel vm1, v5, v3  }
0x1b7: {  	v5 =	vsel vm1, $0x2D, v6;
	vm0 =	vgt.f32 v4, v1  }
0x1b8: {  	vm1 =	vgt.f32 v4, v3;
	v2 =	vsel vm0, $0x2E, v2;
	v1 =	vsel vm0, v4, v1;
	v6 =	vld [tilespmem:s24+$0x3000]  }
0x1b9: {  	v2 =	vsel vm1, v5, v2;
	v1 =	vsel vm1, v3, v1;
	v3 =	vsel vm1, v4, v3  }
0x1ba: {  	v4 =	vsel vm1, $0x2E, v5;
	vm0 =	vgt.f32 v7, v1  }
0x1bb: {  	vm1 =	vgt.f32 v7, v3;
	v2 =	vsel vm0, $0x2F, v2;
	v1 =	vsel vm0, v7, v1;
	v5 =	vld [tilespmem:s24+$0x3080]  }
0x1bc: {  	v2 =	vsel vm1, v4, v2;
	v1 =	vsel vm1, v3, v1;
	v3 =	vsel vm1, v7, v3  }
0x1bd: {  	v4 =	vsel vm1, $0x2F, v4;
	vm0 =	vgt.f32 v6, v1  }
0x1be: {  	vm1 =	vgt.f32 v6, v3;
	v2 =	vsel vm0, $0x30, v2;
	v1 =	vsel vm0, v6, v1;
	v7 =	vld [tilespmem:s24+$0x3100]  }
0x1bf: {  	v2 =	vsel vm1, v4, v2;
	v1 =	vsel vm1, v3, v1;
	v3 =	vsel vm1, v6, v3  }
0x1c0: {  	v4 =	vsel vm1, $0x30, v4;
	vm0 =	vgt.f32 v5, v1  }
0x1c1: {  	vm1 =	vgt.f32 v5, v3;
	v2 =	vsel vm0, $0x31, v2;
	v1 =	vsel vm0, v5, v1;
	v6 =	vld [tilespmem:s24+$0x3180]  }
0x1c2: {  	v8 =	vsel vm1, $0x31, v4;
	v1 =	vsel vm1, v3, v1;
	v3 =	vsel vm1, v5, v3  }
0x1c3: {  	v2 =	vsel vm1, v4, v2;
	vm0 =	vgt.f32 v7, v1  }
0x1c4: {  	vm1 =	vgt.f32 v7, v3;
	v2 =	vsel vm0, $0x32, v2;
	v1 =	vsel vm0, v7, v1;
	v4 =	vld [tilespmem:s24+$0x3200]  }
0x1c5: {  	v2 =	vsel vm1, v8, v2;
	v1 =	vsel vm1, v3, v1;
	v3 =	vsel vm1, v7, v3  }
0x1c6: {  	v5 =	vsel vm1, $0x32, v8;
	vm0 =	vgt.f32 v6, v1  }
0x1c7: {  	vm1 =	vgt.f32 v6, v3;
	v2 =	vsel vm0, $0x33, v2;
	v1 =	vsel vm0, v6, v1;
	v7 =	vld [tilespmem:s24+$0x3280]  }
0x1c8: {  	v2 =	vsel vm1, v5, v2;
	v1 =	vsel vm1, v3, v1;
	v3 =	vsel vm1, v6, v3  }
0x1c9: {  	v5 =	vsel vm1, $0x33, v5;
	vm0 =	vgt.f32 v4, v1  }
0x1ca: {  	vm1 =	vgt.f32 v4, v3;
	v2 =	vsel vm0, $0x34, v2;
	v1 =	vsel vm0, v4, v1;
	v6 =	vld [tilespmem:s24+$0x3300]  }
0x1cb: {  	v2 =	vsel vm1, v5, v2;
	v1 =	vsel vm1, v3, v1;
	v3 =	vsel vm1, v4, v3  }
0x1cc: {  	v4 =	vsel vm1, $0x34, v5;
	vm0 =	vgt.f32 v7, v1  }
0x1cd: {  	vm1 =	vgt.f32 v7, v3;
	v2 =	vsel vm0, $0x35, v2;
	v1 =	vsel vm0, v7, v1;
	v5 =	vld [tilespmem:s24+$0x3380]  }
0x1ce: {  	v8 =	vsel vm1, $0x35, v4;
	v1 =	vsel vm1, v3, v1;
	v3 =	vsel vm1, v7, v3  }
0x1cf: {  	v2 =	vsel vm1, v4, v2;
	vm0 =	vgt.f32 v6, v1  }
0x1d0: {  	vm1 =	vgt.f32 v6, v3;
	v2 =	vsel vm0, $0x36, v2;
	v1 =	vsel vm0, v6, v1;
	v4 =	vld [tilespmem:s24+$0x3800]  }
0x1d1: {  	v7 =	vsel vm1, $0x36, v8;
	v1 =	vsel vm1, v3, v1;
	v3 =	vsel vm1, v6, v3  }
0x1d2: {  	v2 =	vsel vm1, v8, v2;
	vm0 =	vgt.f32 v5, v1  }
0x1d3: {  	vm1 =	vgt.f32 v5, v3;
	v2 =	vsel vm0, $0x37, v2;
	v1 =	vsel vm0, v5, v1;
	v6 =	vld [tilespmem:s24+$0x3880]  }
0x1d4: {  	v2 =	vsel vm1, v7, v2;
	v1 =	vsel vm1, v3, v1;
	v3 =	vsel vm1, v5, v3  }
0x1d5: {  	v5 =	vsel vm1, $0x37, v7;
	vm0 =	vgt.f32 v4, v1  }
0x1d6: {  	vm1 =	vgt.f32 v4, v3;
	v2 =	vsel vm0, $0x38, v2;
	v1 =	vsel vm0, v4, v1;
	v7 =	vld [tilespmem:s24+$0x3900]  }
0x1d7: {  	v2 =	vsel vm1, v5, v2;
	v1 =	vsel vm1, v3, v1;
	v3 =	vsel vm1, v4, v3  }
0x1d8: {  	v4 =	vsel vm1, $0x38, v5;
	vm0 =	vgt.f32 v6, v1  }
0x1d9: {  	vm1 =	vgt.f32 v6, v3;
	v2 =	vsel vm0, $0x39, v2;
	v1 =	vsel vm0, v6, v1;
	v5 =	vld [tilespmem:s24+$0x3980]  }
0x1da: {  	v8 =	vsel vm1, $0x39, v4;
	v1 =	vsel vm1, v3, v1;
	v3 =	vsel vm1, v6, v3  }
0x1db: {  	v2 =	vsel vm1, v4, v2;
	vm0 =	vgt.f32 v7, v1  }
0x1dc: {  	vm1 =	vgt.f32 v7, v3;
	v2 =	vsel vm0, $0x3A, v2;
	v1 =	vsel vm0, v7, v1;
	v4 =	vld [tilespmem:s24+$0x3A00]  }
0x1dd: {  	v2 =	vsel vm1, v8, v2;
	v1 =	vsel vm1, v3, v1;
	v3 =	vsel vm1, v7, v3  }
0x1de: {  	v6 =	vsel vm1, $0x3A, v8;
	vm0 =	vgt.f32 v5, v1  }
0x1df: {  	vm1 =	vgt.f32 v5, v3;
	v2 =	vsel vm0, $0x3B, v2;
	v1 =	vsel vm0, v5, v1;
	v7 =	vld [tilespmem:s24+$0x3A80]  }
0x1e0: {  	v2 =	vsel vm1, v6, v2;
	v1 =	vsel vm1, v3, v1;
	v3 =	vsel vm1, v5, v3  }
0x1e1: {  	v5 =	vsel vm1, $0x3B, v6;
	vm0 =	vgt.f32 v4, v1  }
0x1e2: {  	vm1 =	vgt.f32 v4, v3;
	v2 =	vsel vm0, $0x3C, v2;
	v1 =	vsel vm0, v4, v1;
	v6 =	vld [tilespmem:s24+$0x3B00]  }
0x1e3: {  	v2 =	vsel vm1, v5, v2;
	v1 =	vsel vm1, v3, v1;
	v3 =	vsel vm1, v4, v3  }
0x1e4: {  	v4 =	vsel vm1, $0x3C, v5;
	vm0 =	vgt.f32 v7, v1  }
0x1e5: {  	vm1 =	vgt.f32 v7, v3;
	v2 =	vsel vm0, $0x3D, v2;
	v1 =	vsel vm0, v7, v1;
	v5 =	vld [tilespmem:s24+$0x3B80]  }
0x1e6: {  	v2 =	vsel vm1, v4, v2;
	v1 =	vsel vm1, v3, v1;
	v3 =	vsel vm1, v7, v3  }
0x1e7: {  	v4 =	vsel vm1, $0x3D, v4;
	vm0 =	vgt.f32 v6, v1  }
0x1e8: {  	vm1 =	vgt.f32 v6, v3;
	v2 =	vsel vm0, $0x3E, v2;
	v1 =	vsel vm0, v6, v1  }
0x1e9: {  	v2 =	vsel vm1, v4, v2;
	v1 =	vsel vm1, v3, v1;
	v3 =	vsel vm1, v6, v3  }
0x1ea: {  	v4 =	vsel vm1, $0x3E, v4;
	vm0 =	vgt.f32 v5, v1  }
0x1eb: {  	vm1 =	vgt.f32 v5, v3;
	v2 =	vsel vm0, $0x3F, v2;
	v6 =	vsel vm0, v5, v1  }
0x1ec: {  	v1 =	vsel vm1, v4, v2;
	v2 =	vsel vm1, v3, v6;
	v3 =	vsel vm1, v5, v3  }
0x1ed: {  	v4 =	vsel vm1, $0x3F, v4;
	v2 =	vsub.f32 v2, v3;
	_ =	sdelay $0x1  }
0x1ee: {  	v2 =	vmul.f32 $1.442695020e+00, v2;
	_ =	sdelay $0x1  }
0x1ef: {  	(erf) = vpow2.f32 v2;
	_ =	sdelay $0x8  }
0x1f0: {  	v2 =	vpop (erf)  }
0x1f1: {  	v2 =	vadd.f32 $1.000000000e+00, v2;
	_ =	sdelay $0x1  }
0x1f2: {  	(erf) = vrcp.f32 v2;
	_ =	sdelay $0x8  }
.Ltmp0:
0x1f3: {  	v2 =	vpop (erf);
	(pc) =	sbr.rel @p1 .LBB2_3-.Ltmp0, $4  }
0x1f4: {  	[tilespmem:s19+$0x0] =	vst v2;
	v2 =	vsub.f32 $1.000000000e+00, v2  }
0x1f5: {  	s22 =	sadd.s32 $0x80, s22  }
0x1f6: {  	s26 =	smov.u32 s23;
	s19 =	sadd.s32 $0x10, s19;
	[tilespmem:s18+$0x0] =	vst v2;
	s18 =	sadd.s32 $0x10, s18  }
0x1f7: {  	s25 =	sand.u32 $0x400, s22;
	s24 =	sand.u32 $0x70, s21;
	[tilespmem:s20+$0x0] =	vst v4;
	s20 =	sadd.s32 $0x10, s20  }
0x1f8: {  	s23 =	sor.u32 s24, s25;
	[tilespmem:s17+$0x0] =	vst v1  }
0x1f9: {  	v1 =	vld [tilespmem:s23+$0x80]  }
0x1fa: {  	v2 =	vld [tilespmem:s23+$0x0];
	_ =	sdelay $0x2  }
0x1fb: {  	v3 =	vld [tilespmem:s23+$0x100]  }
0x1fc: {  	vm0 =	vlt.f32 v1, $-Inf;
	vm1 =	vgt.f32 v1, $-Inf  }
0x1fd: {  	vm2 =	vgt.f32 v1, v2;
	vm0 =	vmor vm1, vm0  }
0x1fe: {  	vm1 =	vmneg vm2;
	v5 =	vnsel vm0, $0xFF800000, v1  }
0x1ff: {  	v44 =	vld [tilespmem:s23+$0x180];
	v5 =	vsel vm1, v5, v2  }
0x200: {  	v1 =	vsel vm1, v2, v1;
	v2 =	vimm.s32 $0x0;
	vm10 =	vgt.f32 v3, v5  }
0x201: {  	v4 =	vimm.s32 $0x0;
	v2 =	vsel vm10, $0xFFFFFFFF, v2  }
0x202: {  	v4 =	vsel vm2, $0xFFFFFFFF, v4;
	vm2 =	vgt.f32 v3, v1;
	[tilespmem:$0x1F6E0] =	vst v2;
	v2 =	vsel vm10, v3, v5  }
0x203: {  	v45 =	vld [tilespmem:s23+$0x200];
	v2 =	vsel vm2, v1, v2  }
0x204: {  	v1 =	vsel vm2, v3, v1;
	v3 =	vimm.s32 $0x0;
	vm11 =	vgt.f32 v44, v2  }
0x205: {  	v3 =	vsel vm11, $0xFFFFFFFF, v3  }
0x206: {  	vm3 =	vgt.f32 v44, v1;
	v2 =	vsel vm11, v44, v2;
	[tilespmem:$0x1F6F0] =	vst v3;
	v3 =	vld [tilespmem:s23+$0x280]  }
0x207: {  	v2 =	vsel vm3, v1, v2  }
0x208: {  	v1 =	vsel vm3, v44, v1;
	vm12 =	vgt.f32 v45, v2  }
0x209: {  	v47 =	vld [tilespmem:s23+$0x300];
	vm4 =	vgt.f32 v45, v1;
	v2 =	vsel vm12, v45, v2  }
0x20a: {  	v2 =	vsel vm4, v1, v2  }
0x20b: {  	s21 =	sor.u32 s22, s21;
	v1 =	vsel vm4, v45, v1;
	vm13 =	vgt.f32 v3, v2  }
0x20c: {  	s21 =	sor.u32 $0x380, s21;
	vm5 =	vgt.f32 v3, v1;
	v2 =	vsel vm13, v3, v2  }
0x20d: {  	v49 =	vld [tilespmem:s21+$0x0];
	v2 =	vsel vm5, v1, v2  }
0x20e: {  	v1 =	vsel vm5, v3, v1;
	v3 =	vimm.s32 $0x0;
	vm14 =	vgt.f32 v47, v2  }
0x20f: {  	v3 =	vsel vm14, $0xFFFFFFFF, v3  }
0x210: {  	vm6 =	vgt.f32 v47, v1;
	v2 =	vsel vm14, v47, v2;
	[tilespmem:$0x1F720] =	vst v3;
	v3 =	vld [tilespmem:s23+$0x800]  }
0x211: {  	v2 =	vsel vm6, v1, v2  }
0x212: {  	v1 =	vsel vm6, v47, v1;
	vm15 =	vgt.f32 v49, v2  }
0x213: {  	v51 =	vld [tilespmem:s23+$0x880];
	vm7 =	vgt.f32 v49, v1;
	v2 =	vsel vm15, v49, v2  }
0x214: {  	v48 =	vimm.s32 $0x0;
	v52 =	vimm.s32 $0x0;
	v2 =	vsel vm7, v1, v2  }
0x215: {  	v5 =	vsel vm13, $0xFFFFFFFF, v48;
	v1 =	vsel vm7, v49, v1;
	vm8 =	vgt.f32 v3, v2  }
0x216: {  	[tilespmem:$0x1F710] =	vst v5;
	v5 =	vsel vm8, $0xFFFFFFFF, v52;
	v2 =	vsel vm8, v3, v2;
	vm8 =	vgt.f32 v3, v1  }
0x217: {  	v43 =	vimm.s32 $0x0;
	v53 =	vld [tilespmem:s23+$0x900];
	v2 =	vsel vm8, v1, v2  }
0x218: {  	v1 =	vsel vm8, v3, v1;
	v3 =	vimm.s32 $0x0;
	vm9 =	vgt.f32 v51, v2  }
0x219: {  	v46 =	vimm.s32 $0x0;
	v50 =	vimm.s32 $0x0;
	[tilespmem:$0x1F6C0] =	vst v4;
	v3 =	vsel vm9, $0xFFFFFFFF, v3  }
0x21a: {  	v4 =	vsel vm0, $0xFFFFFFFF, v43;
	v2 =	vsel vm9, v51, v2;
	vm9 =	vgt.f32 v51, v1;
	[tilespmem:$0x1F750] =	vst v3;
	v3 =	vld [tilespmem:s23+$0x980]  }
0x21b: {  	v54 =	vimm.s32 $0x0;
	[tilespmem:$0x1F6D0] =	vst v4;
	v4 =	vsel vm12, $0xFFFFFFFF, v46;
	v2 =	vsel vm9, v1, v2  }
0x21c: {  	[tilespmem:$0x1F700] =	vst v4;
	v4 =	vsel vm15, $0xFFFFFFFF, v50;
	v1 =	vsel vm9, v51, v1;
	vm10 =	vgt.f32 v53, v2  }
0x21d: {  	v55 =	vld [tilespmem:s23+$0xA00];
	[tilespmem:$0x1F730] =	vst v4;
	v4 =	vsel vm10, $0xFFFFFFFF, v54;
	v2 =	vsel vm10, v53, v2;
	vm10 =	vgt.f32 v53, v1  }
0x21e: {  	v2 =	vsel vm10, v1, v2  }
0x21f: {  	v56 =	vimm.s32 $0x0;
	v1 =	vsel vm10, v53, v1;
	vm11 =	vgt.f32 v3, v2  }
0x220: {  	[tilespmem:$0x1F740] =	vst v5;
	v5 =	vsel vm11, $0xFFFFFFFF, v56;
	v2 =	vsel vm11, v3, v2;
	vm11 =	vgt.f32 v3, v1  }
0x221: {  	v57 =	vld [tilespmem:s23+$0xA80];
	v2 =	vsel vm11, v1, v2  }
0x222: {  	v1 =	vsel vm11, v3, v1;
	v3 =	vimm.s32 $0x0;
	vm12 =	vgt.f32 v55, v2  }
0x223: {  	v3 =	vsel vm12, $0xFFFFFFFF, v3  }
0x224: {  	v58 =	vimm.s32 $0x0;
	v2 =	vsel vm12, v55, v2;
	vm12 =	vgt.f32 v55, v1;
	[tilespmem:$0x1F780] =	vst v3;
	v3 =	vld [tilespmem:s23+$0xB00]  }
0x225: {  	v60 =	vimm.s32 $0x0;
	v6 =	vimm.s32 $0x0;
	v2 =	vsel vm12, v1, v2  }
0x226: {  	v62 =	vimm.s32 $0x0;
	v1 =	vsel vm12, v55, v1;
	vm13 =	vgt.f32 v57, v2  }
0x227: {  	v59 =	vld [tilespmem:s23+$0xB80];
	[tilespmem:$0x1F760] =	vst v4;
	v4 =	vsel vm13, $0xFFFFFFFF, v58;
	v2 =	vsel vm13, v57, v2;
	vm13 =	vgt.f32 v57, v1  }
0x228: {  	v9 =	vimm.s32 $0x0;
	v12 =	vimm.s32 $0x0;
	v2 =	vsel vm13, v1, v2  }
0x229: {  	v8 =	vimm.s32 $0x0;
	v1 =	vsel vm13, v57, v1;
	vm14 =	vgt.f32 v3, v2  }
0x22a: {  	v61 =	vld [tilespmem:s23+$0x1000];
	[tilespmem:$0x1F770] =	vst v5;
	v5 =	vsel vm14, $0xFFFFFFFF, v60;
	v2 =	vsel vm14, v3, v2;
	vm14 =	vgt.f32 v3, v1  }
0x22b: {  	v16 =	vimm.s32 $0x0;
	v19 =	vimm.s32 $0x0;
	v2 =	vsel vm14, v1, v2  }
0x22c: {  	v10 =	vld [tilespmem:$0x1F6C0];
	v1 =	vsel vm14, v3, v1;
	v3 =	vimm.s32 $0x0;
	vm15 =	vgt.f32 v59, v2  }
0x22d: {  	v7 =	vld [tilespmem:$0x1F6D0];
	v3 =	vsel vm15, $0xFFFFFFFF, v3;
	v2 =	vsel vm15, v59, v2;
	vm15 =	vgt.f32 v59, v1  }
0x22e: {  	v22 =	vimm.s32 $0x0;
	v25 =	vimm.s32 $0x0;
	[tilespmem:$0x1F7B0] =	vst v3;
	v3 =	vld [tilespmem:s23+$0x1080];
	v2 =	vsel vm15, v1, v2  }
0x22f: {  	v13 =	vld [tilespmem:$0x1F6E0];
	v6 =	vsel vm15, $0xFFFFFFFF, v6;
	v1 =	vsel vm15, v59, v1;
	vm15 =	vgt.f32 v61, v2  }
0x230: {  	v28 =	vimm.s32 $0x0;
	[tilespmem:$0x1F790] =	vst v4;
	vm0 =	vgt.f32 v61, v1;
	v4 =	vsel vm15, $0xFFFFFFFF, v62  }
0x231: {  	[tilespmem:$0x1F7C0] =	vst v6;
	v2 =	vsel vm15, v61, v2;
	v6 =	vsel vm0, $0xFFFFFFFF, v9;
	vm15 =	vnez.u8 v10  }
0x232: {  	v63 =	vld [tilespmem:s23+$0x1100];
	[tilespmem:$0x1F7E0] =	vst v6;
	v6 =	vsel vm15, $0x1, v0;
	vm15 =	vnez.u8 v7;
	v2 =	vsel vm0, v1, v2  }
0x233: {  	v1 =	vsel vm0, v61, v1;
	vm1 =	vmand vm1, vm15;
	vm0 =	vgt.f32 v3, v2  }
0x234: {  	[tilespmem:$0x1F7A0] =	vst v5;
	vm15 =	vnez.u8 v13;
	v11 =	vsel vm1, $0x1, v0;
	v5 =	vsel vm0, $0xFFFFFFFF, v12  }
0x235: {  	v2 =	vsel vm0, v3, v2;
	[tilespmem:$0x1F7F0] =	vst v5;
	v5 =	vsel vm15, $0x2, v11;
	vm15 =	vgt.f32 v3, v1  }
0x236: {  	v31 =	vimm.s32 $0x0;
	v34 =	vimm.s32 $0x0;
	v2 =	vsel vm15, v1, v2  }
0x237: {  	v14 =	vld [tilespmem:s23+$0x1180];
	[tilespmem:$0x1F7D0] =	vst v4;
	v1 =	vsel vm15, v3, v1;
	v3 =	vimm.s32 $0x0;
	vm0 =	vgt.f32 v63, v2  }
0x238: {  	v37 =	vimm.s32 $0x0;
	v40 =	vimm.s32 $0x0;
	v55 =	vld [tilespmem:$0x1F7D0];
	v3 =	vsel vm0, $0xFFFFFFFF, v3  }
0x239: {  	v44 =	vimm.s32 $0x0;
	v47 =	vimm.s32 $0x0;
	v50 =	vimm.s32 $0x0;
	[tilespmem:$0x1F810] =	vst v3;
	v3 =	vld [tilespmem:$0x1F6F0]  }
0x23a: {  	v54 =	vimm.s32 $0x0;
	v58 =	vimm.s32 $0x0;
	v10 =	vimm.s32 $0x0  }
0x23b: {  	v17 =	vld [tilespmem:$0x1F700];
	v61 =	vimm.s32 $0x0;
	v13 =	vimm.s32 $0x0;
	v5 =	vsel vm2, v6, v5  }
0x23c: {  	v6 =	vsel vm2, $0x2, v6;
	vm2 =	vgt.f32 v63, v1;
	v2 =	vsel vm0, v63, v2  }
0x23d: {  	v15 =	vld [tilespmem:s23+$0x1200];
	v8 =	vsel vm15, $0xFFFFFFFF, v8;
	vm1 =	vnez.u8 v55;
	v2 =	vsel vm2, v1, v2  }
0x23e: {  	v20 =	vld [tilespmem:$0x1F710];
	v1 =	vsel vm2, v63, v1;
	vm0 =	vgt.f32 v14, v2;
	vm15 =	vnez.u8 v3  }
0x23f: {  	v63 =	vimm.s32 $0x0;
	v4 =	vsel vm0, $0xFFFFFFFF, v16;
	v3 =	vsel vm15, $0x3, v5  }
0x240: {  	v2 =	vsel vm0, v14, v2;
	vm15 =	vnez.u8 v17;
	v3 =	vsel vm3, v6, v3  }
0x241: {  	v18 =	vld [tilespmem:s23+$0x1280];
	v6 =	vsel vm3, $0x3, v6;
	vm3 =	vgt.f32 v14, v1;
	v3 =	vsel vm15, $0x4, v3  }
0x242: {  	v23 =	vld [tilespmem:$0x1F720];
	v16 =	vimm.s32 $0x0;
	v2 =	vsel vm3, v1, v2;
	v3 =	vsel vm4, v6, v3  }
0x243: {  	v6 =	vsel vm4, $0x4, v6;
	vm15 =	vgt.f32 v15, v2;
	vm4 =	vnez.u8 v20  }
0x244: {  	v1 =	vsel vm3, v14, v1;
	v7 =	vsel vm15, $0xFFFFFFFF, v19;
	v3 =	vsel vm4, $0x5, v3  }
0x245: {  	v26 =	vld [tilespmem:$0x1F730];
	v2 =	vsel vm15, v15, v2;
	vm4 =	vgt.f32 v15, v1;
	v19 =	vimm.s32 $0x0  }
0x246: {  	v21 =	vld [tilespmem:s23+$0x1300];
	v3 =	vsel vm5, v6, v3;
	v2 =	vsel vm4, v1, v2;
	v6 =	vsel vm5, $0x5, v6  }
0x247: {  	v1 =	vsel vm4, v15, v1;
	vm5 =	vnez.u8 v23;
	vm15 =	vgt.f32 v18, v2  }
0x248: {  	v29 =	vld [tilespmem:$0x1F740];
	v3 =	vsel vm5, $0x6, v3;
	vm5 =	vgt.f32 v18, v1;
	v5 =	vsel vm15, $0xFFFFFFFF, v22  }
0x249: {  	v2 =	vsel vm15, v18, v2;
	v3 =	vsel vm6, v6, v3;
	v6 =	vsel vm6, $0x6, v6  }
0x24a: {  	v24 =	vld [tilespmem:s23+$0x1380];
	vm6 =	vnez.u8 v26;
	v22 =	vimm.s32 $0x0;
	v2 =	vsel vm5, v1, v2  }
0x24b: {  	v32 =	vld [tilespmem:$0x1F750];
	v1 =	vsel vm5, v18, v1;
	v3 =	vsel vm6, $0x7, v3;
	vm15 =	vgt.f32 v21, v2  }
0x24c: {  	vm6 =	vgt.f32 v21, v1;
	v3 =	vsel vm7, v6, v3;
	v6 =	vsel vm7, $0x7, v6  }
0x24d: {  	[tilespmem:$0x1F820] =	vst v4;
	vm7 =	vnez.u8 v29;
	v4 =	vsel vm15, $0xFFFFFFFF, v25;
	v2 =	vsel vm15, v21, v2  }
0x24e: {  	v35 =	vld [tilespmem:$0x1F760];
	v3 =	vsel vm7, $0x8, v3;
	v25 =	vimm.s32 $0x0;
	v2 =	vsel vm6, v1, v2  }
0x24f: {  	v27 =	vld [tilespmem:s23+$0x1800];
	v1 =	vsel vm6, v21, v1;
	v3 =	vsel vm8, v6, v3;
	v6 =	vsel vm8, $0x8, v6  }
0x250: {  	vm8 =	vnez.u8 v32;
	v32 =	vimm.s32 $0x0;
	vm15 =	vgt.f32 v24, v2  }
0x251: {  	v38 =	vld [tilespmem:$0x1F770];
	[tilespmem:$0x1F830] =	vst v7;
	vm7 =	vgt.f32 v24, v1;
	v3 =	vsel vm8, $0x9, v3;
	v7 =	vsel vm15, $0xFFFFFFFF, v28  }
0x252: {  	v30 =	vld [tilespmem:s23+$0x1880];
	v2 =	vsel vm15, v24, v2;
	v3 =	vsel vm9, v6, v3;
	v6 =	vsel vm9, $0x9, v6  }
0x253: {  	vm9 =	vnez.u8 v35;
	v28 =	vimm.s32 $0x0;
	v2 =	vsel vm7, v1, v2  }
0x254: {  	v1 =	vsel vm7, v24, v1;
	v3 =	vsel vm9, $0xA, v3;
	vm15 =	vgt.f32 v27, v2  }
0x255: {  	v33 =	vld [tilespmem:s23+$0x1900];
	vm8 =	vgt.f32 v27, v1;
	v3 =	vsel vm10, v6, v3;
	v2 =	vsel vm15, v27, v2  }
0x256: {  	v41 =	vld [tilespmem:$0x1F780];
	v6 =	vsel vm10, $0xA, v6;
	vm10 =	vnez.u8 v38;
	v2 =	vsel vm8, v1, v2  }
0x257: {  	[tilespmem:$0x1F840] =	vst v5;
	v5 =	vsel vm15, $0xFFFFFFFF, v31;
	v1 =	vsel vm8, v27, v1;
	vm15 =	vgt.f32 v30, v2  }
0x258: {  	v36 =	vld [tilespmem:s23+$0x1980];
	v3 =	vsel vm10, $0xB, v3;
	vm9 =	vgt.f32 v30, v1;
	v2 =	vsel vm15, v30, v2  }
0x259: {  	v3 =	vsel vm11, v6, v3;
	v6 =	vsel vm11, $0xB, v6;
	v2 =	vsel vm9, v1, v2  }
0x25a: {  	v43 =	vld [tilespmem:$0x1F790];
	[tilespmem:$0x1F850] =	vst v4;
	v4 =	vsel vm15, $0xFFFFFFFF, v34;
	v1 =	vsel vm9, v30, v1;
	vm15 =	vgt.f32 v33, v2  }
0x25b: {  	v39 =	vld [tilespmem:s23+$0x1A00];
	vm11 =	vnez.u8 v41;
	vm10 =	vgt.f32 v33, v1;
	v2 =	vsel vm15, v33, v2  }
0x25c: {  	v35 =	vimm.s32 $0x0;
	v3 =	vsel vm11, $0xC, v3;
	v2 =	vsel vm10, v1, v2  }
0x25d: {  	[tilespmem:$0x1F860] =	vst v7;
	v7 =	vsel vm15, $0xFFFFFFFF, v37;
	v1 =	vsel vm10, v33, v1;
	vm15 =	vgt.f32 v36, v2  }
0x25e: {  	v48 =	vld [tilespmem:$0x1F7A0];
	v3 =	vsel vm12, v6, v3;
	vm11 =	vgt.f32 v36, v1;
	v2 =	vsel vm15, v36, v2  }
0x25f: {  	v42 =	vld [tilespmem:s23+$0x1A80];
	[tilespmem:$0x1F870] =	vst v5;
	v5 =	vsel vm15, $0xFFFFFFFF, v40;
	vm15 =	vnez.u8 v43;
	v2 =	vsel vm11, v1, v2  }
0x260: {  	v3 =	vsel vm15, $0xD, v3;
	v1 =	vsel vm11, v36, v1;
	vm15 =	vgt.f32 v39, v2  }
0x261: {  	v51 =	vld [tilespmem:$0x1F7B0];
	v45 =	vsel vm12, $0xC, v6;
	vm12 =	vgt.f32 v39, v1;
	v2 =	vsel vm15, v39, v2  }
0x262: {  	v46 =	vld [tilespmem:s23+$0x1B00];
	[tilespmem:$0x1F880] =	vst v4;
	v3 =	vsel vm13, v45, v3;
	v4 =	vsel vm15, $0xFFFFFFFF, v44;
	v2 =	vsel vm12, v1, v2  }
0x263: {  	v53 =	vld [tilespmem:$0x1F7C0];
	[tilespmem:$0x1F8B0] =	vst v4;
	v4 =	vsel vm13, $0xD, v45;
	v1 =	vsel vm12, v39, v1;
	vm13 =	vnez.u8 v48  }
0x264: {  	vm15 =	vgt.f32 v42, v2;
	v3 =	vsel vm13, $0xE, v3;
	vm13 =	vgt.f32 v42, v1  }
0x265: {  	[tilespmem:$0x1F890] =	vst v7;
	v7 =	vsel vm15, $0xFFFFFFFF, v47;
	v2 =	vsel vm15, v42, v2;
	v3 =	vsel vm14, v4, v3  }
0x266: {  	v49 =	vld [tilespmem:s23+$0x1B80];
	v4 =	vsel vm14, $0xE, v4;
	vm14 =	vnez.u8 v51;
	v2 =	vsel vm13, v1, v2  }
0x267: {  	v57 =	vld [tilespmem:$0x1F7E0];
	v1 =	vsel vm13, v42, v1;
	v3 =	vsel vm14, $0xF, v3;
	vm15 =	vgt.f32 v46, v2  }
0x268: {  	[tilespmem:$0x1F8A0] =	vst v5;
	v5 =	vsel vm15, $0xFFFFFFFF, v50;
	v2 =	vsel vm15, v46, v2;
	vm15 =	vnez.u8 v53  }
0x269: {  	v52 =	vld [tilespmem:s23+$0x2000];
	v31 =	vimm.s32 $0x0;
	vm14 =	vgt.f32 v46, v1;
	v3 =	vsel vm15, v4, v3  }
0x26a: {  	v2 =	vsel vm14, v1, v2;
	v4 =	vsel vm15, $0xF, v4;
	v1 =	vsel vm14, v46, v1  }
0x26b: {  	vm0 =	vgt.f32 v49, v2;
	v3 =	vsel vm1, $0x10, v3;
	vm15 =	vgt.f32 v49, v1  }
0x26c: {  	v6 =	vsel vm0, $0xFFFFFFFF, v54;
	v2 =	vsel vm0, v49, v2;
	vm0 =	vnez.u8 v57  }
0x26d: {  	v59 =	vld [tilespmem:$0x1F7F0];
	[tilespmem:$0x1F800] =	vst v8;
	v40 =	vimm.s32 $0x0;
	v3 =	vsel vm0, v4, v3;
	v2 =	vsel vm15, v1, v2  }
0x26e: {  	v62 =	vld [tilespmem:$0x1F800];
	v4 =	vsel vm0, $0x10, v4;
	v1 =	vsel vm15, v49, v1;
	vm0 =	vgt.f32 v52, v2  }
0x26f: {  	v56 =	vld [tilespmem:s23+$0x2080];
	[tilespmem:$0x1F8C0] =	vst v7;
	v7 =	vsel vm0, $0xFFFFFFFF, v58;
	v2 =	vsel vm0, v52, v2;
	vm0 =	vgt.f32 v52, v1  }
0x270: {  	v43 =	vimm.s32 $0x0;
	v36 =	vimm.s32 $0x0;
	v8 =	vsel vm0, $0xFFFFFFFF, v61  }
0x271: {  	v44 =	vimm.s32 $0x0;
	v39 =	vimm.s32 $0x0;
	v47 =	vimm.s32 $0x0;
	[tilespmem:$0x1F900] =	vst v8;
	v8 =	vld [tilespmem:$0x1F810]  }
0x272: {  	v50 =	vimm.s32 $0x0;
	v53 =	vimm.s32 $0x0;
	vm1 =	vnez.u8 v59  }
0x273: {  	v11 =	vld [tilespmem:$0x1F820];
	v3 =	vsel vm1, $0x11, v3;
	vm1 =	vnez.u8 v62;
	v2 =	vsel vm0, v1, v2  }
0x274: {  	v60 =	vld [tilespmem:s23+$0x2100];
	v3 =	vsel vm1, v4, v3;
	v4 =	vsel vm1, $0x11, v4;
	vm1 =	vgt.f32 v56, v2  }
0x275: {  	[tilespmem:$0x1F8D0] =	vst v5;
	v57 =	vimm.s32 $0x0;
	v1 =	vsel vm0, v52, v1;
	v5 =	vsel vm1, $0xFFFFFFFF, v63  }
0x276: {  	v14 =	vld [tilespmem:$0x1F830];
	v2 =	vsel vm1, v56, v2;
	vm1 =	vgt.f32 v56, v1;
	vm0 =	vnez.u8 v8  }
0x277: {  	v61 =	vimm.s32 $0x0;
	v2 =	vsel vm1, v1, v2;
	v3 =	vsel vm0, $0x12, v3  }
0x278: {  	v9 =	vld [tilespmem:s23+$0x2180];
	v1 =	vsel vm1, v56, v1;
	vm0 =	vnez.u8 v11;
	v3 =	vsel vm2, v4, v3  }
0x279: {  	v17 =	vld [tilespmem:$0x1F840];
	v4 =	vsel vm2, $0x12, v4;
	vm2 =	vmmov vm1;
	vm1 =	vgt.f32 v60, v2  }
0x27a: {  	[tilespmem:$0x1F8E0] =	vst v6;
	v6 =	vsel vm1, $0xFFFFFFFF, v10;
	v3 =	vsel vm0, $0x13, v3;
	v2 =	vsel vm1, v60, v2  }
0x27b: {  	vm1 =	vgt.f32 v60, v1;
	vm0 =	vnez.u8 v14;
	v3 =	vsel vm3, v4, v3  }
0x27c: {  	v2 =	vsel vm1, v1, v2;
	v4 =	vsel vm3, $0x13, v4;
	v1 =	vsel vm1, v60, v1  }
0x27d: {  	v20 =	vld [tilespmem:$0x1F850];
	vm3 =	vmmov vm1;
	v60 =	vimm.s32 $0x0;
	vm1 =	vgt.f32 v9, v2  }
0x27e: {  	v12 =	vld [tilespmem:s23+$0x2200];
	v3 =	vsel vm0, $0x14, v3;
	vm0 =	vnez.u8 v17;
	v17 =	vimm.s32 $0x0  }
0x27f: {  	[tilespmem:$0x1F8F0] =	vst v7;
	v7 =	vsel vm1, $0xFFFFFFFF, v13;
	v2 =	vsel vm1, v9, v2;
	vm1 =	vgt.f32 v9, v1  }
0x280: {  	v23 =	vld [tilespmem:$0x1F860];
	v3 =	vsel vm4, v4, v3;
	v4 =	vsel vm4, $0x14, v4;
	v13 =	vimm.s32 $0x0  }
0x281: {  	v2 =	vsel vm1, v1, v2;
	v1 =	vsel vm1, v9, v1;
	vm4 =	vmmov vm1  }
0x282: {  	v3 =	vsel vm0, $0x15, v3;
	vm0 =	vnez.u8 v20;
	v20 =	vimm.s32 $0x0  }
0x283: {  	v15 =	vld [tilespmem:s23+$0x2280];
	vm1 =	vgt.f32 v12, v2;
	v3 =	vsel vm5, v4, v3;
	v4 =	vsel vm5, $0x15, v4  }
0x284: {  	v26 =	vld [tilespmem:$0x1F870];
	[tilespmem:$0x1F910] =	vst v5;
	v5 =	vsel vm1, $0xFFFFFFFF, v16;
	v2 =	vsel vm1, v12, v2;
	vm1 =	vgt.f32 v12, v1  }
0x285: {  	v3 =	vsel vm0, $0x16, v3;
	vm0 =	vnez.u8 v23;
	v16 =	vimm.s32 $0x0  }
0x286: {  	v23 =	vimm.s32 $0x0;
	v2 =	vsel vm1, v1, v2;
	v1 =	vsel vm1, v12, v1  }
0x287: {  	v29 =	vld [tilespmem:$0x1F880];
	vm5 =	vmmov vm1;
	v3 =	vsel vm6, v4, v3;
	v4 =	vsel vm6, $0x16, v4  }
0x288: {  	v18 =	vld [tilespmem:s23+$0x2300];
	v12 =	vimm.s32 $0x0;
	vm1 =	vgt.f32 v15, v2;
	v3 =	vsel vm0, $0x17, v3  }
0x289: {  	[tilespmem:$0x1F920] =	vst v6;
	vm0 =	vnez.u8 v26;
	v26 =	vimm.s32 $0x0;
	v6 =	vsel vm1, $0xFFFFFFFF, v19  }
0x28a: {  	v2 =	vsel vm1, v15, v2;
	vm1 =	vgt.f32 v15, v1;
	v3 =	vsel vm7, v4, v3  }
0x28b: {  	v21 =	vld [tilespmem:s23+$0x2380];
	v4 =	vsel vm7, $0x17, v4;
	v2 =	vsel vm1, v1, v2;
	v1 =	vsel vm1, v15, v1  }
0x28c: {  	v33 =	vld [tilespmem:$0x1F890];
	vm6 =	vmmov vm1;
	v3 =	vsel vm0, $0x18, v3;
	vm0 =	vnez.u8 v29  }
0x28d: {  	v29 =	vimm.s32 $0x0;
	vm1 =	vgt.f32 v18, v2;
	v3 =	vsel vm8, v4, v3  }
0x28e: {  	[tilespmem:$0x1F930] =	vst v7;
	v7 =	vsel vm1, $0xFFFFFFFF, v22;
	v2 =	vsel vm1, v18, v2;
	vm1 =	vgt.f32 v18, v1  }
0x28f: {  	v24 =	vld [tilespmem:s23+$0x2800];
	v4 =	vsel vm8, $0x18, v4;
	v3 =	vsel vm0, $0x19, v3;
	v2 =	vsel vm1, v1, v2  }
0x290: {  	v1 =	vsel vm1, v18, v1;
	vm7 =	vmmov vm1;
	v3 =	vsel vm9, v4, v3  }
0x291: {  	v4 =	vsel vm9, $0x19, v4;
	vm9 =	vnez.u8 v33;
	vm1 =	vgt.f32 v21, v2  }
0x292: {  	v27 =	vld [tilespmem:s23+$0x2880];
	[tilespmem:$0x1F940] =	vst v5;
	v5 =	vsel vm1, $0xFFFFFFFF, v25;
	v2 =	vsel vm1, v21, v2;
	vm1 =	vgt.f32 v21, v1  }
0x293: {  	v33 =	vimm.s32 $0x0;
	v3 =	vsel vm9, $0x1A, v3;
	v2 =	vsel vm1, v1, v2  }
0x294: {  	v30 =	vld [tilespmem:s23+$0x2900];
	v1 =	vsel vm1, v21, v1;
	vm8 =	vmmov vm1;
	vm1 =	vgt.f32 v24, v2  }
0x295: {  	v37 =	vld [tilespmem:$0x1F8A0];
	v3 =	vsel vm10, v4, v3;
	vm0 =	vgt.f32 v24, v1;
	v2 =	vsel vm1, v24, v2  }
0x296: {  	[tilespmem:$0x1F950] =	vst v6;
	v4 =	vsel vm10, $0x1A, v4;
	v6 =	vsel vm1, $0xFFFFFFFF, v28;
	v2 =	vsel vm0, v1, v2  }
0x297: {  	v8 =	vsel vm0, $0xFFFFFFFF, v31;
	v1 =	vsel vm0, v24, v1;
	vm1 =	vgt.f32 v27, v2  }
0x298: {  	v34 =	vld [tilespmem:s23+$0x2980];
	[tilespmem:$0x1F960] =	vst v7;
	vm9 =	vgt.f32 v27, v1;
	v7 =	vsel vm1, $0xFFFFFFFF, v32;
	v2 =	vsel vm1, v27, v2  }
0x299: {  	v41 =	vld [tilespmem:$0x1F8B0];
	[tilespmem:$0x1F990] =	vst v8;
	v8 =	vsel vm9, $0xFFFFFFFF, v35;
	v2 =	vsel vm9, v1, v2;
	v1 =	vsel vm9, v27, v1  }
0x29a: {  	vm9 =	vnez.u8 v37;
	v37 =	vimm.s32 $0x0;
	vm10 =	vgt.f32 v30, v2  }
0x29b: {  	[tilespmem:$0x1F970] =	vst v5;
	v3 =	vsel vm9, $0x1B, v3;
	v5 =	vsel vm10, $0xFFFFFFFF, v36;
	v2 =	vsel vm10, v30, v2  }
0x29c: {  	v45 =	vld [tilespmem:$0x1F8C0];
	vm10 =	vgt.f32 v30, v1;
	v3 =	vsel vm11, v4, v3;
	v4 =	vsel vm11, $0x1B, v4  }
0x29d: {  	v38 =	vld [tilespmem:s23+$0x2A00];
	[tilespmem:$0x1F9B0] =	vst v8;
	v8 =	vsel vm10, $0xFFFFFFFF, v39;
	v2 =	vsel vm10, v1, v2;
	v1 =	vsel vm10, v30, v1  }
0x29e: {  	v48 =	vld [tilespmem:$0x1F8D0];
	vm10 =	vnez.u8 v41;
	v41 =	vimm.s32 $0x0;
	vm9 =	vgt.f32 v34, v2  }
0x29f: {  	[tilespmem:$0x1F980] =	vst v6;
	v3 =	vsel vm10, $0x1C, v3;
	vm11 =	vgt.f32 v34, v1;
	v6 =	vsel vm9, $0xFFFFFFFF, v40  }
0x2a0: {  	[tilespmem:$0x1F9D0] =	vst v8;
	v2 =	vsel vm9, v34, v2;
	v8 =	vsel vm11, $0xFFFFFFFF, v43;
	v3 =	vsel vm12, v4, v3  }
0x2a1: {  	v42 =	vld [tilespmem:s23+$0x2A80];
	v4 =	vsel vm12, $0x1C, v4;
	vm9 =	vnez.u8 v45;
	v45 =	vimm.s32 $0x0  }
0x2a2: {  	v51 =	vld [tilespmem:$0x1F8E0];
	v2 =	vsel vm11, v1, v2;
	v1 =	vsel vm11, v34, v1;
	v3 =	vsel vm9, $0x1D, v3  }
0x2a3: {  	vm11 =	vnez.u8 v48;
	v48 =	vimm.s32 $0x0;
	vm12 =	vgt.f32 v38, v2  }
0x2a4: {  	v14 =	vld [tilespmem:$0x1F930];
	[tilespmem:$0x1F9A0] =	vst v7;
	v3 =	vsel vm13, v4, v3;
	v4 =	vsel vm13, $0x1D, v4;
	v7 =	vsel vm12, $0xFFFFFFFF, v44  }
0x2a5: {  	v46 =	vld [tilespmem:s23+$0x2B00];
	v2 =	vsel vm12, v38, v2;
	vm12 =	vgt.f32 v38, v1;
	v3 =	vsel vm11, $0x1E, v3  }
0x2a6: {  	v49 =	vld [tilespmem:s23+$0x2B80];
	v2 =	vsel vm12, v1, v2;
	v1 =	vsel vm12, v38, v1;
	v3 =	vsel vm14, v4, v3  }
0x2a7: {  	v54 =	vld [tilespmem:$0x1F8F0];
	v4 =	vsel vm14, $0x1E, v4;
	vm14 =	vnez.u8 v51;
	vm10 =	vgt.f32 v42, v2  }
0x2a8: {  	v56 =	vld [tilespmem:$0x1F900];
	vm1 =	vgt.f32 v42, v1;
	v3 =	vsel vm14, $0x1F, v3;
	v2 =	vsel vm10, v42, v2  }
0x2a9: {  	v58 =	vld [tilespmem:$0x1F910];
	vm11 =	vnez.u8 v14;
	v3 =	vsel vm15, v4, v3;
	v2 =	vsel vm1, v1, v2  }
0x2aa: {  	v4 =	vsel vm15, $0x1F, v4;
	v1 =	vsel vm1, v42, v1;
	vm13 =	vgt.f32 v46, v2  }
0x2ab: {  	[tilespmem:$0x1F9E0] =	vst v6;
	vm14 =	vgt.f32 v46, v1;
	v6 =	vsel vm13, $0xFFFFFFFF, v50;
	v2 =	vsel vm13, v46, v2  }
0x2ac: {  	v52 =	vld [tilespmem:s23+$0x3000];
	vm13 =	vnez.u8 v54;
	v2 =	vsel vm14, v1, v2;
	v1 =	vsel vm14, v46, v1  }
0x2ad: {  	v3 =	vsel vm13, $0x20, v3;
	vm13 =	vnez.u8 v56;
	vm15 =	vgt.f32 v49, v2  }
0x2ae: {  	v3 =	vsel vm13, v4, v3;
	v4 =	vsel vm13, $0x20, v4;
	vm13 =	vnez.u8 v58  }
0x2af: {  	v62 =	vld [tilespmem:$0x1F920];
	[tilespmem:$0x1FA00] =	vst v7;
	v7 =	vsel vm15, $0xFFFFFFFF, v53;
	v2 =	vsel vm15, v49, v2;
	vm15 =	vgt.f32 v49, v1  }
0x2b0: {  	v55 =	vld [tilespmem:s23+$0x3080];
	[tilespmem:$0x1F9C0] =	vst v5;
	v5 =	vsel vm10, $0xFFFFFFFF, v47;
	v3 =	vsel vm13, $0x21, v3;
	v2 =	vsel vm15, v1, v2  }
0x2b1: {  	v1 =	vsel vm15, v49, v1;
	vm0 =	vmmov vm15;
	vm15 =	vgt.f32 v52, v2  }
0x2b2: {  	[tilespmem:$0x1FA10] =	vst v5;
	v5 =	vsel vm15, $0xFFFFFFFF, v57;
	v2 =	vsel vm15, v52, v2;
	vm15 =	vgt.f32 v52, v1  }
0x2b3: {  	v59 =	vld [tilespmem:s23+$0x3100];
	[tilespmem:$0x1F9F0] =	vst v8;
	v3 =	vsel vm2, v4, v3;
	v4 =	vsel vm2, $0x21, v4;
	v8 =	vsel vm15, $0xFFFFFFFF, v60  }
0x2b4: {  	v2 =	vsel vm15, v1, v2;
	v1 =	vsel vm15, v52, v1;
	vm15 =	vnez.u8 v62  }
0x2b5: {  	v18 =	vld [tilespmem:$0x1F940];
	[tilespmem:$0x1FA20] =	vst v6;
	vm13 =	vgt.f32 v55, v2;
	v3 =	vsel vm15, $0x22, v3;
	vm9 =	vgt.f32 v55, v1  }
0x2b6: {  	v21 =	vld [tilespmem:$0x1F950];
	[tilespmem:$0x1FA50] =	vst v8;
	v6 =	vsel vm13, $0xFFFFFFFF, v61;
	v2 =	vsel vm13, v55, v2;
	v8 =	vsel vm9, $0xFFFFFFFF, v12  }
0x2b7: {  	v38 =	vld [tilespmem:$0x1F9C0];
	v3 =	vsel vm3, v4, v3;
	v4 =	vsel vm3, $0x22, v4;
	v2 =	vsel vm9, v1, v2  }
0x2b8: {  	v63 =	vld [tilespmem:s23+$0x3180];
	v1 =	vsel vm9, v55, v1;
	v3 =	vsel vm11, $0x23, v3;
	vm10 =	vgt.f32 v59, v2  }
0x2b9: {  	v24 =	vld [tilespmem:$0x1F960];
	vm13 =	vgt.f32 v59, v1;
	v3 =	vsel vm4, v4, v3;
	v4 =	vsel vm4, $0x23, v4  }
0x2ba: {  	[tilespmem:$0x1FA30] =	vst v7;
	vm4 =	vnez.u8 v18;
	v7 =	vsel vm10, $0xFFFFFFFF, v13;
	v2 =	vsel vm10, v59, v2  }
0x2bb: {  	v15 =	vld [tilespmem:s23+$0x3200];
	[tilespmem:$0x1FA70] =	vst v8;
	v8 =	vsel vm13, $0xFFFFFFFF, v16;
	v3 =	vsel vm4, $0x24, v3;
	vm10 =	vnez.u8 v21  }
0x2bc: {  	v34 =	vld [tilespmem:$0x1F9A0];
	vm4 =	vnez.u8 v38;
	v2 =	vsel vm13, v1, v2;
	v1 =	vsel vm13, v59, v1  }
0x2bd: {  	v3 =	vsel vm5, v4, v3;
	v4 =	vsel vm5, $0x24, v4;
	vm15 =	vgt.f32 v63, v2  }
0x2be: {  	v27 =	vld [tilespmem:$0x1F970];
	[tilespmem:$0x1FA40] =	vst v5;
	vm5 =	vnez.u8 v24;
	v3 =	vsel vm10, $0x25, v3;
	v5 =	vsel vm15, $0xFFFFFFFF, v17  }
0x2bf: {  	v19 =	vld [tilespmem:s23+$0x3280];
	v2 =	vsel vm15, v63, v2;
	vm15 =	vgt.f32 v63, v1;
	v3 =	vsel vm6, v4, v3  }
0x2c0: {  	v4 =	vsel vm6, $0x25, v4;
	v2 =	vsel vm15, v1, v2;
	v1 =	vsel vm15, v63, v1  }
0x2c1: {  	v32 =	vld [tilespmem:$0x1F990];
	v3 =	vsel vm5, $0x26, v3;
	vm5 =	vnez.u8 v34;
	vm9 =	vgt.f32 v15, v2  }
0x2c2: {  	v22 =	vld [tilespmem:s23+$0x3300];
	vm13 =	vgt.f32 v15, v1;
	v3 =	vsel vm7, v4, v3;
	v2 =	vsel vm9, v15, v2  }
0x2c3: {  	v4 =	vsel vm7, $0x26, v4;
	vm7 =	vnez.u8 v27;
	v2 =	vsel vm13, v1, v2  }
0x2c4: {  	v30 =	vld [tilespmem:$0x1F980];
	[tilespmem:$0x1FA60] =	vst v6;
	v6 =	vsel vm9, $0xFFFFFFFF, v20;
	v1 =	vsel vm13, v15, v1;
	vm11 =	vgt.f32 v19, v2  }
0x2c5: {  	v36 =	vld [tilespmem:$0x1F9B0];
	[tilespmem:$0x1FA80] =	vst v7;
	v7 =	vsel vm11, $0xFFFFFFFF, v23;
	v2 =	vsel vm11, v19, v2;
	vm11 =	vgt.f32 v19, v1  }
0x2c6: {  	v25 =	vld [tilespmem:s23+$0x3380];
	v3 =	vsel vm7, $0x27, v3;
	vm7 =	vnez.u8 v32;
	v2 =	vsel vm11, v1, v2  }
0x2c7: {  	v3 =	vsel vm8, v4, v3;
	v1 =	vsel vm11, v19, v1;
	vm6 =	vgt.f32 v22, v2  }
0x2c8: {  	v40 =	vld [tilespmem:$0x1F9D0];
	v4 =	vsel vm8, $0x27, v4;
	vm10 =	vgt.f32 v22, v1;
	v2 =	vsel vm6, v22, v2  }
0x2c9: {  	v28 =	vld [tilespmem:s23+$0x3800];
	[tilespmem:$0x1FAA0] =	vst v5;
	v5 =	vsel vm6, $0xFFFFFFFF, v26;
	vm6 =	vnez.u8 v30;
	v2 =	vsel vm10, v1, v2  }
0x2ca: {  	v42 =	vld [tilespmem:$0x1F9E0];
	v1 =	vsel vm10, v22, v1;
	v3 =	vsel vm6, $0x28, v3;
	vm6 =	vnez.u8 v36  }
0x2cb: {  	vm9 =	vgt.f32 v25, v2;
	v3 =	vsel vm7, v4, v3;
	v4 =	vsel vm7, $0x28, v4  }
0x2cc: {  	v44 =	vld [tilespmem:$0x1F9F0];
	[tilespmem:$0x1FAB0] =	vst v6;
	v6 =	vsel vm9, $0xFFFFFFFF, v29;
	v2 =	vsel vm9, v25, v2;
	vm9 =	vgt.f32 v25, v1  }
0x2cd: {  	v31 =	vld [tilespmem:s23+$0x3880];
	v3 =	vsel vm5, $0x29, v3;
	vm5 =	vnez.u8 v40;
	v2 =	vsel vm9, v1, v2  }
0x2ce: {  	v1 =	vsel vm9, v25, v1;
	v3 =	vsel vm6, v4, v3;
	v4 =	vsel vm6, $0x29, v4  }
0x2cf: {  	v46 =	vld [tilespmem:$0x1FA00];
	vm6 =	vnez.u8 v42;
	vm8 =	vgt.f32 v28, v2;
	v3 =	vsel vm4, $0x2A, v3  }
0x2d0: {  	v35 =	vld [tilespmem:s23+$0x3900];
	[tilespmem:$0x1FAC0] =	vst v7;
	v7 =	vsel vm8, $0xFFFFFFFF, v33;
	v2 =	vsel vm8, v28, v2;
	vm8 =	vgt.f32 v28, v1  }
0x2d1: {  	vm4 =	vnez.u8 v44;
	v3 =	vsel vm5, v4, v3;
	v2 =	vsel vm8, v1, v2  }
0x2d2: {  	v49 =	vld [tilespmem:$0x1FA10];
	v4 =	vsel vm5, $0x2A, v4;
	v1 =	vsel vm8, v28, v1;
	vm7 =	vgt.f32 v31, v2  }
0x2d3: {  	v39 =	vld [tilespmem:s23+$0x3980];
	[tilespmem:$0x1FAD0] =	vst v5;
	v5 =	vsel vm7, $0xFFFFFFFF, v37;
	v2 =	vsel vm7, v31, v2;
	vm7 =	vgt.f32 v31, v1  }
0x2d4: {  	vm5 =	vnez.u8 v46;
	v3 =	vsel vm6, $0x2B, v3;
	v2 =	vsel vm7, v1, v2  }
0x2d5: {  	v3 =	vsel vm4, v4, v3;
	v1 =	vsel vm7, v31, v1;
	vm3 =	vgt.f32 v35, v2  }
0x2d6: {  	v43 =	vld [tilespmem:s23+$0x3A00];
	v4 =	vsel vm4, $0x2B, v4;
	vm6 =	vgt.f32 v35, v1;
	v2 =	vsel vm3, v35, v2  }
0x2d7: {  	vm4 =	vnez.u8 v49;
	v3 =	vsel vm5, $0x2C, v3;
	v2 =	vsel vm6, v1, v2  }
0x2d8: {  	v47 =	vld [tilespmem:s23+$0x3A80];
	[tilespmem:$0x1FAE0] =	vst v6;
	v6 =	vsel vm3, $0xFFFFFFFF, v41;
	v1 =	vsel vm6, v35, v1;
	vm3 =	vgt.f32 v39, v2  }
0x2d9: {  	v52 =	vld [tilespmem:$0x1FA20];
	v3 =	vsel vm12, v4, v3;
	vm5 =	vgt.f32 v39, v1;
	v2 =	vsel vm3, v39, v2  }
0x2da: {  	v4 =	vsel vm12, $0x2C, v4;
	v3 =	vsel vm4, $0x2D, v3;
	v2 =	vsel vm5, v1, v2  }
0x2db: {  	v3 =	vsel vm1, v4, v3;
	v1 =	vsel vm5, v39, v1;
	vm12 =	vgt.f32 v43, v2  }
0x2dc: {  	v50 =	vld [tilespmem:s23+$0x3B00];
	[tilespmem:$0x1FAF0] =	vst v7;
	v4 =	vsel vm1, $0x2D, v4;
	vm4 =	vgt.f32 v43, v1;
	v2 =	vsel vm12, v43, v2  }
0x2dd: {  	[tilespmem:$0x1FB00] =	vst v5;
	v7 =	vsel vm3, $0xFFFFFFFF, v45;
	v5 =	vsel vm12, $0xFFFFFFFF, v48;
	v2 =	vsel vm4, v1, v2  }
0x2de: {  	v54 =	vld [tilespmem:$0x1FA30];
	vm12 =	vnez.u8 v52;
	v1 =	vsel vm4, v43, v1;
	vm2 =	vgt.f32 v47, v2  }
0x2df: {  	v53 =	vld [tilespmem:s23+$0x3B80];
	v3 =	vsel vm12, $0x2E, v3;
	vm3 =	vgt.f32 v47, v1;
	v2 =	vsel vm2, v47, v2  }
0x2e0: {  	v51 =	vimm.s32 $0x0;
	v3 =	vsel vm14, v4, v3;
	v2 =	vsel vm3, v1, v2  }
0x2e1: {  	v4 =	vsel vm14, $0x2E, v4;
	v1 =	vsel vm3, v47, v1;
	vm14 =	vgt.f32 v50, v2  }
0x2e2: {  	[tilespmem:$0x1FB10] =	vst v6;
	v6 =	vsel vm2, $0xFFFFFFFF, v51;
	vm2 =	vgt.f32 v50, v1;
	v2 =	vsel vm14, v50, v2  }
0x2e3: {  	vm12 =	vnez.u8 v54;
	v2 =	vsel vm2, v1, v2  }
0x2e4: {  	v55 =	vld [tilespmem:$0x1FA40];
	v3 =	vsel vm12, $0x2F, v3;
	v1 =	vsel vm2, v50, v1;
	vm12 =	vgt.f32 v53, v2  }
0x2e5: {  	v56 =	vld [tilespmem:$0x1FA50];
	vm1 =	vgt.f32 v53, v1;
	v2 =	vsel vm12, v53, v2  }
0x2e6: {  	v57 =	vld [tilespmem:$0x1FA60];
	v2 =	vsel vm1, v1, v2;
	v1 =	vsel vm1, v53, v1  }
0x2e7: {  	v1 =	vsub.f32 v2, v1;
	v2 =	vld [tilespmem:$0x1FA70]  }
0x2e8: {  	[tilespmem:$0x1FA90] =	vst v8;
	v58 =	vld [tilespmem:$0x1FA80]  }
0x2e9: {  	v59 =	vld [tilespmem:$0x1FA90];
	v3 =	vsel vm0, v4, v3;
	v4 =	vsel vm0, $0x2F, v4;
	vm0 =	vnez.u8 v55  }
0x2ea: {  	v60 =	vld [tilespmem:$0x1FAA0];
	v3 =	vsel vm0, $0x30, v3;
	vm0 =	vnez.u8 v56  }
0x2eb: {  	v3 =	vsel vm0, v4, v3;
	v4 =	vsel vm0, $0x30, v4;
	vm0 =	vnez.u8 v57  }
0x2ec: {  	v3 =	vsel vm0, $0x31, v3;
	vm0 =	vnez.u8 v2  }
0x2ed: {  	v2 =	vsel vm0, v4, v3;
	v3 =	vsel vm0, $0x31, v4;
	vm0 =	vnez.u8 v58  }
0x2ee: {  	v1 =	vmul.f32 $1.442695020e+00, v1;
	v2 =	vsel vm0, $0x32, v2;
	vm0 =	vnez.u8 v59  }
0x2ef: {  	v2 =	vsel vm0, v3, v2;
	v3 =	vsel vm0, $0x32, v3;
	vm0 =	vnez.u8 v60  }
0x2f0: {  	v2 =	vsel vm0, $0x33, v2  }
0x2f1: {  	(erf) = vpow2.f32 v1;
	v1 =	vsel vm15, v3, v2;
	v2 =	vsel vm15, $0x33, v3;
	v3 =	vld [tilespmem:$0x1FAB0];
	_ =	sdelay $0x4  }
0x2f2: {  	vm15 =	vnez.u8 v3;
	v3 =	vld [tilespmem:$0x1FAC0];
	_ =	sdelay $0x4  }
0x2f3: {  	v1 =	vsel vm15, $0x34, v1;
	vm15 =	vnez.u8 v3;
	v3 =	vld [tilespmem:$0x1FAD0];
	_ =	sdelay $0x2  }
0x2f4: {  	v1 =	vsel vm13, v2, v1  }
0x2f5: {  	v2 =	vsel vm13, $0x34, v2;
	v1 =	vsel vm15, $0x35, v1  }
0x2f6: {  	v1 =	vsel vm11, v2, v1;
	v2 =	vsel vm11, $0x35, v2;
	vm11 =	vnez.u8 v3;
	v3 =	vld [tilespmem:$0x1FAE0];
	_ =	sdelay $0x4  }
0x2f7: {  	vm13 =	vnez.u8 v3;
	v3 =	vpop (erf)  }
0x2f8: {  	v3 =	vadd.f32 $1.000000000e+00, v3;
	_ =	sdelay $0x1  }
0x2f9: {  	(erf) = vrcp.f32 v3;
	v3 =	vld [tilespmem:$0x1FB10];
	_ =	sdelay $0x3  }
0x2fa: {  	v61 =	vld [tilespmem:$0x1FAF0];
	[tilespmem:$0x1FB20] =	vst v7;
	v1 =	vsel vm11, $0x36, v1  }
0x2fb: {  	v1 =	vsel vm10, v2, v1;
	v2 =	vsel vm10, $0x36, v2;
	vm10 =	vnez.u8 v3;
	v3 =	vld [tilespmem:$0x1FB20];
	_ =	sdelay $0x1  }
0x2fc: {  	v62 =	vld [tilespmem:$0x1FB00];
	_ =	sdelay $0x1  }
0x2fd: {  	[tilespmem:$0x1FB30] =	vst v5;
	v1 =	vsel vm13, $0x37, v1  }
0x2fe: {  	vm15 =	vnez.u8 v61;
	v1 =	vsel vm9, v2, v1;
	vm11 =	vnez.u8 v3;
	v3 =	vld [tilespmem:$0x1FB30]  }
0x2ff: {  	v2 =	vsel vm9, $0x37, v2;
	v1 =	vsel vm15, $0x38, v1  }
0x300: {  	vm9 =	vnez.u8 v62;
	v1 =	vsel vm8, v2, v1  }
0x301: {  	v2 =	vsel vm8, $0x38, v2;
	v1 =	vsel vm9, $0x39, v1  }
0x302: {  	[tilespmem:$0x1FB40] =	vst v6;
	v1 =	vsel vm7, v2, v1  }
0x303: {  	v2 =	vsel vm7, $0x39, v2;
	v1 =	vsel vm10, $0x3A, v1;
	vm13 =	vnez.u8 v3;
	v3 =	vld [tilespmem:$0x1FB40]  }
0x304: {  	v1 =	vsel vm6, v2, v1  }
0x305: {  	v2 =	vsel vm6, $0x3A, v2;
	v1 =	vsel vm11, $0x3B, v1  }
0x306: {  	v1 =	vsel vm5, v2, v1  }
0x307: {  	v2 =	vsel vm5, $0x3B, v2;
	v1 =	vsel vm13, $0x3C, v1  }
0x308: {  	v1 =	vsel vm4, v2, v1;
	vm15 =	vnez.u8 v3  }
0x309: {  	v2 =	vsel vm4, $0x3C, v2;
	v1 =	vsel vm15, $0x3D, v1  }
0x30a: {  	v3 =	vpop (erf);
	v1 =	vsel vm3, v2, v1  }
.Ltmp1:
0x30b: {  	v63 =	vsub.f32 $1.000000000e+00, v3;
	v2 =	vsel vm3, $0x3D, v2;
	v1 =	vsel vm14, $0x3E, v1;
	(pc) =	sbr.rel @p0 .LBB2_2-.Ltmp1, $4  }
0x30c: {  	[tilespmem:s19+$0x0] =	vst v3;
	v1 =	vsel vm2, v2, v1;
	v2 =	vsel vm2, $0x3E, v2  }
0x30d: {  	[tilespmem:s18+$0x0] =	vst v63;
	v1 =	vsel vm12, $0x3F, v1;
	v3 =	vsel vm1, $0x3F, v2  }
0x30e: {  	s31 =	sadd.s32 $0x10, s17;
	v1 =	vsel vm1, v2, v1;
	[tilespmem:s20+$0x0] =	vst v3  }
0x30f: {  	s17 =	simm.s32 $0x100;
	p1 =	por $0x0, $0x0;
	[tilespmem:s31+$0x0] =	vst v1  }
0x310: {  	[hbm4b:s4+s2] =	stream.linear.scatter [tilespmem:s12], [sflag:$0x1], $0x200, $0x38;
	[tilespmem:$0x4800] =	vst v63  }
0x311: {  	_ =	swait.ge [sflag:s11], $0x200  }
0x312: {  	[sflag:s11] =	ssyncset.done $0x0  }
0x313: {  	[sflag:s11] =	ssyncadd.s32 $0xFFFFFE00  }
0x314: {  	[hbm4b:s5+s2] =	stream.linear.scatter [tilespmem:s13], [sflag:$0x1], $0x200, $0x38;
	[tilespmem:$0x4800] =	vst v63  }
0x315: {  	_ =	swait.ge [sflag:s11], $0x200  }
0x316: {  	[sflag:s11] =	ssyncset.done $0x0  }
0x317: {  	[sflag:s11] =	ssyncadd.s32 $0xFFFFFE00  }
0x318: {  	[hbm4b:s6+s2] =	stream.linear.scatter [tilespmem:s14], [sflag:$0x1], $0x200, $0x38;
	[tilespmem:$0x4800] =	vst v63  }
0x319: {  	s16 =	sadd.s32 $0x1, s16;
	_ =	swait.ge [sflag:s11], $0x200  }
0x31a: {  	p0 =	sne.s32 s16, s8;
	[sflag:s11] =	ssyncset.done $0x0  }
.Ltmp2:
0x31b: {  	[sflag:s11] =	ssyncadd.s32 $0xFFFFFE00;
	(pc) =	sbr.rel @p0 .LBB2_1-.Ltmp2, $4  }
0x31c: {  	[hbm4b:s7+s2] =	stream.linear.scatter [tilespmem:s15], [sflag:$0x1], $0x200, $0x38;
	[tilespmem:$0x4800] =	vst v63  }
0x31d: {  	_ =	swait.ge [sflag:s11], $0x200  }
0x31e: {  	[sflag:s11] =	ssyncset.done $0x0  }
0x31f: {  	[sflag:s11] =	ssyncadd.s32 $0xFFFFFE00  }
0x320: {  	_ =	sfence.sel $0x180000  }
0x321: {  	[bflag:$0x0] =	sbarrier.arrive $0xFFFF  }
0x322: {  	p0 =	sne.s32 s1, $0x0;
	_ =	strace $0x90000047  }
0x323: {  	s0 =	sadd.s32 @!p0 $0x100000, s0;
	[bflag:$0x2] =	sbarrier.arrive $0xFFFF  }
0x324: {  	[sflag:s0] =	ssyncadd.tile.s32 @!p0 $0x1;
	_ =	shalt  }
.Lfunc_end2:
_tile_overlayer_lowered:
.L_overlay_start_2:
0x325: {  	(tag) =	ssettag $0x2  }
0x326: {  	s0 =	rddreg [dreg:$0x0];
	s2 =	stileid.u32  }
0x327: {  	s1 =	rddreg [dreg:$0x1];
	p0 =	sne.s32 s2, $0x0  }
0x328: {  	s3 =	rddreg [dreg:$0x2];
	[bflag:$0x3] =	sbarrier.arrive $0xFFFF;
	s2 =	simm.s32 @!p0 $0x1C01  }
0x329: {  	[timem:s3], [sflag:s2] =	dma.local @!p0 [hbm:s0], s1  }
0x32a: {  	s0 =	simm.s32 @!p0 $0x1  }
0x32b: {  	_ =	swait.ge @!p0 [sflag:s0], s1  }
0x32c: {  	s1 =	ssub.s32 @!p0 $0x0, s1;
	[sflag:s0] =	ssyncset.done @!p0 $0x0  }
0x32d: {  	[sflag:s0] =	ssyncadd.s32 @!p0 s1  }
0x32e: {  	[bflag:$0x3] =	sbarrier.arrive $0xFFFF  }
0x32f: {  	_ =	shalt  }

</sc_bundles>
